<compile_context>
chip_gen: v7x
topology: tpu7x:2x2x1
jax: 0.10.2.dev20260603
libtpu: 0.0.44.dev20260713+nightly
codegen_flags: <defaults>
</compile_context>

<pallas_src>
import functools

import jax
import jax.numpy as jnp
from jax import lax
from jax.experimental import pallas as pl
from jax.experimental.pallas import tpu as pltpu
from jax.experimental.pallas import tpu_sc as plsc

B = 256
S = 512
H = 768
HB = H // 16
EPS = 1e-12

NC = 2
NS = 16
NW = NC * NS
SBLK = S // NW
NB = 2
CHUNK = NB * SBLK
NCHUNK = B // NB
NBUF = 3


def _body(ids_hbm, tt_hbm, pid_hbm, wemb_hbm, pemb_hbm, temb_hbm, g_hbm, b_hbm,
          out_hbm,
          ids_v, tt_v, pid_v, rows, pos_v, type_v, diff_v,
          gamma_v, beta_v, idx_ring, ttf_ring, stats_m, stats_y, gsem, osem):
    wid = lax.axis_index("s") * NC + lax.axis_index("c")
    s0 = wid * SBLK

    lane = lax.iota(jnp.int32, 16)
    dnums = lax.GatherDimensionNumbers(
        offset_dims=(), collapsed_slice_dims=(0,), start_index_map=(0,))

    def vgather(v, idx):
        return lax.gather(v, idx[:, None], dnums, (1,),
                          mode=lax.GatherScatterMode.PROMISE_IN_BOUNDS)

    def allsum(v):
        for sh in (1, 2, 4, 8):
            v = v + vgather(v, lane ^ sh)
        return v

    pltpu.sync_copy(g_hbm, gamma_v)
    pltpu.sync_copy(b_hbm, beta_v)
    pltpu.sync_copy(temb_hbm, type_v)
    pltpu.sync_copy(ids_hbm.at[pl.ds(s0, SBLK), :], ids_v)
    pltpu.sync_copy(tt_hbm.at[pl.ds(s0, SBLK), :], tt_v)
    pltpu.sync_copy(pid_hbm.at[pl.ds(s0, SBLK)], pid_v)
    pltpu.async_copy(pemb_hbm.at[pid_v], pos_v, gsem.at[0]).wait()

    def fold(h, _):
        hs = pl.ds(h * 16, 16)
        t0 = type_v[0, hs]
        diff_v[hs] = type_v[1, hs] - t0
        for sl in range(SBLK):
            pos_v[sl, hs] = pos_v[sl, hs] + t0
        return 0
    lax.fori_loop(0, HB, fold, 0)

    def build_idx(c, rb):
        b0 = c * NB
        for i in range(NB):
            col = jnp.full((16,), b0 + i, jnp.int32)
            wv = plsc.load_gather(ids_v, [lane, col])
            idx_ring[rb, pl.ds(i * 16, 16)] = wv
            tv = plsc.load_gather(tt_v, [lane, col])
            ttf_ring[rb, pl.ds(i * 16, 16)] = tv.astype(jnp.float32)

    def start_gather(rb):
        pltpu.async_copy(wemb_hbm.at[idx_ring.at[rb]],
                         rows.at[pl.ds(rb * CHUNK, CHUNK), :], gsem.at[rb])

    def wait_gather(rb):
        pltpu.make_async_copy(wemb_hbm.at[idx_ring.at[rb]],
                              rows.at[pl.ds(rb * CHUNK, CHUNK), :],
                              gsem.at[rb]).wait()

    def start_out(c, rb):
        b0 = c * NB
        for i in range(NB):
            pltpu.async_copy(rows.at[pl.ds(rb * CHUNK + i * 16, 16), :],
                             out_hbm.at[b0 + i, pl.ds(s0, SBLK), :],
                             osem.at[rb])

    def drain_out(rb):
        pltpu.make_async_copy(wemb_hbm.at[pl.ds(0, CHUNK), :],
                              rows.at[pl.ds(rb * CHUNK, CHUNK), :],
                              osem.at[rb]).wait()

    def compute(c, rb):
        base = rb * CHUNK

        @plsc.parallel_loop(0, CHUNK, unroll=2)
        def token_step(t):
            i = t // 16
            sl = t - i * 16
            r = base + t
            ttrow = ttf_ring[rb, pl.ds(i * 16, 16)]
            ttv = vgather(ttrow, jnp.full((16,), sl, jnp.int32))

            a1 = [jnp.zeros((16,), jnp.float32) for _ in range(4)]
            a2 = [jnp.zeros((16,), jnp.float32) for _ in range(4)]
            for h in range(HB):
                hs = pl.ds(h * 16, 16)
                e = rows[r, hs] + pos_v[sl, hs] + ttv * diff_v[hs]
                rows[r, hs] = e
                a1[h % 4] = a1[h % 4] + e
                a2[h % 4] = a2[h % 4] + e * e
            stats_m[t, :] = (a1[0] + a1[1]) + (a1[2] + a1[3])
            stats_y[t, :] = (a2[0] + a2[1]) + (a2[2] + a2[3])

        @plsc.parallel_loop(0, CHUNK, unroll=2)
        def stats_step(t):
            mean_v = allsum(stats_m[t, :]) * (1.0 / H)
            var_v = allsum(stats_y[t, :]) * (1.0 / H) - mean_v * mean_v
            xv = var_v + EPS
            yi = jnp.int32(0x5F3759DF) - (plsc.bitcast(xv, jnp.int32) >> 1)
            y = plsc.bitcast(yi, jnp.float32)
            y = y * (1.5 - 0.5 * xv * y * y)
            y = y * (1.5 - 0.5 * xv * y * y)
            stats_m[t, :] = mean_v
            stats_y[t, :] = y

        @plsc.parallel_loop(0, CHUNK, unroll=2)
        def norm_step(t):
            r = base + t
            mean_v = stats_m[t, :]
            y = stats_y[t, :]
            for h in range(HB):
                hs = pl.ds(h * 16, 16)
                e = rows[r, hs]
                rows[r, hs] = (e - mean_v) * y * gamma_v[hs] + beta_v[hs]

    for c in range(NBUF - 1):
        build_idx(c, c)
        start_gather(c)

    def chunk_step(c, _):
        rb = lax.rem(c, NBUF)
        rbn = lax.rem(c + NBUF - 1, NBUF)

        @pl.when(c < NCHUNK - (NBUF - 1))
        def _prefetch():
            build_idx(c + NBUF - 1, rbn)

            @pl.when(c >= 1)
            def _():
                drain_out(rbn)
            start_gather(rbn)

        wait_gather(rb)
        compute(c, rb)
        start_out(c, rb)
        return 0
    lax.fori_loop(0, NCHUNK, chunk_step, 0)

    for rb in range(NBUF):
        drain_out(rb)


@jax.jit
def _run(ids_t, tt_t, pid_flat, word_emb, pos_emb, type_emb,
         ln_gamma, ln_beta):
    mesh = plsc.VectorSubcoreMesh(core_axis_name="c", subcore_axis_name="s")
    k = functools.partial(
        pl.kernel, mesh=mesh,
        compiler_params=pltpu.CompilerParams(needs_layout_passes=False),
        out_type=jax.ShapeDtypeStruct((B, S, H), jnp.float32),
        scratch_types=[
            pltpu.VMEM((SBLK, B), jnp.int32),
            pltpu.VMEM((SBLK, B), jnp.int32),
            pltpu.VMEM((SBLK,), jnp.int32),
            pltpu.VMEM((NBUF * CHUNK, H), jnp.float32),
            pltpu.VMEM((SBLK, H), jnp.float32),
            pltpu.VMEM((2, H), jnp.float32),
            pltpu.VMEM((H,), jnp.float32),
            pltpu.VMEM((H,), jnp.float32),
            pltpu.VMEM((H,), jnp.float32),
            pltpu.VMEM((NBUF, CHUNK), jnp.int32),
            pltpu.VMEM((NBUF, CHUNK), jnp.float32),
            pltpu.VMEM((CHUNK, 16), jnp.float32),
            pltpu.VMEM((CHUNK, 16), jnp.float32),
            pltpu.SemaphoreType.DMA((NBUF,)),
            pltpu.SemaphoreType.DMA((NBUF,)),
        ],
    )(_body)
    return k(ids_t, tt_t, pid_flat, word_emb, pos_emb, type_emb,
             ln_gamma, ln_beta)


def kernel(input_ids, token_type_ids, position_ids, word_emb, pos_emb,
           type_emb, ln_gamma, ln_beta):
    return _run(input_ids.astype(jnp.int32).T,
                token_type_ids.astype(jnp.int32).T,
                position_ids.astype(jnp.int32).reshape(-1),
                word_emb, pos_emb, type_emb, ln_gamma, ln_beta)

# --- scband reference (transcript-rebuilt; emitter-appended) ---
"""Pipeline reference for scband-bertembeddings-20744692040148 (READ-ONLY COPY).

The authoritative reference and input builder live on the scoring server;
editing this copy changes nothing except your own understanding.
"""

import jax, jax.numpy as jnp
import numpy as np

VOCAB = 30522
HIDDEN = 768
MAX_POS = 512
TYPE_VOCAB = 2
EPS = 1e-12
B, S = 256, 512


def setup_inputs(seed: int = 0) -> dict:
    key = jax.random.key(seed)
    k1, k2, k3, k4, k5 = jax.random.split(key, 5)
    input_ids = jax.random.randint(k1, (B, S), 0, VOCAB, dtype=jnp.int64 if jax.config.read('jax_enable_x64') else jnp.int32)
    token_type_ids = jax.random.randint(k2, (B, S), 0, TYPE_VOCAB, dtype=input_ids.dtype)
    position_ids = jnp.arange(S, dtype=input_ids.dtype).reshape(1, S)
    word_emb = jax.random.normal(k3, (VOCAB, HIDDEN), dtype=jnp.float32) * 0.02
    pos_emb = jax.random.normal(k4, (MAX_POS, HIDDEN), dtype=jnp.float32) * 0.02
    type_emb = jax.random.normal(k5, (TYPE_VOCAB, HIDDEN), dtype=jnp.float32) * 0.02
    ln_gamma = jnp.ones((HIDDEN,), dtype=jnp.float32)
    ln_beta = jnp.zeros((HIDDEN,), dtype=jnp.float32)
    return {
        'input_ids': input_ids,
        'token_type_ids': token_type_ids,
        'position_ids': position_ids,
        'word_emb': word_emb,
        'pos_emb': pos_emb,
        'type_emb': type_emb,
        'ln_gamma': ln_gamma,
        'ln_beta': ln_beta,
    }


def reference(input_ids, token_type_ids, position_ids, word_emb, pos_emb, type_emb, ln_gamma, ln_beta):
    # word / token-type / position embedding lookups (gathers)
    inputs_embeddings = jnp.take(word_emb, input_ids, axis=0)          # [B, S, H]
    token_type_embeddings = jnp.take(type_emb, token_type_ids, axis=0)  # [B, S, H]
    position_embeddings = jnp.take(pos_emb, position_ids, axis=0)       # [1, S, H] broadcast
    embeddings = inputs_embeddings + token_type_embeddings + position_embeddings
    # LayerNorm over last dim
    mean = jnp.mean(embeddings, axis=-1, keepdims=True)
    var = jnp.var(embeddings, axis=-1, keepdims=True)
    embeddings = (embeddings - mean) / jnp.sqrt(var + EPS)
    embeddings = embeddings * ln_gamma + ln_beta
    # dropout is identity in eval / deterministic mode
    return embeddings

if __name__ == "__main__":
    import jax
    _d = setup_inputs()
    print(jax.jit(kernel)(*tuple(_d.values())))

</pallas_src>

<mosaic_0001>
#map = affine_map<(d0, d1) -> (0, 0)>
#map1 = affine_map<(d0, d1) -> (0)>
#map2 = affine_map<(d0, d1) -> (0, 0, 0)>
module attributes {stable_mosaic.version = 14 : i64} {
  func.func @_body(%arg0: i32, %arg1: i32, %arg2: memref<512x256xi32, #tpu.memory_space<hbm>>, %arg3: memref<512x256xi32, #tpu.memory_space<hbm>>, %arg4: memref<512xi32, #tpu.memory_space<hbm>>, %arg5: memref<30522x768xf32, #tpu.memory_space<hbm>>, %arg6: memref<512x768xf32, #tpu.memory_space<hbm>>, %arg7: memref<2x768xf32, #tpu.memory_space<hbm>>, %arg8: memref<768xf32, #tpu.memory_space<hbm>>, %arg9: memref<768xf32, #tpu.memory_space<hbm>>, %arg10: memref<256x512x768xf32, #tpu.memory_space<hbm>>, %arg11: memref<16x256xi32, #tpu.memory_space<vmem>>, %arg12: memref<16x256xi32, #tpu.memory_space<vmem>>, %arg13: memref<16xi32, #tpu.memory_space<vmem>>, %arg14: memref<96x768xf32, #tpu.memory_space<vmem>>, %arg15: memref<16x768xf32, #tpu.memory_space<vmem>>, %arg16: memref<2x768xf32, #tpu.memory_space<vmem>>, %arg17: memref<768xf32, #tpu.memory_space<vmem>>, %arg18: memref<768xf32, #tpu.memory_space<vmem>>, %arg19: memref<768xf32, #tpu.memory_space<vmem>>, %arg20: memref<3x32xi32, #tpu.memory_space<vmem>>, %arg21: memref<3x32xf32, #tpu.memory_space<vmem>>, %arg22: memref<32x16xf32, #tpu.memory_space<vmem>>, %arg23: memref<32x16xf32, #tpu.memory_space<vmem>>, %arg24: memref<3x!tpu.dma_semaphore, #tpu.memory_space<semaphore_mem>>, %arg25: memref<3x!tpu.dma_semaphore, #tpu.memory_space<semaphore_mem>>) attributes {dimension_semantics = [#tpu.dimension_semantics<core_parallel>, #tpu.dimension_semantics<subcore_parallel>], iteration_bounds = array<i64: 2, 16>, scalar_prefetch = 0 : i64, scratch_operands = 15 : i64, tpu.core_type = #tpu.core_type<sc_vector_subcore>, window_params = [{transform_indices = #map}, {transform_indices = #map}, {transform_indices = #map1}, {transform_indices = #map}, {transform_indices = #map}, {transform_indices = #map}, {transform_indices = #map1}, {transform_indices = #map1}, {transform_indices = #map2}]} {
    %mul3A = arith.constant 2 : i32
    %mul3A_0 = arith.muli %arg1, %mul3A : i32
    %add3A = arith.addi %mul3A_0, %arg0 : i32
    %mul3A_1 = arith.constant 16 : i32
    %mul3A_2 = arith.muli %add3A, %mul3A_1 : i32
    %iota3A = tpu.iota {dimensions = array<i32: 0>} : vector<16xi32>
    "tpu.region"() ({
      %run_scoped3A = tpu.sem_alloc : memref<!tpu.dma_semaphore, #tpu.memory_space<semaphore_mem>>
      tpu.enqueue_dma source(%arg8 : memref<768xf32, #tpu.memory_space<hbm>>) target(%arg18 : memref<768xf32, #tpu.memory_space<vmem>>) target_semaphore(%run_scoped3A : memref<!tpu.dma_semaphore, #tpu.memory_space<semaphore_mem>>)
      tpu.wait_dma2 semaphore(%run_scoped3A : memref<!tpu.dma_semaphore, #tpu.memory_space<semaphore_mem>>) src(%arg8 : memref<768xf32, #tpu.memory_space<hbm>>) dst(%arg18 : memref<768xf32, #tpu.memory_space<vmem>>)
      tpu.yield
    }) : () -> ()
    "tpu.region"() ({
      %run_scoped3A = tpu.sem_alloc : memref<!tpu.dma_semaphore, #tpu.memory_space<semaphore_mem>>
      tpu.enqueue_dma source(%arg9 : memref<768xf32, #tpu.memory_space<hbm>>) target(%arg19 : memref<768xf32, #tpu.memory_space<vmem>>) target_semaphore(%run_scoped3A : memref<!tpu.dma_semaphore, #tpu.memory_space<semaphore_mem>>)
      tpu.wait_dma2 semaphore(%run_scoped3A : memref<!tpu.dma_semaphore, #tpu.memory_space<semaphore_mem>>) src(%arg9 : memref<768xf32, #tpu.memory_space<hbm>>) dst(%arg19 : memref<768xf32, #tpu.memory_space<vmem>>)
      tpu.yield
    }) : () -> ()
    "tpu.region"() ({
      %run_scoped3A = tpu.sem_alloc : memref<!tpu.dma_semaphore, #tpu.memory_space<semaphore_mem>>
      tpu.enqueue_dma source(%arg7 : memref<2x768xf32, #tpu.memory_space<hbm>>) target(%arg16 : memref<2x768xf32, #tpu.memory_space<vmem>>) target_semaphore(%run_scoped3A : memref<!tpu.dma_semaphore, #tpu.memory_space<semaphore_mem>>)
      tpu.wait_dma2 semaphore(%run_scoped3A : memref<!tpu.dma_semaphore, #tpu.memory_space<semaphore_mem>>) src(%arg7 : memref<2x768xf32, #tpu.memory_space<hbm>>) dst(%arg16 : memref<2x768xf32, #tpu.memory_space<vmem>>)
      tpu.yield
    }) : () -> ()
    "tpu.region"() ({
      %run_scoped3A = tpu.sem_alloc : memref<!tpu.dma_semaphore, #tpu.memory_space<semaphore_mem>>
      %dma_start3A_145 = arith.constant 0 : i32
      %dma_start3A_146 = tpu.memref_slice %arg2[%mul3A_2, %dma_start3A_145] : memref<512x256xi32, #tpu.memory_space<hbm>> -> memref<16x256xi32, #tpu.memory_space<hbm>>
      %dma_start3A_147 = arith.constant 0 : i32
      %dma_start3A_148 = tpu.memref_slice %arg2[%mul3A_2, %dma_start3A_147] : memref<512x256xi32, #tpu.memory_space<hbm>> -> memref<16x256xi32, #tpu.memory_space<hbm>>
      tpu.enqueue_dma source(%dma_start3A_148 : memref<16x256xi32, #tpu.memory_space<hbm>>) target(%arg11 : memref<16x256xi32, #tpu.memory_space<vmem>>) target_semaphore(%run_scoped3A : memref<!tpu.dma_semaphore, #tpu.memory_space<semaphore_mem>>)
      %dma_wait3A_149 = arith.constant 0 : i32
      %dma_wait3A_150 = tpu.memref_slice %arg2[%mul3A_2, %dma_wait3A_149] : memref<512x256xi32, #tpu.memory_space<hbm>> -> memref<16x256xi32, #tpu.memory_space<hbm>>
      %dma_wait3A_151 = arith.constant 0 : i32
      %dma_wait3A_152 = tpu.memref_slice %arg2[%mul3A_2, %dma_wait3A_151] : memref<512x256xi32, #tpu.memory_space<hbm>> -> memref<16x256xi32, #tpu.memory_space<hbm>>
      tpu.wait_dma2 semaphore(%run_scoped3A : memref<!tpu.dma_semaphore, #tpu.memory_space<semaphore_mem>>) src(%dma_wait3A_152 : memref<16x256xi32, #tpu.memory_space<hbm>>) dst(%arg11 : memref<16x256xi32, #tpu.memory_space<vmem>>)
      tpu.yield
    }) : () -> ()
    "tpu.region"() ({
      %run_scoped3A = tpu.sem_alloc : memref<!tpu.dma_semaphore, #tpu.memory_space<semaphore_mem>>
      %dma_start3A_145 = arith.constant 0 : i32
      %dma_start3A_146 = tpu.memref_slice %arg3[%mul3A_2, %dma_start3A_145] : memref<512x256xi32, #tpu.memory_space<hbm>> -> memref<16x256xi32, #tpu.memory_space<hbm>>
      %dma_start3A_147 = arith.constant 0 : i32
      %dma_start3A_148 = tpu.memref_slice %arg3[%mul3A_2, %dma_start3A_147] : memref<512x256xi32, #tpu.memory_space<hbm>> -> memref<16x256xi32, #tpu.memory_space<hbm>>
      tpu.enqueue_dma source(%dma_start3A_148 : memref<16x256xi32, #tpu.memory_space<hbm>>) target(%arg12 : memref<16x256xi32, #tpu.memory_space<vmem>>) target_semaphore(%run_scoped3A : memref<!tpu.dma_semaphore, #tpu.memory_space<semaphore_mem>>)
      %dma_wait3A_149 = arith.constant 0 : i32
      %dma_wait3A_150 = tpu.memref_slice %arg3[%mul3A_2, %dma_wait3A_149] : memref<512x256xi32, #tpu.memory_space<hbm>> -> memref<16x256xi32, #tpu.memory_space<hbm>>
      %dma_wait3A_151 = arith.constant 0 : i32
      %dma_wait3A_152 = tpu.memref_slice %arg3[%mul3A_2, %dma_wait3A_151] : memref<512x256xi32, #tpu.memory_space<hbm>> -> memref<16x256xi32, #tpu.memory_space<hbm>>
      tpu.wait_dma2 semaphore(%run_scoped3A : memref<!tpu.dma_semaphore, #tpu.memory_space<semaphore_mem>>) src(%dma_wait3A_152 : memref<16x256xi32, #tpu.memory_space<hbm>>) dst(%arg12 : memref<16x256xi32, #tpu.memory_space<vmem>>)
      tpu.yield
    }) : () -> ()
    "tpu.region"() ({
      %run_scoped3A = tpu.sem_alloc : memref<!tpu.dma_semaphore, #tpu.memory_space<semaphore_mem>>
      %dma_start3A_145 = tpu.memref_slice %arg4[%mul3A_2] : memref<512xi32, #tpu.memory_space<hbm>> -> memref<16xi32, #tpu.memory_space<hbm>>
      %dma_start3A_146 = tpu.memref_slice %arg4[%mul3A_2] : memref<512xi32, #tpu.memory_space<hbm>> -> memref<16xi32, #tpu.memory_space<hbm>>
      tpu.enqueue_dma source(%dma_start3A_146 : memref<16xi32, #tpu.memory_space<hbm>>) target(%arg13 : memref<16xi32, #tpu.memory_space<vmem>>) target_semaphore(%run_scoped3A : memref<!tpu.dma_semaphore, #tpu.memory_space<semaphore_mem>>)
      %dma_wait3A_147 = tpu.memref_slice %arg4[%mul3A_2] : memref<512xi32, #tpu.memory_space<hbm>> -> memref<16xi32, #tpu.memory_space<hbm>>
      %dma_wait3A_148 = tpu.memref_slice %arg4[%mul3A_2] : memref<512xi32, #tpu.memory_space<hbm>> -> memref<16xi32, #tpu.memory_space<hbm>>
      tpu.wait_dma2 semaphore(%run_scoped3A : memref<!tpu.dma_semaphore, #tpu.memory_space<semaphore_mem>>) src(%dma_wait3A_148 : memref<16xi32, #tpu.memory_space<hbm>>) dst(%arg13 : memref<16xi32, #tpu.memory_space<vmem>>)
      tpu.yield
    }) : () -> ()
    %dma_start3A = arith.constant 0 : i32
    %dma_start3A_3 = arith.constant 0 : i32
    %dma_start3A_4 = arith.constant 0 : i32
    %dma_start3A_5 = tpu.memref_slice %arg6[%dma_start3A_3, %dma_start3A_4] : memref<512x768xf32, #tpu.memory_space<hbm>> -> memref<512x768xf32, #tpu.memory_space<hbm>>
    %dma_start3A_6 = tpu.memref_slice %arg24[%dma_start3A] : memref<3x!tpu.dma_semaphore, #tpu.memory_space<semaphore_mem>> -> memref<1x!tpu.dma_semaphore, #tpu.memory_space<semaphore_mem>>
    %dma_start3A_7 = tpu.memref_squeeze %dma_start3A_6 : memref<1x!tpu.dma_semaphore, #tpu.memory_space<semaphore_mem>> -> memref<!tpu.dma_semaphore, #tpu.memory_space<semaphore_mem>>
    tpu.enqueue_indirect_dma source(%dma_start3A_5 : memref<512x768xf32, #tpu.memory_space<hbm>>) target(%arg15 : memref<16x768xf32, #tpu.memory_space<vmem>>) offsets(%arg13 : memref<16xi32, #tpu.memory_space<vmem>>) semaphore(%dma_start3A_7 : memref<!tpu.dma_semaphore, #tpu.memory_space<semaphore_mem>>)
    %dma_wait3A = arith.constant 0 : i32
    %dma_wait3A_8 = arith.constant 0 : i32
    %dma_wait3A_9 = arith.constant 0 : i32
    %dma_wait3A_10 = tpu.memref_slice %arg6[%dma_wait3A_8, %dma_wait3A_9] : memref<512x768xf32, #tpu.memory_space<hbm>> -> memref<512x768xf32, #tpu.memory_space<hbm>>
    %dma_wait3A_11 = tpu.memref_slice %arg24[%dma_wait3A] : memref<3x!tpu.dma_semaphore, #tpu.memory_space<semaphore_mem>> -> memref<1x!tpu.dma_semaphore, #tpu.memory_space<semaphore_mem>>
    %dma_wait3A_12 = tpu.memref_squeeze %dma_wait3A_11 : memref<1x!tpu.dma_semaphore, #tpu.memory_space<semaphore_mem>> -> memref<!tpu.dma_semaphore, #tpu.memory_space<semaphore_mem>>
    tpu.wait_indirect_dma semaphore(%dma_wait3A_12 : memref<!tpu.dma_semaphore, #tpu.memory_space<semaphore_mem>>) src(%dma_wait3A_10 : memref<512x768xf32, #tpu.memory_space<hbm>>) dst(%arg15 : memref<16x768xf32, #tpu.memory_space<vmem>>)
    %scan3A = arith.constant 0 : i32
    %scan3A_13 = arith.constant 0 : i32
    %scan3A_14 = arith.constant 48 : i32
    %scan3A_15 = arith.addi %scan3A_13, %scan3A_14 : i32
    %scan3A_16 = arith.constant 1 : i32
    %scan3A_17 = scf.for %scan3A_145 = %scan3A_13 to %scan3A_15 step %scan3A_16 iter_args(%scan3A_146 = %scan3A) -> (i32)  : i32 {
      %mul3A_147 = arith.constant 16 : i32
      %mul3A_148 = arith.muli %scan3A_145, %mul3A_147 : i32
      %get3A = arith.constant 0 : i32
      %get3A_149 = arith.index_cast %get3A : i32 to index
      %get3A_150 = arith.index_cast %mul3A_148 : i32 to index
      %get3A_151 = tpu.vector_load %arg16[%get3A_149, %get3A_150] {strides = array<i32>} : memref<2x768xf32, #tpu.memory_space<vmem>>, vector<16xf32>,
      %get3A_152 = arith.constant 1 : i32
      %get3A_153 = arith.index_cast %get3A_152 : i32 to index
      %get3A_154 = arith.index_cast %mul3A_148 : i32 to index
      %get3A_155 = tpu.vector_load %arg16[%get3A_153, %get3A_154] {strides = array<i32>} : memref<2x768xf32, #tpu.memory_space<vmem>>, vector<16xf32>,
      %sub3A = arith.subf %get3A_155, %get3A_151 : vector<16xf32>
      %swap3A_156 = arith.index_cast %mul3A_148 : i32 to index
      %swap3A_157 = tpu.vector_load %arg17[%swap3A_156] {strides = array<i32>} : memref<768xf32, #tpu.memory_space<vmem>>, vector<16xf32>,
      tpu.vector_store %arg17[%swap3A_156], %sub3A {strides = array<i32>} : memref<768xf32, #tpu.memory_space<vmem>>, vector<16xf32>,
      %get3A_158 = arith.constant 0 : i32
      %get3A_159 = arith.index_cast %get3A_158 : i32 to index
      %get3A_160 = arith.index_cast %mul3A_148 : i32 to index
      %get3A_161 = tpu.vector_load %arg15[%get3A_159, %get3A_160] {strides = array<i32>} : memref<16x768xf32, #tpu.memory_space<vmem>>, vector<16xf32>,
      %add3A_162 = arith.addf %get3A_161, %get3A_151 : vector<16xf32>
      %swap3A_163 = arith.constant 0 : i32
      %swap3A_164 = arith.index_cast %swap3A_163 : i32 to index
      %swap3A_165 = arith.index_cast %mul3A_148 : i32 to index
      %swap3A_166 = tpu.vector_load %arg15[%swap3A_164, %swap3A_165] {strides = array<i32>} : memref<16x768xf32, #tpu.memory_space<vmem>>, vector<16xf32>,
      tpu.vector_store %arg15[%swap3A_164, %swap3A_165], %add3A_162 {strides = array<i32>} : memref<16x768xf32, #tpu.memory_space<vmem>>, vector<16xf32>,
      %get3A_167 = arith.constant 1 : i32
      %get3A_168 = arith.index_cast %get3A_167 : i32 to index
      %get3A_169 = arith.index_cast %mul3A_148 : i32 to index
      %get3A_170 = tpu.vector_load %arg15[%get3A_168, %get3A_169] {strides = array<i32>} : memref<16x768xf32, #tpu.memory_space<vmem>>, vector<16xf32>,
      %add3A_171 = arith.addf %get3A_170, %get3A_151 : vector<16xf32>
      %swap3A_172 = arith.constant 1 : i32
      %swap3A_173 = arith.index_cast %swap3A_172 : i32 to index
      %swap3A_174 = arith.index_cast %mul3A_148 : i32 to index
      %swap3A_175 = tpu.vector_load %arg15[%swap3A_173, %swap3A_174] {strides = array<i32>} : memref<16x768xf32, #tpu.memory_space<vmem>>, vector<16xf32>,
      tpu.vector_store %arg15[%swap3A_173, %swap3A_174], %add3A_171 {strides = array<i32>} : memref<16x768xf32, #tpu.memory_space<vmem>>, vector<16xf32>,
      %get3A_176 = arith.constant 2 : i32
      %get3A_177 = arith.index_cast %get3A_176 : i32 to index
      %get3A_178 = arith.index_cast %mul3A_148 : i32 to index
      %get3A_179 = tpu.vector_load %arg15[%get3A_177, %get3A_178] {strides = array<i32>} : memref<16x768xf32, #tpu.memory_space<vmem>>, vector<16xf32>,
      %add3A_180 = arith.addf %get3A_179, %get3A_151 : vector<16xf32>
      %swap3A_181 = arith.constant 2 : i32
      %swap3A_182 = arith.index_cast %swap3A_181 : i32 to index
      %swap3A_183 = arith.index_cast %mul3A_148 : i32 to index
      %swap3A_184 = tpu.vector_load %arg15[%swap3A_182, %swap3A_183] {strides = array<i32>} : memref<16x768xf32, #tpu.memory_space<vmem>>, vector<16xf32>,
      tpu.vector_store %arg15[%swap3A_182, %swap3A_183], %add3A_180 {strides = array<i32>} : memref<16x768xf32, #tpu.memory_space<vmem>>, vector<16xf32>,
      %get3A_185 = arith.constant 3 : i32
      %get3A_186 = arith.index_cast %get3A_185 : i32 to index
      %get3A_187 = arith.index_cast %mul3A_148 : i32 to index
      %get3A_188 = tpu.vector_load %arg15[%get3A_186, %get3A_187] {strides = array<i32>} : memref<16x768xf32, #tpu.memory_space<vmem>>, vector<16xf32>,
      %add3A_189 = arith.addf %get3A_188, %get3A_151 : vector<16xf32>
      %swap3A_190 = arith.constant 3 : i32
      %swap3A_191 = arith.index_cast %swap3A_190 : i32 to index
      %swap3A_192 = arith.index_cast %mul3A_148 : i32 to index
      %swap3A_193 = tpu.vector_load %arg15[%swap3A_191, %swap3A_192] {strides = array<i32>} : memref<16x768xf32, #tpu.memory_space<vmem>>, vector<16xf32>,
      tpu.vector_store %arg15[%swap3A_191, %swap3A_192], %add3A_189 {strides = array<i32>} : memref<16x768xf32, #tpu.memory_space<vmem>>, vector<16xf32>,
      %get3A_194 = arith.constant 4 : i32
      %get3A_195 = arith.index_cast %get3A_194 : i32 to index
      %get3A_196 = arith.index_cast %mul3A_148 : i32 to index
      %get3A_197 = tpu.vector_load %arg15[%get3A_195, %get3A_196] {strides = array<i32>} : memref<16x768xf32, #tpu.memory_space<vmem>>, vector<16xf32>,
      %add3A_198 = arith.addf %get3A_197, %get3A_151 : vector<16xf32>
      %swap3A_199 = arith.constant 4 : i32
      %swap3A_200 = arith.index_cast %swap3A_199 : i32 to index
      %swap3A_201 = arith.index_cast %mul3A_148 : i32 to index
      %swap3A_202 = tpu.vector_load %arg15[%swap3A_200, %swap3A_201] {strides = array<i32>} : memref<16x768xf32, #tpu.memory_space<vmem>>, vector<16xf32>,
      tpu.vector_store %arg15[%swap3A_200, %swap3A_201], %add3A_198 {strides = array<i32>} : memref<16x768xf32, #tpu.memory_space<vmem>>, vector<16xf32>,
      %get3A_203 = arith.constant 5 : i32
      %get3A_204 = arith.index_cast %get3A_203 : i32 to index
      %get3A_205 = arith.index_cast %mul3A_148 : i32 to index
      %get3A_206 = tpu.vector_load %arg15[%get3A_204, %get3A_205] {strides = array<i32>} : memref<16x768xf32, #tpu.memory_space<vmem>>, vector<16xf32>,
      %add3A_207 = arith.addf %get3A_206, %get3A_151 : vector<16xf32>
      %swap3A_208 = arith.constant 5 : i32
      %swap3A_209 = arith.index_cast %swap3A_208 : i32 to index
      %swap3A_210 = arith.index_cast %mul3A_148 : i32 to index
      %swap3A_211 = tpu.vector_load %arg15[%swap3A_209, %swap3A_210] {strides = array<i32>} : memref<16x768xf32, #tpu.memory_space<vmem>>, vector<16xf32>,
      tpu.vector_store %arg15[%swap3A_209, %swap3A_210], %add3A_207 {strides = array<i32>} : memref<16x768xf32, #tpu.memory_space<vmem>>, vector<16xf32>,
      %get3A_212 = arith.constant 6 : i32
      %get3A_213 = arith.index_cast %get3A_212 : i32 to index
      %get3A_214 = arith.index_cast %mul3A_148 : i32 to index
      %get3A_215 = tpu.vector_load %arg15[%get3A_213, %get3A_214] {strides = array<i32>} : memref<16x768xf32, #tpu.memory_space<vmem>>, vector<16xf32>,
      %add3A_216 = arith.addf %get3A_215, %get3A_151 : vector<16xf32>
      %swap3A_217 = arith.constant 6 : i32
      %swap3A_218 = arith.index_cast %swap3A_217 : i32 to index
      %swap3A_219 = arith.index_cast %mul3A_148 : i32 to index
      %swap3A_220 = tpu.vector_load %arg15[%swap3A_218, %swap3A_219] {strides = array<i32>} : memref<16x768xf32, #tpu.memory_space<vmem>>, vector<16xf32>,
      tpu.vector_store %arg15[%swap3A_218, %swap3A_219], %add3A_216 {strides = array<i32>} : memref<16x768xf32, #tpu.memory_space<vmem>>, vector<16xf32>,
      %get3A_221 = arith.constant 7 : i32
      %get3A_222 = arith.index_cast %get3A_221 : i32 to index
      %get3A_223 = arith.index_cast %mul3A_148 : i32 to index
      %get3A_224 = tpu.vector_load %arg15[%get3A_222, %get3A_223] {strides = array<i32>} : memref<16x768xf32, #tpu.memory_space<vmem>>, vector<16xf32>,
      %add3A_225 = arith.addf %get3A_224, %get3A_151 : vector<16xf32>
      %swap3A_226 = arith.constant 7 : i32
      %swap3A_227 = arith.index_cast %swap3A_226 : i32 to index
      %swap3A_228 = arith.index_cast %mul3A_148 : i32 to index
      %swap3A_229 = tpu.vector_load %arg15[%swap3A_227, %swap3A_228] {strides = array<i32>} : memref<16x768xf32, #tpu.memory_space<vmem>>, vector<16xf32>,
      tpu.vector_store %arg15[%swap3A_227, %swap3A_228], %add3A_225 {strides = array<i32>} : memref<16x768xf32, #tpu.memory_space<vmem>>, vector<16xf32>,
      %get3A_230 = arith.constant 8 : i32
      %get3A_231 = arith.index_cast %get3A_230 : i32 to index
      %get3A_232 = arith.index_cast %mul3A_148 : i32 to index
      %get3A_233 = tpu.vector_load %arg15[%get3A_231, %get3A_232] {strides = array<i32>} : memref<16x768xf32, #tpu.memory_space<vmem>>, vector<16xf32>,
      %add3A_234 = arith.addf %get3A_233, %get3A_151 : vector<16xf32>
      %swap3A_235 = arith.constant 8 : i32
      %swap3A_236 = arith.index_cast %swap3A_235 : i32 to index
      %swap3A_237 = arith.index_cast %mul3A_148 : i32 to index
      %swap3A_238 = tpu.vector_load %arg15[%swap3A_236, %swap3A_237] {strides = array<i32>} : memref<16x768xf32, #tpu.memory_space<vmem>>, vector<16xf32>,
      tpu.vector_store %arg15[%swap3A_236, %swap3A_237], %add3A_234 {strides = array<i32>} : memref<16x768xf32, #tpu.memory_space<vmem>>, vector<16xf32>,
      %get3A_239 = arith.constant 9 : i32
      %get3A_240 = arith.index_cast %get3A_239 : i32 to index
      %get3A_241 = arith.index_cast %mul3A_148 : i32 to index
      %get3A_242 = tpu.vector_load %arg15[%get3A_240, %get3A_241] {strides = array<i32>} : memref<16x768xf32, #tpu.memory_space<vmem>>, vector<16xf32>,
      %add3A_243 = arith.addf %get3A_242, %get3A_151 : vector<16xf32>
      %swap3A_244 = arith.constant 9 : i32
      %swap3A_245 = arith.index_cast %swap3A_244 : i32 to index
      %swap3A_246 = arith.index_cast %mul3A_148 : i32 to index
      %swap3A_247 = tpu.vector_load %arg15[%swap3A_245, %swap3A_246] {strides = array<i32>} : memref<16x768xf32, #tpu.memory_space<vmem>>, vector<16xf32>,
      tpu.vector_store %arg15[%swap3A_245, %swap3A_246], %add3A_243 {strides = array<i32>} : memref<16x768xf32, #tpu.memory_space<vmem>>, vector<16xf32>,
      %get3A_248 = arith.constant 10 : i32
      %get3A_249 = arith.index_cast %get3A_248 : i32 to index
      %get3A_250 = arith.index_cast %mul3A_148 : i32 to index
      %get3A_251 = tpu.vector_load %arg15[%get3A_249, %get3A_250] {strides = array<i32>} : memref<16x768xf32, #tpu.memory_space<vmem>>, vector<16xf32>,
      %add3A_252 = arith.addf %get3A_251, %get3A_151 : vector<16xf32>
      %swap3A_253 = arith.constant 10 : i32
      %swap3A_254 = arith.index_cast %swap3A_253 : i32 to index
      %swap3A_255 = arith.index_cast %mul3A_148 : i32 to index
      %swap3A_256 = tpu.vector_load %arg15[%swap3A_254, %swap3A_255] {strides = array<i32>} : memref<16x768xf32, #tpu.memory_space<vmem>>, vector<16xf32>,
      tpu.vector_store %arg15[%swap3A_254, %swap3A_255], %add3A_252 {strides = array<i32>} : memref<16x768xf32, #tpu.memory_space<vmem>>, vector<16xf32>,
      %get3A_257 = arith.constant 11 : i32
      %get3A_258 = arith.index_cast %get3A_257 : i32 to index
      %get3A_259 = arith.index_cast %mul3A_148 : i32 to index
      %get3A_260 = tpu.vector_load %arg15[%get3A_258, %get3A_259] {strides = array<i32>} : memref<16x768xf32, #tpu.memory_space<vmem>>, vector<16xf32>,
      %add3A_261 = arith.addf %get3A_260, %get3A_151 : vector<16xf32>
      %swap3A_262 = arith.constant 11 : i32
      %swap3A_263 = arith.index_cast %swap3A_262 : i32 to index
      %swap3A_264 = arith.index_cast %mul3A_148 : i32 to index
      %swap3A_265 = tpu.vector_load %arg15[%swap3A_263, %swap3A_264] {strides = array<i32>} : memref<16x768xf32, #tpu.memory_space<vmem>>, vector<16xf32>,
      tpu.vector_store %arg15[%swap3A_263, %swap3A_264], %add3A_261 {strides = array<i32>} : memref<16x768xf32, #tpu.memory_space<vmem>>, vector<16xf32>,
      %get3A_266 = arith.constant 12 : i32
      %get3A_267 = arith.index_cast %get3A_266 : i32 to index
      %get3A_268 = arith.index_cast %mul3A_148 : i32 to index
      %get3A_269 = tpu.vector_load %arg15[%get3A_267, %get3A_268] {strides = array<i32>} : memref<16x768xf32, #tpu.memory_space<vmem>>, vector<16xf32>,
      %add3A_270 = arith.addf %get3A_269, %get3A_151 : vector<16xf32>
      %swap3A_271 = arith.constant 12 : i32
      %swap3A_272 = arith.index_cast %swap3A_271 : i32 to index
      %swap3A_273 = arith.index_cast %mul3A_148 : i32 to index
      %swap3A_274 = tpu.vector_load %arg15[%swap3A_272, %swap3A_273] {strides = array<i32>} : memref<16x768xf32, #tpu.memory_space<vmem>>, vector<16xf32>,
      tpu.vector_store %arg15[%swap3A_272, %swap3A_273], %add3A_270 {strides = array<i32>} : memref<16x768xf32, #tpu.memory_space<vmem>>, vector<16xf32>,
      %get3A_275 = arith.constant 13 : i32
      %get3A_276 = arith.index_cast %get3A_275 : i32 to index
      %get3A_277 = arith.index_cast %mul3A_148 : i32 to index
      %get3A_278 = tpu.vector_load %arg15[%get3A_276, %get3A_277] {strides = array<i32>} : memref<16x768xf32, #tpu.memory_space<vmem>>, vector<16xf32>,
      %add3A_279 = arith.addf %get3A_278, %get3A_151 : vector<16xf32>
      %swap3A_280 = arith.constant 13 : i32
      %swap3A_281 = arith.index_cast %swap3A_280 : i32 to index
      %swap3A_282 = arith.index_cast %mul3A_148 : i32 to index
      %swap3A_283 = tpu.vector_load %arg15[%swap3A_281, %swap3A_282] {strides = array<i32>} : memref<16x768xf32, #tpu.memory_space<vmem>>, vector<16xf32>,
      tpu.vector_store %arg15[%swap3A_281, %swap3A_282], %add3A_279 {strides = array<i32>} : memref<16x768xf32, #tpu.memory_space<vmem>>, vector<16xf32>,
      %get3A_284 = arith.constant 14 : i32
      %get3A_285 = arith.index_cast %get3A_284 : i32 to index
      %get3A_286 = arith.index_cast %mul3A_148 : i32 to index
      %get3A_287 = tpu.vector_load %arg15[%get3A_285, %get3A_286] {strides = array<i32>} : memref<16x768xf32, #tpu.memory_space<vmem>>, vector<16xf32>,
      %add3A_288 = arith.addf %get3A_287, %get3A_151 : vector<16xf32>
      %swap3A_289 = arith.constant 14 : i32
      %swap3A_290 = arith.index_cast %swap3A_289 : i32 to index
      %swap3A_291 = arith.index_cast %mul3A_148 : i32 to index
      %swap3A_292 = tpu.vector_load %arg15[%swap3A_290, %swap3A_291] {strides = array<i32>} : memref<16x768xf32, #tpu.memory_space<vmem>>, vector<16xf32>,
      tpu.vector_store %arg15[%swap3A_290, %swap3A_291], %add3A_288 {strides = array<i32>} : memref<16x768xf32, #tpu.memory_space<vmem>>, vector<16xf32>,
      %get3A_293 = arith.constant 15 : i32
      %get3A_294 = arith.index_cast %get3A_293 : i32 to index
      %get3A_295 = arith.index_cast %mul3A_148 : i32 to index
      %get3A_296 = tpu.vector_load %arg15[%get3A_294, %get3A_295] {strides = array<i32>} : memref<16x768xf32, #tpu.memory_space<vmem>>, vector<16xf32>,
      %add3A_297 = arith.addf %get3A_296, %get3A_151 : vector<16xf32>
      %swap3A_298 = arith.constant 15 : i32
      %swap3A_299 = arith.index_cast %swap3A_298 : i32 to index
      %swap3A_300 = arith.index_cast %mul3A_148 : i32 to index
      %swap3A_301 = tpu.vector_load %arg15[%swap3A_299, %swap3A_300] {strides = array<i32>} : memref<16x768xf32, #tpu.memory_space<vmem>>, vector<16xf32>,
      tpu.vector_store %arg15[%swap3A_299, %swap3A_300], %add3A_297 {strides = array<i32>} : memref<16x768xf32, #tpu.memory_space<vmem>>, vector<16xf32>,
      %scan3A_302 = arith.constant 0 : i32
      scf.yield %scan3A_302 : i32
    }
    %scan3A_18 = arith.constant 48 : i32
    %broadcast_in_dim3A = arith.constant 0 : i32
    %broadcast_in_dim3A_19 = vector.broadcast %broadcast_in_dim3A : i32 to vector<16xi32>
    %gather3A = tpu.vector_load_idx %arg11[%iota3A, %broadcast_in_dim3A_19] : memref<16x256xi32, #tpu.memory_space<vmem>>[vector<16xi32>, vector<16xi32>], vector<16xi32>,
    %swap3A = arith.constant 0 : i32
    %swap3A_20 = arith.index_cast %swap3A : i32 to index
    %swap3A_21 = arith.constant 0 : index
    %swap3A_22 = tpu.vector_load %arg20[%swap3A_20, %swap3A_21] {strides = array<i32>} : memref<3x32xi32, #tpu.memory_space<vmem>>, vector<16xi32>,
    tpu.vector_store %arg20[%swap3A_20, %swap3A_21], %gather3A {strides = array<i32>} : memref<3x32xi32, #tpu.memory_space<vmem>>, vector<16xi32>,
    %gather3A_23 = tpu.vector_load_idx %arg12[%iota3A, %broadcast_in_dim3A_19] : memref<16x256xi32, #tpu.memory_space<vmem>>[vector<16xi32>, vector<16xi32>], vector<16xi32>,
    %convert_element_type3A = arith.sitofp %gather3A_23 : vector<16xi32> to vector<16xf32>
    %swap3A_24 = arith.constant 0 : i32
    %swap3A_25 = arith.index_cast %swap3A_24 : i32 to index
    %swap3A_26 = arith.constant 0 : index
    %swap3A_27 = tpu.vector_load %arg21[%swap3A_25, %swap3A_26] {strides = array<i32>} : memref<3x32xf32, #tpu.memory_space<vmem>>, vector<16xf32>,
    tpu.vector_store %arg21[%swap3A_25, %swap3A_26], %convert_element_type3A {strides = array<i32>} : memref<3x32xf32, #tpu.memory_space<vmem>>, vector<16xf32>,
    %broadcast_in_dim3A_28 = arith.constant 1 : i32
    %broadcast_in_dim3A_29 = vector.broadcast %broadcast_in_dim3A_28 : i32 to vector<16xi32>
    %gather3A_30 = tpu.vector_load_idx %arg11[%iota3A, %broadcast_in_dim3A_29] : memref<16x256xi32, #tpu.memory_space<vmem>>[vector<16xi32>, vector<16xi32>], vector<16xi32>,
    %swap3A_31 = arith.constant 0 : i32
    %swap3A_32 = arith.index_cast %swap3A_31 : i32 to index
    %swap3A_33 = arith.constant 16 : index
    %swap3A_34 = tpu.vector_load %arg20[%swap3A_32, %swap3A_33] {strides = array<i32>} : memref<3x32xi32, #tpu.memory_space<vmem>>, vector<16xi32>,
    tpu.vector_store %arg20[%swap3A_32, %swap3A_33], %gather3A_30 {strides = array<i32>} : memref<3x32xi32, #tpu.memory_space<vmem>>, vector<16xi32>,
    %gather3A_35 = tpu.vector_load_idx %arg12[%iota3A, %broadcast_in_dim3A_29] : memref<16x256xi32, #tpu.memory_space<vmem>>[vector<16xi32>, vector<16xi32>], vector<16xi32>,
    %convert_element_type3A_36 = arith.sitofp %gather3A_35 : vector<16xi32> to vector<16xf32>
    %swap3A_37 = arith.constant 0 : i32
    %swap3A_38 = arith.index_cast %swap3A_37 : i32 to index
    %swap3A_39 = arith.constant 16 : index
    %swap3A_40 = tpu.vector_load %arg21[%swap3A_38, %swap3A_39] {strides = array<i32>} : memref<3x32xf32, #tpu.memory_space<vmem>>, vector<16xf32>,
    tpu.vector_store %arg21[%swap3A_38, %swap3A_39], %convert_element_type3A_36 {strides = array<i32>} : memref<3x32xf32, #tpu.memory_space<vmem>>, vector<16xf32>,
    %dma_start3A_41 = arith.constant 0 : i32
    %dma_start3A_42 = arith.constant 0 : i32
    %dma_start3A_43 = arith.constant 0 : i32
    %dma_start3A_44 = arith.constant 0 : i32
    %dma_start3A_45 = tpu.memref_slice %arg14[%dma_start3A_43, %dma_start3A_44] : memref<96x768xf32, #tpu.memory_space<vmem>> -> memref<32x768xf32, #tpu.memory_space<vmem>>
    %dma_start3A_46 = arith.constant 0 : i32
    %dma_start3A_47 = tpu.memref_slice %arg20[%dma_start3A_41, %dma_start3A_46] : memref<3x32xi32, #tpu.memory_space<vmem>> -> memref<1x32xi32, #tpu.memory_space<vmem>>
    %dma_start3A_48 = tpu.memref_squeeze %dma_start3A_47 : memref<1x32xi32, #tpu.memory_space<vmem>> -> memref<32xi32, #tpu.memory_space<vmem>>
    %dma_start3A_49 = arith.constant 0 : i32
    %dma_start3A_50 = arith.constant 0 : i32
    %dma_start3A_51 = tpu.memref_slice %arg5[%dma_start3A_49, %dma_start3A_50] : memref<30522x768xf32, #tpu.memory_space<hbm>> -> memref<30522x768xf32, #tpu.memory_space<hbm>>
    %dma_start3A_52 = tpu.memref_slice %arg24[%dma_start3A_42] : memref<3x!tpu.dma_semaphore, #tpu.memory_space<semaphore_mem>> -> memref<1x!tpu.dma_semaphore, #tpu.memory_space<semaphore_mem>>
    %dma_start3A_53 = tpu.memref_squeeze %dma_start3A_52 : memref<1x!tpu.dma_semaphore, #tpu.memory_space<semaphore_mem>> -> memref<!tpu.dma_semaphore, #tpu.memory_space<semaphore_mem>>
    tpu.enqueue_indirect_dma source(%dma_start3A_51 : memref<30522x768xf32, #tpu.memory_space<hbm>>) target(%dma_start3A_45 : memref<32x768xf32, #tpu.memory_space<vmem>>) offsets(%dma_start3A_48 : memref<32xi32, #tpu.memory_space<vmem>>) semaphore(%dma_start3A_53 : memref<!tpu.dma_semaphore, #tpu.memory_space<semaphore_mem>>)
    %broadcast_in_dim3A_54 = arith.constant 2 : i32
    %broadcast_in_dim3A_55 = vector.broadcast %broadcast_in_dim3A_54 : i32 to vector<16xi32>
    %gather3A_56 = tpu.vector_load_idx %arg11[%iota3A, %broadcast_in_dim3A_55] : memref<16x256xi32, #tpu.memory_space<vmem>>[vector<16xi32>, vector<16xi32>], vector<16xi32>,
    %swap3A_57 = arith.constant 1 : i32
    %swap3A_58 = arith.index_cast %swap3A_57 : i32 to index
    %swap3A_59 = arith.constant 0 : index
    %swap3A_60 = tpu.vector_load %arg20[%swap3A_58, %swap3A_59] {strides = array<i32>} : memref<3x32xi32, #tpu.memory_space<vmem>>, vector<16xi32>,
    tpu.vector_store %arg20[%swap3A_58, %swap3A_59], %gather3A_56 {strides = array<i32>} : memref<3x32xi32, #tpu.memory_space<vmem>>, vector<16xi32>,
    %gather3A_61 = tpu.vector_load_idx %arg12[%iota3A, %broadcast_in_dim3A_55] : memref<16x256xi32, #tpu.memory_space<vmem>>[vector<16xi32>, vector<16xi32>], vector<16xi32>,
    %convert_element_type3A_62 = arith.sitofp %gather3A_61 : vector<16xi32> to vector<16xf32>
    %swap3A_63 = arith.constant 1 : i32
    %swap3A_64 = arith.index_cast %swap3A_63 : i32 to index
    %swap3A_65 = arith.constant 0 : index
    %swap3A_66 = tpu.vector_load %arg21[%swap3A_64, %swap3A_65] {strides = array<i32>} : memref<3x32xf32, #tpu.memory_space<vmem>>, vector<16xf32>,
    tpu.vector_store %arg21[%swap3A_64, %swap3A_65], %convert_element_type3A_62 {strides = array<i32>} : memref<3x32xf32, #tpu.memory_space<vmem>>, vector<16xf32>,
    %broadcast_in_dim3A_67 = arith.constant 3 : i32
    %broadcast_in_dim3A_68 = vector.broadcast %broadcast_in_dim3A_67 : i32 to vector<16xi32>
    %gather3A_69 = tpu.vector_load_idx %arg11[%iota3A, %broadcast_in_dim3A_68] : memref<16x256xi32, #tpu.memory_space<vmem>>[vector<16xi32>, vector<16xi32>], vector<16xi32>,
    %swap3A_70 = arith.constant 1 : i32
    %swap3A_71 = arith.index_cast %swap3A_70 : i32 to index
    %swap3A_72 = arith.constant 16 : index
    %swap3A_73 = tpu.vector_load %arg20[%swap3A_71, %swap3A_72] {strides = array<i32>} : memref<3x32xi32, #tpu.memory_space<vmem>>, vector<16xi32>,
    tpu.vector_store %arg20[%swap3A_71, %swap3A_72], %gather3A_69 {strides = array<i32>} : memref<3x32xi32, #tpu.memory_space<vmem>>, vector<16xi32>,
    %gather3A_74 = tpu.vector_load_idx %arg12[%iota3A, %broadcast_in_dim3A_68] : memref<16x256xi32, #tpu.memory_space<vmem>>[vector<16xi32>, vector<16xi32>], vector<16xi32>,
    %convert_element_type3A_75 = arith.sitofp %gather3A_74 : vector<16xi32> to vector<16xf32>
    %swap3A_76 = arith.constant 1 : i32
    %swap3A_77 = arith.index_cast %swap3A_76 : i32 to index
    %swap3A_78 = arith.constant 16 : index
    %swap3A_79 = tpu.vector_load %arg21[%swap3A_77, %swap3A_78] {strides = array<i32>} : memref<3x32xf32, #tpu.memory_space<vmem>>, vector<16xf32>,
    tpu.vector_store %arg21[%swap3A_77, %swap3A_78], %convert_element_type3A_75 {strides = array<i32>} : memref<3x32xf32, #tpu.memory_space<vmem>>, vector<16xf32>,
    %dma_start3A_80 = arith.constant 1 : i32
    %dma_start3A_81 = arith.constant 1 : i32
    %dma_start3A_82 = arith.constant 32 : i32
    %dma_start3A_83 = arith.constant 0 : i32
    %dma_start3A_84 = tpu.memref_slice %arg14[%dma_start3A_82, %dma_start3A_83] : memref<96x768xf32, #tpu.memory_space<vmem>> -> memref<32x768xf32, #tpu.memory_space<vmem>>
    %dma_start3A_85 = arith.constant 0 : i32
    %dma_start3A_86 = tpu.memref_slice %arg20[%dma_start3A_80, %dma_start3A_85] : memref<3x32xi32, #tpu.memory_space<vmem>> -> memref<1x32xi32, #tpu.memory_space<vmem>>
    %dma_start3A_87 = tpu.memref_squeeze %dma_start3A_86 : memref<1x32xi32, #tpu.memory_space<vmem>> -> memref<32xi32, #tpu.memory_space<vmem>>
    %dma_start3A_88 = arith.constant 0 : i32
    %dma_start3A_89 = arith.constant 0 : i32
    %dma_start3A_90 = tpu.memref_slice %arg5[%dma_start3A_88, %dma_start3A_89] : memref<30522x768xf32, #tpu.memory_space<hbm>> -> memref<30522x768xf32, #tpu.memory_space<hbm>>
    %dma_start3A_91 = tpu.memref_slice %arg24[%dma_start3A_81] : memref<3x!tpu.dma_semaphore, #tpu.memory_space<semaphore_mem>> -> memref<1x!tpu.dma_semaphore, #tpu.memory_space<semaphore_mem>>
    %dma_start3A_92 = tpu.memref_squeeze %dma_start3A_91 : memref<1x!tpu.dma_semaphore, #tpu.memory_space<semaphore_mem>> -> memref<!tpu.dma_semaphore, #tpu.memory_space<semaphore_mem>>
    tpu.enqueue_indirect_dma source(%dma_start3A_90 : memref<30522x768xf32, #tpu.memory_space<hbm>>) target(%dma_start3A_84 : memref<32x768xf32, #tpu.memory_space<vmem>>) offsets(%dma_start3A_87 : memref<32xi32, #tpu.memory_space<vmem>>) semaphore(%dma_start3A_92 : memref<!tpu.dma_semaphore, #tpu.memory_space<semaphore_mem>>)
    %scan3A_93 = arith.constant 0 : i32
    %scan3A_94 = arith.constant 0 : i32
    %scan3A_95 = arith.constant 128 : i32
    %scan3A_96 = arith.addi %scan3A_94, %scan3A_95 : i32
    %scan3A_97 = arith.constant 1 : i32
    %scan3A_98 = scf.for %scan3A_145 = %scan3A_94 to %scan3A_96 step %scan3A_97 iter_args(%scan3A_146 = %scan3A_93) -> (i32)  : i32 {
      %rem3A = arith.constant 3 : i32
      %rem3A_147 = arith.remsi %scan3A_145, %rem3A : i32
      %add3A_148 = arith.constant 3 : i32
      %add3A_149 = arith.addi %scan3A_145, %add3A_148 : i32
      %sub3A = arith.constant 1 : i32
      %sub3A_150 = arith.subi %add3A_149, %sub3A : i32
      %rem3A_151 = arith.constant 3 : i32
      %rem3A_152 = arith.remsi %sub3A_150, %rem3A_151 : i32
      %lt3A = arith.constant 126 : i32
      %lt3A_153 = arith.cmpi slt, %scan3A_145, %lt3A : i32
      %convert_element_type3A_154 = arith.extui %lt3A_153 : i1 to i32
      %cond3A = arith.constant 0 : i32
      %cond3A_155 = arith.cmpi ne, %convert_element_type3A_154, %cond3A : i32
      scf.if %cond3A_155 {
        %add3A_217 = arith.constant 3 : i32
        %add3A_218 = arith.addi %scan3A_145, %add3A_217 : i32
        %sub3A_219 = arith.constant 1 : i32
        %sub3A_220 = arith.subi %add3A_218, %sub3A_219 : i32
        %mul3A_221 = arith.constant 2 : i32
        %mul3A_222 = arith.muli %sub3A_220, %mul3A_221 : i32
        %add3A_223 = arith.constant 0 : i32
        %add3A_224 = arith.addi %mul3A_222, %add3A_223 : i32
        %broadcast_in_dim3A_225 = vector.broadcast %add3A_224 : i32 to vector<16xi32>
        %gather3A_226 = tpu.vector_load_idx %arg11[%iota3A, %broadcast_in_dim3A_225] : memref<16x256xi32, #tpu.memory_space<vmem>>[vector<16xi32>, vector<16xi32>], vector<16xi32>,
        %swap3A_227 = arith.index_cast %rem3A_152 : i32 to index
        %swap3A_228 = arith.constant 0 : index
        %swap3A_229 = tpu.vector_load %arg20[%swap3A_227, %swap3A_228] {strides = array<i32>} : memref<3x32xi32, #tpu.memory_space<vmem>>, vector<16xi32>,
        tpu.vector_store %arg20[%swap3A_227, %swap3A_228], %gather3A_226 {strides = array<i32>} : memref<3x32xi32, #tpu.memory_space<vmem>>, vector<16xi32>,
        %gather3A_230 = tpu.vector_load_idx %arg12[%iota3A, %broadcast_in_dim3A_225] : memref<16x256xi32, #tpu.memory_space<vmem>>[vector<16xi32>, vector<16xi32>], vector<16xi32>,
        %convert_element_type3A_231 = arith.sitofp %gather3A_230 : vector<16xi32> to vector<16xf32>
        %swap3A_232 = arith.index_cast %rem3A_152 : i32 to index
        %swap3A_233 = arith.constant 0 : index
        %swap3A_234 = tpu.vector_load %arg21[%swap3A_232, %swap3A_233] {strides = array<i32>} : memref<3x32xf32, #tpu.memory_space<vmem>>, vector<16xf32>,
        tpu.vector_store %arg21[%swap3A_232, %swap3A_233], %convert_element_type3A_231 {strides = array<i32>} : memref<3x32xf32, #tpu.memory_space<vmem>>, vector<16xf32>,
        %add3A_235 = arith.constant 1 : i32
        %add3A_236 = arith.addi %mul3A_222, %add3A_235 : i32
        %broadcast_in_dim3A_237 = vector.broadcast %add3A_236 : i32 to vector<16xi32>
        %gather3A_238 = tpu.vector_load_idx %arg11[%iota3A, %broadcast_in_dim3A_237] : memref<16x256xi32, #tpu.memory_space<vmem>>[vector<16xi32>, vector<16xi32>], vector<16xi32>,
        %swap3A_239 = arith.index_cast %rem3A_152 : i32 to index
        %swap3A_240 = arith.constant 16 : index
        %swap3A_241 = tpu.vector_load %arg20[%swap3A_239, %swap3A_240] {strides = array<i32>} : memref<3x32xi32, #tpu.memory_space<vmem>>, vector<16xi32>,
        tpu.vector_store %arg20[%swap3A_239, %swap3A_240], %gather3A_238 {strides = array<i32>} : memref<3x32xi32, #tpu.memory_space<vmem>>, vector<16xi32>,
        %gather3A_242 = tpu.vector_load_idx %arg12[%iota3A, %broadcast_in_dim3A_237] : memref<16x256xi32, #tpu.memory_space<vmem>>[vector<16xi32>, vector<16xi32>], vector<16xi32>,
        %convert_element_type3A_243 = arith.sitofp %gather3A_242 : vector<16xi32> to vector<16xf32>
        %swap3A_244 = arith.index_cast %rem3A_152 : i32 to index
        %swap3A_245 = arith.constant 16 : index
        %swap3A_246 = tpu.vector_load %arg21[%swap3A_244, %swap3A_245] {strides = array<i32>} : memref<3x32xf32, #tpu.memory_space<vmem>>, vector<16xf32>,
        tpu.vector_store %arg21[%swap3A_244, %swap3A_245], %convert_element_type3A_243 {strides = array<i32>} : memref<3x32xf32, #tpu.memory_space<vmem>>, vector<16xf32>,
        %ge3A = arith.constant 1 : i32
        %ge3A_247 = arith.cmpi sge, %scan3A_145, %ge3A : i32
        %convert_element_type3A_248 = arith.extui %ge3A_247 : i1 to i32
        %cond3A_249 = arith.constant 0 : i32
        %cond3A_250 = arith.cmpi ne, %convert_element_type3A_248, %cond3A_249 : i32
        scf.if %cond3A_250 {
          %mul3A_263 = arith.constant 32 : i32
          %mul3A_264 = arith.muli %rem3A_152, %mul3A_263 : i32
          %dma_wait3A_265 = arith.constant 0 : i32
          %dma_wait3A_266 = tpu.memref_slice %arg14[%mul3A_264, %dma_wait3A_265] : memref<96x768xf32, #tpu.memory_space<vmem>> -> memref<32x768xf32, #tpu.memory_space<vmem>>
          %dma_wait3A_267 = arith.constant 0 : i32
          %dma_wait3A_268 = arith.constant 0 : i32
          %dma_wait3A_269 = tpu.memref_slice %arg5[%dma_wait3A_267, %dma_wait3A_268] : memref<30522x768xf32, #tpu.memory_space<hbm>> -> memref<32x768xf32, #tpu.memory_space<hbm>>
          %dma_wait3A_270 = tpu.memref_slice %arg25[%rem3A_152] : memref<3x!tpu.dma_semaphore, #tpu.memory_space<semaphore_mem>> -> memref<1x!tpu.dma_semaphore, #tpu.memory_space<semaphore_mem>>
          %dma_wait3A_271 = tpu.memref_squeeze %dma_wait3A_270 : memref<1x!tpu.dma_semaphore, #tpu.memory_space<semaphore_mem>> -> memref<!tpu.dma_semaphore, #tpu.memory_space<semaphore_mem>>
          %dma_wait3A_272 = arith.constant 0 : i32
          %dma_wait3A_273 = tpu.memref_slice %arg14[%mul3A_264, %dma_wait3A_272] : memref<96x768xf32, #tpu.memory_space<vmem>> -> memref<32x768xf32, #tpu.memory_space<vmem>>
          %dma_wait3A_274 = arith.constant 0 : i32
          %dma_wait3A_275 = arith.constant 0 : i32
          %dma_wait3A_276 = tpu.memref_slice %arg5[%dma_wait3A_274, %dma_wait3A_275] : memref<30522x768xf32, #tpu.memory_space<hbm>> -> memref<32x768xf32, #tpu.memory_space<hbm>>
          tpu.wait_dma2 semaphore(%dma_wait3A_271 : memref<!tpu.dma_semaphore, #tpu.memory_space<semaphore_mem>>) src(%dma_wait3A_276 : memref<32x768xf32, #tpu.memory_space<hbm>>) dst(%dma_wait3A_273 : memref<32x768xf32, #tpu.memory_space<vmem>>)
        } else {
        }
        %mul3A_251 = arith.constant 32 : i32
        %mul3A_252 = arith.muli %rem3A_152, %mul3A_251 : i32
        %dma_start3A_253 = arith.constant 0 : i32
        %dma_start3A_254 = tpu.memref_slice %arg14[%mul3A_252, %dma_start3A_253] : memref<96x768xf32, #tpu.memory_space<vmem>> -> memref<32x768xf32, #tpu.memory_space<vmem>>
        %dma_start3A_255 = arith.constant 0 : i32
        %dma_start3A_256 = tpu.memref_slice %arg20[%rem3A_152, %dma_start3A_255] : memref<3x32xi32, #tpu.memory_space<vmem>> -> memref<1x32xi32, #tpu.memory_space<vmem>>
        %dma_start3A_257 = tpu.memref_squeeze %dma_start3A_256 : memref<1x32xi32, #tpu.memory_space<vmem>> -> memref<32xi32, #tpu.memory_space<vmem>>
        %dma_start3A_258 = arith.constant 0 : i32
        %dma_start3A_259 = arith.constant 0 : i32
        %dma_start3A_260 = tpu.memref_slice %arg5[%dma_start3A_258, %dma_start3A_259] : memref<30522x768xf32, #tpu.memory_space<hbm>> -> memref<30522x768xf32, #tpu.memory_space<hbm>>
        %dma_start3A_261 = tpu.memref_slice %arg24[%rem3A_152] : memref<3x!tpu.dma_semaphore, #tpu.memory_space<semaphore_mem>> -> memref<1x!tpu.dma_semaphore, #tpu.memory_space<semaphore_mem>>
        %dma_start3A_262 = tpu.memref_squeeze %dma_start3A_261 : memref<1x!tpu.dma_semaphore, #tpu.memory_space<semaphore_mem>> -> memref<!tpu.dma_semaphore, #tpu.memory_space<semaphore_mem>>
        tpu.enqueue_indirect_dma source(%dma_start3A_260 : memref<30522x768xf32, #tpu.memory_space<hbm>>) target(%dma_start3A_254 : memref<32x768xf32, #tpu.memory_space<vmem>>) offsets(%dma_start3A_257 : memref<32xi32, #tpu.memory_space<vmem>>) semaphore(%dma_start3A_262 : memref<!tpu.dma_semaphore, #tpu.memory_space<semaphore_mem>>)
      } else {
      }
      %mul3A_156 = arith.constant 32 : i32
      %mul3A_157 = arith.muli %rem3A_147, %mul3A_156 : i32
      %dma_wait3A_158 = arith.constant 0 : i32
      %dma_wait3A_159 = tpu.memref_slice %arg14[%mul3A_157, %dma_wait3A_158] : memref<96x768xf32, #tpu.memory_space<vmem>> -> memref<32x768xf32, #tpu.memory_space<vmem>>
      %dma_wait3A_160 = arith.constant 0 : i32
      %dma_wait3A_161 = tpu.memref_slice %arg20[%rem3A_147, %dma_wait3A_160] : memref<3x32xi32, #tpu.memory_space<vmem>> -> memref<1x32xi32, #tpu.memory_space<vmem>>
      %dma_wait3A_162 = tpu.memref_squeeze %dma_wait3A_161 : memref<1x32xi32, #tpu.memory_space<vmem>> -> memref<32xi32, #tpu.memory_space<vmem>>
      %dma_wait3A_163 = arith.constant 0 : i32
      %dma_wait3A_164 = arith.constant 0 : i32
      %dma_wait3A_165 = tpu.memref_slice %arg5[%dma_wait3A_163, %dma_wait3A_164] : memref<30522x768xf32, #tpu.memory_space<hbm>> -> memref<30522x768xf32, #tpu.memory_space<hbm>>
      %dma_wait3A_166 = tpu.memref_slice %arg24[%rem3A_147] : memref<3x!tpu.dma_semaphore, #tpu.memory_space<semaphore_mem>> -> memref<1x!tpu.dma_semaphore, #tpu.memory_space<semaphore_mem>>
      %dma_wait3A_167 = tpu.memref_squeeze %dma_wait3A_166 : memref<1x!tpu.dma_semaphore, #tpu.memory_space<semaphore_mem>> -> memref<!tpu.dma_semaphore, #tpu.memory_space<semaphore_mem>>
      tpu.wait_indirect_dma semaphore(%dma_wait3A_167 : memref<!tpu.dma_semaphore, #tpu.memory_space<semaphore_mem>>) src(%dma_wait3A_165 : memref<30522x768xf32, #tpu.memory_space<hbm>>) dst(%dma_wait3A_159 : memref<32x768xf32, #tpu.memory_space<vmem>>)
      %mul3A_168 = arith.constant 32 : i32
      %mul3A_169 = arith.muli %rem3A_147, %mul3A_168 : i32
      %parallel_loop3A = arith.constant 0 : i32
      %parallel_loop3A_170 = arith.constant 32 : i32
      %parallel_loop3A_171 = arith.constant 1 : i32
      scf.for %parallel_loop3A_217 = %parallel_loop3A to %parallel_loop3A_170 step %parallel_loop3A_171  : i32 {
        %parallel_loop3A_218 = arith.constant 16 : i32
        %parallel_loop3A_219 = arith.divsi %parallel_loop3A_217, %parallel_loop3A_218 : i32
        %parallel_loop3A_220 = arith.constant 0 : i32
        %parallel_loop3A_221 = arith.cmpi sgt, %parallel_loop3A_217, %parallel_loop3A_220 : i32
        %parallel_loop3A_222 = arith.extui %parallel_loop3A_221 : i1 to i32
        %parallel_loop3A_223 = arith.constant 0 : i32
        %parallel_loop3A_224 = arith.cmpi slt, %parallel_loop3A_217, %parallel_loop3A_223 : i32
        %parallel_loop3A_225 = arith.extui %parallel_loop3A_224 : i1 to i32
        %parallel_loop3A_226 = arith.subi %parallel_loop3A_222, %parallel_loop3A_225 : i32
        %parallel_loop3A_227 = arith.constant 0 : i32
        %parallel_loop3A_228 = arith.cmpi sgt, %parallel_loop3A_218, %parallel_loop3A_227 : i32
        %parallel_loop3A_229 = arith.extui %parallel_loop3A_228 : i1 to i32
        %parallel_loop3A_230 = arith.constant 0 : i32
        %parallel_loop3A_231 = arith.cmpi slt, %parallel_loop3A_218, %parallel_loop3A_230 : i32
        %parallel_loop3A_232 = arith.extui %parallel_loop3A_231 : i1 to i32
        %parallel_loop3A_233 = arith.subi %parallel_loop3A_229, %parallel_loop3A_232 : i32
        %parallel_loop3A_234 = arith.cmpi ne, %parallel_loop3A_226, %parallel_loop3A_233 : i32
        %parallel_loop3A_235 = arith.remsi %parallel_loop3A_217, %parallel_loop3A_218 : i32
        %parallel_loop3A_236 = arith.constant 0 : i32
        %parallel_loop3A_237 = arith.cmpi ne, %parallel_loop3A_235, %parallel_loop3A_236 : i32
        %parallel_loop3A_238 = arith.andi %parallel_loop3A_234, %parallel_loop3A_237 : i1
        %parallel_loop3A_239 = arith.constant 1 : i32
        %parallel_loop3A_240 = arith.subi %parallel_loop3A_219, %parallel_loop3A_239 : i32
        %parallel_loop3A_241 = arith.select %parallel_loop3A_238, %parallel_loop3A_240, %parallel_loop3A_219 : i32
        %parallel_loop3A_242 = arith.constant 16 : i32
        %parallel_loop3A_243 = arith.muli %parallel_loop3A_241, %parallel_loop3A_242 : i32
        %parallel_loop3A_244 = arith.subi %parallel_loop3A_217, %parallel_loop3A_243 : i32
        %parallel_loop3A_245 = arith.addi %mul3A_169, %parallel_loop3A_217 : i32
        %parallel_loop3A_246 = arith.constant 16 : i32
        %parallel_loop3A_247 = arith.muli %parallel_loop3A_241, %parallel_loop3A_246 : i32
        %parallel_loop3A_248 = arith.index_cast %rem3A_147 : i32 to index
        %parallel_loop3A_249 = arith.index_cast %parallel_loop3A_247 : i32 to index
        %parallel_loop3A_250 = tpu.vector_load %arg21[%parallel_loop3A_248, %parallel_loop3A_249] {strides = array<i32>} : memref<3x32xf32, #tpu.memory_space<vmem>>, vector<16xf32>,
        %parallel_loop3A_251 = vector.broadcast %parallel_loop3A_244 : i32 to vector<16xi32>
        %parallel_loop3A_252 = vector.shape_cast %parallel_loop3A_251 : vector<16xi32> to vector<16x1xi32>
        %parallel_loop3A_253 = vector.shape_cast %parallel_loop3A_252 : vector<16x1xi32> to vector<16xi32>
        %parallel_loop3A_254 = tpu.dynamic_gather %parallel_loop3A_250[%parallel_loop3A_253] in [0] : vector<16xf32>, vector<16xi32> -> vector<16xf32>
        %parallel_loop3A_255 = arith.constant 0.000000e+00 : f32
        %parallel_loop3A_256 = vector.broadcast %parallel_loop3A_255 : f32 to vector<16xf32>
        %parallel_loop3A_257 = arith.constant 0.000000e+00 : f32
        %parallel_loop3A_258 = vector.broadcast %parallel_loop3A_257 : f32 to vector<16xf32>
        %parallel_loop3A_259 = arith.constant 0.000000e+00 : f32
        %parallel_loop3A_260 = vector.broadcast %parallel_loop3A_259 : f32 to vector<16xf32>
        %parallel_loop3A_261 = arith.constant 0.000000e+00 : f32
        %parallel_loop3A_262 = vector.broadcast %parallel_loop3A_261 : f32 to vector<16xf32>
        %parallel_loop3A_263 = arith.constant 0.000000e+00 : f32
        %parallel_loop3A_264 = vector.broadcast %parallel_loop3A_263 : f32 to vector<16xf32>
        %parallel_loop3A_265 = arith.constant 0.000000e+00 : f32
        %parallel_loop3A_266 = vector.broadcast %parallel_loop3A_265 : f32 to vector<16xf32>
        %parallel_loop3A_267 = arith.constant 0.000000e+00 : f32
        %parallel_loop3A_268 = vector.broadcast %parallel_loop3A_267 : f32 to vector<16xf32>
        %parallel_loop3A_269 = arith.constant 0.000000e+00 : f32
        %parallel_loop3A_270 = vector.broadcast %parallel_loop3A_269 : f32 to vector<16xf32>
        %parallel_loop3A_271 = arith.index_cast %parallel_loop3A_245 : i32 to index
        %parallel_loop3A_272 = arith.constant 0 : index
        %parallel_loop3A_273 = tpu.vector_load %arg14[%parallel_loop3A_271, %parallel_loop3A_272] {strides = array<i32>} : memref<96x768xf32, #tpu.memory_space<vmem>>, vector<16xf32>,
        %parallel_loop3A_274 = arith.index_cast %parallel_loop3A_244 : i32 to index
        %parallel_loop3A_275 = arith.constant 0 : index
        %parallel_loop3A_276 = tpu.vector_load %arg15[%parallel_loop3A_274, %parallel_loop3A_275] {strides = array<i32>} : memref<16x768xf32, #tpu.memory_space<vmem>>, vector<16xf32>,
        %parallel_loop3A_277 = arith.addf %parallel_loop3A_273, %parallel_loop3A_276 : vector<16xf32>
        %parallel_loop3A_278 = arith.constant 0 : index
        %parallel_loop3A_279 = tpu.vector_load %arg17[%parallel_loop3A_278] {strides = array<i32>} : memref<768xf32, #tpu.memory_space<vmem>>, vector<16xf32>,
        %parallel_loop3A_280 = arith.mulf %parallel_loop3A_254, %parallel_loop3A_279 : vector<16xf32>
        %parallel_loop3A_281 = arith.addf %parallel_loop3A_277, %parallel_loop3A_280 : vector<16xf32>
        %parallel_loop3A_282 = arith.index_cast %parallel_loop3A_245 : i32 to index
        %parallel_loop3A_283 = arith.constant 0 : index
        %parallel_loop3A_284 = tpu.vector_load %arg14[%parallel_loop3A_282, %parallel_loop3A_283] {strides = array<i32>} : memref<96x768xf32, #tpu.memory_space<vmem>>, vector<16xf32>,
        tpu.vector_store %arg14[%parallel_loop3A_282, %parallel_loop3A_283], %parallel_loop3A_281 {strides = array<i32>} : memref<96x768xf32, #tpu.memory_space<vmem>>, vector<16xf32>,
        %parallel_loop3A_285 = arith.addf %parallel_loop3A_256, %parallel_loop3A_281 : vector<16xf32>
        %parallel_loop3A_286 = arith.mulf %parallel_loop3A_281, %parallel_loop3A_281 : vector<16xf32>
        %parallel_loop3A_287 = arith.addf %parallel_loop3A_264, %parallel_loop3A_286 : vector<16xf32>
        %parallel_loop3A_288 = arith.index_cast %parallel_loop3A_245 : i32 to index
        %parallel_loop3A_289 = arith.constant 16 : index
        %parallel_loop3A_290 = tpu.vector_load %arg14[%parallel_loop3A_288, %parallel_loop3A_289] {strides = array<i32>} : memref<96x768xf32, #tpu.memory_space<vmem>>, vector<16xf32>,
        %parallel_loop3A_291 = arith.index_cast %parallel_loop3A_244 : i32 to index
        %parallel_loop3A_292 = arith.constant 16 : index
        %parallel_loop3A_293 = tpu.vector_load %arg15[%parallel_loop3A_291, %parallel_loop3A_292] {strides = array<i32>} : memref<16x768xf32, #tpu.memory_space<vmem>>, vector<16xf32>,
        %parallel_loop3A_294 = arith.addf %parallel_loop3A_290, %parallel_loop3A_293 : vector<16xf32>
        %parallel_loop3A_295 = arith.constant 16 : index
        %parallel_loop3A_296 = tpu.vector_load %arg17[%parallel_loop3A_295] {strides = array<i32>} : memref<768xf32, #tpu.memory_space<vmem>>, vector<16xf32>,
        %parallel_loop3A_297 = arith.mulf %parallel_loop3A_254, %parallel_loop3A_296 : vector<16xf32>
        %parallel_loop3A_298 = arith.addf %parallel_loop3A_294, %parallel_loop3A_297 : vector<16xf32>
        %parallel_loop3A_299 = arith.index_cast %parallel_loop3A_245 : i32 to index
        %parallel_loop3A_300 = arith.constant 16 : index
        %parallel_loop3A_301 = tpu.vector_load %arg14[%parallel_loop3A_299, %parallel_loop3A_300] {strides = array<i32>} : memref<96x768xf32, #tpu.memory_space<vmem>>, vector<16xf32>,
        tpu.vector_store %arg14[%parallel_loop3A_299, %parallel_loop3A_300], %parallel_loop3A_298 {strides = array<i32>} : memref<96x768xf32, #tpu.memory_space<vmem>>, vector<16xf32>,
        %parallel_loop3A_302 = arith.addf %parallel_loop3A_258, %parallel_loop3A_298 : vector<16xf32>
        %parallel_loop3A_303 = arith.mulf %parallel_loop3A_298, %parallel_loop3A_298 : vector<16xf32>
        %parallel_loop3A_304 = arith.addf %parallel_loop3A_266, %parallel_loop3A_303 : vector<16xf32>
        %parallel_loop3A_305 = arith.index_cast %parallel_loop3A_245 : i32 to index
        %parallel_loop3A_306 = arith.constant 32 : index
        %parallel_loop3A_307 = tpu.vector_load %arg14[%parallel_loop3A_305, %parallel_loop3A_306] {strides = array<i32>} : memref<96x768xf32, #tpu.memory_space<vmem>>, vector<16xf32>,
        %parallel_loop3A_308 = arith.index_cast %parallel_loop3A_244 : i32 to index
        %parallel_loop3A_309 = arith.constant 32 : index
        %parallel_loop3A_310 = tpu.vector_load %arg15[%parallel_loop3A_308, %parallel_loop3A_309] {strides = array<i32>} : memref<16x768xf32, #tpu.memory_space<vmem>>, vector<16xf32>,
        %parallel_loop3A_311 = arith.addf %parallel_loop3A_307, %parallel_loop3A_310 : vector<16xf32>
        %parallel_loop3A_312 = arith.constant 32 : index
        %parallel_loop3A_313 = tpu.vector_load %arg17[%parallel_loop3A_312] {strides = array<i32>} : memref<768xf32, #tpu.memory_space<vmem>>, vector<16xf32>,
        %parallel_loop3A_314 = arith.mulf %parallel_loop3A_254, %parallel_loop3A_313 : vector<16xf32>
        %parallel_loop3A_315 = arith.addf %parallel_loop3A_311, %parallel_loop3A_314 : vector<16xf32>
        %parallel_loop3A_316 = arith.index_cast %parallel_loop3A_245 : i32 to index
        %parallel_loop3A_317 = arith.constant 32 : index
        %parallel_loop3A_318 = tpu.vector_load %arg14[%parallel_loop3A_316, %parallel_loop3A_317] {strides = array<i32>} : memref<96x768xf32, #tpu.memory_space<vmem>>, vector<16xf32>,
        tpu.vector_store %arg14[%parallel_loop3A_316, %parallel_loop3A_317], %parallel_loop3A_315 {strides = array<i32>} : memref<96x768xf32, #tpu.memory_space<vmem>>, vector<16xf32>,
        %parallel_loop3A_319 = arith.addf %parallel_loop3A_260, %parallel_loop3A_315 : vector<16xf32>
        %parallel_loop3A_320 = arith.mulf %parallel_loop3A_315, %parallel_loop3A_315 : vector<16xf32>
        %parallel_loop3A_321 = arith.addf %parallel_loop3A_268, %parallel_loop3A_320 : vector<16xf32>
        %parallel_loop3A_322 = arith.index_cast %parallel_loop3A_245 : i32 to index
        %parallel_loop3A_323 = arith.constant 48 : index
        %parallel_loop3A_324 = tpu.vector_load %arg14[%parallel_loop3A_322, %parallel_loop3A_323] {strides = array<i32>} : memref<96x768xf32, #tpu.memory_space<vmem>>, vector<16xf32>,
        %parallel_loop3A_325 = arith.index_cast %parallel_loop3A_244 : i32 to index
        %parallel_loop3A_326 = arith.constant 48 : index
        %parallel_loop3A_327 = tpu.vector_load %arg15[%parallel_loop3A_325, %parallel_loop3A_326] {strides = array<i32>} : memref<16x768xf32, #tpu.memory_space<vmem>>, vector<16xf32>,
        %parallel_loop3A_328 = arith.addf %parallel_loop3A_324, %parallel_loop3A_327 : vector<16xf32>
        %parallel_loop3A_329 = arith.constant 48 : index
        %parallel_loop3A_330 = tpu.vector_load %arg17[%parallel_loop3A_329] {strides = array<i32>} : memref<768xf32, #tpu.memory_space<vmem>>, vector<16xf32>,
        %parallel_loop3A_331 = arith.mulf %parallel_loop3A_254, %parallel_loop3A_330 : vector<16xf32>
        %parallel_loop3A_332 = arith.addf %parallel_loop3A_328, %parallel_loop3A_331 : vector<16xf32>
        %parallel_loop3A_333 = arith.index_cast %parallel_loop3A_245 : i32 to index
        %parallel_loop3A_334 = arith.constant 48 : index
        %parallel_loop3A_335 = tpu.vector_load %arg14[%parallel_loop3A_333, %parallel_loop3A_334] {strides = array<i32>} : memref<96x768xf32, #tpu.memory_space<vmem>>, vector<16xf32>,
        tpu.vector_store %arg14[%parallel_loop3A_333, %parallel_loop3A_334], %parallel_loop3A_332 {strides = array<i32>} : memref<96x768xf32, #tpu.memory_space<vmem>>, vector<16xf32>,
        %parallel_loop3A_336 = arith.addf %parallel_loop3A_262, %parallel_loop3A_332 : vector<16xf32>
        %parallel_loop3A_337 = arith.mulf %parallel_loop3A_332, %parallel_loop3A_332 : vector<16xf32>
        %parallel_loop3A_338 = arith.addf %parallel_loop3A_270, %parallel_loop3A_337 : vector<16xf32>
        %parallel_loop3A_339 = arith.index_cast %parallel_loop3A_245 : i32 to index
        %parallel_loop3A_340 = arith.constant 64 : index
        %parallel_loop3A_341 = tpu.vector_load %arg14[%parallel_loop3A_339, %parallel_loop3A_340] {strides = array<i32>} : memref<96x768xf32, #tpu.memory_space<vmem>>, vector<16xf32>,
        %parallel_loop3A_342 = arith.index_cast %parallel_loop3A_244 : i32 to index
        %parallel_loop3A_343 = arith.constant 64 : index
        %parallel_loop3A_344 = tpu.vector_load %arg15[%parallel_loop3A_342, %parallel_loop3A_343] {strides = array<i32>} : memref<16x768xf32, #tpu.memory_space<vmem>>, vector<16xf32>,
        %parallel_loop3A_345 = arith.addf %parallel_loop3A_341, %parallel_loop3A_344 : vector<16xf32>
        %parallel_loop3A_346 = arith.constant 64 : index
        %parallel_loop3A_347 = tpu.vector_load %arg17[%parallel_loop3A_346] {strides = array<i32>} : memref<768xf32, #tpu.memory_space<vmem>>, vector<16xf32>,
        %parallel_loop3A_348 = arith.mulf %parallel_loop3A_254, %parallel_loop3A_347 : vector<16xf32>
        %parallel_loop3A_349 = arith.addf %parallel_loop3A_345, %parallel_loop3A_348 : vector<16xf32>
        %parallel_loop3A_350 = arith.index_cast %parallel_loop3A_245 : i32 to index
        %parallel_loop3A_351 = arith.constant 64 : index
        %parallel_loop3A_352 = tpu.vector_load %arg14[%parallel_loop3A_350, %parallel_loop3A_351] {strides = array<i32>} : memref<96x768xf32, #tpu.memory_space<vmem>>, vector<16xf32>,
        tpu.vector_store %arg14[%parallel_loop3A_350, %parallel_loop3A_351], %parallel_loop3A_349 {strides = array<i32>} : memref<96x768xf32, #tpu.memory_space<vmem>>, vector<16xf32>,
        %parallel_loop3A_353 = arith.addf %parallel_loop3A_285, %parallel_loop3A_349 : vector<16xf32>
        %parallel_loop3A_354 = arith.mulf %parallel_loop3A_349, %parallel_loop3A_349 : vector<16xf32>
        %parallel_loop3A_355 = arith.addf %parallel_loop3A_287, %parallel_loop3A_354 : vector<16xf32>
        %parallel_loop3A_356 = arith.index_cast %parallel_loop3A_245 : i32 to index
        %parallel_loop3A_357 = arith.constant 80 : index
        %parallel_loop3A_358 = tpu.vector_load %arg14[%parallel_loop3A_356, %parallel_loop3A_357] {strides = array<i32>} : memref<96x768xf32, #tpu.memory_space<vmem>>, vector<16xf32>,
        %parallel_loop3A_359 = arith.index_cast %parallel_loop3A_244 : i32 to index
        %parallel_loop3A_360 = arith.constant 80 : index
        %parallel_loop3A_361 = tpu.vector_load %arg15[%parallel_loop3A_359, %parallel_loop3A_360] {strides = array<i32>} : memref<16x768xf32, #tpu.memory_space<vmem>>, vector<16xf32>,
        %parallel_loop3A_362 = arith.addf %parallel_loop3A_358, %parallel_loop3A_361 : vector<16xf32>
        %parallel_loop3A_363 = arith.constant 80 : index
        %parallel_loop3A_364 = tpu.vector_load %arg17[%parallel_loop3A_363] {strides = array<i32>} : memref<768xf32, #tpu.memory_space<vmem>>, vector<16xf32>,
        %parallel_loop3A_365 = arith.mulf %parallel_loop3A_254, %parallel_loop3A_364 : vector<16xf32>
        %parallel_loop3A_366 = arith.addf %parallel_loop3A_362, %parallel_loop3A_365 : vector<16xf32>
        %parallel_loop3A_367 = arith.index_cast %parallel_loop3A_245 : i32 to index
        %parallel_loop3A_368 = arith.constant 80 : index
        %parallel_loop3A_369 = tpu.vector_load %arg14[%parallel_loop3A_367, %parallel_loop3A_368] {strides = array<i32>} : memref<96x768xf32, #tpu.memory_space<vmem>>, vector<16xf32>,
        tpu.vector_store %arg14[%parallel_loop3A_367, %parallel_loop3A_368], %parallel_loop3A_366 {strides = array<i32>} : memref<96x768xf32, #tpu.memory_space<vmem>>, vector<16xf32>,
        %parallel_loop3A_370 = arith.addf %parallel_loop3A_302, %parallel_loop3A_366 : vector<16xf32>
        %parallel_loop3A_371 = arith.mulf %parallel_loop3A_366, %parallel_loop3A_366 : vector<16xf32>
        %parallel_loop3A_372 = arith.addf %parallel_loop3A_304, %parallel_loop3A_371 : vector<16xf32>
        %parallel_loop3A_373 = arith.index_cast %parallel_loop3A_245 : i32 to index
        %parallel_loop3A_374 = arith.constant 96 : index
        %parallel_loop3A_375 = tpu.vector_load %arg14[%parallel_loop3A_373, %parallel_loop3A_374] {strides = array<i32>} : memref<96x768xf32, #tpu.memory_space<vmem>>, vector<16xf32>,
        %parallel_loop3A_376 = arith.index_cast %parallel_loop3A_244 : i32 to index
        %parallel_loop3A_377 = arith.constant 96 : index
        %parallel_loop3A_378 = tpu.vector_load %arg15[%parallel_loop3A_376, %parallel_loop3A_377] {strides = array<i32>} : memref<16x768xf32, #tpu.memory_space<vmem>>, vector<16xf32>,
        %parallel_loop3A_379 = arith.addf %parallel_loop3A_375, %parallel_loop3A_378 : vector<16xf32>
        %parallel_loop3A_380 = arith.constant 96 : index
        %parallel_loop3A_381 = tpu.vector_load %arg17[%parallel_loop3A_380] {strides = array<i32>} : memref<768xf32, #tpu.memory_space<vmem>>, vector<16xf32>,
        %parallel_loop3A_382 = arith.mulf %parallel_loop3A_254, %parallel_loop3A_381 : vector<16xf32>
        %parallel_loop3A_383 = arith.addf %parallel_loop3A_379, %parallel_loop3A_382 : vector<16xf32>
        %parallel_loop3A_384 = arith.index_cast %parallel_loop3A_245 : i32 to index
        %parallel_loop3A_385 = arith.constant 96 : index
        %parallel_loop3A_386 = tpu.vector_load %arg14[%parallel_loop3A_384, %parallel_loop3A_385] {strides = array<i32>} : memref<96x768xf32, #tpu.memory_space<vmem>>, vector<16xf32>,
        tpu.vector_store %arg14[%parallel_loop3A_384, %parallel_loop3A_385], %parallel_loop3A_383 {strides = array<i32>} : memref<96x768xf32, #tpu.memory_space<vmem>>, vector<16xf32>,
        %parallel_loop3A_387 = arith.addf %parallel_loop3A_319, %parallel_loop3A_383 : vector<16xf32>
        %parallel_loop3A_388 = arith.mulf %parallel_loop3A_383, %parallel_loop3A_383 : vector<16xf32>
        %parallel_loop3A_389 = arith.addf %parallel_loop3A_321, %parallel_loop3A_388 : vector<16xf32>
        %parallel_loop3A_390 = arith.index_cast %parallel_loop3A_245 : i32 to index
        %parallel_loop3A_391 = arith.constant 112 : index
        %parallel_loop3A_392 = tpu.vector_load %arg14[%parallel_loop3A_390, %parallel_loop3A_391] {strides = array<i32>} : memref<96x768xf32, #tpu.memory_space<vmem>>, vector<16xf32>,
        %parallel_loop3A_393 = arith.index_cast %parallel_loop3A_244 : i32 to index
        %parallel_loop3A_394 = arith.constant 112 : index
        %parallel_loop3A_395 = tpu.vector_load %arg15[%parallel_loop3A_393, %parallel_loop3A_394] {strides = array<i32>} : memref<16x768xf32, #tpu.memory_space<vmem>>, vector<16xf32>,
        %parallel_loop3A_396 = arith.addf %parallel_loop3A_392, %parallel_loop3A_395 : vector<16xf32>
        %parallel_loop3A_397 = arith.constant 112 : index
        %parallel_loop3A_398 = tpu.vector_load %arg17[%parallel_loop3A_397] {strides = array<i32>} : memref<768xf32, #tpu.memory_space<vmem>>, vector<16xf32>,
        %parallel_loop3A_399 = arith.mulf %parallel_loop3A_254, %parallel_loop3A_398 : vector<16xf32>
        %parallel_loop3A_400 = arith.addf %parallel_loop3A_396, %parallel_loop3A_399 : vector<16xf32>
        %parallel_loop3A_401 = arith.index_cast %parallel_loop3A_245 : i32 to index
        %parallel_loop3A_402 = arith.constant 112 : index
        %parallel_loop3A_403 = tpu.vector_load %arg14[%parallel_loop3A_401, %parallel_loop3A_402] {strides = array<i32>} : memref<96x768xf32, #tpu.memory_space<vmem>>, vector<16xf32>,
        tpu.vector_store %arg14[%parallel_loop3A_401, %parallel_loop3A_402], %parallel_loop3A_400 {strides = array<i32>} : memref<96x768xf32, #tpu.memory_space<vmem>>, vector<16xf32>,
        %parallel_loop3A_404 = arith.addf %parallel_loop3A_336, %parallel_loop3A_400 : vector<16xf32>
        %parallel_loop3A_405 = arith.mulf %parallel_loop3A_400, %parallel_loop3A_400 : vector<16xf32>
        %parallel_loop3A_406 = arith.addf %parallel_loop3A_338, %parallel_loop3A_405 : vector<16xf32>
        %parallel_loop3A_407 = arith.index_cast %parallel_loop3A_245 : i32 to index
        %parallel_loop3A_408 = arith.constant 128 : index
        %parallel_loop3A_409 = tpu.vector_load %arg14[%parallel_loop3A_407, %parallel_loop3A_408] {strides = array<i32>} : memref<96x768xf32, #tpu.memory_space<vmem>>, vector<16xf32>,
        %parallel_loop3A_410 = arith.index_cast %parallel_loop3A_244 : i32 to index
        %parallel_loop3A_411 = arith.constant 128 : index
        %parallel_loop3A_412 = tpu.vector_load %arg15[%parallel_loop3A_410, %parallel_loop3A_411] {strides = array<i32>} : memref<16x768xf32, #tpu.memory_space<vmem>>, vector<16xf32>,
        %parallel_loop3A_413 = arith.addf %parallel_loop3A_409, %parallel_loop3A_412 : vector<16xf32>
        %parallel_loop3A_414 = arith.constant 128 : index
        %parallel_loop3A_415 = tpu.vector_load %arg17[%parallel_loop3A_414] {strides = array<i32>} : memref<768xf32, #tpu.memory_space<vmem>>, vector<16xf32>,
        %parallel_loop3A_416 = arith.mulf %parallel_loop3A_254, %parallel_loop3A_415 : vector<16xf32>
        %parallel_loop3A_417 = arith.addf %parallel_loop3A_413, %parallel_loop3A_416 : vector<16xf32>
        %parallel_loop3A_418 = arith.index_cast %parallel_loop3A_245 : i32 to index
        %parallel_loop3A_419 = arith.constant 128 : index
        %parallel_loop3A_420 = tpu.vector_load %arg14[%parallel_loop3A_418, %parallel_loop3A_419] {strides = array<i32>} : memref<96x768xf32, #tpu.memory_space<vmem>>, vector<16xf32>,
        tpu.vector_store %arg14[%parallel_loop3A_418, %parallel_loop3A_419], %parallel_loop3A_417 {strides = array<i32>} : memref<96x768xf32, #tpu.memory_space<vmem>>, vector<16xf32>,
        %parallel_loop3A_421 = arith.addf %parallel_loop3A_353, %parallel_loop3A_417 : vector<16xf32>
        %parallel_loop3A_422 = arith.mulf %parallel_loop3A_417, %parallel_loop3A_417 : vector<16xf32>
        %parallel_loop3A_423 = arith.addf %parallel_loop3A_355, %parallel_loop3A_422 : vector<16xf32>
        %parallel_loop3A_424 = arith.index_cast %parallel_loop3A_245 : i32 to index
        %parallel_loop3A_425 = arith.constant 144 : index
        %parallel_loop3A_426 = tpu.vector_load %arg14[%parallel_loop3A_424, %parallel_loop3A_425] {strides = array<i32>} : memref<96x768xf32, #tpu.memory_space<vmem>>, vector<16xf32>,
        %parallel_loop3A_427 = arith.index_cast %parallel_loop3A_244 : i32 to index
        %parallel_loop3A_428 = arith.constant 144 : index
        %parallel_loop3A_429 = tpu.vector_load %arg15[%parallel_loop3A_427, %parallel_loop3A_428] {strides = array<i32>} : memref<16x768xf32, #tpu.memory_space<vmem>>, vector<16xf32>,
        %parallel_loop3A_430 = arith.addf %parallel_loop3A_426, %parallel_loop3A_429 : vector<16xf32>
        %parallel_loop3A_431 = arith.constant 144 : index
        %parallel_loop3A_432 = tpu.vector_load %arg17[%parallel_loop3A_431] {strides = array<i32>} : memref<768xf32, #tpu.memory_space<vmem>>, vector<16xf32>,
        %parallel_loop3A_433 = arith.mulf %parallel_loop3A_254, %parallel_loop3A_432 : vector<16xf32>
        %parallel_loop3A_434 = arith.addf %parallel_loop3A_430, %parallel_loop3A_433 : vector<16xf32>
        %parallel_loop3A_435 = arith.index_cast %parallel_loop3A_245 : i32 to index
        %parallel_loop3A_436 = arith.constant 144 : index
        %parallel_loop3A_437 = tpu.vector_load %arg14[%parallel_loop3A_435, %parallel_loop3A_436] {strides = array<i32>} : memref<96x768xf32, #tpu.memory_space<vmem>>, vector<16xf32>,
        tpu.vector_store %arg14[%parallel_loop3A_435, %parallel_loop3A_436], %parallel_loop3A_434 {strides = array<i32>} : memref<96x768xf32, #tpu.memory_space<vmem>>, vector<16xf32>,
        %parallel_loop3A_438 = arith.addf %parallel_loop3A_370, %parallel_loop3A_434 : vector<16xf32>
        %parallel_loop3A_439 = arith.mulf %parallel_loop3A_434, %parallel_loop3A_434 : vector<16xf32>
        %parallel_loop3A_440 = arith.addf %parallel_loop3A_372, %parallel_loop3A_439 : vector<16xf32>
        %parallel_loop3A_441 = arith.index_cast %parallel_loop3A_245 : i32 to index
        %parallel_loop3A_442 = arith.constant 160 : index
        %parallel_loop3A_443 = tpu.vector_load %arg14[%parallel_loop3A_441, %parallel_loop3A_442] {strides = array<i32>} : memref<96x768xf32, #tpu.memory_space<vmem>>, vector<16xf32>,
        %parallel_loop3A_444 = arith.index_cast %parallel_loop3A_244 : i32 to index
        %parallel_loop3A_445 = arith.constant 160 : index
        %parallel_loop3A_446 = tpu.vector_load %arg15[%parallel_loop3A_444, %parallel_loop3A_445] {strides = array<i32>} : memref<16x768xf32, #tpu.memory_space<vmem>>, vector<16xf32>,
        %parallel_loop3A_447 = arith.addf %parallel_loop3A_443, %parallel_loop3A_446 : vector<16xf32>
        %parallel_loop3A_448 = arith.constant 160 : index
        %parallel_loop3A_449 = tpu.vector_load %arg17[%parallel_loop3A_448] {strides = array<i32>} : memref<768xf32, #tpu.memory_space<vmem>>, vector<16xf32>,
        %parallel_loop3A_450 = arith.mulf %parallel_loop3A_254, %parallel_loop3A_449 : vector<16xf32>
        %parallel_loop3A_451 = arith.addf %parallel_loop3A_447, %parallel_loop3A_450 : vector<16xf32>
        %parallel_loop3A_452 = arith.index_cast %parallel_loop3A_245 : i32 to index
        %parallel_loop3A_453 = arith.constant 160 : index
        %parallel_loop3A_454 = tpu.vector_load %arg14[%parallel_loop3A_452, %parallel_loop3A_453] {strides = array<i32>} : memref<96x768xf32, #tpu.memory_space<vmem>>, vector<16xf32>,
        tpu.vector_store %arg14[%parallel_loop3A_452, %parallel_loop3A_453], %parallel_loop3A_451 {strides = array<i32>} : memref<96x768xf32, #tpu.memory_space<vmem>>, vector<16xf32>,
        %parallel_loop3A_455 = arith.addf %parallel_loop3A_387, %parallel_loop3A_451 : vector<16xf32>
        %parallel_loop3A_456 = arith.mulf %parallel_loop3A_451, %parallel_loop3A_451 : vector<16xf32>
        %parallel_loop3A_457 = arith.addf %parallel_loop3A_389, %parallel_loop3A_456 : vector<16xf32>
        %parallel_loop3A_458 = arith.index_cast %parallel_loop3A_245 : i32 to index
        %parallel_loop3A_459 = arith.constant 176 : index
        %parallel_loop3A_460 = tpu.vector_load %arg14[%parallel_loop3A_458, %parallel_loop3A_459] {strides = array<i32>} : memref<96x768xf32, #tpu.memory_space<vmem>>, vector<16xf32>,
        %parallel_loop3A_461 = arith.index_cast %parallel_loop3A_244 : i32 to index
        %parallel_loop3A_462 = arith.constant 176 : index
        %parallel_loop3A_463 = tpu.vector_load %arg15[%parallel_loop3A_461, %parallel_loop3A_462] {strides = array<i32>} : memref<16x768xf32, #tpu.memory_space<vmem>>, vector<16xf32>,
        %parallel_loop3A_464 = arith.addf %parallel_loop3A_460, %parallel_loop3A_463 : vector<16xf32>
        %parallel_loop3A_465 = arith.constant 176 : index
        %parallel_loop3A_466 = tpu.vector_load %arg17[%parallel_loop3A_465] {strides = array<i32>} : memref<768xf32, #tpu.memory_space<vmem>>, vector<16xf32>,
        %parallel_loop3A_467 = arith.mulf %parallel_loop3A_254, %parallel_loop3A_466 : vector<16xf32>
        %parallel_loop3A_468 = arith.addf %parallel_loop3A_464, %parallel_loop3A_467 : vector<16xf32>
        %parallel_loop3A_469 = arith.index_cast %parallel_loop3A_245 : i32 to index
        %parallel_loop3A_470 = arith.constant 176 : index
        %parallel_loop3A_471 = tpu.vector_load %arg14[%parallel_loop3A_469, %parallel_loop3A_470] {strides = array<i32>} : memref<96x768xf32, #tpu.memory_space<vmem>>, vector<16xf32>,
        tpu.vector_store %arg14[%parallel_loop3A_469, %parallel_loop3A_470], %parallel_loop3A_468 {strides = array<i32>} : memref<96x768xf32, #tpu.memory_space<vmem>>, vector<16xf32>,
        %parallel_loop3A_472 = arith.addf %parallel_loop3A_404, %parallel_loop3A_468 : vector<16xf32>
        %parallel_loop3A_473 = arith.mulf %parallel_loop3A_468, %parallel_loop3A_468 : vector<16xf32>
        %parallel_loop3A_474 = arith.addf %parallel_loop3A_406, %parallel_loop3A_473 : vector<16xf32>
        %parallel_loop3A_475 = arith.index_cast %parallel_loop3A_245 : i32 to index
        %parallel_loop3A_476 = arith.constant 192 : index
        %parallel_loop3A_477 = tpu.vector_load %arg14[%parallel_loop3A_475, %parallel_loop3A_476] {strides = array<i32>} : memref<96x768xf32, #tpu.memory_space<vmem>>, vector<16xf32>,
        %parallel_loop3A_478 = arith.index_cast %parallel_loop3A_244 : i32 to index
        %parallel_loop3A_479 = arith.constant 192 : index
        %parallel_loop3A_480 = tpu.vector_load %arg15[%parallel_loop3A_478, %parallel_loop3A_479] {strides = array<i32>} : memref<16x768xf32, #tpu.memory_space<vmem>>, vector<16xf32>,
        %parallel_loop3A_481 = arith.addf %parallel_loop3A_477, %parallel_loop3A_480 : vector<16xf32>
        %parallel_loop3A_482 = arith.constant 192 : index
        %parallel_loop3A_483 = tpu.vector_load %arg17[%parallel_loop3A_482] {strides = array<i32>} : memref<768xf32, #tpu.memory_space<vmem>>, vector<16xf32>,
        %parallel_loop3A_484 = arith.mulf %parallel_loop3A_254, %parallel_loop3A_483 : vector<16xf32>
        %parallel_loop3A_485 = arith.addf %parallel_loop3A_481, %parallel_loop3A_484 : vector<16xf32>
        %parallel_loop3A_486 = arith.index_cast %parallel_loop3A_245 : i32 to index
        %parallel_loop3A_487 = arith.constant 192 : index
        %parallel_loop3A_488 = tpu.vector_load %arg14[%parallel_loop3A_486, %parallel_loop3A_487] {strides = array<i32>} : memref<96x768xf32, #tpu.memory_space<vmem>>, vector<16xf32>,
        tpu.vector_store %arg14[%parallel_loop3A_486, %parallel_loop3A_487], %parallel_loop3A_485 {strides = array<i32>} : memref<96x768xf32, #tpu.memory_space<vmem>>, vector<16xf32>,
        %parallel_loop3A_489 = arith.addf %parallel_loop3A_421, %parallel_loop3A_485 : vector<16xf32>
        %parallel_loop3A_490 = arith.mulf %parallel_loop3A_485, %parallel_loop3A_485 : vector<16xf32>
        %parallel_loop3A_491 = arith.addf %parallel_loop3A_423, %parallel_loop3A_490 : vector<16xf32>
        %parallel_loop3A_492 = arith.index_cast %parallel_loop3A_245 : i32 to index
        %parallel_loop3A_493 = arith.constant 208 : index
        %parallel_loop3A_494 = tpu.vector_load %arg14[%parallel_loop3A_492, %parallel_loop3A_493] {strides = array<i32>} : memref<96x768xf32, #tpu.memory_space<vmem>>, vector<16xf32>,
        %parallel_loop3A_495 = arith.index_cast %parallel_loop3A_244 : i32 to index
        %parallel_loop3A_496 = arith.constant 208 : index
        %parallel_loop3A_497 = tpu.vector_load %arg15[%parallel_loop3A_495, %parallel_loop3A_496] {strides = array<i32>} : memref<16x768xf32, #tpu.memory_space<vmem>>, vector<16xf32>,
        %parallel_loop3A_498 = arith.addf %parallel_loop3A_494, %parallel_loop3A_497 : vector<16xf32>
        %parallel_loop3A_499 = arith.constant 208 : index
        %parallel_loop3A_500 = tpu.vector_load %arg17[%parallel_loop3A_499] {strides = array<i32>} : memref<768xf32, #tpu.memory_space<vmem>>, vector<16xf32>,
        %parallel_loop3A_501 = arith.mulf %parallel_loop3A_254, %parallel_loop3A_500 : vector<16xf32>
        %parallel_loop3A_502 = arith.addf %parallel_loop3A_498, %parallel_loop3A_501 : vector<16xf32>
        %parallel_loop3A_503 = arith.index_cast %parallel_loop3A_245 : i32 to index
        %parallel_loop3A_504 = arith.constant 208 : index
        %parallel_loop3A_505 = tpu.vector_load %arg14[%parallel_loop3A_503, %parallel_loop3A_504] {strides = array<i32>} : memref<96x768xf32, #tpu.memory_space<vmem>>, vector<16xf32>,
        tpu.vector_store %arg14[%parallel_loop3A_503, %parallel_loop3A_504], %parallel_loop3A_502 {strides = array<i32>} : memref<96x768xf32, #tpu.memory_space<vmem>>, vector<16xf32>,
        %parallel_loop3A_506 = arith.addf %parallel_loop3A_438, %parallel_loop3A_502 : vector<16xf32>
        %parallel_loop3A_507 = arith.mulf %parallel_loop3A_502, %parallel_loop3A_502 : vector<16xf32>
        %parallel_loop3A_508 = arith.addf %parallel_loop3A_440, %parallel_loop3A_507 : vector<16xf32>
        %parallel_loop3A_509 = arith.index_cast %parallel_loop3A_245 : i32 to index
        %parallel_loop3A_510 = arith.constant 224 : index
        %parallel_loop3A_511 = tpu.vector_load %arg14[%parallel_loop3A_509, %parallel_loop3A_510] {strides = array<i32>} : memref<96x768xf32, #tpu.memory_space<vmem>>, vector<16xf32>,
        %parallel_loop3A_512 = arith.index_cast %parallel_loop3A_244 : i32 to index
        %parallel_loop3A_513 = arith.constant 224 : index
        %parallel_loop3A_514 = tpu.vector_load %arg15[%parallel_loop3A_512, %parallel_loop3A_513] {strides = array<i32>} : memref<16x768xf32, #tpu.memory_space<vmem>>, vector<16xf32>,
        %parallel_loop3A_515 = arith.addf %parallel_loop3A_511, %parallel_loop3A_514 : vector<16xf32>
        %parallel_loop3A_516 = arith.constant 224 : index
        %parallel_loop3A_517 = tpu.vector_load %arg17[%parallel_loop3A_516] {strides = array<i32>} : memref<768xf32, #tpu.memory_space<vmem>>, vector<16xf32>,
        %parallel_loop3A_518 = arith.mulf %parallel_loop3A_254, %parallel_loop3A_517 : vector<16xf32>
        %parallel_loop3A_519 = arith.addf %parallel_loop3A_515, %parallel_loop3A_518 : vector<16xf32>
        %parallel_loop3A_520 = arith.index_cast %parallel_loop3A_245 : i32 to index
        %parallel_loop3A_521 = arith.constant 224 : index
        %parallel_loop3A_522 = tpu.vector_load %arg14[%parallel_loop3A_520, %parallel_loop3A_521] {strides = array<i32>} : memref<96x768xf32, #tpu.memory_space<vmem>>, vector<16xf32>,
        tpu.vector_store %arg14[%parallel_loop3A_520, %parallel_loop3A_521], %parallel_loop3A_519 {strides = array<i32>} : memref<96x768xf32, #tpu.memory_space<vmem>>, vector<16xf32>,
        %parallel_loop3A_523 = arith.addf %parallel_loop3A_455, %parallel_loop3A_519 : vector<16xf32>
        %parallel_loop3A_524 = arith.mulf %parallel_loop3A_519, %parallel_loop3A_519 : vector<16xf32>
        %parallel_loop3A_525 = arith.addf %parallel_loop3A_457, %parallel_loop3A_524 : vector<16xf32>
        %parallel_loop3A_526 = arith.index_cast %parallel_loop3A_245 : i32 to index
        %parallel_loop3A_527 = arith.constant 240 : index
        %parallel_loop3A_528 = tpu.vector_load %arg14[%parallel_loop3A_526, %parallel_loop3A_527] {strides = array<i32>} : memref<96x768xf32, #tpu.memory_space<vmem>>, vector<16xf32>,
        %parallel_loop3A_529 = arith.index_cast %parallel_loop3A_244 : i32 to index
        %parallel_loop3A_530 = arith.constant 240 : index
        %parallel_loop3A_531 = tpu.vector_load %arg15[%parallel_loop3A_529, %parallel_loop3A_530] {strides = array<i32>} : memref<16x768xf32, #tpu.memory_space<vmem>>, vector<16xf32>,
        %parallel_loop3A_532 = arith.addf %parallel_loop3A_528, %parallel_loop3A_531 : vector<16xf32>
        %parallel_loop3A_533 = arith.constant 240 : index
        %parallel_loop3A_534 = tpu.vector_load %arg17[%parallel_loop3A_533] {strides = array<i32>} : memref<768xf32, #tpu.memory_space<vmem>>, vector<16xf32>,
        %parallel_loop3A_535 = arith.mulf %parallel_loop3A_254, %parallel_loop3A_534 : vector<16xf32>
        %parallel_loop3A_536 = arith.addf %parallel_loop3A_532, %parallel_loop3A_535 : vector<16xf32>
        %parallel_loop3A_537 = arith.index_cast %parallel_loop3A_245 : i32 to index
        %parallel_loop3A_538 = arith.constant 240 : index
        %parallel_loop3A_539 = tpu.vector_load %arg14[%parallel_loop3A_537, %parallel_loop3A_538] {strides = array<i32>} : memref<96x768xf32, #tpu.memory_space<vmem>>, vector<16xf32>,
        tpu.vector_store %arg14[%parallel_loop3A_537, %parallel_loop3A_538], %parallel_loop3A_536 {strides = array<i32>} : memref<96x768xf32, #tpu.memory_space<vmem>>, vector<16xf32>,
        %parallel_loop3A_540 = arith.addf %parallel_loop3A_472, %parallel_loop3A_536 : vector<16xf32>
        %parallel_loop3A_541 = arith.mulf %parallel_loop3A_536, %parallel_loop3A_536 : vector<16xf32>
        %parallel_loop3A_542 = arith.addf %parallel_loop3A_474, %parallel_loop3A_541 : vector<16xf32>
        %parallel_loop3A_543 = arith.index_cast %parallel_loop3A_245 : i32 to index
        %parallel_loop3A_544 = arith.constant 256 : index
        %parallel_loop3A_545 = tpu.vector_load %arg14[%parallel_loop3A_543, %parallel_loop3A_544] {strides = array<i32>} : memref<96x768xf32, #tpu.memory_space<vmem>>, vector<16xf32>,
        %parallel_loop3A_546 = arith.index_cast %parallel_loop3A_244 : i32 to index
        %parallel_loop3A_547 = arith.constant 256 : index
        %parallel_loop3A_548 = tpu.vector_load %arg15[%parallel_loop3A_546, %parallel_loop3A_547] {strides = array<i32>} : memref<16x768xf32, #tpu.memory_space<vmem>>, vector<16xf32>,
        %parallel_loop3A_549 = arith.addf %parallel_loop3A_545, %parallel_loop3A_548 : vector<16xf32>
        %parallel_loop3A_550 = arith.constant 256 : index
        %parallel_loop3A_551 = tpu.vector_load %arg17[%parallel_loop3A_550] {strides = array<i32>} : memref<768xf32, #tpu.memory_space<vmem>>, vector<16xf32>,
        %parallel_loop3A_552 = arith.mulf %parallel_loop3A_254, %parallel_loop3A_551 : vector<16xf32>
        %parallel_loop3A_553 = arith.addf %parallel_loop3A_549, %parallel_loop3A_552 : vector<16xf32>
        %parallel_loop3A_554 = arith.index_cast %parallel_loop3A_245 : i32 to index
        %parallel_loop3A_555 = arith.constant 256 : index
        %parallel_loop3A_556 = tpu.vector_load %arg14[%parallel_loop3A_554, %parallel_loop3A_555] {strides = array<i32>} : memref<96x768xf32, #tpu.memory_space<vmem>>, vector<16xf32>,
        tpu.vector_store %arg14[%parallel_loop3A_554, %parallel_loop3A_555], %parallel_loop3A_553 {strides = array<i32>} : memref<96x768xf32, #tpu.memory_space<vmem>>, vector<16xf32>,
        %parallel_loop3A_557 = arith.addf %parallel_loop3A_489, %parallel_loop3A_553 : vector<16xf32>
        %parallel_loop3A_558 = arith.mulf %parallel_loop3A_553, %parallel_loop3A_553 : vector<16xf32>
        %parallel_loop3A_559 = arith.addf %parallel_loop3A_491, %parallel_loop3A_558 : vector<16xf32>
        %parallel_loop3A_560 = arith.index_cast %parallel_loop3A_245 : i32 to index
        %parallel_loop3A_561 = arith.constant 272 : index
        %parallel_loop3A_562 = tpu.vector_load %arg14[%parallel_loop3A_560, %parallel_loop3A_561] {strides = array<i32>} : memref<96x768xf32, #tpu.memory_space<vmem>>, vector<16xf32>,
        %parallel_loop3A_563 = arith.index_cast %parallel_loop3A_244 : i32 to index
        %parallel_loop3A_564 = arith.constant 272 : index
        %parallel_loop3A_565 = tpu.vector_load %arg15[%parallel_loop3A_563, %parallel_loop3A_564] {strides = array<i32>} : memref<16x768xf32, #tpu.memory_space<vmem>>, vector<16xf32>,
        %parallel_loop3A_566 = arith.addf %parallel_loop3A_562, %parallel_loop3A_565 : vector<16xf32>
        %parallel_loop3A_567 = arith.constant 272 : index
        %parallel_loop3A_568 = tpu.vector_load %arg17[%parallel_loop3A_567] {strides = array<i32>} : memref<768xf32, #tpu.memory_space<vmem>>, vector<16xf32>,
        %parallel_loop3A_569 = arith.mulf %parallel_loop3A_254, %parallel_loop3A_568 : vector<16xf32>
        %parallel_loop3A_570 = arith.addf %parallel_loop3A_566, %parallel_loop3A_569 : vector<16xf32>
        %parallel_loop3A_571 = arith.index_cast %parallel_loop3A_245 : i32 to index
        %parallel_loop3A_572 = arith.constant 272 : index
        %parallel_loop3A_573 = tpu.vector_load %arg14[%parallel_loop3A_571, %parallel_loop3A_572] {strides = array<i32>} : memref<96x768xf32, #tpu.memory_space<vmem>>, vector<16xf32>,
        tpu.vector_store %arg14[%parallel_loop3A_571, %parallel_loop3A_572], %parallel_loop3A_570 {strides = array<i32>} : memref<96x768xf32, #tpu.memory_space<vmem>>, vector<16xf32>,
        %parallel_loop3A_574 = arith.addf %parallel_loop3A_506, %parallel_loop3A_570 : vector<16xf32>
        %parallel_loop3A_575 = arith.mulf %parallel_loop3A_570, %parallel_loop3A_570 : vector<16xf32>
        %parallel_loop3A_576 = arith.addf %parallel_loop3A_508, %parallel_loop3A_575 : vector<16xf32>
        %parallel_loop3A_577 = arith.index_cast %parallel_loop3A_245 : i32 to index
        %parallel_loop3A_578 = arith.constant 288 : index
        %parallel_loop3A_579 = tpu.vector_load %arg14[%parallel_loop3A_577, %parallel_loop3A_578] {strides = array<i32>} : memref<96x768xf32, #tpu.memory_space<vmem>>, vector<16xf32>,
        %parallel_loop3A_580 = arith.index_cast %parallel_loop3A_244 : i32 to index
        %parallel_loop3A_581 = arith.constant 288 : index
        %parallel_loop3A_582 = tpu.vector_load %arg15[%parallel_loop3A_580, %parallel_loop3A_581] {strides = array<i32>} : memref<16x768xf32, #tpu.memory_space<vmem>>, vector<16xf32>,
        %parallel_loop3A_583 = arith.addf %parallel_loop3A_579, %parallel_loop3A_582 : vector<16xf32>
        %parallel_loop3A_584 = arith.constant 288 : index
        %parallel_loop3A_585 = tpu.vector_load %arg17[%parallel_loop3A_584] {strides = array<i32>} : memref<768xf32, #tpu.memory_space<vmem>>, vector<16xf32>,
        %parallel_loop3A_586 = arith.mulf %parallel_loop3A_254, %parallel_loop3A_585 : vector<16xf32>
        %parallel_loop3A_587 = arith.addf %parallel_loop3A_583, %parallel_loop3A_586 : vector<16xf32>
        %parallel_loop3A_588 = arith.index_cast %parallel_loop3A_245 : i32 to index
        %parallel_loop3A_589 = arith.constant 288 : index
        %parallel_loop3A_590 = tpu.vector_load %arg14[%parallel_loop3A_588, %parallel_loop3A_589] {strides = array<i32>} : memref<96x768xf32, #tpu.memory_space<vmem>>, vector<16xf32>,
        tpu.vector_store %arg14[%parallel_loop3A_588, %parallel_loop3A_589], %parallel_loop3A_587 {strides = array<i32>} : memref<96x768xf32, #tpu.memory_space<vmem>>, vector<16xf32>,
        %parallel_loop3A_591 = arith.addf %parallel_loop3A_523, %parallel_loop3A_587 : vector<16xf32>
        %parallel_loop3A_592 = arith.mulf %parallel_loop3A_587, %parallel_loop3A_587 : vector<16xf32>
        %parallel_loop3A_593 = arith.addf %parallel_loop3A_525, %parallel_loop3A_592 : vector<16xf32>
        %parallel_loop3A_594 = arith.index_cast %parallel_loop3A_245 : i32 to index
        %parallel_loop3A_595 = arith.constant 304 : index
        %parallel_loop3A_596 = tpu.vector_load %arg14[%parallel_loop3A_594, %parallel_loop3A_595] {strides = array<i32>} : memref<96x768xf32, #tpu.memory_space<vmem>>, vector<16xf32>,
        %parallel_loop3A_597 = arith.index_cast %parallel_loop3A_244 : i32 to index
        %parallel_loop3A_598 = arith.constant 304 : index
        %parallel_loop3A_599 = tpu.vector_load %arg15[%parallel_loop3A_597, %parallel_loop3A_598] {strides = array<i32>} : memref<16x768xf32, #tpu.memory_space<vmem>>, vector<16xf32>,
        %parallel_loop3A_600 = arith.addf %parallel_loop3A_596, %parallel_loop3A_599 : vector<16xf32>
        %parallel_loop3A_601 = arith.constant 304 : index
        %parallel_loop3A_602 = tpu.vector_load %arg17[%parallel_loop3A_601] {strides = array<i32>} : memref<768xf32, #tpu.memory_space<vmem>>, vector<16xf32>,
        %parallel_loop3A_603 = arith.mulf %parallel_loop3A_254, %parallel_loop3A_602 : vector<16xf32>
        %parallel_loop3A_604 = arith.addf %parallel_loop3A_600, %parallel_loop3A_603 : vector<16xf32>
        %parallel_loop3A_605 = arith.index_cast %parallel_loop3A_245 : i32 to index
        %parallel_loop3A_606 = arith.constant 304 : index
        %parallel_loop3A_607 = tpu.vector_load %arg14[%parallel_loop3A_605, %parallel_loop3A_606] {strides = array<i32>} : memref<96x768xf32, #tpu.memory_space<vmem>>, vector<16xf32>,
        tpu.vector_store %arg14[%parallel_loop3A_605, %parallel_loop3A_606], %parallel_loop3A_604 {strides = array<i32>} : memref<96x768xf32, #tpu.memory_space<vmem>>, vector<16xf32>,
        %parallel_loop3A_608 = arith.addf %parallel_loop3A_540, %parallel_loop3A_604 : vector<16xf32>
        %parallel_loop3A_609 = arith.mulf %parallel_loop3A_604, %parallel_loop3A_604 : vector<16xf32>
        %parallel_loop3A_610 = arith.addf %parallel_loop3A_542, %parallel_loop3A_609 : vector<16xf32>
        %parallel_loop3A_611 = arith.index_cast %parallel_loop3A_245 : i32 to index
        %parallel_loop3A_612 = arith.constant 320 : index
        %parallel_loop3A_613 = tpu.vector_load %arg14[%parallel_loop3A_611, %parallel_loop3A_612] {strides = array<i32>} : memref<96x768xf32, #tpu.memory_space<vmem>>, vector<16xf32>,
        %parallel_loop3A_614 = arith.index_cast %parallel_loop3A_244 : i32 to index
        %parallel_loop3A_615 = arith.constant 320 : index
        %parallel_loop3A_616 = tpu.vector_load %arg15[%parallel_loop3A_614, %parallel_loop3A_615] {strides = array<i32>} : memref<16x768xf32, #tpu.memory_space<vmem>>, vector<16xf32>,
        %parallel_loop3A_617 = arith.addf %parallel_loop3A_613, %parallel_loop3A_616 : vector<16xf32>
        %parallel_loop3A_618 = arith.constant 320 : index
        %parallel_loop3A_619 = tpu.vector_load %arg17[%parallel_loop3A_618] {strides = array<i32>} : memref<768xf32, #tpu.memory_space<vmem>>, vector<16xf32>,
        %parallel_loop3A_620 = arith.mulf %parallel_loop3A_254, %parallel_loop3A_619 : vector<16xf32>
        %parallel_loop3A_621 = arith.addf %parallel_loop3A_617, %parallel_loop3A_620 : vector<16xf32>
        %parallel_loop3A_622 = arith.index_cast %parallel_loop3A_245 : i32 to index
        %parallel_loop3A_623 = arith.constant 320 : index
        %parallel_loop3A_624 = tpu.vector_load %arg14[%parallel_loop3A_622, %parallel_loop3A_623] {strides = array<i32>} : memref<96x768xf32, #tpu.memory_space<vmem>>, vector<16xf32>,
        tpu.vector_store %arg14[%parallel_loop3A_622, %parallel_loop3A_623], %parallel_loop3A_621 {strides = array<i32>} : memref<96x768xf32, #tpu.memory_space<vmem>>, vector<16xf32>,
        %parallel_loop3A_625 = arith.addf %parallel_loop3A_557, %parallel_loop3A_621 : vector<16xf32>
        %parallel_loop3A_626 = arith.mulf %parallel_loop3A_621, %parallel_loop3A_621 : vector<16xf32>
        %parallel_loop3A_627 = arith.addf %parallel_loop3A_559, %parallel_loop3A_626 : vector<16xf32>
        %parallel_loop3A_628 = arith.index_cast %parallel_loop3A_245 : i32 to index
        %parallel_loop3A_629 = arith.constant 336 : index
        %parallel_loop3A_630 = tpu.vector_load %arg14[%parallel_loop3A_628, %parallel_loop3A_629] {strides = array<i32>} : memref<96x768xf32, #tpu.memory_space<vmem>>, vector<16xf32>,
        %parallel_loop3A_631 = arith.index_cast %parallel_loop3A_244 : i32 to index
        %parallel_loop3A_632 = arith.constant 336 : index
        %parallel_loop3A_633 = tpu.vector_load %arg15[%parallel_loop3A_631, %parallel_loop3A_632] {strides = array<i32>} : memref<16x768xf32, #tpu.memory_space<vmem>>, vector<16xf32>,
        %parallel_loop3A_634 = arith.addf %parallel_loop3A_630, %parallel_loop3A_633 : vector<16xf32>
        %parallel_loop3A_635 = arith.constant 336 : index
        %parallel_loop3A_636 = tpu.vector_load %arg17[%parallel_loop3A_635] {strides = array<i32>} : memref<768xf32, #tpu.memory_space<vmem>>, vector<16xf32>,
        %parallel_loop3A_637 = arith.mulf %parallel_loop3A_254, %parallel_loop3A_636 : vector<16xf32>
        %parallel_loop3A_638 = arith.addf %parallel_loop3A_634, %parallel_loop3A_637 : vector<16xf32>
        %parallel_loop3A_639 = arith.index_cast %parallel_loop3A_245 : i32 to index
        %parallel_loop3A_640 = arith.constant 336 : index
        %parallel_loop3A_641 = tpu.vector_load %arg14[%parallel_loop3A_639, %parallel_loop3A_640] {strides = array<i32>} : memref<96x768xf32, #tpu.memory_space<vmem>>, vector<16xf32>,
        tpu.vector_store %arg14[%parallel_loop3A_639, %parallel_loop3A_640], %parallel_loop3A_638 {strides = array<i32>} : memref<96x768xf32, #tpu.memory_space<vmem>>, vector<16xf32>,
        %parallel_loop3A_642 = arith.addf %parallel_loop3A_574, %parallel_loop3A_638 : vector<16xf32>
        %parallel_loop3A_643 = arith.mulf %parallel_loop3A_638, %parallel_loop3A_638 : vector<16xf32>
        %parallel_loop3A_644 = arith.addf %parallel_loop3A_576, %parallel_loop3A_643 : vector<16xf32>
        %parallel_loop3A_645 = arith.index_cast %parallel_loop3A_245 : i32 to index
        %parallel_loop3A_646 = arith.constant 352 : index
        %parallel_loop3A_647 = tpu.vector_load %arg14[%parallel_loop3A_645, %parallel_loop3A_646] {strides = array<i32>} : memref<96x768xf32, #tpu.memory_space<vmem>>, vector<16xf32>,
        %parallel_loop3A_648 = arith.index_cast %parallel_loop3A_244 : i32 to index
        %parallel_loop3A_649 = arith.constant 352 : index
        %parallel_loop3A_650 = tpu.vector_load %arg15[%parallel_loop3A_648, %parallel_loop3A_649] {strides = array<i32>} : memref<16x768xf32, #tpu.memory_space<vmem>>, vector<16xf32>,
        %parallel_loop3A_651 = arith.addf %parallel_loop3A_647, %parallel_loop3A_650 : vector<16xf32>
        %parallel_loop3A_652 = arith.constant 352 : index
        %parallel_loop3A_653 = tpu.vector_load %arg17[%parallel_loop3A_652] {strides = array<i32>} : memref<768xf32, #tpu.memory_space<vmem>>, vector<16xf32>,
        %parallel_loop3A_654 = arith.mulf %parallel_loop3A_254, %parallel_loop3A_653 : vector<16xf32>
        %parallel_loop3A_655 = arith.addf %parallel_loop3A_651, %parallel_loop3A_654 : vector<16xf32>
        %parallel_loop3A_656 = arith.index_cast %parallel_loop3A_245 : i32 to index
        %parallel_loop3A_657 = arith.constant 352 : index
        %parallel_loop3A_658 = tpu.vector_load %arg14[%parallel_loop3A_656, %parallel_loop3A_657] {strides = array<i32>} : memref<96x768xf32, #tpu.memory_space<vmem>>, vector<16xf32>,
        tpu.vector_store %arg14[%parallel_loop3A_656, %parallel_loop3A_657], %parallel_loop3A_655 {strides = array<i32>} : memref<96x768xf32, #tpu.memory_space<vmem>>, vector<16xf32>,
        %parallel_loop3A_659 = arith.addf %parallel_loop3A_591, %parallel_loop3A_655 : vector<16xf32>
        %parallel_loop3A_660 = arith.mulf %parallel_loop3A_655, %parallel_loop3A_655 : vector<16xf32>
        %parallel_loop3A_661 = arith.addf %parallel_loop3A_593, %parallel_loop3A_660 : vector<16xf32>
        %parallel_loop3A_662 = arith.index_cast %parallel_loop3A_245 : i32 to index
        %parallel_loop3A_663 = arith.constant 368 : index
        %parallel_loop3A_664 = tpu.vector_load %arg14[%parallel_loop3A_662, %parallel_loop3A_663] {strides = array<i32>} : memref<96x768xf32, #tpu.memory_space<vmem>>, vector<16xf32>,
        %parallel_loop3A_665 = arith.index_cast %parallel_loop3A_244 : i32 to index
        %parallel_loop3A_666 = arith.constant 368 : index
        %parallel_loop3A_667 = tpu.vector_load %arg15[%parallel_loop3A_665, %parallel_loop3A_666] {strides = array<i32>} : memref<16x768xf32, #tpu.memory_space<vmem>>, vector<16xf32>,
        %parallel_loop3A_668 = arith.addf %parallel_loop3A_664, %parallel_loop3A_667 : vector<16xf32>
        %parallel_loop3A_669 = arith.constant 368 : index
        %parallel_loop3A_670 = tpu.vector_load %arg17[%parallel_loop3A_669] {strides = array<i32>} : memref<768xf32, #tpu.memory_space<vmem>>, vector<16xf32>,
        %parallel_loop3A_671 = arith.mulf %parallel_loop3A_254, %parallel_loop3A_670 : vector<16xf32>
        %parallel_loop3A_672 = arith.addf %parallel_loop3A_668, %parallel_loop3A_671 : vector<16xf32>
        %parallel_loop3A_673 = arith.index_cast %parallel_loop3A_245 : i32 to index
        %parallel_loop3A_674 = arith.constant 368 : index
        %parallel_loop3A_675 = tpu.vector_load %arg14[%parallel_loop3A_673, %parallel_loop3A_674] {strides = array<i32>} : memref<96x768xf32, #tpu.memory_space<vmem>>, vector<16xf32>,
        tpu.vector_store %arg14[%parallel_loop3A_673, %parallel_loop3A_674], %parallel_loop3A_672 {strides = array<i32>} : memref<96x768xf32, #tpu.memory_space<vmem>>, vector<16xf32>,
        %parallel_loop3A_676 = arith.addf %parallel_loop3A_608, %parallel_loop3A_672 : vector<16xf32>
        %parallel_loop3A_677 = arith.mulf %parallel_loop3A_672, %parallel_loop3A_672 : vector<16xf32>
        %parallel_loop3A_678 = arith.addf %parallel_loop3A_610, %parallel_loop3A_677 : vector<16xf32>
        %parallel_loop3A_679 = arith.index_cast %parallel_loop3A_245 : i32 to index
        %parallel_loop3A_680 = arith.constant 384 : index
        %parallel_loop3A_681 = tpu.vector_load %arg14[%parallel_loop3A_679, %parallel_loop3A_680] {strides = array<i32>} : memref<96x768xf32, #tpu.memory_space<vmem>>, vector<16xf32>,
        %parallel_loop3A_682 = arith.index_cast %parallel_loop3A_244 : i32 to index
        %parallel_loop3A_683 = arith.constant 384 : index
        %parallel_loop3A_684 = tpu.vector_load %arg15[%parallel_loop3A_682, %parallel_loop3A_683] {strides = array<i32>} : memref<16x768xf32, #tpu.memory_space<vmem>>, vector<16xf32>,
        %parallel_loop3A_685 = arith.addf %parallel_loop3A_681, %parallel_loop3A_684 : vector<16xf32>
        %parallel_loop3A_686 = arith.constant 384 : index
        %parallel_loop3A_687 = tpu.vector_load %arg17[%parallel_loop3A_686] {strides = array<i32>} : memref<768xf32, #tpu.memory_space<vmem>>, vector<16xf32>,
        %parallel_loop3A_688 = arith.mulf %parallel_loop3A_254, %parallel_loop3A_687 : vector<16xf32>
        %parallel_loop3A_689 = arith.addf %parallel_loop3A_685, %parallel_loop3A_688 : vector<16xf32>
        %parallel_loop3A_690 = arith.index_cast %parallel_loop3A_245 : i32 to index
        %parallel_loop3A_691 = arith.constant 384 : index
        %parallel_loop3A_692 = tpu.vector_load %arg14[%parallel_loop3A_690, %parallel_loop3A_691] {strides = array<i32>} : memref<96x768xf32, #tpu.memory_space<vmem>>, vector<16xf32>,
        tpu.vector_store %arg14[%parallel_loop3A_690, %parallel_loop3A_691], %parallel_loop3A_689 {strides = array<i32>} : memref<96x768xf32, #tpu.memory_space<vmem>>, vector<16xf32>,
        %parallel_loop3A_693 = arith.addf %parallel_loop3A_625, %parallel_loop3A_689 : vector<16xf32>
        %parallel_loop3A_694 = arith.mulf %parallel_loop3A_689, %parallel_loop3A_689 : vector<16xf32>
        %parallel_loop3A_695 = arith.addf %parallel_loop3A_627, %parallel_loop3A_694 : vector<16xf32>
        %parallel_loop3A_696 = arith.index_cast %parallel_loop3A_245 : i32 to index
        %parallel_loop3A_697 = arith.constant 400 : index
        %parallel_loop3A_698 = tpu.vector_load %arg14[%parallel_loop3A_696, %parallel_loop3A_697] {strides = array<i32>} : memref<96x768xf32, #tpu.memory_space<vmem>>, vector<16xf32>,
        %parallel_loop3A_699 = arith.index_cast %parallel_loop3A_244 : i32 to index
        %parallel_loop3A_700 = arith.constant 400 : index
        %parallel_loop3A_701 = tpu.vector_load %arg15[%parallel_loop3A_699, %parallel_loop3A_700] {strides = array<i32>} : memref<16x768xf32, #tpu.memory_space<vmem>>, vector<16xf32>,
        %parallel_loop3A_702 = arith.addf %parallel_loop3A_698, %parallel_loop3A_701 : vector<16xf32>
        %parallel_loop3A_703 = arith.constant 400 : index
        %parallel_loop3A_704 = tpu.vector_load %arg17[%parallel_loop3A_703] {strides = array<i32>} : memref<768xf32, #tpu.memory_space<vmem>>, vector<16xf32>,
        %parallel_loop3A_705 = arith.mulf %parallel_loop3A_254, %parallel_loop3A_704 : vector<16xf32>
        %parallel_loop3A_706 = arith.addf %parallel_loop3A_702, %parallel_loop3A_705 : vector<16xf32>
        %parallel_loop3A_707 = arith.index_cast %parallel_loop3A_245 : i32 to index
        %parallel_loop3A_708 = arith.constant 400 : index
        %parallel_loop3A_709 = tpu.vector_load %arg14[%parallel_loop3A_707, %parallel_loop3A_708] {strides = array<i32>} : memref<96x768xf32, #tpu.memory_space<vmem>>, vector<16xf32>,
        tpu.vector_store %arg14[%parallel_loop3A_707, %parallel_loop3A_708], %parallel_loop3A_706 {strides = array<i32>} : memref<96x768xf32, #tpu.memory_space<vmem>>, vector<16xf32>,
        %parallel_loop3A_710 = arith.addf %parallel_loop3A_642, %parallel_loop3A_706 : vector<16xf32>
        %parallel_loop3A_711 = arith.mulf %parallel_loop3A_706, %parallel_loop3A_706 : vector<16xf32>
        %parallel_loop3A_712 = arith.addf %parallel_loop3A_644, %parallel_loop3A_711 : vector<16xf32>
        %parallel_loop3A_713 = arith.index_cast %parallel_loop3A_245 : i32 to index
        %parallel_loop3A_714 = arith.constant 416 : index
        %parallel_loop3A_715 = tpu.vector_load %arg14[%parallel_loop3A_713, %parallel_loop3A_714] {strides = array<i32>} : memref<96x768xf32, #tpu.memory_space<vmem>>, vector<16xf32>,
        %parallel_loop3A_716 = arith.index_cast %parallel_loop3A_244 : i32 to index
        %parallel_loop3A_717 = arith.constant 416 : index
        %parallel_loop3A_718 = tpu.vector_load %arg15[%parallel_loop3A_716, %parallel_loop3A_717] {strides = array<i32>} : memref<16x768xf32, #tpu.memory_space<vmem>>, vector<16xf32>,
        %parallel_loop3A_719 = arith.addf %parallel_loop3A_715, %parallel_loop3A_718 : vector<16xf32>
        %parallel_loop3A_720 = arith.constant 416 : index
        %parallel_loop3A_721 = tpu.vector_load %arg17[%parallel_loop3A_720] {strides = array<i32>} : memref<768xf32, #tpu.memory_space<vmem>>, vector<16xf32>,
        %parallel_loop3A_722 = arith.mulf %parallel_loop3A_254, %parallel_loop3A_721 : vector<16xf32>
        %parallel_loop3A_723 = arith.addf %parallel_loop3A_719, %parallel_loop3A_722 : vector<16xf32>
        %parallel_loop3A_724 = arith.index_cast %parallel_loop3A_245 : i32 to index
        %parallel_loop3A_725 = arith.constant 416 : index
        %parallel_loop3A_726 = tpu.vector_load %arg14[%parallel_loop3A_724, %parallel_loop3A_725] {strides = array<i32>} : memref<96x768xf32, #tpu.memory_space<vmem>>, vector<16xf32>,
        tpu.vector_store %arg14[%parallel_loop3A_724, %parallel_loop3A_725], %parallel_loop3A_723 {strides = array<i32>} : memref<96x768xf32, #tpu.memory_space<vmem>>, vector<16xf32>,
        %parallel_loop3A_727 = arith.addf %parallel_loop3A_659, %parallel_loop3A_723 : vector<16xf32>
        %parallel_loop3A_728 = arith.mulf %parallel_loop3A_723, %parallel_loop3A_723 : vector<16xf32>
        %parallel_loop3A_729 = arith.addf %parallel_loop3A_661, %parallel_loop3A_728 : vector<16xf32>
        %parallel_loop3A_730 = arith.index_cast %parallel_loop3A_245 : i32 to index
        %parallel_loop3A_731 = arith.constant 432 : index
        %parallel_loop3A_732 = tpu.vector_load %arg14[%parallel_loop3A_730, %parallel_loop3A_731] {strides = array<i32>} : memref<96x768xf32, #tpu.memory_space<vmem>>, vector<16xf32>,
        %parallel_loop3A_733 = arith.index_cast %parallel_loop3A_244 : i32 to index
        %parallel_loop3A_734 = arith.constant 432 : index
        %parallel_loop3A_735 = tpu.vector_load %arg15[%parallel_loop3A_733, %parallel_loop3A_734] {strides = array<i32>} : memref<16x768xf32, #tpu.memory_space<vmem>>, vector<16xf32>,
        %parallel_loop3A_736 = arith.addf %parallel_loop3A_732, %parallel_loop3A_735 : vector<16xf32>
        %parallel_loop3A_737 = arith.constant 432 : index
        %parallel_loop3A_738 = tpu.vector_load %arg17[%parallel_loop3A_737] {strides = array<i32>} : memref<768xf32, #tpu.memory_space<vmem>>, vector<16xf32>,
        %parallel_loop3A_739 = arith.mulf %parallel_loop3A_254, %parallel_loop3A_738 : vector<16xf32>
        %parallel_loop3A_740 = arith.addf %parallel_loop3A_736, %parallel_loop3A_739 : vector<16xf32>
        %parallel_loop3A_741 = arith.index_cast %parallel_loop3A_245 : i32 to index
        %parallel_loop3A_742 = arith.constant 432 : index
        %parallel_loop3A_743 = tpu.vector_load %arg14[%parallel_loop3A_741, %parallel_loop3A_742] {strides = array<i32>} : memref<96x768xf32, #tpu.memory_space<vmem>>, vector<16xf32>,
        tpu.vector_store %arg14[%parallel_loop3A_741, %parallel_loop3A_742], %parallel_loop3A_740 {strides = array<i32>} : memref<96x768xf32, #tpu.memory_space<vmem>>, vector<16xf32>,
        %parallel_loop3A_744 = arith.addf %parallel_loop3A_676, %parallel_loop3A_740 : vector<16xf32>
        %parallel_loop3A_745 = arith.mulf %parallel_loop3A_740, %parallel_loop3A_740 : vector<16xf32>
        %parallel_loop3A_746 = arith.addf %parallel_loop3A_678, %parallel_loop3A_745 : vector<16xf32>
        %parallel_loop3A_747 = arith.index_cast %parallel_loop3A_245 : i32 to index
        %parallel_loop3A_748 = arith.constant 448 : index
        %parallel_loop3A_749 = tpu.vector_load %arg14[%parallel_loop3A_747, %parallel_loop3A_748] {strides = array<i32>} : memref<96x768xf32, #tpu.memory_space<vmem>>, vector<16xf32>,
        %parallel_loop3A_750 = arith.index_cast %parallel_loop3A_244 : i32 to index
        %parallel_loop3A_751 = arith.constant 448 : index
        %parallel_loop3A_752 = tpu.vector_load %arg15[%parallel_loop3A_750, %parallel_loop3A_751] {strides = array<i32>} : memref<16x768xf32, #tpu.memory_space<vmem>>, vector<16xf32>,
        %parallel_loop3A_753 = arith.addf %parallel_loop3A_749, %parallel_loop3A_752 : vector<16xf32>
        %parallel_loop3A_754 = arith.constant 448 : index
        %parallel_loop3A_755 = tpu.vector_load %arg17[%parallel_loop3A_754] {strides = array<i32>} : memref<768xf32, #tpu.memory_space<vmem>>, vector<16xf32>,
        %parallel_loop3A_756 = arith.mulf %parallel_loop3A_254, %parallel_loop3A_755 : vector<16xf32>
        %parallel_loop3A_757 = arith.addf %parallel_loop3A_753, %parallel_loop3A_756 : vector<16xf32>
        %parallel_loop3A_758 = arith.index_cast %parallel_loop3A_245 : i32 to index
        %parallel_loop3A_759 = arith.constant 448 : index
        %parallel_loop3A_760 = tpu.vector_load %arg14[%parallel_loop3A_758, %parallel_loop3A_759] {strides = array<i32>} : memref<96x768xf32, #tpu.memory_space<vmem>>, vector<16xf32>,
        tpu.vector_store %arg14[%parallel_loop3A_758, %parallel_loop3A_759], %parallel_loop3A_757 {strides = array<i32>} : memref<96x768xf32, #tpu.memory_space<vmem>>, vector<16xf32>,
        %parallel_loop3A_761 = arith.addf %parallel_loop3A_693, %parallel_loop3A_757 : vector<16xf32>
        %parallel_loop3A_762 = arith.mulf %parallel_loop3A_757, %parallel_loop3A_757 : vector<16xf32>
        %parallel_loop3A_763 = arith.addf %parallel_loop3A_695, %parallel_loop3A_762 : vector<16xf32>
        %parallel_loop3A_764 = arith.index_cast %parallel_loop3A_245 : i32 to index
        %parallel_loop3A_765 = arith.constant 464 : index
        %parallel_loop3A_766 = tpu.vector_load %arg14[%parallel_loop3A_764, %parallel_loop3A_765] {strides = array<i32>} : memref<96x768xf32, #tpu.memory_space<vmem>>, vector<16xf32>,
        %parallel_loop3A_767 = arith.index_cast %parallel_loop3A_244 : i32 to index
        %parallel_loop3A_768 = arith.constant 464 : index
        %parallel_loop3A_769 = tpu.vector_load %arg15[%parallel_loop3A_767, %parallel_loop3A_768] {strides = array<i32>} : memref<16x768xf32, #tpu.memory_space<vmem>>, vector<16xf32>,
        %parallel_loop3A_770 = arith.addf %parallel_loop3A_766, %parallel_loop3A_769 : vector<16xf32>
        %parallel_loop3A_771 = arith.constant 464 : index
        %parallel_loop3A_772 = tpu.vector_load %arg17[%parallel_loop3A_771] {strides = array<i32>} : memref<768xf32, #tpu.memory_space<vmem>>, vector<16xf32>,
        %parallel_loop3A_773 = arith.mulf %parallel_loop3A_254, %parallel_loop3A_772 : vector<16xf32>
        %parallel_loop3A_774 = arith.addf %parallel_loop3A_770, %parallel_loop3A_773 : vector<16xf32>
        %parallel_loop3A_775 = arith.index_cast %parallel_loop3A_245 : i32 to index
        %parallel_loop3A_776 = arith.constant 464 : index
        %parallel_loop3A_777 = tpu.vector_load %arg14[%parallel_loop3A_775, %parallel_loop3A_776] {strides = array<i32>} : memref<96x768xf32, #tpu.memory_space<vmem>>, vector<16xf32>,
        tpu.vector_store %arg14[%parallel_loop3A_775, %parallel_loop3A_776], %parallel_loop3A_774 {strides = array<i32>} : memref<96x768xf32, #tpu.memory_space<vmem>>, vector<16xf32>,
        %parallel_loop3A_778 = arith.addf %parallel_loop3A_710, %parallel_loop3A_774 : vector<16xf32>
        %parallel_loop3A_779 = arith.mulf %parallel_loop3A_774, %parallel_loop3A_774 : vector<16xf32>
        %parallel_loop3A_780 = arith.addf %parallel_loop3A_712, %parallel_loop3A_779 : vector<16xf32>
        %parallel_loop3A_781 = arith.index_cast %parallel_loop3A_245 : i32 to index
        %parallel_loop3A_782 = arith.constant 480 : index
        %parallel_loop3A_783 = tpu.vector_load %arg14[%parallel_loop3A_781, %parallel_loop3A_782] {strides = array<i32>} : memref<96x768xf32, #tpu.memory_space<vmem>>, vector<16xf32>,
        %parallel_loop3A_784 = arith.index_cast %parallel_loop3A_244 : i32 to index
        %parallel_loop3A_785 = arith.constant 480 : index
        %parallel_loop3A_786 = tpu.vector_load %arg15[%parallel_loop3A_784, %parallel_loop3A_785] {strides = array<i32>} : memref<16x768xf32, #tpu.memory_space<vmem>>, vector<16xf32>,
        %parallel_loop3A_787 = arith.addf %parallel_loop3A_783, %parallel_loop3A_786 : vector<16xf32>
        %parallel_loop3A_788 = arith.constant 480 : index
        %parallel_loop3A_789 = tpu.vector_load %arg17[%parallel_loop3A_788] {strides = array<i32>} : memref<768xf32, #tpu.memory_space<vmem>>, vector<16xf32>,
        %parallel_loop3A_790 = arith.mulf %parallel_loop3A_254, %parallel_loop3A_789 : vector<16xf32>
        %parallel_loop3A_791 = arith.addf %parallel_loop3A_787, %parallel_loop3A_790 : vector<16xf32>
        %parallel_loop3A_792 = arith.index_cast %parallel_loop3A_245 : i32 to index
        %parallel_loop3A_793 = arith.constant 480 : index
        %parallel_loop3A_794 = tpu.vector_load %arg14[%parallel_loop3A_792, %parallel_loop3A_793] {strides = array<i32>} : memref<96x768xf32, #tpu.memory_space<vmem>>, vector<16xf32>,
        tpu.vector_store %arg14[%parallel_loop3A_792, %parallel_loop3A_793], %parallel_loop3A_791 {strides = array<i32>} : memref<96x768xf32, #tpu.memory_space<vmem>>, vector<16xf32>,
        %parallel_loop3A_795 = arith.addf %parallel_loop3A_727, %parallel_loop3A_791 : vector<16xf32>
        %parallel_loop3A_796 = arith.mulf %parallel_loop3A_791, %parallel_loop3A_791 : vector<16xf32>
        %parallel_loop3A_797 = arith.addf %parallel_loop3A_729, %parallel_loop3A_796 : vector<16xf32>
        %parallel_loop3A_798 = arith.index_cast %parallel_loop3A_245 : i32 to index
        %parallel_loop3A_799 = arith.constant 496 : index
        %parallel_loop3A_800 = tpu.vector_load %arg14[%parallel_loop3A_798, %parallel_loop3A_799] {strides = array<i32>} : memref<96x768xf32, #tpu.memory_space<vmem>>, vector<16xf32>,
        %parallel_loop3A_801 = arith.index_cast %parallel_loop3A_244 : i32 to index
        %parallel_loop3A_802 = arith.constant 496 : index
        %parallel_loop3A_803 = tpu.vector_load %arg15[%parallel_loop3A_801, %parallel_loop3A_802] {strides = array<i32>} : memref<16x768xf32, #tpu.memory_space<vmem>>, vector<16xf32>,
        %parallel_loop3A_804 = arith.addf %parallel_loop3A_800, %parallel_loop3A_803 : vector<16xf32>
        %parallel_loop3A_805 = arith.constant 496 : index
        %parallel_loop3A_806 = tpu.vector_load %arg17[%parallel_loop3A_805] {strides = array<i32>} : memref<768xf32, #tpu.memory_space<vmem>>, vector<16xf32>,
        %parallel_loop3A_807 = arith.mulf %parallel_loop3A_254, %parallel_loop3A_806 : vector<16xf32>
        %parallel_loop3A_808 = arith.addf %parallel_loop3A_804, %parallel_loop3A_807 : vector<16xf32>
        %parallel_loop3A_809 = arith.index_cast %parallel_loop3A_245 : i32 to index
        %parallel_loop3A_810 = arith.constant 496 : index
        %parallel_loop3A_811 = tpu.vector_load %arg14[%parallel_loop3A_809, %parallel_loop3A_810] {strides = array<i32>} : memref<96x768xf32, #tpu.memory_space<vmem>>, vector<16xf32>,
        tpu.vector_store %arg14[%parallel_loop3A_809, %parallel_loop3A_810], %parallel_loop3A_808 {strides = array<i32>} : memref<96x768xf32, #tpu.memory_space<vmem>>, vector<16xf32>,
        %parallel_loop3A_812 = arith.addf %parallel_loop3A_744, %parallel_loop3A_808 : vector<16xf32>
        %parallel_loop3A_813 = arith.mulf %parallel_loop3A_808, %parallel_loop3A_808 : vector<16xf32>
        %parallel_loop3A_814 = arith.addf %parallel_loop3A_746, %parallel_loop3A_813 : vector<16xf32>
        %parallel_loop3A_815 = arith.index_cast %parallel_loop3A_245 : i32 to index
        %parallel_loop3A_816 = arith.constant 512 : index
        %parallel_loop3A_817 = tpu.vector_load %arg14[%parallel_loop3A_815, %parallel_loop3A_816] {strides = array<i32>} : memref<96x768xf32, #tpu.memory_space<vmem>>, vector<16xf32>,
        %parallel_loop3A_818 = arith.index_cast %parallel_loop3A_244 : i32 to index
        %parallel_loop3A_819 = arith.constant 512 : index
        %parallel_loop3A_820 = tpu.vector_load %arg15[%parallel_loop3A_818, %parallel_loop3A_819] {strides = array<i32>} : memref<16x768xf32, #tpu.memory_space<vmem>>, vector<16xf32>,
        %parallel_loop3A_821 = arith.addf %parallel_loop3A_817, %parallel_loop3A_820 : vector<16xf32>
        %parallel_loop3A_822 = arith.constant 512 : index
        %parallel_loop3A_823 = tpu.vector_load %arg17[%parallel_loop3A_822] {strides = array<i32>} : memref<768xf32, #tpu.memory_space<vmem>>, vector<16xf32>,
        %parallel_loop3A_824 = arith.mulf %parallel_loop3A_254, %parallel_loop3A_823 : vector<16xf32>
        %parallel_loop3A_825 = arith.addf %parallel_loop3A_821, %parallel_loop3A_824 : vector<16xf32>
        %parallel_loop3A_826 = arith.index_cast %parallel_loop3A_245 : i32 to index
        %parallel_loop3A_827 = arith.constant 512 : index
        %parallel_loop3A_828 = tpu.vector_load %arg14[%parallel_loop3A_826, %parallel_loop3A_827] {strides = array<i32>} : memref<96x768xf32, #tpu.memory_space<vmem>>, vector<16xf32>,
        tpu.vector_store %arg14[%parallel_loop3A_826, %parallel_loop3A_827], %parallel_loop3A_825 {strides = array<i32>} : memref<96x768xf32, #tpu.memory_space<vmem>>, vector<16xf32>,
        %parallel_loop3A_829 = arith.addf %parallel_loop3A_761, %parallel_loop3A_825 : vector<16xf32>
        %parallel_loop3A_830 = arith.mulf %parallel_loop3A_825, %parallel_loop3A_825 : vector<16xf32>
        %parallel_loop3A_831 = arith.addf %parallel_loop3A_763, %parallel_loop3A_830 : vector<16xf32>
        %parallel_loop3A_832 = arith.index_cast %parallel_loop3A_245 : i32 to index
        %parallel_loop3A_833 = arith.constant 528 : index
        %parallel_loop3A_834 = tpu.vector_load %arg14[%parallel_loop3A_832, %parallel_loop3A_833] {strides = array<i32>} : memref<96x768xf32, #tpu.memory_space<vmem>>, vector<16xf32>,
        %parallel_loop3A_835 = arith.index_cast %parallel_loop3A_244 : i32 to index
        %parallel_loop3A_836 = arith.constant 528 : index
        %parallel_loop3A_837 = tpu.vector_load %arg15[%parallel_loop3A_835, %parallel_loop3A_836] {strides = array<i32>} : memref<16x768xf32, #tpu.memory_space<vmem>>, vector<16xf32>,
        %parallel_loop3A_838 = arith.addf %parallel_loop3A_834, %parallel_loop3A_837 : vector<16xf32>
        %parallel_loop3A_839 = arith.constant 528 : index
        %parallel_loop3A_840 = tpu.vector_load %arg17[%parallel_loop3A_839] {strides = array<i32>} : memref<768xf32, #tpu.memory_space<vmem>>, vector<16xf32>,
        %parallel_loop3A_841 = arith.mulf %parallel_loop3A_254, %parallel_loop3A_840 : vector<16xf32>
        %parallel_loop3A_842 = arith.addf %parallel_loop3A_838, %parallel_loop3A_841 : vector<16xf32>
        %parallel_loop3A_843 = arith.index_cast %parallel_loop3A_245 : i32 to index
        %parallel_loop3A_844 = arith.constant 528 : index
        %parallel_loop3A_845 = tpu.vector_load %arg14[%parallel_loop3A_843, %parallel_loop3A_844] {strides = array<i32>} : memref<96x768xf32, #tpu.memory_space<vmem>>, vector<16xf32>,
        tpu.vector_store %arg14[%parallel_loop3A_843, %parallel_loop3A_844], %parallel_loop3A_842 {strides = array<i32>} : memref<96x768xf32, #tpu.memory_space<vmem>>, vector<16xf32>,
        %parallel_loop3A_846 = arith.addf %parallel_loop3A_778, %parallel_loop3A_842 : vector<16xf32>
        %parallel_loop3A_847 = arith.mulf %parallel_loop3A_842, %parallel_loop3A_842 : vector<16xf32>
        %parallel_loop3A_848 = arith.addf %parallel_loop3A_780, %parallel_loop3A_847 : vector<16xf32>
        %parallel_loop3A_849 = arith.index_cast %parallel_loop3A_245 : i32 to index
        %parallel_loop3A_850 = arith.constant 544 : index
        %parallel_loop3A_851 = tpu.vector_load %arg14[%parallel_loop3A_849, %parallel_loop3A_850] {strides = array<i32>} : memref<96x768xf32, #tpu.memory_space<vmem>>, vector<16xf32>,
        %parallel_loop3A_852 = arith.index_cast %parallel_loop3A_244 : i32 to index
        %parallel_loop3A_853 = arith.constant 544 : index
        %parallel_loop3A_854 = tpu.vector_load %arg15[%parallel_loop3A_852, %parallel_loop3A_853] {strides = array<i32>} : memref<16x768xf32, #tpu.memory_space<vmem>>, vector<16xf32>,
        %parallel_loop3A_855 = arith.addf %parallel_loop3A_851, %parallel_loop3A_854 : vector<16xf32>
        %parallel_loop3A_856 = arith.constant 544 : index
        %parallel_loop3A_857 = tpu.vector_load %arg17[%parallel_loop3A_856] {strides = array<i32>} : memref<768xf32, #tpu.memory_space<vmem>>, vector<16xf32>,
        %parallel_loop3A_858 = arith.mulf %parallel_loop3A_254, %parallel_loop3A_857 : vector<16xf32>
        %parallel_loop3A_859 = arith.addf %parallel_loop3A_855, %parallel_loop3A_858 : vector<16xf32>
        %parallel_loop3A_860 = arith.index_cast %parallel_loop3A_245 : i32 to index
        %parallel_loop3A_861 = arith.constant 544 : index
        %parallel_loop3A_862 = tpu.vector_load %arg14[%parallel_loop3A_860, %parallel_loop3A_861] {strides = array<i32>} : memref<96x768xf32, #tpu.memory_space<vmem>>, vector<16xf32>,
        tpu.vector_store %arg14[%parallel_loop3A_860, %parallel_loop3A_861], %parallel_loop3A_859 {strides = array<i32>} : memref<96x768xf32, #tpu.memory_space<vmem>>, vector<16xf32>,
        %parallel_loop3A_863 = arith.addf %parallel_loop3A_795, %parallel_loop3A_859 : vector<16xf32>
        %parallel_loop3A_864 = arith.mulf %parallel_loop3A_859, %parallel_loop3A_859 : vector<16xf32>
        %parallel_loop3A_865 = arith.addf %parallel_loop3A_797, %parallel_loop3A_864 : vector<16xf32>
        %parallel_loop3A_866 = arith.index_cast %parallel_loop3A_245 : i32 to index
        %parallel_loop3A_867 = arith.constant 560 : index
        %parallel_loop3A_868 = tpu.vector_load %arg14[%parallel_loop3A_866, %parallel_loop3A_867] {strides = array<i32>} : memref<96x768xf32, #tpu.memory_space<vmem>>, vector<16xf32>,
        %parallel_loop3A_869 = arith.index_cast %parallel_loop3A_244 : i32 to index
        %parallel_loop3A_870 = arith.constant 560 : index
        %parallel_loop3A_871 = tpu.vector_load %arg15[%parallel_loop3A_869, %parallel_loop3A_870] {strides = array<i32>} : memref<16x768xf32, #tpu.memory_space<vmem>>, vector<16xf32>,
        %parallel_loop3A_872 = arith.addf %parallel_loop3A_868, %parallel_loop3A_871 : vector<16xf32>
        %parallel_loop3A_873 = arith.constant 560 : index
        %parallel_loop3A_874 = tpu.vector_load %arg17[%parallel_loop3A_873] {strides = array<i32>} : memref<768xf32, #tpu.memory_space<vmem>>, vector<16xf32>,
        %parallel_loop3A_875 = arith.mulf %parallel_loop3A_254, %parallel_loop3A_874 : vector<16xf32>
        %parallel_loop3A_876 = arith.addf %parallel_loop3A_872, %parallel_loop3A_875 : vector<16xf32>
        %parallel_loop3A_877 = arith.index_cast %parallel_loop3A_245 : i32 to index
        %parallel_loop3A_878 = arith.constant 560 : index
        %parallel_loop3A_879 = tpu.vector_load %arg14[%parallel_loop3A_877, %parallel_loop3A_878] {strides = array<i32>} : memref<96x768xf32, #tpu.memory_space<vmem>>, vector<16xf32>,
        tpu.vector_store %arg14[%parallel_loop3A_877, %parallel_loop3A_878], %parallel_loop3A_876 {strides = array<i32>} : memref<96x768xf32, #tpu.memory_space<vmem>>, vector<16xf32>,
        %parallel_loop3A_880 = arith.addf %parallel_loop3A_812, %parallel_loop3A_876 : vector<16xf32>
        %parallel_loop3A_881 = arith.mulf %parallel_loop3A_876, %parallel_loop3A_876 : vector<16xf32>
        %parallel_loop3A_882 = arith.addf %parallel_loop3A_814, %parallel_loop3A_881 : vector<16xf32>
        %parallel_loop3A_883 = arith.index_cast %parallel_loop3A_245 : i32 to index
        %parallel_loop3A_884 = arith.constant 576 : index
        %parallel_loop3A_885 = tpu.vector_load %arg14[%parallel_loop3A_883, %parallel_loop3A_884] {strides = array<i32>} : memref<96x768xf32, #tpu.memory_space<vmem>>, vector<16xf32>,
        %parallel_loop3A_886 = arith.index_cast %parallel_loop3A_244 : i32 to index
        %parallel_loop3A_887 = arith.constant 576 : index
        %parallel_loop3A_888 = tpu.vector_load %arg15[%parallel_loop3A_886, %parallel_loop3A_887] {strides = array<i32>} : memref<16x768xf32, #tpu.memory_space<vmem>>, vector<16xf32>,
        %parallel_loop3A_889 = arith.addf %parallel_loop3A_885, %parallel_loop3A_888 : vector<16xf32>
        %parallel_loop3A_890 = arith.constant 576 : index
        %parallel_loop3A_891 = tpu.vector_load %arg17[%parallel_loop3A_890] {strides = array<i32>} : memref<768xf32, #tpu.memory_space<vmem>>, vector<16xf32>,
        %parallel_loop3A_892 = arith.mulf %parallel_loop3A_254, %parallel_loop3A_891 : vector<16xf32>
        %parallel_loop3A_893 = arith.addf %parallel_loop3A_889, %parallel_loop3A_892 : vector<16xf32>
        %parallel_loop3A_894 = arith.index_cast %parallel_loop3A_245 : i32 to index
        %parallel_loop3A_895 = arith.constant 576 : index
        %parallel_loop3A_896 = tpu.vector_load %arg14[%parallel_loop3A_894, %parallel_loop3A_895] {strides = array<i32>} : memref<96x768xf32, #tpu.memory_space<vmem>>, vector<16xf32>,
        tpu.vector_store %arg14[%parallel_loop3A_894, %parallel_loop3A_895], %parallel_loop3A_893 {strides = array<i32>} : memref<96x768xf32, #tpu.memory_space<vmem>>, vector<16xf32>,
        %parallel_loop3A_897 = arith.addf %parallel_loop3A_829, %parallel_loop3A_893 : vector<16xf32>
        %parallel_loop3A_898 = arith.mulf %parallel_loop3A_893, %parallel_loop3A_893 : vector<16xf32>
        %parallel_loop3A_899 = arith.addf %parallel_loop3A_831, %parallel_loop3A_898 : vector<16xf32>
        %parallel_loop3A_900 = arith.index_cast %parallel_loop3A_245 : i32 to index
        %parallel_loop3A_901 = arith.constant 592 : index
        %parallel_loop3A_902 = tpu.vector_load %arg14[%parallel_loop3A_900, %parallel_loop3A_901] {strides = array<i32>} : memref<96x768xf32, #tpu.memory_space<vmem>>, vector<16xf32>,
        %parallel_loop3A_903 = arith.index_cast %parallel_loop3A_244 : i32 to index
        %parallel_loop3A_904 = arith.constant 592 : index
        %parallel_loop3A_905 = tpu.vector_load %arg15[%parallel_loop3A_903, %parallel_loop3A_904] {strides = array<i32>} : memref<16x768xf32, #tpu.memory_space<vmem>>, vector<16xf32>,
        %parallel_loop3A_906 = arith.addf %parallel_loop3A_902, %parallel_loop3A_905 : vector<16xf32>
        %parallel_loop3A_907 = arith.constant 592 : index
        %parallel_loop3A_908 = tpu.vector_load %arg17[%parallel_loop3A_907] {strides = array<i32>} : memref<768xf32, #tpu.memory_space<vmem>>, vector<16xf32>,
        %parallel_loop3A_909 = arith.mulf %parallel_loop3A_254, %parallel_loop3A_908 : vector<16xf32>
        %parallel_loop3A_910 = arith.addf %parallel_loop3A_906, %parallel_loop3A_909 : vector<16xf32>
        %parallel_loop3A_911 = arith.index_cast %parallel_loop3A_245 : i32 to index
        %parallel_loop3A_912 = arith.constant 592 : index
        %parallel_loop3A_913 = tpu.vector_load %arg14[%parallel_loop3A_911, %parallel_loop3A_912] {strides = array<i32>} : memref<96x768xf32, #tpu.memory_space<vmem>>, vector<16xf32>,
        tpu.vector_store %arg14[%parallel_loop3A_911, %parallel_loop3A_912], %parallel_loop3A_910 {strides = array<i32>} : memref<96x768xf32, #tpu.memory_space<vmem>>, vector<16xf32>,
        %parallel_loop3A_914 = arith.addf %parallel_loop3A_846, %parallel_loop3A_910 : vector<16xf32>
        %parallel_loop3A_915 = arith.mulf %parallel_loop3A_910, %parallel_loop3A_910 : vector<16xf32>
        %parallel_loop3A_916 = arith.addf %parallel_loop3A_848, %parallel_loop3A_915 : vector<16xf32>
        %parallel_loop3A_917 = arith.index_cast %parallel_loop3A_245 : i32 to index
        %parallel_loop3A_918 = arith.constant 608 : index
        %parallel_loop3A_919 = tpu.vector_load %arg14[%parallel_loop3A_917, %parallel_loop3A_918] {strides = array<i32>} : memref<96x768xf32, #tpu.memory_space<vmem>>, vector<16xf32>,
        %parallel_loop3A_920 = arith.index_cast %parallel_loop3A_244 : i32 to index
        %parallel_loop3A_921 = arith.constant 608 : index
        %parallel_loop3A_922 = tpu.vector_load %arg15[%parallel_loop3A_920, %parallel_loop3A_921] {strides = array<i32>} : memref<16x768xf32, #tpu.memory_space<vmem>>, vector<16xf32>,
        %parallel_loop3A_923 = arith.addf %parallel_loop3A_919, %parallel_loop3A_922 : vector<16xf32>
        %parallel_loop3A_924 = arith.constant 608 : index
        %parallel_loop3A_925 = tpu.vector_load %arg17[%parallel_loop3A_924] {strides = array<i32>} : memref<768xf32, #tpu.memory_space<vmem>>, vector<16xf32>,
        %parallel_loop3A_926 = arith.mulf %parallel_loop3A_254, %parallel_loop3A_925 : vector<16xf32>
        %parallel_loop3A_927 = arith.addf %parallel_loop3A_923, %parallel_loop3A_926 : vector<16xf32>
        %parallel_loop3A_928 = arith.index_cast %parallel_loop3A_245 : i32 to index
        %parallel_loop3A_929 = arith.constant 608 : index
        %parallel_loop3A_930 = tpu.vector_load %arg14[%parallel_loop3A_928, %parallel_loop3A_929] {strides = array<i32>} : memref<96x768xf32, #tpu.memory_space<vmem>>, vector<16xf32>,
        tpu.vector_store %arg14[%parallel_loop3A_928, %parallel_loop3A_929], %parallel_loop3A_927 {strides = array<i32>} : memref<96x768xf32, #tpu.memory_space<vmem>>, vector<16xf32>,
        %parallel_loop3A_931 = arith.addf %parallel_loop3A_863, %parallel_loop3A_927 : vector<16xf32>
        %parallel_loop3A_932 = arith.mulf %parallel_loop3A_927, %parallel_loop3A_927 : vector<16xf32>
        %parallel_loop3A_933 = arith.addf %parallel_loop3A_865, %parallel_loop3A_932 : vector<16xf32>
        %parallel_loop3A_934 = arith.index_cast %parallel_loop3A_245 : i32 to index
        %parallel_loop3A_935 = arith.constant 624 : index
        %parallel_loop3A_936 = tpu.vector_load %arg14[%parallel_loop3A_934, %parallel_loop3A_935] {strides = array<i32>} : memref<96x768xf32, #tpu.memory_space<vmem>>, vector<16xf32>,
        %parallel_loop3A_937 = arith.index_cast %parallel_loop3A_244 : i32 to index
        %parallel_loop3A_938 = arith.constant 624 : index
        %parallel_loop3A_939 = tpu.vector_load %arg15[%parallel_loop3A_937, %parallel_loop3A_938] {strides = array<i32>} : memref<16x768xf32, #tpu.memory_space<vmem>>, vector<16xf32>,
        %parallel_loop3A_940 = arith.addf %parallel_loop3A_936, %parallel_loop3A_939 : vector<16xf32>
        %parallel_loop3A_941 = arith.constant 624 : index
        %parallel_loop3A_942 = tpu.vector_load %arg17[%parallel_loop3A_941] {strides = array<i32>} : memref<768xf32, #tpu.memory_space<vmem>>, vector<16xf32>,
        %parallel_loop3A_943 = arith.mulf %parallel_loop3A_254, %parallel_loop3A_942 : vector<16xf32>
        %parallel_loop3A_944 = arith.addf %parallel_loop3A_940, %parallel_loop3A_943 : vector<16xf32>
        %parallel_loop3A_945 = arith.index_cast %parallel_loop3A_245 : i32 to index
        %parallel_loop3A_946 = arith.constant 624 : index
        %parallel_loop3A_947 = tpu.vector_load %arg14[%parallel_loop3A_945, %parallel_loop3A_946] {strides = array<i32>} : memref<96x768xf32, #tpu.memory_space<vmem>>, vector<16xf32>,
        tpu.vector_store %arg14[%parallel_loop3A_945, %parallel_loop3A_946], %parallel_loop3A_944 {strides = array<i32>} : memref<96x768xf32, #tpu.memory_space<vmem>>, vector<16xf32>,
        %parallel_loop3A_948 = arith.addf %parallel_loop3A_880, %parallel_loop3A_944 : vector<16xf32>
        %parallel_loop3A_949 = arith.mulf %parallel_loop3A_944, %parallel_loop3A_944 : vector<16xf32>
        %parallel_loop3A_950 = arith.addf %parallel_loop3A_882, %parallel_loop3A_949 : vector<16xf32>
        %parallel_loop3A_951 = arith.index_cast %parallel_loop3A_245 : i32 to index
        %parallel_loop3A_952 = arith.constant 640 : index
        %parallel_loop3A_953 = tpu.vector_load %arg14[%parallel_loop3A_951, %parallel_loop3A_952] {strides = array<i32>} : memref<96x768xf32, #tpu.memory_space<vmem>>, vector<16xf32>,
        %parallel_loop3A_954 = arith.index_cast %parallel_loop3A_244 : i32 to index
        %parallel_loop3A_955 = arith.constant 640 : index
        %parallel_loop3A_956 = tpu.vector_load %arg15[%parallel_loop3A_954, %parallel_loop3A_955] {strides = array<i32>} : memref<16x768xf32, #tpu.memory_space<vmem>>, vector<16xf32>,
        %parallel_loop3A_957 = arith.addf %parallel_loop3A_953, %parallel_loop3A_956 : vector<16xf32>
        %parallel_loop3A_958 = arith.constant 640 : index
        %parallel_loop3A_959 = tpu.vector_load %arg17[%parallel_loop3A_958] {strides = array<i32>} : memref<768xf32, #tpu.memory_space<vmem>>, vector<16xf32>,
        %parallel_loop3A_960 = arith.mulf %parallel_loop3A_254, %parallel_loop3A_959 : vector<16xf32>
        %parallel_loop3A_961 = arith.addf %parallel_loop3A_957, %parallel_loop3A_960 : vector<16xf32>
        %parallel_loop3A_962 = arith.index_cast %parallel_loop3A_245 : i32 to index
        %parallel_loop3A_963 = arith.constant 640 : index
        %parallel_loop3A_964 = tpu.vector_load %arg14[%parallel_loop3A_962, %parallel_loop3A_963] {strides = array<i32>} : memref<96x768xf32, #tpu.memory_space<vmem>>, vector<16xf32>,
        tpu.vector_store %arg14[%parallel_loop3A_962, %parallel_loop3A_963], %parallel_loop3A_961 {strides = array<i32>} : memref<96x768xf32, #tpu.memory_space<vmem>>, vector<16xf32>,
        %parallel_loop3A_965 = arith.addf %parallel_loop3A_897, %parallel_loop3A_961 : vector<16xf32>
        %parallel_loop3A_966 = arith.mulf %parallel_loop3A_961, %parallel_loop3A_961 : vector<16xf32>
        %parallel_loop3A_967 = arith.addf %parallel_loop3A_899, %parallel_loop3A_966 : vector<16xf32>
        %parallel_loop3A_968 = arith.index_cast %parallel_loop3A_245 : i32 to index
        %parallel_loop3A_969 = arith.constant 656 : index
        %parallel_loop3A_970 = tpu.vector_load %arg14[%parallel_loop3A_968, %parallel_loop3A_969] {strides = array<i32>} : memref<96x768xf32, #tpu.memory_space<vmem>>, vector<16xf32>,
        %parallel_loop3A_971 = arith.index_cast %parallel_loop3A_244 : i32 to index
        %parallel_loop3A_972 = arith.constant 656 : index
        %parallel_loop3A_973 = tpu.vector_load %arg15[%parallel_loop3A_971, %parallel_loop3A_972] {strides = array<i32>} : memref<16x768xf32, #tpu.memory_space<vmem>>, vector<16xf32>,
        %parallel_loop3A_974 = arith.addf %parallel_loop3A_970, %parallel_loop3A_973 : vector<16xf32>
        %parallel_loop3A_975 = arith.constant 656 : index
        %parallel_loop3A_976 = tpu.vector_load %arg17[%parallel_loop3A_975] {strides = array<i32>} : memref<768xf32, #tpu.memory_space<vmem>>, vector<16xf32>,
        %parallel_loop3A_977 = arith.mulf %parallel_loop3A_254, %parallel_loop3A_976 : vector<16xf32>
        %parallel_loop3A_978 = arith.addf %parallel_loop3A_974, %parallel_loop3A_977 : vector<16xf32>
        %parallel_loop3A_979 = arith.index_cast %parallel_loop3A_245 : i32 to index
        %parallel_loop3A_980 = arith.constant 656 : index
        %parallel_loop3A_981 = tpu.vector_load %arg14[%parallel_loop3A_979, %parallel_loop3A_980] {strides = array<i32>} : memref<96x768xf32, #tpu.memory_space<vmem>>, vector<16xf32>,
        tpu.vector_store %arg14[%parallel_loop3A_979, %parallel_loop3A_980], %parallel_loop3A_978 {strides = array<i32>} : memref<96x768xf32, #tpu.memory_space<vmem>>, vector<16xf32>,
        %parallel_loop3A_982 = arith.addf %parallel_loop3A_914, %parallel_loop3A_978 : vector<16xf32>
        %parallel_loop3A_983 = arith.mulf %parallel_loop3A_978, %parallel_loop3A_978 : vector<16xf32>
        %parallel_loop3A_984 = arith.addf %parallel_loop3A_916, %parallel_loop3A_983 : vector<16xf32>
        %parallel_loop3A_985 = arith.index_cast %parallel_loop3A_245 : i32 to index
        %parallel_loop3A_986 = arith.constant 672 : index
        %parallel_loop3A_987 = tpu.vector_load %arg14[%parallel_loop3A_985, %parallel_loop3A_986] {strides = array<i32>} : memref<96x768xf32, #tpu.memory_space<vmem>>, vector<16xf32>,
        %parallel_loop3A_988 = arith.index_cast %parallel_loop3A_244 : i32 to index
        %parallel_loop3A_989 = arith.constant 672 : index
        %parallel_loop3A_990 = tpu.vector_load %arg15[%parallel_loop3A_988, %parallel_loop3A_989] {strides = array<i32>} : memref<16x768xf32, #tpu.memory_space<vmem>>, vector<16xf32>,
        %parallel_loop3A_991 = arith.addf %parallel_loop3A_987, %parallel_loop3A_990 : vector<16xf32>
        %parallel_loop3A_992 = arith.constant 672 : index
        %parallel_loop3A_993 = tpu.vector_load %arg17[%parallel_loop3A_992] {strides = array<i32>} : memref<768xf32, #tpu.memory_space<vmem>>, vector<16xf32>,
        %parallel_loop3A_994 = arith.mulf %parallel_loop3A_254, %parallel_loop3A_993 : vector<16xf32>
        %parallel_loop3A_995 = arith.addf %parallel_loop3A_991, %parallel_loop3A_994 : vector<16xf32>
        %parallel_loop3A_996 = arith.index_cast %parallel_loop3A_245 : i32 to index
        %parallel_loop3A_997 = arith.constant 672 : index
        %parallel_loop3A_998 = tpu.vector_load %arg14[%parallel_loop3A_996, %parallel_loop3A_997] {strides = array<i32>} : memref<96x768xf32, #tpu.memory_space<vmem>>, vector<16xf32>,
        tpu.vector_store %arg14[%parallel_loop3A_996, %parallel_loop3A_997], %parallel_loop3A_995 {strides = array<i32>} : memref<96x768xf32, #tpu.memory_space<vmem>>, vector<16xf32>,
        %parallel_loop3A_999 = arith.addf %parallel_loop3A_931, %parallel_loop3A_995 : vector<16xf32>
        %parallel_loop3A_1000 = arith.mulf %parallel_loop3A_995, %parallel_loop3A_995 : vector<16xf32>
        %parallel_loop3A_1001 = arith.addf %parallel_loop3A_933, %parallel_loop3A_1000 : vector<16xf32>
        %parallel_loop3A_1002 = arith.index_cast %parallel_loop3A_245 : i32 to index
        %parallel_loop3A_1003 = arith.constant 688 : index
        %parallel_loop3A_1004 = tpu.vector_load %arg14[%parallel_loop3A_1002, %parallel_loop3A_1003] {strides = array<i32>} : memref<96x768xf32, #tpu.memory_space<vmem>>, vector<16xf32>,
        %parallel_loop3A_1005 = arith.index_cast %parallel_loop3A_244 : i32 to index
        %parallel_loop3A_1006 = arith.constant 688 : index
        %parallel_loop3A_1007 = tpu.vector_load %arg15[%parallel_loop3A_1005, %parallel_loop3A_1006] {strides = array<i32>} : memref<16x768xf32, #tpu.memory_space<vmem>>, vector<16xf32>,
        %parallel_loop3A_1008 = arith.addf %parallel_loop3A_1004, %parallel_loop3A_1007 : vector<16xf32>
        %parallel_loop3A_1009 = arith.constant 688 : index
        %parallel_loop3A_1010 = tpu.vector_load %arg17[%parallel_loop3A_1009] {strides = array<i32>} : memref<768xf32, #tpu.memory_space<vmem>>, vector<16xf32>,
        %parallel_loop3A_1011 = arith.mulf %parallel_loop3A_254, %parallel_loop3A_1010 : vector<16xf32>
        %parallel_loop3A_1012 = arith.addf %parallel_loop3A_1008, %parallel_loop3A_1011 : vector<16xf32>
        %parallel_loop3A_1013 = arith.index_cast %parallel_loop3A_245 : i32 to index
        %parallel_loop3A_1014 = arith.constant 688 : index
        %parallel_loop3A_1015 = tpu.vector_load %arg14[%parallel_loop3A_1013, %parallel_loop3A_1014] {strides = array<i32>} : memref<96x768xf32, #tpu.memory_space<vmem>>, vector<16xf32>,
        tpu.vector_store %arg14[%parallel_loop3A_1013, %parallel_loop3A_1014], %parallel_loop3A_1012 {strides = array<i32>} : memref<96x768xf32, #tpu.memory_space<vmem>>, vector<16xf32>,
        %parallel_loop3A_1016 = arith.addf %parallel_loop3A_948, %parallel_loop3A_1012 : vector<16xf32>
        %parallel_loop3A_1017 = arith.mulf %parallel_loop3A_1012, %parallel_loop3A_1012 : vector<16xf32>
        %parallel_loop3A_1018 = arith.addf %parallel_loop3A_950, %parallel_loop3A_1017 : vector<16xf32>
        %parallel_loop3A_1019 = arith.index_cast %parallel_loop3A_245 : i32 to index
        %parallel_loop3A_1020 = arith.constant 704 : index
        %parallel_loop3A_1021 = tpu.vector_load %arg14[%parallel_loop3A_1019, %parallel_loop3A_1020] {strides = array<i32>} : memref<96x768xf32, #tpu.memory_space<vmem>>, vector<16xf32>,
        %parallel_loop3A_1022 = arith.index_cast %parallel_loop3A_244 : i32 to index
        %parallel_loop3A_1023 = arith.constant 704 : index
        %parallel_loop3A_1024 = tpu.vector_load %arg15[%parallel_loop3A_1022, %parallel_loop3A_1023] {strides = array<i32>} : memref<16x768xf32, #tpu.memory_space<vmem>>, vector<16xf32>,
        %parallel_loop3A_1025 = arith.addf %parallel_loop3A_1021, %parallel_loop3A_1024 : vector<16xf32>
        %parallel_loop3A_1026 = arith.constant 704 : index
        %parallel_loop3A_1027 = tpu.vector_load %arg17[%parallel_loop3A_1026] {strides = array<i32>} : memref<768xf32, #tpu.memory_space<vmem>>, vector<16xf32>,
        %parallel_loop3A_1028 = arith.mulf %parallel_loop3A_254, %parallel_loop3A_1027 : vector<16xf32>
        %parallel_loop3A_1029 = arith.addf %parallel_loop3A_1025, %parallel_loop3A_1028 : vector<16xf32>
        %parallel_loop3A_1030 = arith.index_cast %parallel_loop3A_245 : i32 to index
        %parallel_loop3A_1031 = arith.constant 704 : index
        %parallel_loop3A_1032 = tpu.vector_load %arg14[%parallel_loop3A_1030, %parallel_loop3A_1031] {strides = array<i32>} : memref<96x768xf32, #tpu.memory_space<vmem>>, vector<16xf32>,
        tpu.vector_store %arg14[%parallel_loop3A_1030, %parallel_loop3A_1031], %parallel_loop3A_1029 {strides = array<i32>} : memref<96x768xf32, #tpu.memory_space<vmem>>, vector<16xf32>,
        %parallel_loop3A_1033 = arith.addf %parallel_loop3A_965, %parallel_loop3A_1029 : vector<16xf32>
        %parallel_loop3A_1034 = arith.mulf %parallel_loop3A_1029, %parallel_loop3A_1029 : vector<16xf32>
        %parallel_loop3A_1035 = arith.addf %parallel_loop3A_967, %parallel_loop3A_1034 : vector<16xf32>
        %parallel_loop3A_1036 = arith.index_cast %parallel_loop3A_245 : i32 to index
        %parallel_loop3A_1037 = arith.constant 720 : index
        %parallel_loop3A_1038 = tpu.vector_load %arg14[%parallel_loop3A_1036, %parallel_loop3A_1037] {strides = array<i32>} : memref<96x768xf32, #tpu.memory_space<vmem>>, vector<16xf32>,
        %parallel_loop3A_1039 = arith.index_cast %parallel_loop3A_244 : i32 to index
        %parallel_loop3A_1040 = arith.constant 720 : index
        %parallel_loop3A_1041 = tpu.vector_load %arg15[%parallel_loop3A_1039, %parallel_loop3A_1040] {strides = array<i32>} : memref<16x768xf32, #tpu.memory_space<vmem>>, vector<16xf32>,
        %parallel_loop3A_1042 = arith.addf %parallel_loop3A_1038, %parallel_loop3A_1041 : vector<16xf32>
        %parallel_loop3A_1043 = arith.constant 720 : index
        %parallel_loop3A_1044 = tpu.vector_load %arg17[%parallel_loop3A_1043] {strides = array<i32>} : memref<768xf32, #tpu.memory_space<vmem>>, vector<16xf32>,
        %parallel_loop3A_1045 = arith.mulf %parallel_loop3A_254, %parallel_loop3A_1044 : vector<16xf32>
        %parallel_loop3A_1046 = arith.addf %parallel_loop3A_1042, %parallel_loop3A_1045 : vector<16xf32>
        %parallel_loop3A_1047 = arith.index_cast %parallel_loop3A_245 : i32 to index
        %parallel_loop3A_1048 = arith.constant 720 : index
        %parallel_loop3A_1049 = tpu.vector_load %arg14[%parallel_loop3A_1047, %parallel_loop3A_1048] {strides = array<i32>} : memref<96x768xf32, #tpu.memory_space<vmem>>, vector<16xf32>,
        tpu.vector_store %arg14[%parallel_loop3A_1047, %parallel_loop3A_1048], %parallel_loop3A_1046 {strides = array<i32>} : memref<96x768xf32, #tpu.memory_space<vmem>>, vector<16xf32>,
        %parallel_loop3A_1050 = arith.addf %parallel_loop3A_982, %parallel_loop3A_1046 : vector<16xf32>
        %parallel_loop3A_1051 = arith.mulf %parallel_loop3A_1046, %parallel_loop3A_1046 : vector<16xf32>
        %parallel_loop3A_1052 = arith.addf %parallel_loop3A_984, %parallel_loop3A_1051 : vector<16xf32>
        %parallel_loop3A_1053 = arith.index_cast %parallel_loop3A_245 : i32 to index
        %parallel_loop3A_1054 = arith.constant 736 : index
        %parallel_loop3A_1055 = tpu.vector_load %arg14[%parallel_loop3A_1053, %parallel_loop3A_1054] {strides = array<i32>} : memref<96x768xf32, #tpu.memory_space<vmem>>, vector<16xf32>,
        %parallel_loop3A_1056 = arith.index_cast %parallel_loop3A_244 : i32 to index
        %parallel_loop3A_1057 = arith.constant 736 : index
        %parallel_loop3A_1058 = tpu.vector_load %arg15[%parallel_loop3A_1056, %parallel_loop3A_1057] {strides = array<i32>} : memref<16x768xf32, #tpu.memory_space<vmem>>, vector<16xf32>,
        %parallel_loop3A_1059 = arith.addf %parallel_loop3A_1055, %parallel_loop3A_1058 : vector<16xf32>
        %parallel_loop3A_1060 = arith.constant 736 : index
        %parallel_loop3A_1061 = tpu.vector_load %arg17[%parallel_loop3A_1060] {strides = array<i32>} : memref<768xf32, #tpu.memory_space<vmem>>, vector<16xf32>,
        %parallel_loop3A_1062 = arith.mulf %parallel_loop3A_254, %parallel_loop3A_1061 : vector<16xf32>
        %parallel_loop3A_1063 = arith.addf %parallel_loop3A_1059, %parallel_loop3A_1062 : vector<16xf32>
        %parallel_loop3A_1064 = arith.index_cast %parallel_loop3A_245 : i32 to index
        %parallel_loop3A_1065 = arith.constant 736 : index
        %parallel_loop3A_1066 = tpu.vector_load %arg14[%parallel_loop3A_1064, %parallel_loop3A_1065] {strides = array<i32>} : memref<96x768xf32, #tpu.memory_space<vmem>>, vector<16xf32>,
        tpu.vector_store %arg14[%parallel_loop3A_1064, %parallel_loop3A_1065], %parallel_loop3A_1063 {strides = array<i32>} : memref<96x768xf32, #tpu.memory_space<vmem>>, vector<16xf32>,
        %parallel_loop3A_1067 = arith.addf %parallel_loop3A_999, %parallel_loop3A_1063 : vector<16xf32>
        %parallel_loop3A_1068 = arith.mulf %parallel_loop3A_1063, %parallel_loop3A_1063 : vector<16xf32>
        %parallel_loop3A_1069 = arith.addf %parallel_loop3A_1001, %parallel_loop3A_1068 : vector<16xf32>
        %parallel_loop3A_1070 = arith.index_cast %parallel_loop3A_245 : i32 to index
        %parallel_loop3A_1071 = arith.constant 752 : index
        %parallel_loop3A_1072 = tpu.vector_load %arg14[%parallel_loop3A_1070, %parallel_loop3A_1071] {strides = array<i32>} : memref<96x768xf32, #tpu.memory_space<vmem>>, vector<16xf32>,
        %parallel_loop3A_1073 = arith.index_cast %parallel_loop3A_244 : i32 to index
        %parallel_loop3A_1074 = arith.constant 752 : index
        %parallel_loop3A_1075 = tpu.vector_load %arg15[%parallel_loop3A_1073, %parallel_loop3A_1074] {strides = array<i32>} : memref<16x768xf32, #tpu.memory_space<vmem>>, vector<16xf32>,
        %parallel_loop3A_1076 = arith.addf %parallel_loop3A_1072, %parallel_loop3A_1075 : vector<16xf32>
        %parallel_loop3A_1077 = arith.constant 752 : index
        %parallel_loop3A_1078 = tpu.vector_load %arg17[%parallel_loop3A_1077] {strides = array<i32>} : memref<768xf32, #tpu.memory_space<vmem>>, vector<16xf32>,
        %parallel_loop3A_1079 = arith.mulf %parallel_loop3A_254, %parallel_loop3A_1078 : vector<16xf32>
        %parallel_loop3A_1080 = arith.addf %parallel_loop3A_1076, %parallel_loop3A_1079 : vector<16xf32>
        %parallel_loop3A_1081 = arith.index_cast %parallel_loop3A_245 : i32 to index
        %parallel_loop3A_1082 = arith.constant 752 : index
        %parallel_loop3A_1083 = tpu.vector_load %arg14[%parallel_loop3A_1081, %parallel_loop3A_1082] {strides = array<i32>} : memref<96x768xf32, #tpu.memory_space<vmem>>, vector<16xf32>,
        tpu.vector_store %arg14[%parallel_loop3A_1081, %parallel_loop3A_1082], %parallel_loop3A_1080 {strides = array<i32>} : memref<96x768xf32, #tpu.memory_space<vmem>>, vector<16xf32>,
        %parallel_loop3A_1084 = arith.addf %parallel_loop3A_1016, %parallel_loop3A_1080 : vector<16xf32>
        %parallel_loop3A_1085 = arith.mulf %parallel_loop3A_1080, %parallel_loop3A_1080 : vector<16xf32>
        %parallel_loop3A_1086 = arith.addf %parallel_loop3A_1018, %parallel_loop3A_1085 : vector<16xf32>
        %parallel_loop3A_1087 = arith.addf %parallel_loop3A_1033, %parallel_loop3A_1050 : vector<16xf32>
        %parallel_loop3A_1088 = arith.addf %parallel_loop3A_1067, %parallel_loop3A_1084 : vector<16xf32>
        %parallel_loop3A_1089 = arith.addf %parallel_loop3A_1087, %parallel_loop3A_1088 : vector<16xf32>
        %parallel_loop3A_1090 = arith.index_cast %parallel_loop3A_217 : i32 to index
        %parallel_loop3A_1091 = arith.constant 0 : index
        %parallel_loop3A_1092 = tpu.vector_load %arg22[%parallel_loop3A_1090, %parallel_loop3A_1091] {strides = array<i32>} : memref<32x16xf32, #tpu.memory_space<vmem>>, vector<16xf32>,
        tpu.vector_store %arg22[%parallel_loop3A_1090, %parallel_loop3A_1091], %parallel_loop3A_1089 {strides = array<i32>} : memref<32x16xf32, #tpu.memory_space<vmem>>, vector<16xf32>,
        %parallel_loop3A_1093 = arith.addf %parallel_loop3A_1035, %parallel_loop3A_1052 : vector<16xf32>
        %parallel_loop3A_1094 = arith.addf %parallel_loop3A_1069, %parallel_loop3A_1086 : vector<16xf32>
        %parallel_loop3A_1095 = arith.addf %parallel_loop3A_1093, %parallel_loop3A_1094 : vector<16xf32>
        %parallel_loop3A_1096 = arith.index_cast %parallel_loop3A_217 : i32 to index
        %parallel_loop3A_1097 = arith.constant 0 : index
        %parallel_loop3A_1098 = tpu.vector_load %arg23[%parallel_loop3A_1096, %parallel_loop3A_1097] {strides = array<i32>} : memref<32x16xf32, #tpu.memory_space<vmem>>, vector<16xf32>,
        tpu.vector_store %arg23[%parallel_loop3A_1096, %parallel_loop3A_1097], %parallel_loop3A_1095 {strides = array<i32>} : memref<32x16xf32, #tpu.memory_space<vmem>>, vector<16xf32>,
      } {sc.loop_unroll_factor = 2 : i64, sc.parallel_access}
      %parallel_loop3A_172 = arith.constant 0 : i32
      %parallel_loop3A_173 = arith.constant 32 : i32
      %parallel_loop3A_174 = arith.constant 1 : i32
      scf.for %parallel_loop3A_217 = %parallel_loop3A_172 to %parallel_loop3A_173 step %parallel_loop3A_174  : i32 {
        %parallel_loop3A_218 = arith.index_cast %parallel_loop3A_217 : i32 to index
        %parallel_loop3A_219 = arith.constant 0 : index
        %parallel_loop3A_220 = tpu.vector_load %arg22[%parallel_loop3A_218, %parallel_loop3A_219] {strides = array<i32>} : memref<32x16xf32, #tpu.memory_space<vmem>>, vector<16xf32>,
        %parallel_loop3A_221 = arith.constant 1 : i32
        %parallel_loop3A_222 = vector.broadcast %parallel_loop3A_221 : i32 to vector<16xi32>
        %parallel_loop3A_223 = arith.xori %iota3A, %parallel_loop3A_222 : vector<16xi32>
        %parallel_loop3A_224 = vector.shape_cast %parallel_loop3A_223 : vector<16xi32> to vector<16x1xi32>
        %parallel_loop3A_225 = vector.shape_cast %parallel_loop3A_224 : vector<16x1xi32> to vector<16xi32>
        %parallel_loop3A_226 = tpu.dynamic_gather %parallel_loop3A_220[%parallel_loop3A_225] in [0] : vector<16xf32>, vector<16xi32> -> vector<16xf32>
        %parallel_loop3A_227 = arith.addf %parallel_loop3A_220, %parallel_loop3A_226 : vector<16xf32>
        %parallel_loop3A_228 = arith.constant 2 : i32
        %parallel_loop3A_229 = vector.broadcast %parallel_loop3A_228 : i32 to vector<16xi32>
        %parallel_loop3A_230 = arith.xori %iota3A, %parallel_loop3A_229 : vector<16xi32>
        %parallel_loop3A_231 = vector.shape_cast %parallel_loop3A_230 : vector<16xi32> to vector<16x1xi32>
        %parallel_loop3A_232 = vector.shape_cast %parallel_loop3A_231 : vector<16x1xi32> to vector<16xi32>
        %parallel_loop3A_233 = tpu.dynamic_gather %parallel_loop3A_227[%parallel_loop3A_232] in [0] : vector<16xf32>, vector<16xi32> -> vector<16xf32>
        %parallel_loop3A_234 = arith.addf %parallel_loop3A_227, %parallel_loop3A_233 : vector<16xf32>
        %parallel_loop3A_235 = arith.constant 4 : i32
        %parallel_loop3A_236 = vector.broadcast %parallel_loop3A_235 : i32 to vector<16xi32>
        %parallel_loop3A_237 = arith.xori %iota3A, %parallel_loop3A_236 : vector<16xi32>
        %parallel_loop3A_238 = vector.shape_cast %parallel_loop3A_237 : vector<16xi32> to vector<16x1xi32>
        %parallel_loop3A_239 = vector.shape_cast %parallel_loop3A_238 : vector<16x1xi32> to vector<16xi32>
        %parallel_loop3A_240 = tpu.dynamic_gather %parallel_loop3A_234[%parallel_loop3A_239] in [0] : vector<16xf32>, vector<16xi32> -> vector<16xf32>
        %parallel_loop3A_241 = arith.addf %parallel_loop3A_234, %parallel_loop3A_240 : vector<16xf32>
        %parallel_loop3A_242 = arith.constant 8 : i32
        %parallel_loop3A_243 = vector.broadcast %parallel_loop3A_242 : i32 to vector<16xi32>
        %parallel_loop3A_244 = arith.xori %iota3A, %parallel_loop3A_243 : vector<16xi32>
        %parallel_loop3A_245 = vector.shape_cast %parallel_loop3A_244 : vector<16xi32> to vector<16x1xi32>
        %parallel_loop3A_246 = vector.shape_cast %parallel_loop3A_245 : vector<16x1xi32> to vector<16xi32>
        %parallel_loop3A_247 = tpu.dynamic_gather %parallel_loop3A_241[%parallel_loop3A_246] in [0] : vector<16xf32>, vector<16xi32> -> vector<16xf32>
        %parallel_loop3A_248 = arith.addf %parallel_loop3A_241, %parallel_loop3A_247 : vector<16xf32>
        %parallel_loop3A_249 = arith.constant 0.00130208337 : f32
        %parallel_loop3A_250 = vector.broadcast %parallel_loop3A_249 : f32 to vector<16xf32>
        %parallel_loop3A_251 = arith.mulf %parallel_loop3A_248, %parallel_loop3A_250 : vector<16xf32>
        %parallel_loop3A_252 = arith.index_cast %parallel_loop3A_217 : i32 to index
        %parallel_loop3A_253 = arith.constant 0 : index
        %parallel_loop3A_254 = tpu.vector_load %arg23[%parallel_loop3A_252, %parallel_loop3A_253] {strides = array<i32>} : memref<32x16xf32, #tpu.memory_space<vmem>>, vector<16xf32>,
        %parallel_loop3A_255 = arith.constant 1 : i32
        %parallel_loop3A_256 = vector.broadcast %parallel_loop3A_255 : i32 to vector<16xi32>
        %parallel_loop3A_257 = arith.xori %iota3A, %parallel_loop3A_256 : vector<16xi32>
        %parallel_loop3A_258 = vector.shape_cast %parallel_loop3A_257 : vector<16xi32> to vector<16x1xi32>
        %parallel_loop3A_259 = vector.shape_cast %parallel_loop3A_258 : vector<16x1xi32> to vector<16xi32>
        %parallel_loop3A_260 = tpu.dynamic_gather %parallel_loop3A_254[%parallel_loop3A_259] in [0] : vector<16xf32>, vector<16xi32> -> vector<16xf32>
        %parallel_loop3A_261 = arith.addf %parallel_loop3A_254, %parallel_loop3A_260 : vector<16xf32>
        %parallel_loop3A_262 = arith.constant 2 : i32
        %parallel_loop3A_263 = vector.broadcast %parallel_loop3A_262 : i32 to vector<16xi32>
        %parallel_loop3A_264 = arith.xori %iota3A, %parallel_loop3A_263 : vector<16xi32>
        %parallel_loop3A_265 = vector.shape_cast %parallel_loop3A_264 : vector<16xi32> to vector<16x1xi32>
        %parallel_loop3A_266 = vector.shape_cast %parallel_loop3A_265 : vector<16x1xi32> to vector<16xi32>
        %parallel_loop3A_267 = tpu.dynamic_gather %parallel_loop3A_261[%parallel_loop3A_266] in [0] : vector<16xf32>, vector<16xi32> -> vector<16xf32>
        %parallel_loop3A_268 = arith.addf %parallel_loop3A_261, %parallel_loop3A_267 : vector<16xf32>
        %parallel_loop3A_269 = arith.constant 4 : i32
        %parallel_loop3A_270 = vector.broadcast %parallel_loop3A_269 : i32 to vector<16xi32>
        %parallel_loop3A_271 = arith.xori %iota3A, %parallel_loop3A_270 : vector<16xi32>
        %parallel_loop3A_272 = vector.shape_cast %parallel_loop3A_271 : vector<16xi32> to vector<16x1xi32>
        %parallel_loop3A_273 = vector.shape_cast %parallel_loop3A_272 : vector<16x1xi32> to vector<16xi32>
        %parallel_loop3A_274 = tpu.dynamic_gather %parallel_loop3A_268[%parallel_loop3A_273] in [0] : vector<16xf32>, vector<16xi32> -> vector<16xf32>
        %parallel_loop3A_275 = arith.addf %parallel_loop3A_268, %parallel_loop3A_274 : vector<16xf32>
        %parallel_loop3A_276 = arith.constant 8 : i32
        %parallel_loop3A_277 = vector.broadcast %parallel_loop3A_276 : i32 to vector<16xi32>
        %parallel_loop3A_278 = arith.xori %iota3A, %parallel_loop3A_277 : vector<16xi32>
        %parallel_loop3A_279 = vector.shape_cast %parallel_loop3A_278 : vector<16xi32> to vector<16x1xi32>
        %parallel_loop3A_280 = vector.shape_cast %parallel_loop3A_279 : vector<16x1xi32> to vector<16xi32>
        %parallel_loop3A_281 = tpu.dynamic_gather %parallel_loop3A_275[%parallel_loop3A_280] in [0] : vector<16xf32>, vector<16xi32> -> vector<16xf32>
        %parallel_loop3A_282 = arith.addf %parallel_loop3A_275, %parallel_loop3A_281 : vector<16xf32>
        %parallel_loop3A_283 = arith.constant 0.00130208337 : f32
        %parallel_loop3A_284 = vector.broadcast %parallel_loop3A_283 : f32 to vector<16xf32>
        %parallel_loop3A_285 = arith.mulf %parallel_loop3A_282, %parallel_loop3A_284 : vector<16xf32>
        %parallel_loop3A_286 = arith.mulf %parallel_loop3A_251, %parallel_loop3A_251 : vector<16xf32>
        %parallel_loop3A_287 = arith.subf %parallel_loop3A_285, %parallel_loop3A_286 : vector<16xf32>
        %parallel_loop3A_288 = arith.constant 9.99999996E-13 : f32
        %parallel_loop3A_289 = vector.broadcast %parallel_loop3A_288 : f32 to vector<16xf32>
        %parallel_loop3A_290 = arith.addf %parallel_loop3A_287, %parallel_loop3A_289 : vector<16xf32>
        %parallel_loop3A_291 = vector.bitcast %parallel_loop3A_290 : vector<16xf32> to vector<16xi32>
        %parallel_loop3A_292 = arith.constant 1 : i32
        %parallel_loop3A_293 = vector.broadcast %parallel_loop3A_292 : i32 to vector<16xi32>
        %parallel_loop3A_294 = arith.shrsi %parallel_loop3A_291, %parallel_loop3A_293 : vector<16xi32>
        %parallel_loop3A_295 = arith.constant 1597463007 : i32
        %parallel_loop3A_296 = vector.broadcast %parallel_loop3A_295 : i32 to vector<16xi32>
        %parallel_loop3A_297 = arith.subi %parallel_loop3A_296, %parallel_loop3A_294 : vector<16xi32>
        %parallel_loop3A_298 = vector.bitcast %parallel_loop3A_297 : vector<16xi32> to vector<16xf32>
        %parallel_loop3A_299 = arith.constant 5.000000e-01 : f32
        %parallel_loop3A_300 = vector.broadcast %parallel_loop3A_299 : f32 to vector<16xf32>
        %parallel_loop3A_301 = arith.mulf %parallel_loop3A_300, %parallel_loop3A_290 : vector<16xf32>
        %parallel_loop3A_302 = arith.mulf %parallel_loop3A_301, %parallel_loop3A_298 : vector<16xf32>
        %parallel_loop3A_303 = arith.mulf %parallel_loop3A_302, %parallel_loop3A_298 : vector<16xf32>
        %parallel_loop3A_304 = arith.constant 1.500000e+00 : f32
        %parallel_loop3A_305 = vector.broadcast %parallel_loop3A_304 : f32 to vector<16xf32>
        %parallel_loop3A_306 = arith.subf %parallel_loop3A_305, %parallel_loop3A_303 : vector<16xf32>
        %parallel_loop3A_307 = arith.mulf %parallel_loop3A_298, %parallel_loop3A_306 : vector<16xf32>
        %parallel_loop3A_308 = arith.constant 5.000000e-01 : f32
        %parallel_loop3A_309 = vector.broadcast %parallel_loop3A_308 : f32 to vector<16xf32>
        %parallel_loop3A_310 = arith.mulf %parallel_loop3A_309, %parallel_loop3A_290 : vector<16xf32>
        %parallel_loop3A_311 = arith.mulf %parallel_loop3A_310, %parallel_loop3A_307 : vector<16xf32>
        %parallel_loop3A_312 = arith.mulf %parallel_loop3A_311, %parallel_loop3A_307 : vector<16xf32>
        %parallel_loop3A_313 = arith.constant 1.500000e+00 : f32
        %parallel_loop3A_314 = vector.broadcast %parallel_loop3A_313 : f32 to vector<16xf32>
        %parallel_loop3A_315 = arith.subf %parallel_loop3A_314, %parallel_loop3A_312 : vector<16xf32>
        %parallel_loop3A_316 = arith.mulf %parallel_loop3A_307, %parallel_loop3A_315 : vector<16xf32>
        %parallel_loop3A_317 = arith.index_cast %parallel_loop3A_217 : i32 to index
        %parallel_loop3A_318 = arith.constant 0 : index
        %parallel_loop3A_319 = tpu.vector_load %arg22[%parallel_loop3A_317, %parallel_loop3A_318] {strides = array<i32>} : memref<32x16xf32, #tpu.memory_space<vmem>>, vector<16xf32>,
        tpu.vector_store %arg22[%parallel_loop3A_317, %parallel_loop3A_318], %parallel_loop3A_251 {strides = array<i32>} : memref<32x16xf32, #tpu.memory_space<vmem>>, vector<16xf32>,
        %parallel_loop3A_320 = arith.index_cast %parallel_loop3A_217 : i32 to index
        %parallel_loop3A_321 = arith.constant 0 : index
        %parallel_loop3A_322 = tpu.vector_load %arg23[%parallel_loop3A_320, %parallel_loop3A_321] {strides = array<i32>} : memref<32x16xf32, #tpu.memory_space<vmem>>, vector<16xf32>,
        tpu.vector_store %arg23[%parallel_loop3A_320, %parallel_loop3A_321], %parallel_loop3A_316 {strides = array<i32>} : memref<32x16xf32, #tpu.memory_space<vmem>>, vector<16xf32>,
      } {sc.loop_unroll_factor = 2 : i64, sc.parallel_access}
      %parallel_loop3A_175 = arith.constant 0 : i32
      %parallel_loop3A_176 = arith.constant 32 : i32
      %parallel_loop3A_177 = arith.constant 1 : i32
      scf.for %parallel_loop3A_217 = %parallel_loop3A_175 to %parallel_loop3A_176 step %parallel_loop3A_177  : i32 {
        %parallel_loop3A_218 = arith.addi %mul3A_169, %parallel_loop3A_217 : i32
        %parallel_loop3A_219 = arith.index_cast %parallel_loop3A_217 : i32 to index
        %parallel_loop3A_220 = arith.constant 0 : index
        %parallel_loop3A_221 = tpu.vector_load %arg22[%parallel_loop3A_219, %parallel_loop3A_220] {strides = array<i32>} : memref<32x16xf32, #tpu.memory_space<vmem>>, vector<16xf32>,
        %parallel_loop3A_222 = arith.index_cast %parallel_loop3A_217 : i32 to index
        %parallel_loop3A_223 = arith.constant 0 : index
        %parallel_loop3A_224 = tpu.vector_load %arg23[%parallel_loop3A_222, %parallel_loop3A_223] {strides = array<i32>} : memref<32x16xf32, #tpu.memory_space<vmem>>, vector<16xf32>,
        %parallel_loop3A_225 = arith.index_cast %parallel_loop3A_218 : i32 to index
        %parallel_loop3A_226 = arith.constant 0 : index
        %parallel_loop3A_227 = tpu.vector_load %arg14[%parallel_loop3A_225, %parallel_loop3A_226] {strides = array<i32>} : memref<96x768xf32, #tpu.memory_space<vmem>>, vector<16xf32>,
        %parallel_loop3A_228 = arith.subf %parallel_loop3A_227, %parallel_loop3A_221 : vector<16xf32>
        %parallel_loop3A_229 = arith.mulf %parallel_loop3A_228, %parallel_loop3A_224 : vector<16xf32>
        %parallel_loop3A_230 = arith.constant 0 : index
        %parallel_loop3A_231 = tpu.vector_load %arg18[%parallel_loop3A_230] {strides = array<i32>} : memref<768xf32, #tpu.memory_space<vmem>>, vector<16xf32>,
        %parallel_loop3A_232 = arith.mulf %parallel_loop3A_229, %parallel_loop3A_231 : vector<16xf32>
        %parallel_loop3A_233 = arith.constant 0 : index
        %parallel_loop3A_234 = tpu.vector_load %arg19[%parallel_loop3A_233] {strides = array<i32>} : memref<768xf32, #tpu.memory_space<vmem>>, vector<16xf32>,
        %parallel_loop3A_235 = arith.addf %parallel_loop3A_232, %parallel_loop3A_234 : vector<16xf32>
        %parallel_loop3A_236 = arith.index_cast %parallel_loop3A_218 : i32 to index
        %parallel_loop3A_237 = arith.constant 0 : index
        %parallel_loop3A_238 = tpu.vector_load %arg14[%parallel_loop3A_236, %parallel_loop3A_237] {strides = array<i32>} : memref<96x768xf32, #tpu.memory_space<vmem>>, vector<16xf32>,
        tpu.vector_store %arg14[%parallel_loop3A_236, %parallel_loop3A_237], %parallel_loop3A_235 {strides = array<i32>} : memref<96x768xf32, #tpu.memory_space<vmem>>, vector<16xf32>,
        %parallel_loop3A_239 = arith.index_cast %parallel_loop3A_218 : i32 to index
        %parallel_loop3A_240 = arith.constant 16 : index
        %parallel_loop3A_241 = tpu.vector_load %arg14[%parallel_loop3A_239, %parallel_loop3A_240] {strides = array<i32>} : memref<96x768xf32, #tpu.memory_space<vmem>>, vector<16xf32>,
        %parallel_loop3A_242 = arith.subf %parallel_loop3A_241, %parallel_loop3A_221 : vector<16xf32>
        %parallel_loop3A_243 = arith.mulf %parallel_loop3A_242, %parallel_loop3A_224 : vector<16xf32>
        %parallel_loop3A_244 = arith.constant 16 : index
        %parallel_loop3A_245 = tpu.vector_load %arg18[%parallel_loop3A_244] {strides = array<i32>} : memref<768xf32, #tpu.memory_space<vmem>>, vector<16xf32>,
        %parallel_loop3A_246 = arith.mulf %parallel_loop3A_243, %parallel_loop3A_245 : vector<16xf32>
        %parallel_loop3A_247 = arith.constant 16 : index
        %parallel_loop3A_248 = tpu.vector_load %arg19[%parallel_loop3A_247] {strides = array<i32>} : memref<768xf32, #tpu.memory_space<vmem>>, vector<16xf32>,
        %parallel_loop3A_249 = arith.addf %parallel_loop3A_246, %parallel_loop3A_248 : vector<16xf32>
        %parallel_loop3A_250 = arith.index_cast %parallel_loop3A_218 : i32 to index
        %parallel_loop3A_251 = arith.constant 16 : index
        %parallel_loop3A_252 = tpu.vector_load %arg14[%parallel_loop3A_250, %parallel_loop3A_251] {strides = array<i32>} : memref<96x768xf32, #tpu.memory_space<vmem>>, vector<16xf32>,
        tpu.vector_store %arg14[%parallel_loop3A_250, %parallel_loop3A_251], %parallel_loop3A_249 {strides = array<i32>} : memref<96x768xf32, #tpu.memory_space<vmem>>, vector<16xf32>,
        %parallel_loop3A_253 = arith.index_cast %parallel_loop3A_218 : i32 to index
        %parallel_loop3A_254 = arith.constant 32 : index
        %parallel_loop3A_255 = tpu.vector_load %arg14[%parallel_loop3A_253, %parallel_loop3A_254] {strides = array<i32>} : memref<96x768xf32, #tpu.memory_space<vmem>>, vector<16xf32>,
        %parallel_loop3A_256 = arith.subf %parallel_loop3A_255, %parallel_loop3A_221 : vector<16xf32>
        %parallel_loop3A_257 = arith.mulf %parallel_loop3A_256, %parallel_loop3A_224 : vector<16xf32>
        %parallel_loop3A_258 = arith.constant 32 : index
        %parallel_loop3A_259 = tpu.vector_load %arg18[%parallel_loop3A_258] {strides = array<i32>} : memref<768xf32, #tpu.memory_space<vmem>>, vector<16xf32>,
        %parallel_loop3A_260 = arith.mulf %parallel_loop3A_257, %parallel_loop3A_259 : vector<16xf32>
        %parallel_loop3A_261 = arith.constant 32 : index
        %parallel_loop3A_262 = tpu.vector_load %arg19[%parallel_loop3A_261] {strides = array<i32>} : memref<768xf32, #tpu.memory_space<vmem>>, vector<16xf32>,
        %parallel_loop3A_263 = arith.addf %parallel_loop3A_260, %parallel_loop3A_262 : vector<16xf32>
        %parallel_loop3A_264 = arith.index_cast %parallel_loop3A_218 : i32 to index
        %parallel_loop3A_265 = arith.constant 32 : index
        %parallel_loop3A_266 = tpu.vector_load %arg14[%parallel_loop3A_264, %parallel_loop3A_265] {strides = array<i32>} : memref<96x768xf32, #tpu.memory_space<vmem>>, vector<16xf32>,
        tpu.vector_store %arg14[%parallel_loop3A_264, %parallel_loop3A_265], %parallel_loop3A_263 {strides = array<i32>} : memref<96x768xf32, #tpu.memory_space<vmem>>, vector<16xf32>,
        %parallel_loop3A_267 = arith.index_cast %parallel_loop3A_218 : i32 to index
        %parallel_loop3A_268 = arith.constant 48 : index
        %parallel_loop3A_269 = tpu.vector_load %arg14[%parallel_loop3A_267, %parallel_loop3A_268] {strides = array<i32>} : memref<96x768xf32, #tpu.memory_space<vmem>>, vector<16xf32>,
        %parallel_loop3A_270 = arith.subf %parallel_loop3A_269, %parallel_loop3A_221 : vector<16xf32>
        %parallel_loop3A_271 = arith.mulf %parallel_loop3A_270, %parallel_loop3A_224 : vector<16xf32>
        %parallel_loop3A_272 = arith.constant 48 : index
        %parallel_loop3A_273 = tpu.vector_load %arg18[%parallel_loop3A_272] {strides = array<i32>} : memref<768xf32, #tpu.memory_space<vmem>>, vector<16xf32>,
        %parallel_loop3A_274 = arith.mulf %parallel_loop3A_271, %parallel_loop3A_273 : vector<16xf32>
        %parallel_loop3A_275 = arith.constant 48 : index
        %parallel_loop3A_276 = tpu.vector_load %arg19[%parallel_loop3A_275] {strides = array<i32>} : memref<768xf32, #tpu.memory_space<vmem>>, vector<16xf32>,
        %parallel_loop3A_277 = arith.addf %parallel_loop3A_274, %parallel_loop3A_276 : vector<16xf32>
        %parallel_loop3A_278 = arith.index_cast %parallel_loop3A_218 : i32 to index
        %parallel_loop3A_279 = arith.constant 48 : index
        %parallel_loop3A_280 = tpu.vector_load %arg14[%parallel_loop3A_278, %parallel_loop3A_279] {strides = array<i32>} : memref<96x768xf32, #tpu.memory_space<vmem>>, vector<16xf32>,
        tpu.vector_store %arg14[%parallel_loop3A_278, %parallel_loop3A_279], %parallel_loop3A_277 {strides = array<i32>} : memref<96x768xf32, #tpu.memory_space<vmem>>, vector<16xf32>,
        %parallel_loop3A_281 = arith.index_cast %parallel_loop3A_218 : i32 to index
        %parallel_loop3A_282 = arith.constant 64 : index
        %parallel_loop3A_283 = tpu.vector_load %arg14[%parallel_loop3A_281, %parallel_loop3A_282] {strides = array<i32>} : memref<96x768xf32, #tpu.memory_space<vmem>>, vector<16xf32>,
        %parallel_loop3A_284 = arith.subf %parallel_loop3A_283, %parallel_loop3A_221 : vector<16xf32>
        %parallel_loop3A_285 = arith.mulf %parallel_loop3A_284, %parallel_loop3A_224 : vector<16xf32>
        %parallel_loop3A_286 = arith.constant 64 : index
        %parallel_loop3A_287 = tpu.vector_load %arg18[%parallel_loop3A_286] {strides = array<i32>} : memref<768xf32, #tpu.memory_space<vmem>>, vector<16xf32>,
        %parallel_loop3A_288 = arith.mulf %parallel_loop3A_285, %parallel_loop3A_287 : vector<16xf32>
        %parallel_loop3A_289 = arith.constant 64 : index
        %parallel_loop3A_290 = tpu.vector_load %arg19[%parallel_loop3A_289] {strides = array<i32>} : memref<768xf32, #tpu.memory_space<vmem>>, vector<16xf32>,
        %parallel_loop3A_291 = arith.addf %parallel_loop3A_288, %parallel_loop3A_290 : vector<16xf32>
        %parallel_loop3A_292 = arith.index_cast %parallel_loop3A_218 : i32 to index
        %parallel_loop3A_293 = arith.constant 64 : index
        %parallel_loop3A_294 = tpu.vector_load %arg14[%parallel_loop3A_292, %parallel_loop3A_293] {strides = array<i32>} : memref<96x768xf32, #tpu.memory_space<vmem>>, vector<16xf32>,
        tpu.vector_store %arg14[%parallel_loop3A_292, %parallel_loop3A_293], %parallel_loop3A_291 {strides = array<i32>} : memref<96x768xf32, #tpu.memory_space<vmem>>, vector<16xf32>,
        %parallel_loop3A_295 = arith.index_cast %parallel_loop3A_218 : i32 to index
        %parallel_loop3A_296 = arith.constant 80 : index
        %parallel_loop3A_297 = tpu.vector_load %arg14[%parallel_loop3A_295, %parallel_loop3A_296] {strides = array<i32>} : memref<96x768xf32, #tpu.memory_space<vmem>>, vector<16xf32>,
        %parallel_loop3A_298 = arith.subf %parallel_loop3A_297, %parallel_loop3A_221 : vector<16xf32>
        %parallel_loop3A_299 = arith.mulf %parallel_loop3A_298, %parallel_loop3A_224 : vector<16xf32>
        %parallel_loop3A_300 = arith.constant 80 : index
        %parallel_loop3A_301 = tpu.vector_load %arg18[%parallel_loop3A_300] {strides = array<i32>} : memref<768xf32, #tpu.memory_space<vmem>>, vector<16xf32>,
        %parallel_loop3A_302 = arith.mulf %parallel_loop3A_299, %parallel_loop3A_301 : vector<16xf32>
        %parallel_loop3A_303 = arith.constant 80 : index
        %parallel_loop3A_304 = tpu.vector_load %arg19[%parallel_loop3A_303] {strides = array<i32>} : memref<768xf32, #tpu.memory_space<vmem>>, vector<16xf32>,
        %parallel_loop3A_305 = arith.addf %parallel_loop3A_302, %parallel_loop3A_304 : vector<16xf32>
        %parallel_loop3A_306 = arith.index_cast %parallel_loop3A_218 : i32 to index
        %parallel_loop3A_307 = arith.constant 80 : index
        %parallel_loop3A_308 = tpu.vector_load %arg14[%parallel_loop3A_306, %parallel_loop3A_307] {strides = array<i32>} : memref<96x768xf32, #tpu.memory_space<vmem>>, vector<16xf32>,
        tpu.vector_store %arg14[%parallel_loop3A_306, %parallel_loop3A_307], %parallel_loop3A_305 {strides = array<i32>} : memref<96x768xf32, #tpu.memory_space<vmem>>, vector<16xf32>,
        %parallel_loop3A_309 = arith.index_cast %parallel_loop3A_218 : i32 to index
        %parallel_loop3A_310 = arith.constant 96 : index
        %parallel_loop3A_311 = tpu.vector_load %arg14[%parallel_loop3A_309, %parallel_loop3A_310] {strides = array<i32>} : memref<96x768xf32, #tpu.memory_space<vmem>>, vector<16xf32>,
        %parallel_loop3A_312 = arith.subf %parallel_loop3A_311, %parallel_loop3A_221 : vector<16xf32>
        %parallel_loop3A_313 = arith.mulf %parallel_loop3A_312, %parallel_loop3A_224 : vector<16xf32>
        %parallel_loop3A_314 = arith.constant 96 : index
        %parallel_loop3A_315 = tpu.vector_load %arg18[%parallel_loop3A_314] {strides = array<i32>} : memref<768xf32, #tpu.memory_space<vmem>>, vector<16xf32>,
        %parallel_loop3A_316 = arith.mulf %parallel_loop3A_313, %parallel_loop3A_315 : vector<16xf32>
        %parallel_loop3A_317 = arith.constant 96 : index
        %parallel_loop3A_318 = tpu.vector_load %arg19[%parallel_loop3A_317] {strides = array<i32>} : memref<768xf32, #tpu.memory_space<vmem>>, vector<16xf32>,
        %parallel_loop3A_319 = arith.addf %parallel_loop3A_316, %parallel_loop3A_318 : vector<16xf32>
        %parallel_loop3A_320 = arith.index_cast %parallel_loop3A_218 : i32 to index
        %parallel_loop3A_321 = arith.constant 96 : index
        %parallel_loop3A_322 = tpu.vector_load %arg14[%parallel_loop3A_320, %parallel_loop3A_321] {strides = array<i32>} : memref<96x768xf32, #tpu.memory_space<vmem>>, vector<16xf32>,
        tpu.vector_store %arg14[%parallel_loop3A_320, %parallel_loop3A_321], %parallel_loop3A_319 {strides = array<i32>} : memref<96x768xf32, #tpu.memory_space<vmem>>, vector<16xf32>,
        %parallel_loop3A_323 = arith.index_cast %parallel_loop3A_218 : i32 to index
        %parallel_loop3A_324 = arith.constant 112 : index
        %parallel_loop3A_325 = tpu.vector_load %arg14[%parallel_loop3A_323, %parallel_loop3A_324] {strides = array<i32>} : memref<96x768xf32, #tpu.memory_space<vmem>>, vector<16xf32>,
        %parallel_loop3A_326 = arith.subf %parallel_loop3A_325, %parallel_loop3A_221 : vector<16xf32>
        %parallel_loop3A_327 = arith.mulf %parallel_loop3A_326, %parallel_loop3A_224 : vector<16xf32>
        %parallel_loop3A_328 = arith.constant 112 : index
        %parallel_loop3A_329 = tpu.vector_load %arg18[%parallel_loop3A_328] {strides = array<i32>} : memref<768xf32, #tpu.memory_space<vmem>>, vector<16xf32>,
        %parallel_loop3A_330 = arith.mulf %parallel_loop3A_327, %parallel_loop3A_329 : vector<16xf32>
        %parallel_loop3A_331 = arith.constant 112 : index
        %parallel_loop3A_332 = tpu.vector_load %arg19[%parallel_loop3A_331] {strides = array<i32>} : memref<768xf32, #tpu.memory_space<vmem>>, vector<16xf32>,
        %parallel_loop3A_333 = arith.addf %parallel_loop3A_330, %parallel_loop3A_332 : vector<16xf32>
        %parallel_loop3A_334 = arith.index_cast %parallel_loop3A_218 : i32 to index
        %parallel_loop3A_335 = arith.constant 112 : index
        %parallel_loop3A_336 = tpu.vector_load %arg14[%parallel_loop3A_334, %parallel_loop3A_335] {strides = array<i32>} : memref<96x768xf32, #tpu.memory_space<vmem>>, vector<16xf32>,
        tpu.vector_store %arg14[%parallel_loop3A_334, %parallel_loop3A_335], %parallel_loop3A_333 {strides = array<i32>} : memref<96x768xf32, #tpu.memory_space<vmem>>, vector<16xf32>,
        %parallel_loop3A_337 = arith.index_cast %parallel_loop3A_218 : i32 to index
        %parallel_loop3A_338 = arith.constant 128 : index
        %parallel_loop3A_339 = tpu.vector_load %arg14[%parallel_loop3A_337, %parallel_loop3A_338] {strides = array<i32>} : memref<96x768xf32, #tpu.memory_space<vmem>>, vector<16xf32>,
        %parallel_loop3A_340 = arith.subf %parallel_loop3A_339, %parallel_loop3A_221 : vector<16xf32>
        %parallel_loop3A_341 = arith.mulf %parallel_loop3A_340, %parallel_loop3A_224 : vector<16xf32>
        %parallel_loop3A_342 = arith.constant 128 : index
        %parallel_loop3A_343 = tpu.vector_load %arg18[%parallel_loop3A_342] {strides = array<i32>} : memref<768xf32, #tpu.memory_space<vmem>>, vector<16xf32>,
        %parallel_loop3A_344 = arith.mulf %parallel_loop3A_341, %parallel_loop3A_343 : vector<16xf32>
        %parallel_loop3A_345 = arith.constant 128 : index
        %parallel_loop3A_346 = tpu.vector_load %arg19[%parallel_loop3A_345] {strides = array<i32>} : memref<768xf32, #tpu.memory_space<vmem>>, vector<16xf32>,
        %parallel_loop3A_347 = arith.addf %parallel_loop3A_344, %parallel_loop3A_346 : vector<16xf32>
        %parallel_loop3A_348 = arith.index_cast %parallel_loop3A_218 : i32 to index
        %parallel_loop3A_349 = arith.constant 128 : index
        %parallel_loop3A_350 = tpu.vector_load %arg14[%parallel_loop3A_348, %parallel_loop3A_349] {strides = array<i32>} : memref<96x768xf32, #tpu.memory_space<vmem>>, vector<16xf32>,
        tpu.vector_store %arg14[%parallel_loop3A_348, %parallel_loop3A_349], %parallel_loop3A_347 {strides = array<i32>} : memref<96x768xf32, #tpu.memory_space<vmem>>, vector<16xf32>,
        %parallel_loop3A_351 = arith.index_cast %parallel_loop3A_218 : i32 to index
        %parallel_loop3A_352 = arith.constant 144 : index
        %parallel_loop3A_353 = tpu.vector_load %arg14[%parallel_loop3A_351, %parallel_loop3A_352] {strides = array<i32>} : memref<96x768xf32, #tpu.memory_space<vmem>>, vector<16xf32>,
        %parallel_loop3A_354 = arith.subf %parallel_loop3A_353, %parallel_loop3A_221 : vector<16xf32>
        %parallel_loop3A_355 = arith.mulf %parallel_loop3A_354, %parallel_loop3A_224 : vector<16xf32>
        %parallel_loop3A_356 = arith.constant 144 : index
        %parallel_loop3A_357 = tpu.vector_load %arg18[%parallel_loop3A_356] {strides = array<i32>} : memref<768xf32, #tpu.memory_space<vmem>>, vector<16xf32>,
        %parallel_loop3A_358 = arith.mulf %parallel_loop3A_355, %parallel_loop3A_357 : vector<16xf32>
        %parallel_loop3A_359 = arith.constant 144 : index
        %parallel_loop3A_360 = tpu.vector_load %arg19[%parallel_loop3A_359] {strides = array<i32>} : memref<768xf32, #tpu.memory_space<vmem>>, vector<16xf32>,
        %parallel_loop3A_361 = arith.addf %parallel_loop3A_358, %parallel_loop3A_360 : vector<16xf32>
        %parallel_loop3A_362 = arith.index_cast %parallel_loop3A_218 : i32 to index
        %parallel_loop3A_363 = arith.constant 144 : index
        %parallel_loop3A_364 = tpu.vector_load %arg14[%parallel_loop3A_362, %parallel_loop3A_363] {strides = array<i32>} : memref<96x768xf32, #tpu.memory_space<vmem>>, vector<16xf32>,
        tpu.vector_store %arg14[%parallel_loop3A_362, %parallel_loop3A_363], %parallel_loop3A_361 {strides = array<i32>} : memref<96x768xf32, #tpu.memory_space<vmem>>, vector<16xf32>,
        %parallel_loop3A_365 = arith.index_cast %parallel_loop3A_218 : i32 to index
        %parallel_loop3A_366 = arith.constant 160 : index
        %parallel_loop3A_367 = tpu.vector_load %arg14[%parallel_loop3A_365, %parallel_loop3A_366] {strides = array<i32>} : memref<96x768xf32, #tpu.memory_space<vmem>>, vector<16xf32>,
        %parallel_loop3A_368 = arith.subf %parallel_loop3A_367, %parallel_loop3A_221 : vector<16xf32>
        %parallel_loop3A_369 = arith.mulf %parallel_loop3A_368, %parallel_loop3A_224 : vector<16xf32>
        %parallel_loop3A_370 = arith.constant 160 : index
        %parallel_loop3A_371 = tpu.vector_load %arg18[%parallel_loop3A_370] {strides = array<i32>} : memref<768xf32, #tpu.memory_space<vmem>>, vector<16xf32>,
        %parallel_loop3A_372 = arith.mulf %parallel_loop3A_369, %parallel_loop3A_371 : vector<16xf32>
        %parallel_loop3A_373 = arith.constant 160 : index
        %parallel_loop3A_374 = tpu.vector_load %arg19[%parallel_loop3A_373] {strides = array<i32>} : memref<768xf32, #tpu.memory_space<vmem>>, vector<16xf32>,
        %parallel_loop3A_375 = arith.addf %parallel_loop3A_372, %parallel_loop3A_374 : vector<16xf32>
        %parallel_loop3A_376 = arith.index_cast %parallel_loop3A_218 : i32 to index
        %parallel_loop3A_377 = arith.constant 160 : index
        %parallel_loop3A_378 = tpu.vector_load %arg14[%parallel_loop3A_376, %parallel_loop3A_377] {strides = array<i32>} : memref<96x768xf32, #tpu.memory_space<vmem>>, vector<16xf32>,
        tpu.vector_store %arg14[%parallel_loop3A_376, %parallel_loop3A_377], %parallel_loop3A_375 {strides = array<i32>} : memref<96x768xf32, #tpu.memory_space<vmem>>, vector<16xf32>,
        %parallel_loop3A_379 = arith.index_cast %parallel_loop3A_218 : i32 to index
        %parallel_loop3A_380 = arith.constant 176 : index
        %parallel_loop3A_381 = tpu.vector_load %arg14[%parallel_loop3A_379, %parallel_loop3A_380] {strides = array<i32>} : memref<96x768xf32, #tpu.memory_space<vmem>>, vector<16xf32>,
        %parallel_loop3A_382 = arith.subf %parallel_loop3A_381, %parallel_loop3A_221 : vector<16xf32>
        %parallel_loop3A_383 = arith.mulf %parallel_loop3A_382, %parallel_loop3A_224 : vector<16xf32>
        %parallel_loop3A_384 = arith.constant 176 : index
        %parallel_loop3A_385 = tpu.vector_load %arg18[%parallel_loop3A_384] {strides = array<i32>} : memref<768xf32, #tpu.memory_space<vmem>>, vector<16xf32>,
        %parallel_loop3A_386 = arith.mulf %parallel_loop3A_383, %parallel_loop3A_385 : vector<16xf32>
        %parallel_loop3A_387 = arith.constant 176 : index
        %parallel_loop3A_388 = tpu.vector_load %arg19[%parallel_loop3A_387] {strides = array<i32>} : memref<768xf32, #tpu.memory_space<vmem>>, vector<16xf32>,
        %parallel_loop3A_389 = arith.addf %parallel_loop3A_386, %parallel_loop3A_388 : vector<16xf32>
        %parallel_loop3A_390 = arith.index_cast %parallel_loop3A_218 : i32 to index
        %parallel_loop3A_391 = arith.constant 176 : index
        %parallel_loop3A_392 = tpu.vector_load %arg14[%parallel_loop3A_390, %parallel_loop3A_391] {strides = array<i32>} : memref<96x768xf32, #tpu.memory_space<vmem>>, vector<16xf32>,
        tpu.vector_store %arg14[%parallel_loop3A_390, %parallel_loop3A_391], %parallel_loop3A_389 {strides = array<i32>} : memref<96x768xf32, #tpu.memory_space<vmem>>, vector<16xf32>,
        %parallel_loop3A_393 = arith.index_cast %parallel_loop3A_218 : i32 to index
        %parallel_loop3A_394 = arith.constant 192 : index
        %parallel_loop3A_395 = tpu.vector_load %arg14[%parallel_loop3A_393, %parallel_loop3A_394] {strides = array<i32>} : memref<96x768xf32, #tpu.memory_space<vmem>>, vector<16xf32>,
        %parallel_loop3A_396 = arith.subf %parallel_loop3A_395, %parallel_loop3A_221 : vector<16xf32>
        %parallel_loop3A_397 = arith.mulf %parallel_loop3A_396, %parallel_loop3A_224 : vector<16xf32>
        %parallel_loop3A_398 = arith.constant 192 : index
        %parallel_loop3A_399 = tpu.vector_load %arg18[%parallel_loop3A_398] {strides = array<i32>} : memref<768xf32, #tpu.memory_space<vmem>>, vector<16xf32>,
        %parallel_loop3A_400 = arith.mulf %parallel_loop3A_397, %parallel_loop3A_399 : vector<16xf32>
        %parallel_loop3A_401 = arith.constant 192 : index
        %parallel_loop3A_402 = tpu.vector_load %arg19[%parallel_loop3A_401] {strides = array<i32>} : memref<768xf32, #tpu.memory_space<vmem>>, vector<16xf32>,
        %parallel_loop3A_403 = arith.addf %parallel_loop3A_400, %parallel_loop3A_402 : vector<16xf32>
        %parallel_loop3A_404 = arith.index_cast %parallel_loop3A_218 : i32 to index
        %parallel_loop3A_405 = arith.constant 192 : index
        %parallel_loop3A_406 = tpu.vector_load %arg14[%parallel_loop3A_404, %parallel_loop3A_405] {strides = array<i32>} : memref<96x768xf32, #tpu.memory_space<vmem>>, vector<16xf32>,
        tpu.vector_store %arg14[%parallel_loop3A_404, %parallel_loop3A_405], %parallel_loop3A_403 {strides = array<i32>} : memref<96x768xf32, #tpu.memory_space<vmem>>, vector<16xf32>,
        %parallel_loop3A_407 = arith.index_cast %parallel_loop3A_218 : i32 to index
        %parallel_loop3A_408 = arith.constant 208 : index
        %parallel_loop3A_409 = tpu.vector_load %arg14[%parallel_loop3A_407, %parallel_loop3A_408] {strides = array<i32>} : memref<96x768xf32, #tpu.memory_space<vmem>>, vector<16xf32>,
        %parallel_loop3A_410 = arith.subf %parallel_loop3A_409, %parallel_loop3A_221 : vector<16xf32>
        %parallel_loop3A_411 = arith.mulf %parallel_loop3A_410, %parallel_loop3A_224 : vector<16xf32>
        %parallel_loop3A_412 = arith.constant 208 : index
        %parallel_loop3A_413 = tpu.vector_load %arg18[%parallel_loop3A_412] {strides = array<i32>} : memref<768xf32, #tpu.memory_space<vmem>>, vector<16xf32>,
        %parallel_loop3A_414 = arith.mulf %parallel_loop3A_411, %parallel_loop3A_413 : vector<16xf32>
        %parallel_loop3A_415 = arith.constant 208 : index
        %parallel_loop3A_416 = tpu.vector_load %arg19[%parallel_loop3A_415] {strides = array<i32>} : memref<768xf32, #tpu.memory_space<vmem>>, vector<16xf32>,
        %parallel_loop3A_417 = arith.addf %parallel_loop3A_414, %parallel_loop3A_416 : vector<16xf32>
        %parallel_loop3A_418 = arith.index_cast %parallel_loop3A_218 : i32 to index
        %parallel_loop3A_419 = arith.constant 208 : index
        %parallel_loop3A_420 = tpu.vector_load %arg14[%parallel_loop3A_418, %parallel_loop3A_419] {strides = array<i32>} : memref<96x768xf32, #tpu.memory_space<vmem>>, vector<16xf32>,
        tpu.vector_store %arg14[%parallel_loop3A_418, %parallel_loop3A_419], %parallel_loop3A_417 {strides = array<i32>} : memref<96x768xf32, #tpu.memory_space<vmem>>, vector<16xf32>,
        %parallel_loop3A_421 = arith.index_cast %parallel_loop3A_218 : i32 to index
        %parallel_loop3A_422 = arith.constant 224 : index
        %parallel_loop3A_423 = tpu.vector_load %arg14[%parallel_loop3A_421, %parallel_loop3A_422] {strides = array<i32>} : memref<96x768xf32, #tpu.memory_space<vmem>>, vector<16xf32>,
        %parallel_loop3A_424 = arith.subf %parallel_loop3A_423, %parallel_loop3A_221 : vector<16xf32>
        %parallel_loop3A_425 = arith.mulf %parallel_loop3A_424, %parallel_loop3A_224 : vector<16xf32>
        %parallel_loop3A_426 = arith.constant 224 : index
        %parallel_loop3A_427 = tpu.vector_load %arg18[%parallel_loop3A_426] {strides = array<i32>} : memref<768xf32, #tpu.memory_space<vmem>>, vector<16xf32>,
        %parallel_loop3A_428 = arith.mulf %parallel_loop3A_425, %parallel_loop3A_427 : vector<16xf32>
        %parallel_loop3A_429 = arith.constant 224 : index
        %parallel_loop3A_430 = tpu.vector_load %arg19[%parallel_loop3A_429] {strides = array<i32>} : memref<768xf32, #tpu.memory_space<vmem>>, vector<16xf32>,
        %parallel_loop3A_431 = arith.addf %parallel_loop3A_428, %parallel_loop3A_430 : vector<16xf32>
        %parallel_loop3A_432 = arith.index_cast %parallel_loop3A_218 : i32 to index
        %parallel_loop3A_433 = arith.constant 224 : index
        %parallel_loop3A_434 = tpu.vector_load %arg14[%parallel_loop3A_432, %parallel_loop3A_433] {strides = array<i32>} : memref<96x768xf32, #tpu.memory_space<vmem>>, vector<16xf32>,
        tpu.vector_store %arg14[%parallel_loop3A_432, %parallel_loop3A_433], %parallel_loop3A_431 {strides = array<i32>} : memref<96x768xf32, #tpu.memory_space<vmem>>, vector<16xf32>,
        %parallel_loop3A_435 = arith.index_cast %parallel_loop3A_218 : i32 to index
        %parallel_loop3A_436 = arith.constant 240 : index
        %parallel_loop3A_437 = tpu.vector_load %arg14[%parallel_loop3A_435, %parallel_loop3A_436] {strides = array<i32>} : memref<96x768xf32, #tpu.memory_space<vmem>>, vector<16xf32>,
        %parallel_loop3A_438 = arith.subf %parallel_loop3A_437, %parallel_loop3A_221 : vector<16xf32>
        %parallel_loop3A_439 = arith.mulf %parallel_loop3A_438, %parallel_loop3A_224 : vector<16xf32>
        %parallel_loop3A_440 = arith.constant 240 : index
        %parallel_loop3A_441 = tpu.vector_load %arg18[%parallel_loop3A_440] {strides = array<i32>} : memref<768xf32, #tpu.memory_space<vmem>>, vector<16xf32>,
        %parallel_loop3A_442 = arith.mulf %parallel_loop3A_439, %parallel_loop3A_441 : vector<16xf32>
        %parallel_loop3A_443 = arith.constant 240 : index
        %parallel_loop3A_444 = tpu.vector_load %arg19[%parallel_loop3A_443] {strides = array<i32>} : memref<768xf32, #tpu.memory_space<vmem>>, vector<16xf32>,
        %parallel_loop3A_445 = arith.addf %parallel_loop3A_442, %parallel_loop3A_444 : vector<16xf32>
        %parallel_loop3A_446 = arith.index_cast %parallel_loop3A_218 : i32 to index
        %parallel_loop3A_447 = arith.constant 240 : index
        %parallel_loop3A_448 = tpu.vector_load %arg14[%parallel_loop3A_446, %parallel_loop3A_447] {strides = array<i32>} : memref<96x768xf32, #tpu.memory_space<vmem>>, vector<16xf32>,
        tpu.vector_store %arg14[%parallel_loop3A_446, %parallel_loop3A_447], %parallel_loop3A_445 {strides = array<i32>} : memref<96x768xf32, #tpu.memory_space<vmem>>, vector<16xf32>,
        %parallel_loop3A_449 = arith.index_cast %parallel_loop3A_218 : i32 to index
        %parallel_loop3A_450 = arith.constant 256 : index
        %parallel_loop3A_451 = tpu.vector_load %arg14[%parallel_loop3A_449, %parallel_loop3A_450] {strides = array<i32>} : memref<96x768xf32, #tpu.memory_space<vmem>>, vector<16xf32>,
        %parallel_loop3A_452 = arith.subf %parallel_loop3A_451, %parallel_loop3A_221 : vector<16xf32>
        %parallel_loop3A_453 = arith.mulf %parallel_loop3A_452, %parallel_loop3A_224 : vector<16xf32>
        %parallel_loop3A_454 = arith.constant 256 : index
        %parallel_loop3A_455 = tpu.vector_load %arg18[%parallel_loop3A_454] {strides = array<i32>} : memref<768xf32, #tpu.memory_space<vmem>>, vector<16xf32>,
        %parallel_loop3A_456 = arith.mulf %parallel_loop3A_453, %parallel_loop3A_455 : vector<16xf32>
        %parallel_loop3A_457 = arith.constant 256 : index
        %parallel_loop3A_458 = tpu.vector_load %arg19[%parallel_loop3A_457] {strides = array<i32>} : memref<768xf32, #tpu.memory_space<vmem>>, vector<16xf32>,
        %parallel_loop3A_459 = arith.addf %parallel_loop3A_456, %parallel_loop3A_458 : vector<16xf32>
        %parallel_loop3A_460 = arith.index_cast %parallel_loop3A_218 : i32 to index
        %parallel_loop3A_461 = arith.constant 256 : index
        %parallel_loop3A_462 = tpu.vector_load %arg14[%parallel_loop3A_460, %parallel_loop3A_461] {strides = array<i32>} : memref<96x768xf32, #tpu.memory_space<vmem>>, vector<16xf32>,
        tpu.vector_store %arg14[%parallel_loop3A_460, %parallel_loop3A_461], %parallel_loop3A_459 {strides = array<i32>} : memref<96x768xf32, #tpu.memory_space<vmem>>, vector<16xf32>,
        %parallel_loop3A_463 = arith.index_cast %parallel_loop3A_218 : i32 to index
        %parallel_loop3A_464 = arith.constant 272 : index
        %parallel_loop3A_465 = tpu.vector_load %arg14[%parallel_loop3A_463, %parallel_loop3A_464] {strides = array<i32>} : memref<96x768xf32, #tpu.memory_space<vmem>>, vector<16xf32>,
        %parallel_loop3A_466 = arith.subf %parallel_loop3A_465, %parallel_loop3A_221 : vector<16xf32>
        %parallel_loop3A_467 = arith.mulf %parallel_loop3A_466, %parallel_loop3A_224 : vector<16xf32>
        %parallel_loop3A_468 = arith.constant 272 : index
        %parallel_loop3A_469 = tpu.vector_load %arg18[%parallel_loop3A_468] {strides = array<i32>} : memref<768xf32, #tpu.memory_space<vmem>>, vector<16xf32>,
        %parallel_loop3A_470 = arith.mulf %parallel_loop3A_467, %parallel_loop3A_469 : vector<16xf32>
        %parallel_loop3A_471 = arith.constant 272 : index
        %parallel_loop3A_472 = tpu.vector_load %arg19[%parallel_loop3A_471] {strides = array<i32>} : memref<768xf32, #tpu.memory_space<vmem>>, vector<16xf32>,
        %parallel_loop3A_473 = arith.addf %parallel_loop3A_470, %parallel_loop3A_472 : vector<16xf32>
        %parallel_loop3A_474 = arith.index_cast %parallel_loop3A_218 : i32 to index
        %parallel_loop3A_475 = arith.constant 272 : index
        %parallel_loop3A_476 = tpu.vector_load %arg14[%parallel_loop3A_474, %parallel_loop3A_475] {strides = array<i32>} : memref<96x768xf32, #tpu.memory_space<vmem>>, vector<16xf32>,
        tpu.vector_store %arg14[%parallel_loop3A_474, %parallel_loop3A_475], %parallel_loop3A_473 {strides = array<i32>} : memref<96x768xf32, #tpu.memory_space<vmem>>, vector<16xf32>,
        %parallel_loop3A_477 = arith.index_cast %parallel_loop3A_218 : i32 to index
        %parallel_loop3A_478 = arith.constant 288 : index
        %parallel_loop3A_479 = tpu.vector_load %arg14[%parallel_loop3A_477, %parallel_loop3A_478] {strides = array<i32>} : memref<96x768xf32, #tpu.memory_space<vmem>>, vector<16xf32>,
        %parallel_loop3A_480 = arith.subf %parallel_loop3A_479, %parallel_loop3A_221 : vector<16xf32>
        %parallel_loop3A_481 = arith.mulf %parallel_loop3A_480, %parallel_loop3A_224 : vector<16xf32>
        %parallel_loop3A_482 = arith.constant 288 : index
        %parallel_loop3A_483 = tpu.vector_load %arg18[%parallel_loop3A_482] {strides = array<i32>} : memref<768xf32, #tpu.memory_space<vmem>>, vector<16xf32>,
        %parallel_loop3A_484 = arith.mulf %parallel_loop3A_481, %parallel_loop3A_483 : vector<16xf32>
        %parallel_loop3A_485 = arith.constant 288 : index
        %parallel_loop3A_486 = tpu.vector_load %arg19[%parallel_loop3A_485] {strides = array<i32>} : memref<768xf32, #tpu.memory_space<vmem>>, vector<16xf32>,
        %parallel_loop3A_487 = arith.addf %parallel_loop3A_484, %parallel_loop3A_486 : vector<16xf32>
        %parallel_loop3A_488 = arith.index_cast %parallel_loop3A_218 : i32 to index
        %parallel_loop3A_489 = arith.constant 288 : index
        %parallel_loop3A_490 = tpu.vector_load %arg14[%parallel_loop3A_488, %parallel_loop3A_489] {strides = array<i32>} : memref<96x768xf32, #tpu.memory_space<vmem>>, vector<16xf32>,
        tpu.vector_store %arg14[%parallel_loop3A_488, %parallel_loop3A_489], %parallel_loop3A_487 {strides = array<i32>} : memref<96x768xf32, #tpu.memory_space<vmem>>, vector<16xf32>,
        %parallel_loop3A_491 = arith.index_cast %parallel_loop3A_218 : i32 to index
        %parallel_loop3A_492 = arith.constant 304 : index
        %parallel_loop3A_493 = tpu.vector_load %arg14[%parallel_loop3A_491, %parallel_loop3A_492] {strides = array<i32>} : memref<96x768xf32, #tpu.memory_space<vmem>>, vector<16xf32>,
        %parallel_loop3A_494 = arith.subf %parallel_loop3A_493, %parallel_loop3A_221 : vector<16xf32>
        %parallel_loop3A_495 = arith.mulf %parallel_loop3A_494, %parallel_loop3A_224 : vector<16xf32>
        %parallel_loop3A_496 = arith.constant 304 : index
        %parallel_loop3A_497 = tpu.vector_load %arg18[%parallel_loop3A_496] {strides = array<i32>} : memref<768xf32, #tpu.memory_space<vmem>>, vector<16xf32>,
        %parallel_loop3A_498 = arith.mulf %parallel_loop3A_495, %parallel_loop3A_497 : vector<16xf32>
        %parallel_loop3A_499 = arith.constant 304 : index
        %parallel_loop3A_500 = tpu.vector_load %arg19[%parallel_loop3A_499] {strides = array<i32>} : memref<768xf32, #tpu.memory_space<vmem>>, vector<16xf32>,
        %parallel_loop3A_501 = arith.addf %parallel_loop3A_498, %parallel_loop3A_500 : vector<16xf32>
        %parallel_loop3A_502 = arith.index_cast %parallel_loop3A_218 : i32 to index
        %parallel_loop3A_503 = arith.constant 304 : index
        %parallel_loop3A_504 = tpu.vector_load %arg14[%parallel_loop3A_502, %parallel_loop3A_503] {strides = array<i32>} : memref<96x768xf32, #tpu.memory_space<vmem>>, vector<16xf32>,
        tpu.vector_store %arg14[%parallel_loop3A_502, %parallel_loop3A_503], %parallel_loop3A_501 {strides = array<i32>} : memref<96x768xf32, #tpu.memory_space<vmem>>, vector<16xf32>,
        %parallel_loop3A_505 = arith.index_cast %parallel_loop3A_218 : i32 to index
        %parallel_loop3A_506 = arith.constant 320 : index
        %parallel_loop3A_507 = tpu.vector_load %arg14[%parallel_loop3A_505, %parallel_loop3A_506] {strides = array<i32>} : memref<96x768xf32, #tpu.memory_space<vmem>>, vector<16xf32>,
        %parallel_loop3A_508 = arith.subf %parallel_loop3A_507, %parallel_loop3A_221 : vector<16xf32>
        %parallel_loop3A_509 = arith.mulf %parallel_loop3A_508, %parallel_loop3A_224 : vector<16xf32>
        %parallel_loop3A_510 = arith.constant 320 : index
        %parallel_loop3A_511 = tpu.vector_load %arg18[%parallel_loop3A_510] {strides = array<i32>} : memref<768xf32, #tpu.memory_space<vmem>>, vector<16xf32>,
        %parallel_loop3A_512 = arith.mulf %parallel_loop3A_509, %parallel_loop3A_511 : vector<16xf32>
        %parallel_loop3A_513 = arith.constant 320 : index
        %parallel_loop3A_514 = tpu.vector_load %arg19[%parallel_loop3A_513] {strides = array<i32>} : memref<768xf32, #tpu.memory_space<vmem>>, vector<16xf32>,
        %parallel_loop3A_515 = arith.addf %parallel_loop3A_512, %parallel_loop3A_514 : vector<16xf32>
        %parallel_loop3A_516 = arith.index_cast %parallel_loop3A_218 : i32 to index
        %parallel_loop3A_517 = arith.constant 320 : index
        %parallel_loop3A_518 = tpu.vector_load %arg14[%parallel_loop3A_516, %parallel_loop3A_517] {strides = array<i32>} : memref<96x768xf32, #tpu.memory_space<vmem>>, vector<16xf32>,
        tpu.vector_store %arg14[%parallel_loop3A_516, %parallel_loop3A_517], %parallel_loop3A_515 {strides = array<i32>} : memref<96x768xf32, #tpu.memory_space<vmem>>, vector<16xf32>,
        %parallel_loop3A_519 = arith.index_cast %parallel_loop3A_218 : i32 to index
        %parallel_loop3A_520 = arith.constant 336 : index
        %parallel_loop3A_521 = tpu.vector_load %arg14[%parallel_loop3A_519, %parallel_loop3A_520] {strides = array<i32>} : memref<96x768xf32, #tpu.memory_space<vmem>>, vector<16xf32>,
        %parallel_loop3A_522 = arith.subf %parallel_loop3A_521, %parallel_loop3A_221 : vector<16xf32>
        %parallel_loop3A_523 = arith.mulf %parallel_loop3A_522, %parallel_loop3A_224 : vector<16xf32>
        %parallel_loop3A_524 = arith.constant 336 : index
        %parallel_loop3A_525 = tpu.vector_load %arg18[%parallel_loop3A_524] {strides = array<i32>} : memref<768xf32, #tpu.memory_space<vmem>>, vector<16xf32>,
        %parallel_loop3A_526 = arith.mulf %parallel_loop3A_523, %parallel_loop3A_525 : vector<16xf32>
        %parallel_loop3A_527 = arith.constant 336 : index
        %parallel_loop3A_528 = tpu.vector_load %arg19[%parallel_loop3A_527] {strides = array<i32>} : memref<768xf32, #tpu.memory_space<vmem>>, vector<16xf32>,
        %parallel_loop3A_529 = arith.addf %parallel_loop3A_526, %parallel_loop3A_528 : vector<16xf32>
        %parallel_loop3A_530 = arith.index_cast %parallel_loop3A_218 : i32 to index
        %parallel_loop3A_531 = arith.constant 336 : index
        %parallel_loop3A_532 = tpu.vector_load %arg14[%parallel_loop3A_530, %parallel_loop3A_531] {strides = array<i32>} : memref<96x768xf32, #tpu.memory_space<vmem>>, vector<16xf32>,
        tpu.vector_store %arg14[%parallel_loop3A_530, %parallel_loop3A_531], %parallel_loop3A_529 {strides = array<i32>} : memref<96x768xf32, #tpu.memory_space<vmem>>, vector<16xf32>,
        %parallel_loop3A_533 = arith.index_cast %parallel_loop3A_218 : i32 to index
        %parallel_loop3A_534 = arith.constant 352 : index
        %parallel_loop3A_535 = tpu.vector_load %arg14[%parallel_loop3A_533, %parallel_loop3A_534] {strides = array<i32>} : memref<96x768xf32, #tpu.memory_space<vmem>>, vector<16xf32>,
        %parallel_loop3A_536 = arith.subf %parallel_loop3A_535, %parallel_loop3A_221 : vector<16xf32>
        %parallel_loop3A_537 = arith.mulf %parallel_loop3A_536, %parallel_loop3A_224 : vector<16xf32>
        %parallel_loop3A_538 = arith.constant 352 : index
        %parallel_loop3A_539 = tpu.vector_load %arg18[%parallel_loop3A_538] {strides = array<i32>} : memref<768xf32, #tpu.memory_space<vmem>>, vector<16xf32>,
        %parallel_loop3A_540 = arith.mulf %parallel_loop3A_537, %parallel_loop3A_539 : vector<16xf32>
        %parallel_loop3A_541 = arith.constant 352 : index
        %parallel_loop3A_542 = tpu.vector_load %arg19[%parallel_loop3A_541] {strides = array<i32>} : memref<768xf32, #tpu.memory_space<vmem>>, vector<16xf32>,
        %parallel_loop3A_543 = arith.addf %parallel_loop3A_540, %parallel_loop3A_542 : vector<16xf32>
        %parallel_loop3A_544 = arith.index_cast %parallel_loop3A_218 : i32 to index
        %parallel_loop3A_545 = arith.constant 352 : index
        %parallel_loop3A_546 = tpu.vector_load %arg14[%parallel_loop3A_544, %parallel_loop3A_545] {strides = array<i32>} : memref<96x768xf32, #tpu.memory_space<vmem>>, vector<16xf32>,
        tpu.vector_store %arg14[%parallel_loop3A_544, %parallel_loop3A_545], %parallel_loop3A_543 {strides = array<i32>} : memref<96x768xf32, #tpu.memory_space<vmem>>, vector<16xf32>,
        %parallel_loop3A_547 = arith.index_cast %parallel_loop3A_218 : i32 to index
        %parallel_loop3A_548 = arith.constant 368 : index
        %parallel_loop3A_549 = tpu.vector_load %arg14[%parallel_loop3A_547, %parallel_loop3A_548] {strides = array<i32>} : memref<96x768xf32, #tpu.memory_space<vmem>>, vector<16xf32>,
        %parallel_loop3A_550 = arith.subf %parallel_loop3A_549, %parallel_loop3A_221 : vector<16xf32>
        %parallel_loop3A_551 = arith.mulf %parallel_loop3A_550, %parallel_loop3A_224 : vector<16xf32>
        %parallel_loop3A_552 = arith.constant 368 : index
        %parallel_loop3A_553 = tpu.vector_load %arg18[%parallel_loop3A_552] {strides = array<i32>} : memref<768xf32, #tpu.memory_space<vmem>>, vector<16xf32>,
        %parallel_loop3A_554 = arith.mulf %parallel_loop3A_551, %parallel_loop3A_553 : vector<16xf32>
        %parallel_loop3A_555 = arith.constant 368 : index
        %parallel_loop3A_556 = tpu.vector_load %arg19[%parallel_loop3A_555] {strides = array<i32>} : memref<768xf32, #tpu.memory_space<vmem>>, vector<16xf32>,
        %parallel_loop3A_557 = arith.addf %parallel_loop3A_554, %parallel_loop3A_556 : vector<16xf32>
        %parallel_loop3A_558 = arith.index_cast %parallel_loop3A_218 : i32 to index
        %parallel_loop3A_559 = arith.constant 368 : index
        %parallel_loop3A_560 = tpu.vector_load %arg14[%parallel_loop3A_558, %parallel_loop3A_559] {strides = array<i32>} : memref<96x768xf32, #tpu.memory_space<vmem>>, vector<16xf32>,
        tpu.vector_store %arg14[%parallel_loop3A_558, %parallel_loop3A_559], %parallel_loop3A_557 {strides = array<i32>} : memref<96x768xf32, #tpu.memory_space<vmem>>, vector<16xf32>,
        %parallel_loop3A_561 = arith.index_cast %parallel_loop3A_218 : i32 to index
        %parallel_loop3A_562 = arith.constant 384 : index
        %parallel_loop3A_563 = tpu.vector_load %arg14[%parallel_loop3A_561, %parallel_loop3A_562] {strides = array<i32>} : memref<96x768xf32, #tpu.memory_space<vmem>>, vector<16xf32>,
        %parallel_loop3A_564 = arith.subf %parallel_loop3A_563, %parallel_loop3A_221 : vector<16xf32>
        %parallel_loop3A_565 = arith.mulf %parallel_loop3A_564, %parallel_loop3A_224 : vector<16xf32>
        %parallel_loop3A_566 = arith.constant 384 : index
        %parallel_loop3A_567 = tpu.vector_load %arg18[%parallel_loop3A_566] {strides = array<i32>} : memref<768xf32, #tpu.memory_space<vmem>>, vector<16xf32>,
        %parallel_loop3A_568 = arith.mulf %parallel_loop3A_565, %parallel_loop3A_567 : vector<16xf32>
        %parallel_loop3A_569 = arith.constant 384 : index
        %parallel_loop3A_570 = tpu.vector_load %arg19[%parallel_loop3A_569] {strides = array<i32>} : memref<768xf32, #tpu.memory_space<vmem>>, vector<16xf32>,
        %parallel_loop3A_571 = arith.addf %parallel_loop3A_568, %parallel_loop3A_570 : vector<16xf32>
        %parallel_loop3A_572 = arith.index_cast %parallel_loop3A_218 : i32 to index
        %parallel_loop3A_573 = arith.constant 384 : index
        %parallel_loop3A_574 = tpu.vector_load %arg14[%parallel_loop3A_572, %parallel_loop3A_573] {strides = array<i32>} : memref<96x768xf32, #tpu.memory_space<vmem>>, vector<16xf32>,
        tpu.vector_store %arg14[%parallel_loop3A_572, %parallel_loop3A_573], %parallel_loop3A_571 {strides = array<i32>} : memref<96x768xf32, #tpu.memory_space<vmem>>, vector<16xf32>,
        %parallel_loop3A_575 = arith.index_cast %parallel_loop3A_218 : i32 to index
        %parallel_loop3A_576 = arith.constant 400 : index
        %parallel_loop3A_577 = tpu.vector_load %arg14[%parallel_loop3A_575, %parallel_loop3A_576] {strides = array<i32>} : memref<96x768xf32, #tpu.memory_space<vmem>>, vector<16xf32>,
        %parallel_loop3A_578 = arith.subf %parallel_loop3A_577, %parallel_loop3A_221 : vector<16xf32>
        %parallel_loop3A_579 = arith.mulf %parallel_loop3A_578, %parallel_loop3A_224 : vector<16xf32>
        %parallel_loop3A_580 = arith.constant 400 : index
        %parallel_loop3A_581 = tpu.vector_load %arg18[%parallel_loop3A_580] {strides = array<i32>} : memref<768xf32, #tpu.memory_space<vmem>>, vector<16xf32>,
        %parallel_loop3A_582 = arith.mulf %parallel_loop3A_579, %parallel_loop3A_581 : vector<16xf32>
        %parallel_loop3A_583 = arith.constant 400 : index
        %parallel_loop3A_584 = tpu.vector_load %arg19[%parallel_loop3A_583] {strides = array<i32>} : memref<768xf32, #tpu.memory_space<vmem>>, vector<16xf32>,
        %parallel_loop3A_585 = arith.addf %parallel_loop3A_582, %parallel_loop3A_584 : vector<16xf32>
        %parallel_loop3A_586 = arith.index_cast %parallel_loop3A_218 : i32 to index
        %parallel_loop3A_587 = arith.constant 400 : index
        %parallel_loop3A_588 = tpu.vector_load %arg14[%parallel_loop3A_586, %parallel_loop3A_587] {strides = array<i32>} : memref<96x768xf32, #tpu.memory_space<vmem>>, vector<16xf32>,
        tpu.vector_store %arg14[%parallel_loop3A_586, %parallel_loop3A_587], %parallel_loop3A_585 {strides = array<i32>} : memref<96x768xf32, #tpu.memory_space<vmem>>, vector<16xf32>,
        %parallel_loop3A_589 = arith.index_cast %parallel_loop3A_218 : i32 to index
        %parallel_loop3A_590 = arith.constant 416 : index
        %parallel_loop3A_591 = tpu.vector_load %arg14[%parallel_loop3A_589, %parallel_loop3A_590] {strides = array<i32>} : memref<96x768xf32, #tpu.memory_space<vmem>>, vector<16xf32>,
        %parallel_loop3A_592 = arith.subf %parallel_loop3A_591, %parallel_loop3A_221 : vector<16xf32>
        %parallel_loop3A_593 = arith.mulf %parallel_loop3A_592, %parallel_loop3A_224 : vector<16xf32>
        %parallel_loop3A_594 = arith.constant 416 : index
        %parallel_loop3A_595 = tpu.vector_load %arg18[%parallel_loop3A_594] {strides = array<i32>} : memref<768xf32, #tpu.memory_space<vmem>>, vector<16xf32>,
        %parallel_loop3A_596 = arith.mulf %parallel_loop3A_593, %parallel_loop3A_595 : vector<16xf32>
        %parallel_loop3A_597 = arith.constant 416 : index
        %parallel_loop3A_598 = tpu.vector_load %arg19[%parallel_loop3A_597] {strides = array<i32>} : memref<768xf32, #tpu.memory_space<vmem>>, vector<16xf32>,
        %parallel_loop3A_599 = arith.addf %parallel_loop3A_596, %parallel_loop3A_598 : vector<16xf32>
        %parallel_loop3A_600 = arith.index_cast %parallel_loop3A_218 : i32 to index
        %parallel_loop3A_601 = arith.constant 416 : index
        %parallel_loop3A_602 = tpu.vector_load %arg14[%parallel_loop3A_600, %parallel_loop3A_601] {strides = array<i32>} : memref<96x768xf32, #tpu.memory_space<vmem>>, vector<16xf32>,
        tpu.vector_store %arg14[%parallel_loop3A_600, %parallel_loop3A_601], %parallel_loop3A_599 {strides = array<i32>} : memref<96x768xf32, #tpu.memory_space<vmem>>, vector<16xf32>,
        %parallel_loop3A_603 = arith.index_cast %parallel_loop3A_218 : i32 to index
        %parallel_loop3A_604 = arith.constant 432 : index
        %parallel_loop3A_605 = tpu.vector_load %arg14[%parallel_loop3A_603, %parallel_loop3A_604] {strides = array<i32>} : memref<96x768xf32, #tpu.memory_space<vmem>>, vector<16xf32>,
        %parallel_loop3A_606 = arith.subf %parallel_loop3A_605, %parallel_loop3A_221 : vector<16xf32>
        %parallel_loop3A_607 = arith.mulf %parallel_loop3A_606, %parallel_loop3A_224 : vector<16xf32>
        %parallel_loop3A_608 = arith.constant 432 : index
        %parallel_loop3A_609 = tpu.vector_load %arg18[%parallel_loop3A_608] {strides = array<i32>} : memref<768xf32, #tpu.memory_space<vmem>>, vector<16xf32>,
        %parallel_loop3A_610 = arith.mulf %parallel_loop3A_607, %parallel_loop3A_609 : vector<16xf32>
        %parallel_loop3A_611 = arith.constant 432 : index
        %parallel_loop3A_612 = tpu.vector_load %arg19[%parallel_loop3A_611] {strides = array<i32>} : memref<768xf32, #tpu.memory_space<vmem>>, vector<16xf32>,
        %parallel_loop3A_613 = arith.addf %parallel_loop3A_610, %parallel_loop3A_612 : vector<16xf32>
        %parallel_loop3A_614 = arith.index_cast %parallel_loop3A_218 : i32 to index
        %parallel_loop3A_615 = arith.constant 432 : index
        %parallel_loop3A_616 = tpu.vector_load %arg14[%parallel_loop3A_614, %parallel_loop3A_615] {strides = array<i32>} : memref<96x768xf32, #tpu.memory_space<vmem>>, vector<16xf32>,
        tpu.vector_store %arg14[%parallel_loop3A_614, %parallel_loop3A_615], %parallel_loop3A_613 {strides = array<i32>} : memref<96x768xf32, #tpu.memory_space<vmem>>, vector<16xf32>,
        %parallel_loop3A_617 = arith.index_cast %parallel_loop3A_218 : i32 to index
        %parallel_loop3A_618 = arith.constant 448 : index
        %parallel_loop3A_619 = tpu.vector_load %arg14[%parallel_loop3A_617, %parallel_loop3A_618] {strides = array<i32>} : memref<96x768xf32, #tpu.memory_space<vmem>>, vector<16xf32>,
        %parallel_loop3A_620 = arith.subf %parallel_loop3A_619, %parallel_loop3A_221 : vector<16xf32>
        %parallel_loop3A_621 = arith.mulf %parallel_loop3A_620, %parallel_loop3A_224 : vector<16xf32>
        %parallel_loop3A_622 = arith.constant 448 : index
        %parallel_loop3A_623 = tpu.vector_load %arg18[%parallel_loop3A_622] {strides = array<i32>} : memref<768xf32, #tpu.memory_space<vmem>>, vector<16xf32>,
        %parallel_loop3A_624 = arith.mulf %parallel_loop3A_621, %parallel_loop3A_623 : vector<16xf32>
        %parallel_loop3A_625 = arith.constant 448 : index
        %parallel_loop3A_626 = tpu.vector_load %arg19[%parallel_loop3A_625] {strides = array<i32>} : memref<768xf32, #tpu.memory_space<vmem>>, vector<16xf32>,
        %parallel_loop3A_627 = arith.addf %parallel_loop3A_624, %parallel_loop3A_626 : vector<16xf32>
        %parallel_loop3A_628 = arith.index_cast %parallel_loop3A_218 : i32 to index
        %parallel_loop3A_629 = arith.constant 448 : index
        %parallel_loop3A_630 = tpu.vector_load %arg14[%parallel_loop3A_628, %parallel_loop3A_629] {strides = array<i32>} : memref<96x768xf32, #tpu.memory_space<vmem>>, vector<16xf32>,
        tpu.vector_store %arg14[%parallel_loop3A_628, %parallel_loop3A_629], %parallel_loop3A_627 {strides = array<i32>} : memref<96x768xf32, #tpu.memory_space<vmem>>, vector<16xf32>,
        %parallel_loop3A_631 = arith.index_cast %parallel_loop3A_218 : i32 to index
        %parallel_loop3A_632 = arith.constant 464 : index
        %parallel_loop3A_633 = tpu.vector_load %arg14[%parallel_loop3A_631, %parallel_loop3A_632] {strides = array<i32>} : memref<96x768xf32, #tpu.memory_space<vmem>>, vector<16xf32>,
        %parallel_loop3A_634 = arith.subf %parallel_loop3A_633, %parallel_loop3A_221 : vector<16xf32>
        %parallel_loop3A_635 = arith.mulf %parallel_loop3A_634, %parallel_loop3A_224 : vector<16xf32>
        %parallel_loop3A_636 = arith.constant 464 : index
        %parallel_loop3A_637 = tpu.vector_load %arg18[%parallel_loop3A_636] {strides = array<i32>} : memref<768xf32, #tpu.memory_space<vmem>>, vector<16xf32>,
        %parallel_loop3A_638 = arith.mulf %parallel_loop3A_635, %parallel_loop3A_637 : vector<16xf32>
        %parallel_loop3A_639 = arith.constant 464 : index
        %parallel_loop3A_640 = tpu.vector_load %arg19[%parallel_loop3A_639] {strides = array<i32>} : memref<768xf32, #tpu.memory_space<vmem>>, vector<16xf32>,
        %parallel_loop3A_641 = arith.addf %parallel_loop3A_638, %parallel_loop3A_640 : vector<16xf32>
        %parallel_loop3A_642 = arith.index_cast %parallel_loop3A_218 : i32 to index
        %parallel_loop3A_643 = arith.constant 464 : index
        %parallel_loop3A_644 = tpu.vector_load %arg14[%parallel_loop3A_642, %parallel_loop3A_643] {strides = array<i32>} : memref<96x768xf32, #tpu.memory_space<vmem>>, vector<16xf32>,
        tpu.vector_store %arg14[%parallel_loop3A_642, %parallel_loop3A_643], %parallel_loop3A_641 {strides = array<i32>} : memref<96x768xf32, #tpu.memory_space<vmem>>, vector<16xf32>,
        %parallel_loop3A_645 = arith.index_cast %parallel_loop3A_218 : i32 to index
        %parallel_loop3A_646 = arith.constant 480 : index
        %parallel_loop3A_647 = tpu.vector_load %arg14[%parallel_loop3A_645, %parallel_loop3A_646] {strides = array<i32>} : memref<96x768xf32, #tpu.memory_space<vmem>>, vector<16xf32>,
        %parallel_loop3A_648 = arith.subf %parallel_loop3A_647, %parallel_loop3A_221 : vector<16xf32>
        %parallel_loop3A_649 = arith.mulf %parallel_loop3A_648, %parallel_loop3A_224 : vector<16xf32>
        %parallel_loop3A_650 = arith.constant 480 : index
        %parallel_loop3A_651 = tpu.vector_load %arg18[%parallel_loop3A_650] {strides = array<i32>} : memref<768xf32, #tpu.memory_space<vmem>>, vector<16xf32>,
        %parallel_loop3A_652 = arith.mulf %parallel_loop3A_649, %parallel_loop3A_651 : vector<16xf32>
        %parallel_loop3A_653 = arith.constant 480 : index
        %parallel_loop3A_654 = tpu.vector_load %arg19[%parallel_loop3A_653] {strides = array<i32>} : memref<768xf32, #tpu.memory_space<vmem>>, vector<16xf32>,
        %parallel_loop3A_655 = arith.addf %parallel_loop3A_652, %parallel_loop3A_654 : vector<16xf32>
        %parallel_loop3A_656 = arith.index_cast %parallel_loop3A_218 : i32 to index
        %parallel_loop3A_657 = arith.constant 480 : index
        %parallel_loop3A_658 = tpu.vector_load %arg14[%parallel_loop3A_656, %parallel_loop3A_657] {strides = array<i32>} : memref<96x768xf32, #tpu.memory_space<vmem>>, vector<16xf32>,
        tpu.vector_store %arg14[%parallel_loop3A_656, %parallel_loop3A_657], %parallel_loop3A_655 {strides = array<i32>} : memref<96x768xf32, #tpu.memory_space<vmem>>, vector<16xf32>,
        %parallel_loop3A_659 = arith.index_cast %parallel_loop3A_218 : i32 to index
        %parallel_loop3A_660 = arith.constant 496 : index
        %parallel_loop3A_661 = tpu.vector_load %arg14[%parallel_loop3A_659, %parallel_loop3A_660] {strides = array<i32>} : memref<96x768xf32, #tpu.memory_space<vmem>>, vector<16xf32>,
        %parallel_loop3A_662 = arith.subf %parallel_loop3A_661, %parallel_loop3A_221 : vector<16xf32>
        %parallel_loop3A_663 = arith.mulf %parallel_loop3A_662, %parallel_loop3A_224 : vector<16xf32>
        %parallel_loop3A_664 = arith.constant 496 : index
        %parallel_loop3A_665 = tpu.vector_load %arg18[%parallel_loop3A_664] {strides = array<i32>} : memref<768xf32, #tpu.memory_space<vmem>>, vector<16xf32>,
        %parallel_loop3A_666 = arith.mulf %parallel_loop3A_663, %parallel_loop3A_665 : vector<16xf32>
        %parallel_loop3A_667 = arith.constant 496 : index
        %parallel_loop3A_668 = tpu.vector_load %arg19[%parallel_loop3A_667] {strides = array<i32>} : memref<768xf32, #tpu.memory_space<vmem>>, vector<16xf32>,
        %parallel_loop3A_669 = arith.addf %parallel_loop3A_666, %parallel_loop3A_668 : vector<16xf32>
        %parallel_loop3A_670 = arith.index_cast %parallel_loop3A_218 : i32 to index
        %parallel_loop3A_671 = arith.constant 496 : index
        %parallel_loop3A_672 = tpu.vector_load %arg14[%parallel_loop3A_670, %parallel_loop3A_671] {strides = array<i32>} : memref<96x768xf32, #tpu.memory_space<vmem>>, vector<16xf32>,
        tpu.vector_store %arg14[%parallel_loop3A_670, %parallel_loop3A_671], %parallel_loop3A_669 {strides = array<i32>} : memref<96x768xf32, #tpu.memory_space<vmem>>, vector<16xf32>,
        %parallel_loop3A_673 = arith.index_cast %parallel_loop3A_218 : i32 to index
        %parallel_loop3A_674 = arith.constant 512 : index
        %parallel_loop3A_675 = tpu.vector_load %arg14[%parallel_loop3A_673, %parallel_loop3A_674] {strides = array<i32>} : memref<96x768xf32, #tpu.memory_space<vmem>>, vector<16xf32>,
        %parallel_loop3A_676 = arith.subf %parallel_loop3A_675, %parallel_loop3A_221 : vector<16xf32>
        %parallel_loop3A_677 = arith.mulf %parallel_loop3A_676, %parallel_loop3A_224 : vector<16xf32>
        %parallel_loop3A_678 = arith.constant 512 : index
        %parallel_loop3A_679 = tpu.vector_load %arg18[%parallel_loop3A_678] {strides = array<i32>} : memref<768xf32, #tpu.memory_space<vmem>>, vector<16xf32>,
        %parallel_loop3A_680 = arith.mulf %parallel_loop3A_677, %parallel_loop3A_679 : vector<16xf32>
        %parallel_loop3A_681 = arith.constant 512 : index
        %parallel_loop3A_682 = tpu.vector_load %arg19[%parallel_loop3A_681] {strides = array<i32>} : memref<768xf32, #tpu.memory_space<vmem>>, vector<16xf32>,
        %parallel_loop3A_683 = arith.addf %parallel_loop3A_680, %parallel_loop3A_682 : vector<16xf32>
        %parallel_loop3A_684 = arith.index_cast %parallel_loop3A_218 : i32 to index
        %parallel_loop3A_685 = arith.constant 512 : index
        %parallel_loop3A_686 = tpu.vector_load %arg14[%parallel_loop3A_684, %parallel_loop3A_685] {strides = array<i32>} : memref<96x768xf32, #tpu.memory_space<vmem>>, vector<16xf32>,
        tpu.vector_store %arg14[%parallel_loop3A_684, %parallel_loop3A_685], %parallel_loop3A_683 {strides = array<i32>} : memref<96x768xf32, #tpu.memory_space<vmem>>, vector<16xf32>,
        %parallel_loop3A_687 = arith.index_cast %parallel_loop3A_218 : i32 to index
        %parallel_loop3A_688 = arith.constant 528 : index
        %parallel_loop3A_689 = tpu.vector_load %arg14[%parallel_loop3A_687, %parallel_loop3A_688] {strides = array<i32>} : memref<96x768xf32, #tpu.memory_space<vmem>>, vector<16xf32>,
        %parallel_loop3A_690 = arith.subf %parallel_loop3A_689, %parallel_loop3A_221 : vector<16xf32>
        %parallel_loop3A_691 = arith.mulf %parallel_loop3A_690, %parallel_loop3A_224 : vector<16xf32>
        %parallel_loop3A_692 = arith.constant 528 : index
        %parallel_loop3A_693 = tpu.vector_load %arg18[%parallel_loop3A_692] {strides = array<i32>} : memref<768xf32, #tpu.memory_space<vmem>>, vector<16xf32>,
        %parallel_loop3A_694 = arith.mulf %parallel_loop3A_691, %parallel_loop3A_693 : vector<16xf32>
        %parallel_loop3A_695 = arith.constant 528 : index
        %parallel_loop3A_696 = tpu.vector_load %arg19[%parallel_loop3A_695] {strides = array<i32>} : memref<768xf32, #tpu.memory_space<vmem>>, vector<16xf32>,
        %parallel_loop3A_697 = arith.addf %parallel_loop3A_694, %parallel_loop3A_696 : vector<16xf32>
        %parallel_loop3A_698 = arith.index_cast %parallel_loop3A_218 : i32 to index
        %parallel_loop3A_699 = arith.constant 528 : index
        %parallel_loop3A_700 = tpu.vector_load %arg14[%parallel_loop3A_698, %parallel_loop3A_699] {strides = array<i32>} : memref<96x768xf32, #tpu.memory_space<vmem>>, vector<16xf32>,
        tpu.vector_store %arg14[%parallel_loop3A_698, %parallel_loop3A_699], %parallel_loop3A_697 {strides = array<i32>} : memref<96x768xf32, #tpu.memory_space<vmem>>, vector<16xf32>,
        %parallel_loop3A_701 = arith.index_cast %parallel_loop3A_218 : i32 to index
        %parallel_loop3A_702 = arith.constant 544 : index
        %parallel_loop3A_703 = tpu.vector_load %arg14[%parallel_loop3A_701, %parallel_loop3A_702] {strides = array<i32>} : memref<96x768xf32, #tpu.memory_space<vmem>>, vector<16xf32>,
        %parallel_loop3A_704 = arith.subf %parallel_loop3A_703, %parallel_loop3A_221 : vector<16xf32>
        %parallel_loop3A_705 = arith.mulf %parallel_loop3A_704, %parallel_loop3A_224 : vector<16xf32>
        %parallel_loop3A_706 = arith.constant 544 : index
        %parallel_loop3A_707 = tpu.vector_load %arg18[%parallel_loop3A_706] {strides = array<i32>} : memref<768xf32, #tpu.memory_space<vmem>>, vector<16xf32>,
        %parallel_loop3A_708 = arith.mulf %parallel_loop3A_705, %parallel_loop3A_707 : vector<16xf32>
        %parallel_loop3A_709 = arith.constant 544 : index
        %parallel_loop3A_710 = tpu.vector_load %arg19[%parallel_loop3A_709] {strides = array<i32>} : memref<768xf32, #tpu.memory_space<vmem>>, vector<16xf32>,
        %parallel_loop3A_711 = arith.addf %parallel_loop3A_708, %parallel_loop3A_710 : vector<16xf32>
        %parallel_loop3A_712 = arith.index_cast %parallel_loop3A_218 : i32 to index
        %parallel_loop3A_713 = arith.constant 544 : index
        %parallel_loop3A_714 = tpu.vector_load %arg14[%parallel_loop3A_712, %parallel_loop3A_713] {strides = array<i32>} : memref<96x768xf32, #tpu.memory_space<vmem>>, vector<16xf32>,
        tpu.vector_store %arg14[%parallel_loop3A_712, %parallel_loop3A_713], %parallel_loop3A_711 {strides = array<i32>} : memref<96x768xf32, #tpu.memory_space<vmem>>, vector<16xf32>,
        %parallel_loop3A_715 = arith.index_cast %parallel_loop3A_218 : i32 to index
        %parallel_loop3A_716 = arith.constant 560 : index
        %parallel_loop3A_717 = tpu.vector_load %arg14[%parallel_loop3A_715, %parallel_loop3A_716] {strides = array<i32>} : memref<96x768xf32, #tpu.memory_space<vmem>>, vector<16xf32>,
        %parallel_loop3A_718 = arith.subf %parallel_loop3A_717, %parallel_loop3A_221 : vector<16xf32>
        %parallel_loop3A_719 = arith.mulf %parallel_loop3A_718, %parallel_loop3A_224 : vector<16xf32>
        %parallel_loop3A_720 = arith.constant 560 : index
        %parallel_loop3A_721 = tpu.vector_load %arg18[%parallel_loop3A_720] {strides = array<i32>} : memref<768xf32, #tpu.memory_space<vmem>>, vector<16xf32>,
        %parallel_loop3A_722 = arith.mulf %parallel_loop3A_719, %parallel_loop3A_721 : vector<16xf32>
        %parallel_loop3A_723 = arith.constant 560 : index
        %parallel_loop3A_724 = tpu.vector_load %arg19[%parallel_loop3A_723] {strides = array<i32>} : memref<768xf32, #tpu.memory_space<vmem>>, vector<16xf32>,
        %parallel_loop3A_725 = arith.addf %parallel_loop3A_722, %parallel_loop3A_724 : vector<16xf32>
        %parallel_loop3A_726 = arith.index_cast %parallel_loop3A_218 : i32 to index
        %parallel_loop3A_727 = arith.constant 560 : index
        %parallel_loop3A_728 = tpu.vector_load %arg14[%parallel_loop3A_726, %parallel_loop3A_727] {strides = array<i32>} : memref<96x768xf32, #tpu.memory_space<vmem>>, vector<16xf32>,
        tpu.vector_store %arg14[%parallel_loop3A_726, %parallel_loop3A_727], %parallel_loop3A_725 {strides = array<i32>} : memref<96x768xf32, #tpu.memory_space<vmem>>, vector<16xf32>,
        %parallel_loop3A_729 = arith.index_cast %parallel_loop3A_218 : i32 to index
        %parallel_loop3A_730 = arith.constant 576 : index
        %parallel_loop3A_731 = tpu.vector_load %arg14[%parallel_loop3A_729, %parallel_loop3A_730] {strides = array<i32>} : memref<96x768xf32, #tpu.memory_space<vmem>>, vector<16xf32>,
        %parallel_loop3A_732 = arith.subf %parallel_loop3A_731, %parallel_loop3A_221 : vector<16xf32>
        %parallel_loop3A_733 = arith.mulf %parallel_loop3A_732, %parallel_loop3A_224 : vector<16xf32>
        %parallel_loop3A_734 = arith.constant 576 : index
        %parallel_loop3A_735 = tpu.vector_load %arg18[%parallel_loop3A_734] {strides = array<i32>} : memref<768xf32, #tpu.memory_space<vmem>>, vector<16xf32>,
        %parallel_loop3A_736 = arith.mulf %parallel_loop3A_733, %parallel_loop3A_735 : vector<16xf32>
        %parallel_loop3A_737 = arith.constant 576 : index
        %parallel_loop3A_738 = tpu.vector_load %arg19[%parallel_loop3A_737] {strides = array<i32>} : memref<768xf32, #tpu.memory_space<vmem>>, vector<16xf32>,
        %parallel_loop3A_739 = arith.addf %parallel_loop3A_736, %parallel_loop3A_738 : vector<16xf32>
        %parallel_loop3A_740 = arith.index_cast %parallel_loop3A_218 : i32 to index
        %parallel_loop3A_741 = arith.constant 576 : index
        %parallel_loop3A_742 = tpu.vector_load %arg14[%parallel_loop3A_740, %parallel_loop3A_741] {strides = array<i32>} : memref<96x768xf32, #tpu.memory_space<vmem>>, vector<16xf32>,
        tpu.vector_store %arg14[%parallel_loop3A_740, %parallel_loop3A_741], %parallel_loop3A_739 {strides = array<i32>} : memref<96x768xf32, #tpu.memory_space<vmem>>, vector<16xf32>,
        %parallel_loop3A_743 = arith.index_cast %parallel_loop3A_218 : i32 to index
        %parallel_loop3A_744 = arith.constant 592 : index
        %parallel_loop3A_745 = tpu.vector_load %arg14[%parallel_loop3A_743, %parallel_loop3A_744] {strides = array<i32>} : memref<96x768xf32, #tpu.memory_space<vmem>>, vector<16xf32>,
        %parallel_loop3A_746 = arith.subf %parallel_loop3A_745, %parallel_loop3A_221 : vector<16xf32>
        %parallel_loop3A_747 = arith.mulf %parallel_loop3A_746, %parallel_loop3A_224 : vector<16xf32>
        %parallel_loop3A_748 = arith.constant 592 : index
        %parallel_loop3A_749 = tpu.vector_load %arg18[%parallel_loop3A_748] {strides = array<i32>} : memref<768xf32, #tpu.memory_space<vmem>>, vector<16xf32>,
        %parallel_loop3A_750 = arith.mulf %parallel_loop3A_747, %parallel_loop3A_749 : vector<16xf32>
        %parallel_loop3A_751 = arith.constant 592 : index
        %parallel_loop3A_752 = tpu.vector_load %arg19[%parallel_loop3A_751] {strides = array<i32>} : memref<768xf32, #tpu.memory_space<vmem>>, vector<16xf32>,
        %parallel_loop3A_753 = arith.addf %parallel_loop3A_750, %parallel_loop3A_752 : vector<16xf32>
        %parallel_loop3A_754 = arith.index_cast %parallel_loop3A_218 : i32 to index
        %parallel_loop3A_755 = arith.constant 592 : index
        %parallel_loop3A_756 = tpu.vector_load %arg14[%parallel_loop3A_754, %parallel_loop3A_755] {strides = array<i32>} : memref<96x768xf32, #tpu.memory_space<vmem>>, vector<16xf32>,
        tpu.vector_store %arg14[%parallel_loop3A_754, %parallel_loop3A_755], %parallel_loop3A_753 {strides = array<i32>} : memref<96x768xf32, #tpu.memory_space<vmem>>, vector<16xf32>,
        %parallel_loop3A_757 = arith.index_cast %parallel_loop3A_218 : i32 to index
        %parallel_loop3A_758 = arith.constant 608 : index
        %parallel_loop3A_759 = tpu.vector_load %arg14[%parallel_loop3A_757, %parallel_loop3A_758] {strides = array<i32>} : memref<96x768xf32, #tpu.memory_space<vmem>>, vector<16xf32>,
        %parallel_loop3A_760 = arith.subf %parallel_loop3A_759, %parallel_loop3A_221 : vector<16xf32>
        %parallel_loop3A_761 = arith.mulf %parallel_loop3A_760, %parallel_loop3A_224 : vector<16xf32>
        %parallel_loop3A_762 = arith.constant 608 : index
        %parallel_loop3A_763 = tpu.vector_load %arg18[%parallel_loop3A_762] {strides = array<i32>} : memref<768xf32, #tpu.memory_space<vmem>>, vector<16xf32>,
        %parallel_loop3A_764 = arith.mulf %parallel_loop3A_761, %parallel_loop3A_763 : vector<16xf32>
        %parallel_loop3A_765 = arith.constant 608 : index
        %parallel_loop3A_766 = tpu.vector_load %arg19[%parallel_loop3A_765] {strides = array<i32>} : memref<768xf32, #tpu.memory_space<vmem>>, vector<16xf32>,
        %parallel_loop3A_767 = arith.addf %parallel_loop3A_764, %parallel_loop3A_766 : vector<16xf32>
        %parallel_loop3A_768 = arith.index_cast %parallel_loop3A_218 : i32 to index
        %parallel_loop3A_769 = arith.constant 608 : index
        %parallel_loop3A_770 = tpu.vector_load %arg14[%parallel_loop3A_768, %parallel_loop3A_769] {strides = array<i32>} : memref<96x768xf32, #tpu.memory_space<vmem>>, vector<16xf32>,
        tpu.vector_store %arg14[%parallel_loop3A_768, %parallel_loop3A_769], %parallel_loop3A_767 {strides = array<i32>} : memref<96x768xf32, #tpu.memory_space<vmem>>, vector<16xf32>,
        %parallel_loop3A_771 = arith.index_cast %parallel_loop3A_218 : i32 to index
        %parallel_loop3A_772 = arith.constant 624 : index
        %parallel_loop3A_773 = tpu.vector_load %arg14[%parallel_loop3A_771, %parallel_loop3A_772] {strides = array<i32>} : memref<96x768xf32, #tpu.memory_space<vmem>>, vector<16xf32>,
        %parallel_loop3A_774 = arith.subf %parallel_loop3A_773, %parallel_loop3A_221 : vector<16xf32>
        %parallel_loop3A_775 = arith.mulf %parallel_loop3A_774, %parallel_loop3A_224 : vector<16xf32>
        %parallel_loop3A_776 = arith.constant 624 : index
        %parallel_loop3A_777 = tpu.vector_load %arg18[%parallel_loop3A_776] {strides = array<i32>} : memref<768xf32, #tpu.memory_space<vmem>>, vector<16xf32>,
        %parallel_loop3A_778 = arith.mulf %parallel_loop3A_775, %parallel_loop3A_777 : vector<16xf32>
        %parallel_loop3A_779 = arith.constant 624 : index
        %parallel_loop3A_780 = tpu.vector_load %arg19[%parallel_loop3A_779] {strides = array<i32>} : memref<768xf32, #tpu.memory_space<vmem>>, vector<16xf32>,
        %parallel_loop3A_781 = arith.addf %parallel_loop3A_778, %parallel_loop3A_780 : vector<16xf32>
        %parallel_loop3A_782 = arith.index_cast %parallel_loop3A_218 : i32 to index
        %parallel_loop3A_783 = arith.constant 624 : index
        %parallel_loop3A_784 = tpu.vector_load %arg14[%parallel_loop3A_782, %parallel_loop3A_783] {strides = array<i32>} : memref<96x768xf32, #tpu.memory_space<vmem>>, vector<16xf32>,
        tpu.vector_store %arg14[%parallel_loop3A_782, %parallel_loop3A_783], %parallel_loop3A_781 {strides = array<i32>} : memref<96x768xf32, #tpu.memory_space<vmem>>, vector<16xf32>,
        %parallel_loop3A_785 = arith.index_cast %parallel_loop3A_218 : i32 to index
        %parallel_loop3A_786 = arith.constant 640 : index
        %parallel_loop3A_787 = tpu.vector_load %arg14[%parallel_loop3A_785, %parallel_loop3A_786] {strides = array<i32>} : memref<96x768xf32, #tpu.memory_space<vmem>>, vector<16xf32>,
        %parallel_loop3A_788 = arith.subf %parallel_loop3A_787, %parallel_loop3A_221 : vector<16xf32>
        %parallel_loop3A_789 = arith.mulf %parallel_loop3A_788, %parallel_loop3A_224 : vector<16xf32>
        %parallel_loop3A_790 = arith.constant 640 : index
        %parallel_loop3A_791 = tpu.vector_load %arg18[%parallel_loop3A_790] {strides = array<i32>} : memref<768xf32, #tpu.memory_space<vmem>>, vector<16xf32>,
        %parallel_loop3A_792 = arith.mulf %parallel_loop3A_789, %parallel_loop3A_791 : vector<16xf32>
        %parallel_loop3A_793 = arith.constant 640 : index
        %parallel_loop3A_794 = tpu.vector_load %arg19[%parallel_loop3A_793] {strides = array<i32>} : memref<768xf32, #tpu.memory_space<vmem>>, vector<16xf32>,
        %parallel_loop3A_795 = arith.addf %parallel_loop3A_792, %parallel_loop3A_794 : vector<16xf32>
        %parallel_loop3A_796 = arith.index_cast %parallel_loop3A_218 : i32 to index
        %parallel_loop3A_797 = arith.constant 640 : index
        %parallel_loop3A_798 = tpu.vector_load %arg14[%parallel_loop3A_796, %parallel_loop3A_797] {strides = array<i32>} : memref<96x768xf32, #tpu.memory_space<vmem>>, vector<16xf32>,
        tpu.vector_store %arg14[%parallel_loop3A_796, %parallel_loop3A_797], %parallel_loop3A_795 {strides = array<i32>} : memref<96x768xf32, #tpu.memory_space<vmem>>, vector<16xf32>,
        %parallel_loop3A_799 = arith.index_cast %parallel_loop3A_218 : i32 to index
        %parallel_loop3A_800 = arith.constant 656 : index
        %parallel_loop3A_801 = tpu.vector_load %arg14[%parallel_loop3A_799, %parallel_loop3A_800] {strides = array<i32>} : memref<96x768xf32, #tpu.memory_space<vmem>>, vector<16xf32>,
        %parallel_loop3A_802 = arith.subf %parallel_loop3A_801, %parallel_loop3A_221 : vector<16xf32>
        %parallel_loop3A_803 = arith.mulf %parallel_loop3A_802, %parallel_loop3A_224 : vector<16xf32>
        %parallel_loop3A_804 = arith.constant 656 : index
        %parallel_loop3A_805 = tpu.vector_load %arg18[%parallel_loop3A_804] {strides = array<i32>} : memref<768xf32, #tpu.memory_space<vmem>>, vector<16xf32>,
        %parallel_loop3A_806 = arith.mulf %parallel_loop3A_803, %parallel_loop3A_805 : vector<16xf32>
        %parallel_loop3A_807 = arith.constant 656 : index
        %parallel_loop3A_808 = tpu.vector_load %arg19[%parallel_loop3A_807] {strides = array<i32>} : memref<768xf32, #tpu.memory_space<vmem>>, vector<16xf32>,
        %parallel_loop3A_809 = arith.addf %parallel_loop3A_806, %parallel_loop3A_808 : vector<16xf32>
        %parallel_loop3A_810 = arith.index_cast %parallel_loop3A_218 : i32 to index
        %parallel_loop3A_811 = arith.constant 656 : index
        %parallel_loop3A_812 = tpu.vector_load %arg14[%parallel_loop3A_810, %parallel_loop3A_811] {strides = array<i32>} : memref<96x768xf32, #tpu.memory_space<vmem>>, vector<16xf32>,
        tpu.vector_store %arg14[%parallel_loop3A_810, %parallel_loop3A_811], %parallel_loop3A_809 {strides = array<i32>} : memref<96x768xf32, #tpu.memory_space<vmem>>, vector<16xf32>,
        %parallel_loop3A_813 = arith.index_cast %parallel_loop3A_218 : i32 to index
        %parallel_loop3A_814 = arith.constant 672 : index
        %parallel_loop3A_815 = tpu.vector_load %arg14[%parallel_loop3A_813, %parallel_loop3A_814] {strides = array<i32>} : memref<96x768xf32, #tpu.memory_space<vmem>>, vector<16xf32>,
        %parallel_loop3A_816 = arith.subf %parallel_loop3A_815, %parallel_loop3A_221 : vector<16xf32>
        %parallel_loop3A_817 = arith.mulf %parallel_loop3A_816, %parallel_loop3A_224 : vector<16xf32>
        %parallel_loop3A_818 = arith.constant 672 : index
        %parallel_loop3A_819 = tpu.vector_load %arg18[%parallel_loop3A_818] {strides = array<i32>} : memref<768xf32, #tpu.memory_space<vmem>>, vector<16xf32>,
        %parallel_loop3A_820 = arith.mulf %parallel_loop3A_817, %parallel_loop3A_819 : vector<16xf32>
        %parallel_loop3A_821 = arith.constant 672 : index
        %parallel_loop3A_822 = tpu.vector_load %arg19[%parallel_loop3A_821] {strides = array<i32>} : memref<768xf32, #tpu.memory_space<vmem>>, vector<16xf32>,
        %parallel_loop3A_823 = arith.addf %parallel_loop3A_820, %parallel_loop3A_822 : vector<16xf32>
        %parallel_loop3A_824 = arith.index_cast %parallel_loop3A_218 : i32 to index
        %parallel_loop3A_825 = arith.constant 672 : index
        %parallel_loop3A_826 = tpu.vector_load %arg14[%parallel_loop3A_824, %parallel_loop3A_825] {strides = array<i32>} : memref<96x768xf32, #tpu.memory_space<vmem>>, vector<16xf32>,
        tpu.vector_store %arg14[%parallel_loop3A_824, %parallel_loop3A_825], %parallel_loop3A_823 {strides = array<i32>} : memref<96x768xf32, #tpu.memory_space<vmem>>, vector<16xf32>,
        %parallel_loop3A_827 = arith.index_cast %parallel_loop3A_218 : i32 to index
        %parallel_loop3A_828 = arith.constant 688 : index
        %parallel_loop3A_829 = tpu.vector_load %arg14[%parallel_loop3A_827, %parallel_loop3A_828] {strides = array<i32>} : memref<96x768xf32, #tpu.memory_space<vmem>>, vector<16xf32>,
        %parallel_loop3A_830 = arith.subf %parallel_loop3A_829, %parallel_loop3A_221 : vector<16xf32>
        %parallel_loop3A_831 = arith.mulf %parallel_loop3A_830, %parallel_loop3A_224 : vector<16xf32>
        %parallel_loop3A_832 = arith.constant 688 : index
        %parallel_loop3A_833 = tpu.vector_load %arg18[%parallel_loop3A_832] {strides = array<i32>} : memref<768xf32, #tpu.memory_space<vmem>>, vector<16xf32>,
        %parallel_loop3A_834 = arith.mulf %parallel_loop3A_831, %parallel_loop3A_833 : vector<16xf32>
        %parallel_loop3A_835 = arith.constant 688 : index
        %parallel_loop3A_836 = tpu.vector_load %arg19[%parallel_loop3A_835] {strides = array<i32>} : memref<768xf32, #tpu.memory_space<vmem>>, vector<16xf32>,
        %parallel_loop3A_837 = arith.addf %parallel_loop3A_834, %parallel_loop3A_836 : vector<16xf32>
        %parallel_loop3A_838 = arith.index_cast %parallel_loop3A_218 : i32 to index
        %parallel_loop3A_839 = arith.constant 688 : index
        %parallel_loop3A_840 = tpu.vector_load %arg14[%parallel_loop3A_838, %parallel_loop3A_839] {strides = array<i32>} : memref<96x768xf32, #tpu.memory_space<vmem>>, vector<16xf32>,
        tpu.vector_store %arg14[%parallel_loop3A_838, %parallel_loop3A_839], %parallel_loop3A_837 {strides = array<i32>} : memref<96x768xf32, #tpu.memory_space<vmem>>, vector<16xf32>,
        %parallel_loop3A_841 = arith.index_cast %parallel_loop3A_218 : i32 to index
        %parallel_loop3A_842 = arith.constant 704 : index
        %parallel_loop3A_843 = tpu.vector_load %arg14[%parallel_loop3A_841, %parallel_loop3A_842] {strides = array<i32>} : memref<96x768xf32, #tpu.memory_space<vmem>>, vector<16xf32>,
        %parallel_loop3A_844 = arith.subf %parallel_loop3A_843, %parallel_loop3A_221 : vector<16xf32>
        %parallel_loop3A_845 = arith.mulf %parallel_loop3A_844, %parallel_loop3A_224 : vector<16xf32>
        %parallel_loop3A_846 = arith.constant 704 : index
        %parallel_loop3A_847 = tpu.vector_load %arg18[%parallel_loop3A_846] {strides = array<i32>} : memref<768xf32, #tpu.memory_space<vmem>>, vector<16xf32>,
        %parallel_loop3A_848 = arith.mulf %parallel_loop3A_845, %parallel_loop3A_847 : vector<16xf32>
        %parallel_loop3A_849 = arith.constant 704 : index
        %parallel_loop3A_850 = tpu.vector_load %arg19[%parallel_loop3A_849] {strides = array<i32>} : memref<768xf32, #tpu.memory_space<vmem>>, vector<16xf32>,
        %parallel_loop3A_851 = arith.addf %parallel_loop3A_848, %parallel_loop3A_850 : vector<16xf32>
        %parallel_loop3A_852 = arith.index_cast %parallel_loop3A_218 : i32 to index
        %parallel_loop3A_853 = arith.constant 704 : index
        %parallel_loop3A_854 = tpu.vector_load %arg14[%parallel_loop3A_852, %parallel_loop3A_853] {strides = array<i32>} : memref<96x768xf32, #tpu.memory_space<vmem>>, vector<16xf32>,
        tpu.vector_store %arg14[%parallel_loop3A_852, %parallel_loop3A_853], %parallel_loop3A_851 {strides = array<i32>} : memref<96x768xf32, #tpu.memory_space<vmem>>, vector<16xf32>,
        %parallel_loop3A_855 = arith.index_cast %parallel_loop3A_218 : i32 to index
        %parallel_loop3A_856 = arith.constant 720 : index
        %parallel_loop3A_857 = tpu.vector_load %arg14[%parallel_loop3A_855, %parallel_loop3A_856] {strides = array<i32>} : memref<96x768xf32, #tpu.memory_space<vmem>>, vector<16xf32>,
        %parallel_loop3A_858 = arith.subf %parallel_loop3A_857, %parallel_loop3A_221 : vector<16xf32>
        %parallel_loop3A_859 = arith.mulf %parallel_loop3A_858, %parallel_loop3A_224 : vector<16xf32>
        %parallel_loop3A_860 = arith.constant 720 : index
        %parallel_loop3A_861 = tpu.vector_load %arg18[%parallel_loop3A_860] {strides = array<i32>} : memref<768xf32, #tpu.memory_space<vmem>>, vector<16xf32>,
        %parallel_loop3A_862 = arith.mulf %parallel_loop3A_859, %parallel_loop3A_861 : vector<16xf32>
        %parallel_loop3A_863 = arith.constant 720 : index
        %parallel_loop3A_864 = tpu.vector_load %arg19[%parallel_loop3A_863] {strides = array<i32>} : memref<768xf32, #tpu.memory_space<vmem>>, vector<16xf32>,
        %parallel_loop3A_865 = arith.addf %parallel_loop3A_862, %parallel_loop3A_864 : vector<16xf32>
        %parallel_loop3A_866 = arith.index_cast %parallel_loop3A_218 : i32 to index
        %parallel_loop3A_867 = arith.constant 720 : index
        %parallel_loop3A_868 = tpu.vector_load %arg14[%parallel_loop3A_866, %parallel_loop3A_867] {strides = array<i32>} : memref<96x768xf32, #tpu.memory_space<vmem>>, vector<16xf32>,
        tpu.vector_store %arg14[%parallel_loop3A_866, %parallel_loop3A_867], %parallel_loop3A_865 {strides = array<i32>} : memref<96x768xf32, #tpu.memory_space<vmem>>, vector<16xf32>,
        %parallel_loop3A_869 = arith.index_cast %parallel_loop3A_218 : i32 to index
        %parallel_loop3A_870 = arith.constant 736 : index
        %parallel_loop3A_871 = tpu.vector_load %arg14[%parallel_loop3A_869, %parallel_loop3A_870] {strides = array<i32>} : memref<96x768xf32, #tpu.memory_space<vmem>>, vector<16xf32>,
        %parallel_loop3A_872 = arith.subf %parallel_loop3A_871, %parallel_loop3A_221 : vector<16xf32>
        %parallel_loop3A_873 = arith.mulf %parallel_loop3A_872, %parallel_loop3A_224 : vector<16xf32>
        %parallel_loop3A_874 = arith.constant 736 : index
        %parallel_loop3A_875 = tpu.vector_load %arg18[%parallel_loop3A_874] {strides = array<i32>} : memref<768xf32, #tpu.memory_space<vmem>>, vector<16xf32>,
        %parallel_loop3A_876 = arith.mulf %parallel_loop3A_873, %parallel_loop3A_875 : vector<16xf32>
        %parallel_loop3A_877 = arith.constant 736 : index
        %parallel_loop3A_878 = tpu.vector_load %arg19[%parallel_loop3A_877] {strides = array<i32>} : memref<768xf32, #tpu.memory_space<vmem>>, vector<16xf32>,
        %parallel_loop3A_879 = arith.addf %parallel_loop3A_876, %parallel_loop3A_878 : vector<16xf32>
        %parallel_loop3A_880 = arith.index_cast %parallel_loop3A_218 : i32 to index
        %parallel_loop3A_881 = arith.constant 736 : index
        %parallel_loop3A_882 = tpu.vector_load %arg14[%parallel_loop3A_880, %parallel_loop3A_881] {strides = array<i32>} : memref<96x768xf32, #tpu.memory_space<vmem>>, vector<16xf32>,
        tpu.vector_store %arg14[%parallel_loop3A_880, %parallel_loop3A_881], %parallel_loop3A_879 {strides = array<i32>} : memref<96x768xf32, #tpu.memory_space<vmem>>, vector<16xf32>,
        %parallel_loop3A_883 = arith.index_cast %parallel_loop3A_218 : i32 to index
        %parallel_loop3A_884 = arith.constant 752 : index
        %parallel_loop3A_885 = tpu.vector_load %arg14[%parallel_loop3A_883, %parallel_loop3A_884] {strides = array<i32>} : memref<96x768xf32, #tpu.memory_space<vmem>>, vector<16xf32>,
        %parallel_loop3A_886 = arith.subf %parallel_loop3A_885, %parallel_loop3A_221 : vector<16xf32>
        %parallel_loop3A_887 = arith.mulf %parallel_loop3A_886, %parallel_loop3A_224 : vector<16xf32>
        %parallel_loop3A_888 = arith.constant 752 : index
        %parallel_loop3A_889 = tpu.vector_load %arg18[%parallel_loop3A_888] {strides = array<i32>} : memref<768xf32, #tpu.memory_space<vmem>>, vector<16xf32>,
        %parallel_loop3A_890 = arith.mulf %parallel_loop3A_887, %parallel_loop3A_889 : vector<16xf32>
        %parallel_loop3A_891 = arith.constant 752 : index
        %parallel_loop3A_892 = tpu.vector_load %arg19[%parallel_loop3A_891] {strides = array<i32>} : memref<768xf32, #tpu.memory_space<vmem>>, vector<16xf32>,
        %parallel_loop3A_893 = arith.addf %parallel_loop3A_890, %parallel_loop3A_892 : vector<16xf32>
        %parallel_loop3A_894 = arith.index_cast %parallel_loop3A_218 : i32 to index
        %parallel_loop3A_895 = arith.constant 752 : index
        %parallel_loop3A_896 = tpu.vector_load %arg14[%parallel_loop3A_894, %parallel_loop3A_895] {strides = array<i32>} : memref<96x768xf32, #tpu.memory_space<vmem>>, vector<16xf32>,
        tpu.vector_store %arg14[%parallel_loop3A_894, %parallel_loop3A_895], %parallel_loop3A_893 {strides = array<i32>} : memref<96x768xf32, #tpu.memory_space<vmem>>, vector<16xf32>,
      } {sc.loop_unroll_factor = 2 : i64, sc.parallel_access}
      %mul3A_178 = arith.constant 2 : i32
      %mul3A_179 = arith.muli %scan3A_145, %mul3A_178 : i32
      %mul3A_180 = arith.constant 32 : i32
      %mul3A_181 = arith.muli %rem3A_147, %mul3A_180 : i32
      %add3A_182 = arith.constant 0 : i32
      %add3A_183 = arith.addi %mul3A_181, %add3A_182 : i32
      %add3A_184 = arith.constant 0 : i32
      %add3A_185 = arith.addi %mul3A_179, %add3A_184 : i32
      %dma_start3A_186 = arith.constant 0 : i32
      %dma_start3A_187 = tpu.memref_slice %arg14[%add3A_183, %dma_start3A_186] : memref<96x768xf32, #tpu.memory_space<vmem>> -> memref<16x768xf32, #tpu.memory_space<vmem>>
      %dma_start3A_188 = arith.constant 0 : i32
      %dma_start3A_189 = tpu.memref_slice %arg10[%add3A_185, %mul3A_2, %dma_start3A_188] : memref<256x512x768xf32, #tpu.memory_space<hbm>> -> memref<1x16x768xf32, #tpu.memory_space<hbm>>
      %dma_start3A_190 = tpu.memref_squeeze %dma_start3A_189 : memref<1x16x768xf32, #tpu.memory_space<hbm>> -> memref<16x768xf32, #tpu.memory_space<hbm>>
      %dma_start3A_191 = tpu.memref_slice %arg25[%rem3A_147] : memref<3x!tpu.dma_semaphore, #tpu.memory_space<semaphore_mem>> -> memref<1x!tpu.dma_semaphore, #tpu.memory_space<semaphore_mem>>
      %dma_start3A_192 = tpu.memref_squeeze %dma_start3A_191 : memref<1x!tpu.dma_semaphore, #tpu.memory_space<semaphore_mem>> -> memref<!tpu.dma_semaphore, #tpu.memory_space<semaphore_mem>>
      %dma_start3A_193 = arith.constant 0 : i32
      %dma_start3A_194 = tpu.memref_slice %arg10[%add3A_185, %mul3A_2, %dma_start3A_193] : memref<256x512x768xf32, #tpu.memory_space<hbm>> -> memref<1x16x768xf32, #tpu.memory_space<hbm>>
      %dma_start3A_195 = tpu.memref_squeeze %dma_start3A_194 : memref<1x16x768xf32, #tpu.memory_space<hbm>> -> memref<16x768xf32, #tpu.memory_space<hbm>>
      %dma_start3A_196 = arith.constant 0 : i32
      %dma_start3A_197 = tpu.memref_slice %arg14[%add3A_183, %dma_start3A_196] : memref<96x768xf32, #tpu.memory_space<vmem>> -> memref<16x768xf32, #tpu.memory_space<vmem>>
      tpu.enqueue_dma source(%dma_start3A_197 : memref<16x768xf32, #tpu.memory_space<vmem>>) target(%dma_start3A_195 : memref<16x768xf32, #tpu.memory_space<hbm>>) target_semaphore(%dma_start3A_192 : memref<!tpu.dma_semaphore, #tpu.memory_space<semaphore_mem>>)
      %mul3A_198 = arith.constant 32 : i32
      %mul3A_199 = arith.muli %rem3A_147, %mul3A_198 : i32
      %add3A_200 = arith.constant 16 : i32
      %add3A_201 = arith.addi %mul3A_199, %add3A_200 : i32
      %add3A_202 = arith.constant 1 : i32
      %add3A_203 = arith.addi %mul3A_179, %add3A_202 : i32
      %dma_start3A_204 = arith.constant 0 : i32
      %dma_start3A_205 = tpu.memref_slice %arg14[%add3A_201, %dma_start3A_204] : memref<96x768xf32, #tpu.memory_space<vmem>> -> memref<16x768xf32, #tpu.memory_space<vmem>>
      %dma_start3A_206 = arith.constant 0 : i32
      %dma_start3A_207 = tpu.memref_slice %arg10[%add3A_203, %mul3A_2, %dma_start3A_206] : memref<256x512x768xf32, #tpu.memory_space<hbm>> -> memref<1x16x768xf32, #tpu.memory_space<hbm>>
      %dma_start3A_208 = tpu.memref_squeeze %dma_start3A_207 : memref<1x16x768xf32, #tpu.memory_space<hbm>> -> memref<16x768xf32, #tpu.memory_space<hbm>>
      %dma_start3A_209 = tpu.memref_slice %arg25[%rem3A_147] : memref<3x!tpu.dma_semaphore, #tpu.memory_space<semaphore_mem>> -> memref<1x!tpu.dma_semaphore, #tpu.memory_space<semaphore_mem>>
      %dma_start3A_210 = tpu.memref_squeeze %dma_start3A_209 : memref<1x!tpu.dma_semaphore, #tpu.memory_space<semaphore_mem>> -> memref<!tpu.dma_semaphore, #tpu.memory_space<semaphore_mem>>
      %dma_start3A_211 = arith.constant 0 : i32
      %dma_start3A_212 = tpu.memref_slice %arg10[%add3A_203, %mul3A_2, %dma_start3A_211] : memref<256x512x768xf32, #tpu.memory_space<hbm>> -> memref<1x16x768xf32, #tpu.memory_space<hbm>>
      %dma_start3A_213 = tpu.memref_squeeze %dma_start3A_212 : memref<1x16x768xf32, #tpu.memory_space<hbm>> -> memref<16x768xf32, #tpu.memory_space<hbm>>
      %dma_start3A_214 = arith.constant 0 : i32
      %dma_start3A_215 = tpu.memref_slice %arg14[%add3A_201, %dma_start3A_214] : memref<96x768xf32, #tpu.memory_space<vmem>> -> memref<16x768xf32, #tpu.memory_space<vmem>>
      tpu.enqueue_dma source(%dma_start3A_215 : memref<16x768xf32, #tpu.memory_space<vmem>>) target(%dma_start3A_213 : memref<16x768xf32, #tpu.memory_space<hbm>>) target_semaphore(%dma_start3A_210 : memref<!tpu.dma_semaphore, #tpu.memory_space<semaphore_mem>>)
      %scan3A_216 = arith.constant 0 : i32
      scf.yield %scan3A_216 : i32
    }
    %scan3A_99 = arith.constant 128 : i32
    %dma_wait3A_100 = arith.constant 0 : i32
    %dma_wait3A_101 = arith.constant 0 : i32
    %dma_wait3A_102 = arith.constant 0 : i32
    %dma_wait3A_103 = tpu.memref_slice %arg14[%dma_wait3A_101, %dma_wait3A_102] : memref<96x768xf32, #tpu.memory_space<vmem>> -> memref<32x768xf32, #tpu.memory_space<vmem>>
    %dma_wait3A_104 = arith.constant 0 : i32
    %dma_wait3A_105 = arith.constant 0 : i32
    %dma_wait3A_106 = tpu.memref_slice %arg5[%dma_wait3A_104, %dma_wait3A_105] : memref<30522x768xf32, #tpu.memory_space<hbm>> -> memref<32x768xf32, #tpu.memory_space<hbm>>
    %dma_wait3A_107 = tpu.memref_slice %arg25[%dma_wait3A_100] : memref<3x!tpu.dma_semaphore, #tpu.memory_space<semaphore_mem>> -> memref<1x!tpu.dma_semaphore, #tpu.memory_space<semaphore_mem>>
    %dma_wait3A_108 = tpu.memref_squeeze %dma_wait3A_107 : memref<1x!tpu.dma_semaphore, #tpu.memory_space<semaphore_mem>> -> memref<!tpu.dma_semaphore, #tpu.memory_space<semaphore_mem>>
    %dma_wait3A_109 = arith.constant 0 : i32
    %dma_wait3A_110 = arith.constant 0 : i32
    %dma_wait3A_111 = tpu.memref_slice %arg14[%dma_wait3A_109, %dma_wait3A_110] : memref<96x768xf32, #tpu.memory_space<vmem>> -> memref<32x768xf32, #tpu.memory_space<vmem>>
    %dma_wait3A_112 = arith.constant 0 : i32
    %dma_wait3A_113 = arith.constant 0 : i32
    %dma_wait3A_114 = tpu.memref_slice %arg5[%dma_wait3A_112, %dma_wait3A_113] : memref<30522x768xf32, #tpu.memory_space<hbm>> -> memref<32x768xf32, #tpu.memory_space<hbm>>
    tpu.wait_dma2 semaphore(%dma_wait3A_108 : memref<!tpu.dma_semaphore, #tpu.memory_space<semaphore_mem>>) src(%dma_wait3A_114 : memref<32x768xf32, #tpu.memory_space<hbm>>) dst(%dma_wait3A_111 : memref<32x768xf32, #tpu.memory_space<vmem>>)
    %dma_wait3A_115 = arith.constant 1 : i32
    %dma_wait3A_116 = arith.constant 32 : i32
    %dma_wait3A_117 = arith.constant 0 : i32
    %dma_wait3A_118 = tpu.memref_slice %arg14[%dma_wait3A_116, %dma_wait3A_117] : memref<96x768xf32, #tpu.memory_space<vmem>> -> memref<32x768xf32, #tpu.memory_space<vmem>>
    %dma_wait3A_119 = arith.constant 0 : i32
    %dma_wait3A_120 = arith.constant 0 : i32
    %dma_wait3A_121 = tpu.memref_slice %arg5[%dma_wait3A_119, %dma_wait3A_120] : memref<30522x768xf32, #tpu.memory_space<hbm>> -> memref<32x768xf32, #tpu.memory_space<hbm>>
    %dma_wait3A_122 = tpu.memref_slice %arg25[%dma_wait3A_115] : memref<3x!tpu.dma_semaphore, #tpu.memory_space<semaphore_mem>> -> memref<1x!tpu.dma_semaphore, #tpu.memory_space<semaphore_mem>>
    %dma_wait3A_123 = tpu.memref_squeeze %dma_wait3A_122 : memref<1x!tpu.dma_semaphore, #tpu.memory_space<semaphore_mem>> -> memref<!tpu.dma_semaphore, #tpu.memory_space<semaphore_mem>>
    %dma_wait3A_124 = arith.constant 32 : i32
    %dma_wait3A_125 = arith.constant 0 : i32
    %dma_wait3A_126 = tpu.memref_slice %arg14[%dma_wait3A_124, %dma_wait3A_125] : memref<96x768xf32, #tpu.memory_space<vmem>> -> memref<32x768xf32, #tpu.memory_space<vmem>>
    %dma_wait3A_127 = arith.constant 0 : i32
    %dma_wait3A_128 = arith.constant 0 : i32
    %dma_wait3A_129 = tpu.memref_slice %arg5[%dma_wait3A_127, %dma_wait3A_128] : memref<30522x768xf32, #tpu.memory_space<hbm>> -> memref<32x768xf32, #tpu.memory_space<hbm>>
    tpu.wait_dma2 semaphore(%dma_wait3A_123 : memref<!tpu.dma_semaphore, #tpu.memory_space<semaphore_mem>>) src(%dma_wait3A_129 : memref<32x768xf32, #tpu.memory_space<hbm>>) dst(%dma_wait3A_126 : memref<32x768xf32, #tpu.memory_space<vmem>>)
    %dma_wait3A_130 = arith.constant 2 : i32
    %dma_wait3A_131 = arith.constant 64 : i32
    %dma_wait3A_132 = arith.constant 0 : i32
    %dma_wait3A_133 = tpu.memref_slice %arg14[%dma_wait3A_131, %dma_wait3A_132] : memref<96x768xf32, #tpu.memory_space<vmem>> -> memref<32x768xf32, #tpu.memory_space<vmem>>
    %dma_wait3A_134 = arith.constant 0 : i32
    %dma_wait3A_135 = arith.constant 0 : i32
    %dma_wait3A_136 = tpu.memref_slice %arg5[%dma_wait3A_134, %dma_wait3A_135] : memref<30522x768xf32, #tpu.memory_space<hbm>> -> memref<32x768xf32, #tpu.memory_space<hbm>>
    %dma_wait3A_137 = tpu.memref_slice %arg25[%dma_wait3A_130] : memref<3x!tpu.dma_semaphore, #tpu.memory_space<semaphore_mem>> -> memref<1x!tpu.dma_semaphore, #tpu.memory_space<semaphore_mem>>
    %dma_wait3A_138 = tpu.memref_squeeze %dma_wait3A_137 : memref<1x!tpu.dma_semaphore, #tpu.memory_space<semaphore_mem>> -> memref<!tpu.dma_semaphore, #tpu.memory_space<semaphore_mem>>
    %dma_wait3A_139 = arith.constant 64 : i32
    %dma_wait3A_140 = arith.constant 0 : i32
    %dma_wait3A_141 = tpu.memref_slice %arg14[%dma_wait3A_139, %dma_wait3A_140] : memref<96x768xf32, #tpu.memory_space<vmem>> -> memref<32x768xf32, #tpu.memory_space<vmem>>
    %dma_wait3A_142 = arith.constant 0 : i32
    %dma_wait3A_143 = arith.constant 0 : i32
    %dma_wait3A_144 = tpu.memref_slice %arg5[%dma_wait3A_142, %dma_wait3A_143] : memref<30522x768xf32, #tpu.memory_space<hbm>> -> memref<32x768xf32, #tpu.memory_space<hbm>>
    tpu.wait_dma2 semaphore(%dma_wait3A_138 : memref<!tpu.dma_semaphore, #tpu.memory_space<semaphore_mem>>) src(%dma_wait3A_144 : memref<32x768xf32, #tpu.memory_space<hbm>>) dst(%dma_wait3A_141 : memref<32x768xf32, #tpu.memory_space<vmem>>)
    return
  }
}

</mosaic_0001>

<sc_bundles>
// kernel: _run.3.cloned.1.call-start
scs
__scs_entry_jumppad:
0x0: {  	(pc) =	sbr.rel $0x88, $3  }
0x1: {  	(tag) =	ssettag $0x0;
	lr =	simm.s32 $0x1  }
0x2: {  	[smem:$0x3F99] =	sst lr;
	_ =	strace $0xD0000000  }
0x3: {  	_ = 	snop  }
0x4: {  	_ = 	snop  }
0x5: {  	_ = 	snop  }
0x6: {  	_ = 	snop  }
0x7: {  	_ = 	snop  }
__scs_overlays_trampoline_lowered:
0x8: {  	[smem:$0x3FA8] =	sst s0  }
0x9: {  	[smem:$0x3FA9] =	sst s1  }
0xa: {  	[smem:$0x3FAA] =	sst s2  }
0xb: {  	[smem:$0x3FAB] =	sst s3  }
0xc: {  	[smem:$0x3FAC] =	sst s4  }
0xd: {  	[smem:$0x3FAD] =	sst s5  }
0xe: {  	[smem:$0x3FAE] =	sst s6  }
0xf: {  	[smem:$0x3FAF] =	sst s7  }
0x10: {  	[smem:$0x3FB0] =	sst s8  }
0x11: {  	[smem:$0x3FB1] =	sst s9;
	s0 =	simm.s32 @!p0 $0x0  }
0x12: {  	s1 =	sld [smem:$0x3F97];
	s0 =	simm.s32 @p0 $0x1  }
0x13: {  	[smem:$0x3FB2] =	sst s0;
	s0 =	simm.s32 @!p1 $0x0  }
0x14: {  	s2 =	sld [smem:$0x3F96];
	s0 =	simm.s32 @p1 $0x1  }
0x15: {  	[smem:$0x3FB3] =	sst s0;
	s0 =	simm.s32 @!p2 $0x0  }
0x16: {  	s3 =	sld [smem:$0x3FDB];
	s0 =	simm.s32 @p2 $0x1  }
0x17: {  	s4 =	simm.s32 $0x1BF5;
	[smem:$0x3FB5] =	sst s0  }
0x18: {  	s0 =	sld [smem:$0x3F98];
	_ =	swait.ge [sflag:s4], $0x0  }
0x19: {  	s7 =	sld [smem:$0x3F99]  }
0x1a: {  	s8 =	sadd.s32 $0xFFFFE003, lr  }
0x1b: {  	s9 =	sadd.s32 $0xFFFFFEF7, lr;
	s5 =	simm.s32 $0xFFFFFFFF;
	p2 =	slt.u32 s8, $0xFFFFF086  }
0x1c: {  	p1 =	slt.u32 s9, $0xF7A;
	s5 =	simm.s32 @!p2 $0x0  }
0x1d: {  	s5 =	simm.s32 @p1 $0x1;
	p0 =	seq.s32 s7, s2  }
0x1e: {  	s7 =	smul.u32 @!p0 $0xF7A, s2;
	p2 =	seq.s32 @!p0 s5, $0x0  }
0x1f: {  	s9 =	smul.u32 $0xF7A, s1;
	s8 =	simm.s32 @!p0 $0x1BF5;
	p2 =	por !p2, p0  }
0x20: {  	[sflag:s8] =	ssyncset.s32 @!p0 $0xFFFFF086;
	s6 =	sadd.s32 @!p0 s3, s7;
	s7 =	simm.s32 @!p0 $0x108  }
0x21: {  	s3 =	sadd.s32 s3, s9;
	s6 =	sadd.s32 @!p0 $0x88, s6;
	s7 =	simm.s32 @p2 $0x1082  }
0x22: {  	[simem:s7], [sflag:s8] =	dma.local @!p0 [hbm:s6], $0xF7A  }
0x23: {  	s9 =	sor.u32 $0xD0000000, s2;
	s6 =	simm.s32 $0x108;
	_ =	swait.ge @!p0 [sflag:s8], $0x0  }
0x24: {  	s3 =	sadd.s32 $0x88, s3;
	s6 =	simm.s32 @!p1 $0x1082;
	[sflag:s4] =	ssyncset.s32 $0xFFFFF086  }
0x25: {  	[simem:s6], [sflag:s4] =	dma.local [hbm:s3], $0xF7A  }
0x26: {  	[smem:$0x3F99] =	sst s1;
	(tag) =	ssettag s2;
	_ =	strace s9  }
0x27: {  	s1 =	sld [smem:$0x3FA9]  }
0x28: {  	s2 =	sld [smem:$0x3FAA]  }
0x29: {  	s4 =	sld [smem:$0x3FAC]  }
0x2a: {  	p0 =	seq.s32 s5, $0x0;
	s5 =	sld [smem:$0x3FAD]  }
0x2b: {  	s6 =	sld [smem:$0x3FAE]  }
0x2c: {  	s7 =	sld [smem:$0x3FAF]  }
0x2d: {  	s3 =	simm.s32 $0x108;
	s8 =	sld [smem:$0x3FB0]  }
0x2e: {  	s3 =	simm.s32 @!p0 $0x1082;
	s9 =	sld [smem:$0x3FB1]  }
0x2f: {  	lr =	sadd.s32 s0, s3;
	s0 =	sld [smem:$0x3FA8]  }
0x30: {  	s3 =	sld [smem:$0x3FAB]  }
0x31: {  	[smem:$0x3FB4] =	sst s10  }
0x32: {  	s10 =	sld [smem:$0x3FB2];
	_ =	sdelay $0x3  }
0x33: {  	p0 =	seq.s32 s10, $0x1;
	s10 =	sld [smem:$0x3FB4];
	_ =	sdelay $0x3  }
0x34: {  	[smem:$0x3FB4] =	sst s10  }
0x35: {  	s10 =	sld [smem:$0x3FB3];
	_ =	sdelay $0x3  }
0x36: {  	p1 =	seq.s32 s10, $0x1;
	s10 =	sld [smem:$0x3FB4];
	_ =	sdelay $0x3  }
0x37: {  	[smem:$0x3FB4] =	sst s10  }
0x38: {  	s10 =	sld [smem:$0x3FB5]  }
0x39: {  	_ = 	snop;
	(pc) =	sbr.ind lr, $3  }
0x3a: {  	_ = 	snop  }
0x3b: {  	_ = 	snop  }
0x3c: {  	p2 =	seq.s32 s10, $0x1;
	s10 =	sld [smem:$0x3FB4]  }
0x3d: {  	_ =	shalt  }
0x3e: {  	_ =	shalt  }
0x3f: {  	_ =	shalt  }
0x40: {  	_ =	shalt  }
0x41: {  	_ =	shalt  }
0x42: {  	_ =	shalt  }
0x43: {  	_ =	shalt  }
0x44: {  	_ =	shalt  }
0x45: {  	_ =	shalt  }
0x46: {  	_ =	shalt  }
0x47: {  	_ =	shalt  }
0x48: {  	_ =	shalt  }
0x49: {  	_ =	shalt  }
0x4a: {  	_ =	shalt  }
0x4b: {  	_ =	shalt  }
0x4c: {  	_ =	shalt  }
0x4d: {  	_ =	shalt  }
0x4e: {  	_ =	shalt  }
0x4f: {  	_ =	shalt  }
0x50: {  	_ =	shalt  }
0x51: {  	_ =	shalt  }
0x52: {  	_ =	shalt  }
0x53: {  	_ =	shalt  }
0x54: {  	_ =	shalt  }
0x55: {  	_ =	shalt  }
0x56: {  	_ =	shalt  }
0x57: {  	_ =	shalt  }
0x58: {  	_ =	shalt  }
0x59: {  	_ =	shalt  }
0x5a: {  	_ =	shalt  }
0x5b: {  	_ =	shalt  }
0x5c: {  	_ =	shalt  }
0x5d: {  	_ =	shalt  }
0x5e: {  	_ =	shalt  }
0x5f: {  	_ =	shalt  }
0x60: {  	_ =	shalt  }
0x61: {  	_ =	shalt  }
0x62: {  	_ =	shalt  }
0x63: {  	_ =	shalt  }
0x64: {  	_ =	shalt  }
0x65: {  	_ =	shalt  }
0x66: {  	_ =	shalt  }
0x67: {  	_ =	shalt  }
0x68: {  	_ =	shalt  }
0x69: {  	_ =	shalt  }
0x6a: {  	_ =	shalt  }
0x6b: {  	_ =	shalt  }
0x6c: {  	_ =	shalt  }
0x6d: {  	_ =	shalt  }
0x6e: {  	_ =	shalt  }
0x6f: {  	_ =	shalt  }
0x70: {  	_ =	shalt  }
0x71: {  	_ =	shalt  }
0x72: {  	_ =	shalt  }
0x73: {  	_ =	shalt  }
0x74: {  	_ =	shalt  }
0x75: {  	_ =	shalt  }
0x76: {  	_ =	shalt  }
0x77: {  	_ =	shalt  }
0x78: {  	_ =	shalt  }
0x79: {  	_ =	shalt  }
0x7a: {  	_ =	shalt  }
0x7b: {  	_ =	shalt  }
0x7c: {  	_ =	shalt  }
0x7d: {  	_ =	shalt  }
0x7e: {  	_ =	shalt  }
0x7f: {  	_ =	shalt  }
0x80: {  	_ =	shalt  }
0x81: {  	_ =	shalt  }
0x82: {  	_ =	shalt  }
0x83: {  	_ =	shalt  }
0x84: {  	_ =	shalt  }
0x85: {  	_ =	shalt  }
0x86: {  	_ =	shalt  }
0x87: {  	_ =	shalt  }
.Lfunc_end0:
.L_simem_size_0:
called_computation_lowered:
.L_overlay_start_0:
0x88: {  	s2 =	sld [smem:$0x3FD9]  }
0x89: {  	s3 =	sld [smem:$0x3FFE];
	_ =	sdelay $0x1  }
0x8a: {  	s1 =	srdreg.scid  }
0x8b: {  	s0 =	sand.u32 $0x1, s1  }
0x8c: {  	s18 =	sshll.u32 s0, $0xA;
	s2 =	sadd.s32 s3, s2  }
0x8d: {  	s2 =	sadd.s32 s2, s18  }
0x8e: {  	[smem:$0x3FC0] =	sst s2  }
0x8f: {  	_ = 	snop  }
0x90: {  	s2 =	sld [smem:$0x3FC9]  }
0x91: {  	s19 =	sld [smem:$0x3FC8]  }
0x92: {  	s4 =	sld [smem:$0x3FC7]  }
0x93: {  	s5 =	sld [smem:$0x3FC6]  }
0x94: {  	s6 =	sld [smem:$0x3FC5]  }
0x95: {  	s7 =	sld [smem:$0x3FC4]  }
0x96: {  	s8 =	sld [smem:$0x3FC3]  }
0x97: {  	s9 =	sld [smem:$0x3FC2]  }
0x98: {  	s10 =	sld [smem:$0x3FD0];
	(tm) =	ssettm $0x1  }
0x99: {  	s11 =	sld [smem:$0x3FFB];
	_ =	sdelay $0x3  }
0x9a: {  	_ =	strace s11  }
0x9b: {  	s11 =	sld [smem:$0x3FFC];
	_ =	sdelay $0x3  }
0x9c: {  	_ =	strace s11  }
0x9d: {  	s11 =	sld [smem:$0x3FFD];
	_ =	sdelay $0x3  }
0x9e: {  	_ =	strace s11  }
0x9f: {  	_ =	strace $0x8FFFFFFF  }
0xa0: {  	s20 =	sld [smem:$0x3FDB];
	_ =	sdelay $0x1  }
0xa1: {  	s12 =	simm.s32 $_scs_section_size  }
0xa2: {  	s13 =	simm.s32 $_size__tile_overlayer_lowered;
	s14 =	simm.s32 $_tile_overlayer_lowered  }
0xa3: {  	s23 =	simm.s32 $0x1BFF;
	s22 =	sshll.u32 s14, $0x1;
	s11 =	sadd.s32 s12, s20  }
0xa4: {  	s15 =	simm.s32 $0x0;
	s21 =	sshll.u32 s13, $0x1;
	s13 =	sadd.s32 s22, s11  }
0xa5: {  	[timem:s15], [sflag:s23] =	dma.local [hbm:s13], s21  }
0xa6: {  	_ =	swait.ge [sflag:s23], s21  }
0xa7: {  	s12 =	ssub.s32 $0x0, s21;
	[sflag:s23] =	ssyncset.done $0x0  }
0xa8: {  	[sflag:s23] =	ssyncadd.s32 s12;
	_ =	sdelay $0x1  }
0xa9: {  	s24 =	simm.s32 $0x1B8B  }
0xaa: {  	_ =	swait.ge [sflag:s24], $0x1  }
0xab: {  	[sflag:s24] =	ssyncset.done $0x0  }
0xac: {  	s25 =	simm.s32 $0x1B8E;
	[sflag:s24] =	ssyncadd.s32 $0xFFFFFFFF  }
0xad: {  	s26 =	simm.s32 $execute0_lowered;
	[smem:$0x3FD2] =	sst s25  }
0xae: {  	s12 =	sshll.u32 s26, $0x1;
	_ =	strace $0x80000046;
	[dreg:$0x1] =	wrdreg $0xFFFFFFFF  }
0xaf: {  	s28 =	simm.s32 $_size_execute0_lowered;
	s11 =	sadd.s32 s11, s12;
	[dreg:$0x0] =	wrdreg $0x0  }
0xb0: {  	s12 =	sshll.u32 s28, $0x1;
	[dreg:$0x2] =	wrdreg s11  }
0xb1: {  	[dreg:$0x3] =	wrdreg s12  }
0xb2: {  	[dreg:$0x4] =	wrdreg $0xC0  }
0xb3: {  	_ =	task [dreg:s15], $0x5FFFF  }
0xb4: {  	[dreg:$0x1] =	wrdreg $0xFFFFFFFF  }
0xb5: {  	[dreg:$0x0] =	wrdreg $0x60  }
0xb6: {  	[dreg:$0x2] =	wrdreg s2  }
0xb7: {  	[dreg:$0x3] =	wrdreg s19  }
0xb8: {  	[dreg:$0x4] =	wrdreg s4  }
0xb9: {  	[dreg:$0x5] =	wrdreg s5  }
0xba: {  	[dreg:$0x6] =	wrdreg s6  }
0xbb: {  	[dreg:$0x7] =	wrdreg s7  }
0xbc: {  	[dreg:$0x8] =	wrdreg s8  }
0xbd: {  	[dreg:$0x9] =	wrdreg s9  }
0xbe: {  	[dreg:$0xa] =	wrdreg s10  }
0xbf: {  	[dreg:$0xb] =	wrdreg $0x9  }
0xc0: {  	_ =	task.clear_ibuf [dreg:s15], $0xCFFFF;
	_ =	strace $0x90000046  }
0xc1: {  	s29 =	simm.s32 $0x9;
	_ =	strace $0x80000048  }
0xc2: {  	_ =	swait.ge [sflag:s29], $0x1  }
0xc3: {  	[sflag:s29] =	ssyncadd.s32 $0xFFFFFFFF  }
0xc4: {  	_ =	strace $0x90000048  }
0xc5: {  	_ =	sfence  }
0xc6: {  	s30 =	sld [smem:$0x0];
	_ =	sdelay $0x2  }
0xc7: {  	s31 =	sshll.u32 s1, $0xD;
	s1 =	sshrl.u32 s1, $0x2  }
0xc8: {  	s3 =	sand.u32 $0x4000, s31;
	s1 =	sadd.s32 s1, s30  }
0xc9: {  	s0 =	sor.u32 s3, s0;
	s1 =	sshll.u32 s1, $0x11  }
0xca: {  	s0 =	sor.u32 s1, s0  }
0xcb: {  	s0 =	sadd.s32 $0x8F2B, s0  }
0xcc: {  	[sflag:s0] =	ssyncadd.remote.s32 $0x1  }
0xcd: {  	_ =	sfence.sel $0xFFFF  }
0xce: {  	[dreg:$0x0] =	wrdreg $0xFFFFFFFF;
	(pc) =	sbr.abs _section_cstart, $3  }
0xcf: {  	[dreg:$0x1] =	wrdreg $0xFFFFFFFF  }
0xd0: {  	_ =	task.clear_ibuf [dreg:s15], $0x2FFFF;
	_ =	strace $0x9FFFFFFF  }
0xd1: {  	(tm) =	ssettm $0x7FFFFFFF  }
tec
execute0_lowered:
.L_overlay_start_1:
0x0: {  	(tag) =	ssettag $0x1  }
0x1: {  	v0 =	vimm.s32 $0xB80;
	vm15 =	vcmask $0x300;
	vm14 =	vcmask $0x704  }
0x2: {  	vm13 =	vcmask $0xB08;
	v1 =	vlaneseq.u32;
	vm12 =	vcmask $0xF0C  }
0x3: {  	vm11 =	vcmask $0x1310;
	vm10 =	vcmask $0x1714;
	vm9 =	vcmask $0x1B18  }
0x4: {  	vm8 =	vcmask $0x1F1C;
	vm7 =	vcmask $0x2320;
	v48 =	vimm.s32 $0xB81  }
0x5: {  	vm5 =	vcmask $0x2724;
	vm4 =	vcmask $0x2B28;
	vm1 =	vcmask $0x2F2C  }
0x6: {  	v50 =	vimm.s32 $0xB82;
	vm2 =	vcmask $0x3330;
	vm3 =	vcmask $0x3734  }
0x7: {  	vm6 =	vcmask $0x3B38;
	v53 =	vimm.s32 $0xB83;
	v3 =	vimm.s32 $0xEFCDAB89  }
0x8: {  	v4 =	vimm.s32 $0x67452301;
	v58 =	vimm.s32 $0xDCFE98BA;
	v59 =	vimm.s32 $0x54761032  }
0x9: {  	v5 =	vimm.s32 $0xBA98FEDC;
	v6 =	vimm.s32 $0x32107654;
	v60 =	vimm.s32 $0xFEDCBA98  }
0xa: {  	v0 =	vsel vm15, $0x0, v0;
	v2 =	vand.u32 $0x7, v1;
	v47 =	vshrl.u32 v1, $0x3  }
0xb: {  	v3 =	vunpack.c.l.s4.s8 v3;
	v4 =	vunpack.c.l.s4.s8 v4;
	v5 =	vunpack.c.l.s4.s8 v5  }
0xc: {  	v6 =	vunpack.c.l.s4.s8 v6;
	v0 =	vsel vm14, $0x80, v0;
	[tilespmem:$0x1FF90] =	vst v2;
	v2 =	vmul.u32 $0x8, v47  }
0xd: {  	v0 =	vsel vm13, $0x100, v0;
	v56 =	vunpack.c.0.s8.s32 v3;
	v57 =	vunpack.c.0.s8.s32 v4  }
0xe: {  	v4 =	vunpack.c.l.s4.s8 v58;
	v3 =	vunpack.c.l.s4.s8 v59;
	v5 =	vunpack.c.0.s8.s32 v5  }
0xf: {  	v6 =	vunpack.c.0.s8.s32 v6;
	v0 =	vsel vm12, $0x180, v0;
	[tilespmem:$0x1FFA0] =	vst v2;
	v2 =	vsel vm15, $0x1, v48  }
0x10: {  	v1 =	vor.u32 $0x8, v1;
	v0 =	vsel vm11, $0x200, v0;
	v2 =	vsel vm14, $0x81, v2  }
0x11: {  	v4 =	vunpack.c.0.s8.s32 v4;
	v3 =	vunpack.c.0.s8.s32 v3;
	v5 =	vcombine.low v6, v5  }
0x12: {  	v0 =	vsel vm10, $0x280, v0;
	v49 =	vsel vm13, $0x101, v2;
	v2 =	vsel vm15, $0x2, v50  }
0x13: {  	[tilespmem:$0x1FFB0] =	vst v1;
	v0 =	vsel vm9, $0x300, v0;
	v1 =	vsel vm12, $0x181, v49;
	v2 =	vsel vm14, $0x82, v2  }
0x14: {  	v0 =	vsel vm8, $0x380, v0;
	v1 =	vsel vm11, $0x201, v1;
	v2 =	vsel vm13, $0x102, v2  }
0x15: {  	v0 =	vsel vm7, $0x800, v0;
	v1 =	vsel vm10, $0x281, v1;
	v2 =	vsel vm12, $0x182, v2  }
0x16: {  	v0 =	vsel vm5, $0x880, v0;
	v1 =	vsel vm9, $0x301, v1;
	v2 =	vsel vm11, $0x202, v2  }
0x17: {  	v0 =	vsel vm4, $0x900, v0;
	v1 =	vsel vm8, $0x381, v1;
	v2 =	vsel vm10, $0x282, v2  }
0x18: {  	s1 =	rddreg [dreg:$0x0];
	v1 =	vsel vm7, $0x801, v1;
	v52 =	vsel vm9, $0x302, v2;
	v2 =	vsel vm15, $0x3, v53  }
0x19: {  	s3 =	rddreg [dreg:$0x1];
	v0 =	vsel vm1, $0x980, v0;
	v1 =	vsel vm5, $0x881, v1;
	v2 =	vsel vm14, $0x83, v2  }
0x1a: {  	s2 =	rddreg [dreg:$0x2];
	v51 =	vsel vm4, $0x901, v1;
	v1 =	vsel vm8, $0x382, v52;
	v2 =	vsel vm13, $0x103, v2  }
0x1b: {  	s0 =	rddreg [dreg:$0x3];
	v0 =	vsel vm2, $0xA00, v0;
	v1 =	vsel vm7, $0x802, v1;
	v2 =	vsel vm12, $0x183, v2  }
0x1c: {  	s10 =	rddreg [dreg:$0x4];
	s4 =	srdreg.scid;
	v0 =	vsel vm3, $0xA80, v0;
	v1 =	vsel vm5, $0x882, v1;
	v55 =	vsel vm11, $0x203, v2  }
0x1d: {  	s6 =	rddreg [dreg:$0x8];
	s8 =	stileid.u32;
	s4 =	sand.u32 $0x1, s4;
	v0 =	vsel vm6, $0xB00, v0;
	v54 =	vsel vm4, $0x902, v1;
	v1 =	vsel vm10, $0x283, v55  }
0x1e: {  	s8 =	sshll.u32 s8, $0x5;
	s5 =	ssub.s32 $0x2, s4;
	s4 =	sshll.u32 s4, $0x4;
	v6 =	vimm.s32 $0x76543210;
	[tilespmem:$0x1FFC0] =	vst v0;
	v0 =	vsel vm1, $0x981, v51;
	v1 =	vsel vm9, $0x303, v1  }
0x1f: {  	s7 =	simm.s32 $0x0;
	s22 =	simm.s32 $0x1000;
	s4 =	sor.u32 s4, s8;
	v3 =	vcombine.low v3, v4;
	v0 =	vsel vm2, $0xA01, v0;
	v1 =	vsel vm8, $0x383, v1  }
0x20: {  	s24 =	simm.s32 $0x7;
	s8 =	sshrl.u32 s4, $0x3;
	s4 =	sshll.u32 s4, $0x5;
	v4 =	vunpack.c.l.s4.s8 v60;
	v0 =	vsel vm3, $0xA81, v0;
	v1 =	vsel vm7, $0x803, v1  }
0x21: {  	[smem:$0x7FF] =	sst s7;
	s29 =	sadd.s32 $0x100, s10;
	s1 =	sadd.s32 s1, s4;
	v6 =	vunpack.c.l.s4.s8 v6;
	v0 =	vsel vm6, $0xB01, v0;
	v1 =	vsel vm5, $0x883, v1  }
0x22: {  	s26 =	sadd.s32 s3, s4;
	v4 =	vunpack.c.0.s8.s32 v4;
	_ =	strace $0x80000047;
	[dreg:$0xa] =	wrdreg s1;
	[tilespmem:$0x1FFD0] =	vst v0;
	v0 =	vsel vm1, $0x982, v54;
	v1 =	vsel vm4, $0x903, v1  }
0x23: {  	s30 =	sadd.s32 $0x200, s10;
	s28 =	sadd.s32 s2, s8;
	v62 =	vunpack.c.0.s8.s32 v6;
	[dreg:$0xb] =	wrdreg s26;
	v0 =	vsel vm2, $0xA02, v0;
	v1 =	vsel vm1, $0x983, v1  }
0x24: {  	s15 =	sadd.s32 $0x100, s0;
	s9 =	sshrl.u32 s5, $0x1;
	v63 =	vand.u32 $0xF, v4;
	[dreg:$0xc] =	wrdreg s28;
	v0 =	vsel vm3, $0xA82, v0;
	v1 =	vsel vm2, $0xA03, v1  }
0x25: {  	s5 =	ssub.s32 s5, s9;
	s11 =	smul.u32 $0x1800, s8;
	v2 =	vcombine.low v57, v56;
	[dreg:$0xd] =	wrdreg s29;
	v0 =	vsel vm6, $0xB02, v0;
	v61 =	vsel vm3, $0xA83, v1  }
0x26: {  	vm0 =	vmmov $0xffff;
	s16 =	sadd.s32 $0x200, s0;
	s31 =	smax.u32 s5, $0x1;
	v10 =	vcombine.low v63, v62;
	[dreg:$0xe] =	wrdreg s30;
	[tilespmem:$0x1FFE0] =	vst v0;
	v0 =	vsel vm6, $0xB03, v61  }
0x27: {  	s3 =	simm.s32 $0x0;
	s17 =	sadd.s32 $0x60000, s11;
	v9 =	vand.u32 $0xF, v5;
	v8 =	vand.u32 $0xF, v3;
	[dreg:$0xf] =	wrdreg s31;
	v55 =	vand.u32 $0xF, v2;
	[tilespmem:$0x1FFF0] =	vst v0  }
.LBB2_1:
0x28: {  	[dreg:$0x10] =	wrdreg s3  }
0x29: {  	s1 =	rddreg [dreg:$0x6];
	s2 =	simm.s32 $0x17980  }
0x2a: {  	[tilespmem:s2], [sflag:$0x7] =	stream.linear.gather [hbm4b:s1+s7], $0x300, $0x38;
	[tilespmem:$0x1A380] =	vst v63  }
0x2b: {  	_ =	swait.ge [sflag:s24], $0x300  }
0x2c: {  	[sflag:s24] =	ssyncset.done $0x0  }
0x2d: {  	[sflag:s24] =	ssyncadd.s32 $0xFFFFFD00  }
0x2e: {  	s3 =	simm.s32 $0x17C80;
	s2 =	rddreg [dreg:$0x7]  }
0x2f: {  	[tilespmem:s3], [sflag:$0x7] =	stream.linear.gather [hbm4b:s2+s7], $0x300, $0x38;
	[tilespmem:$0x1A380] =	vst v63  }
0x30: {  	_ =	swait.ge [sflag:s24], $0x300  }
0x31: {  	[sflag:s24] =	ssyncset.done $0x0  }
0x32: {  	[sflag:s24] =	ssyncadd.s32 $0xFFFFFD00  }
0x33: {  	s5 =	simm.s32 $0x17080;
	s4 =	rddreg [dreg:$0x5]  }
0x34: {  	[tilespmem:s5], [sflag:$0x7] =	stream.linear.gather [hbm4b:s4+s7], $0x600, $0x38;
	[tilespmem:$0x1A380] =	vst v63  }
0x35: {  	_ =	swait.ge [sflag:s24], $0x600  }
0x36: {  	[sflag:s24] =	ssyncset.done $0x0  }
0x37: {  	s8 =	rddreg [dreg:$0xa];
	[sflag:s24] =	ssyncadd.s32 $0xFFFFFA00  }
0x38: {  	[tilespmem:s7], [sflag:$0x7] =	stream.linear.gather [hbm4b:s8+s7], $0x1000, $0x38;
	[tilespmem:$0x1A380] =	vst v63  }
0x39: {  	_ =	swait.ge [sflag:s24], $0x1000  }
0x3a: {  	[sflag:s24] =	ssyncset.done $0x0  }
0x3b: {  	s9 =	rddreg [dreg:$0xb];
	[sflag:s24] =	ssyncadd.s32 $0xFFFFF000  }
0x3c: {  	[tilespmem:s22], [sflag:$0x7] =	stream.linear.gather [hbm4b:s9+s7], $0x1000, $0x38;
	[tilespmem:$0x1A380] =	vst v63  }
0x3d: {  	_ =	swait.ge [sflag:s24], $0x1000  }
0x3e: {  	[sflag:s24] =	ssyncset.done $0x0  }
0x3f: {  	s12 =	simm.s32 $0x2000;
	s10 =	rddreg [dreg:$0xc];
	[sflag:s24] =	ssyncadd.s32 $0xFFFFF000  }
0x40: {  	[tilespmem:s12], [sflag:$0x7] =	stream.linear.gather [hbm4b:s10+s7], $0x10, $0x38;
	[tilespmem:$0x1A380] =	vst v63  }
0x41: {  	_ =	swait.ge [sflag:s24], $0x10  }
0x42: {  	[sflag:s24] =	ssyncset.done $0x0  }
0x43: {  	[sflag:s24] =	ssyncadd.s32 $0xFFFFFFF0  }
0x44: {  	v0 =	vld [tilespmem:$0x2000];
	_ =	sdelay $0x4  }
0x45: {  	v1 =	vshrl.u32 v0, $0x3  }
0x46: {  	v1 =	vmul.u32 $0x30, v1  }
0x47: {  	v0 =	vand.u32 $0x7, v0  }
0x48: {  	v0 =	vor.u32 v0, v1;
	v1 =	vld [tilespmem:$0x1FF90];
	_ =	sdelay $0x1  }
0x49: {  	v2 =	vld [tilespmem:$0x1FFA0];
	_ =	sdelay $0x2  }
0x4a: {  	v1 =	vperm.xlane v0, v1  }
0x4b: {  	v3 =	vld [tilespmem:$0x1FFB0]  }
0x4c: {  	v1 =	vadd.s32 v2, v1;
	_ =	sdelay $0x3  }
0x4d: {  	s14 =	simm.s32 $0x14080;
	s13 =	rddreg [dreg:$0x4];
	v0 =	vperm.xlane v0, v3  }
0x4e: {  	[tilespmem:s14], [sflag:$0x1] =	stream.indirect_vreg.gather [hbm4b:s13+s7], $0x80, v1, vm0, $0xb8;
	[tilespmem:$0x1A380] =	vst v63  }
0x4f: {  	s19 =	simm.s32 $0x14880;
	s18 =	rddreg [dreg:$0xd];
	v0 =	vadd.s32 v2, v0  }
0x50: {  	[tilespmem:s19], [sflag:$0x1] =	stream.indirect_vreg.gather [hbm4b:s18+s7], $0x80, v1, vm0, $0xb8;
	[tilespmem:$0x1A380] =	vst v63  }
0x51: {  	s4 =	simm.s32 $0x15080;
	s20 =	rddreg [dreg:$0xe]  }
0x52: {  	[tilespmem:s4], [sflag:$0x1] =	stream.indirect_vreg.gather [hbm4b:s20+s7], $0x80, v1, vm0, $0xb8;
	[tilespmem:$0x1A380] =	vst v63  }
0x53: {  	s21 =	simm.s32 $0x15880  }
0x54: {  	[tilespmem:s21], [sflag:$0x1] =	stream.indirect_vreg.gather [hbm4b:s13+s7], $0x80, v0, vm0, $0xb8;
	[tilespmem:$0x1A380] =	vst v63  }
0x55: {  	s23 =	simm.s32 $0x16080  }
0x56: {  	[tilespmem:s23], [sflag:$0x1] =	stream.indirect_vreg.gather [hbm4b:s18+s7], $0x80, v0, vm0, $0xb8;
	[tilespmem:$0x1A380] =	vst v63  }
0x57: {  	s25 =	simm.s32 $0x16880;
	s26 =	simm.s32 $0x0;
	s28 =	simm.s32 $0x1  }
0x58: {  	[tilespmem:s25], [sflag:$0x1] =	stream.indirect_vreg.gather [hbm4b:s20+s7], $0x80, v0, vm0, $0xb8;
	[tilespmem:$0x1A380] =	vst v63  }
0x59: {  	s29 =	sand.u32 $0x70, s7;
	s1 =	sand.u32 $0xFFFFFF00, s26;
	_ =	swait.ge [sflag:s28], $0x3000  }
0x5a: {  	s1 =	sor.u32 s29, s1;
	[sflag:s28] =	ssyncset.done $0x0  }
0x5b: {  	s30 =	sadd.s32 $0x17080, s1;
	[sflag:s28] =	ssyncadd.s32 $0xFFFFD000  }
0x5c: {  	v1 =	vld [tilespmem:s30+$0x80]  }
0x5d: {  	v0 =	vld [tilespmem:s1+$0x17080];
	_ =	sdelay $0x3  }
0x5e: {  	s31 =	simm.s32 $0x0  }
0x5f: {  	s1 =	sand.u32 $0x3FFFFC00, s31;
	v1 =	vsub.f32 v1, v0  }
0x60: {  	s2 =	simm.s32 $0x17680;
	s1 =	sor.u32 s29, s1  }
0x61: {  	s5 =	sadd.s32 $0x14080, s1;
	[tilespmem:s2+$0x0] =	vst v1  }
0x62: {  	s3 =	simm.s32 $0x1;
	s4 =	simm.s32 $0x0;
	v1 =	vld [tilespmem:s5+$0x380]  }
.LBB2_2:
0x63: {  	p0 =	sne.s32 s3, $0x2F;
	v2 =	vld [tilespmem:s5+$0x200];
	s2 =	sadd.s32 $0x10, s2;
	s4 =	sadd.s32 $0x10, s4  }
0x64: {  	s8 =	smov.u32 s3;
	s3 =	sadd.s32 $0x1, s3;
	v3 =	vld [tilespmem:s5+$0x180]  }
0x65: {  	v4 =	vld [tilespmem:s5+$0x300]  }
0x66: {  	v5 =	vld [tilespmem:s5+$0x280]  }
0x67: {  	v6 =	vld [tilespmem:s5+$0x100];
	v1 =	vadd.f32 v1, v0  }
0x68: {  	v11 =	vld [tilespmem:s5+$0x80];
	v2 =	vadd.f32 v2, v0  }
0x69: {  	v12 =	vld [tilespmem:s1+$0x14080];
	v3 =	vadd.f32 v3, v0;
	[tilespmem:s5+$0x380] =	vst v1  }
0x6a: {  	[tilespmem:s5+$0x200] =	vst v2;
	v1 =	vadd.f32 v4, v0  }
0x6b: {  	[tilespmem:s5+$0x180] =	vst v3;
	v2 =	vadd.f32 v5, v0  }
0x6c: {  	v3 =	vadd.f32 v6, v0;
	[tilespmem:s5+$0x300] =	vst v1  }
0x6d: {  	s8 =	sshll.u32 s8, $0x7;
	v1 =	vadd.f32 v11, v0;
	[tilespmem:s5+$0x280] =	vst v2  }
0x6e: {  	s9 =	sshra.s32 s8, $0x2;
	v2 =	vadd.f32 v12, v0;
	[tilespmem:s5+$0x100] =	vst v3  }
0x6f: {  	s10 =	sand.u32 $0x70, s4;
	s9 =	sand.u32 $0xFFFFFF00, s9;
	[tilespmem:s5+$0x80] =	vst v1  }
0x70: {  	s5 =	sor.u32 s10, s9;
	[tilespmem:s1+$0x14080] =	vst v2;
	v1 =	vld [tilespmem:s1+$0x15880]  }
0x71: {  	s9 =	sadd.s32 $0x17080, s5;
	v2 =	vld [tilespmem:s1+$0x15900]  }
0x72: {  	v3 =	vld [tilespmem:s1+$0x15980]  }
0x73: {  	v4 =	vld [tilespmem:s1+$0x15A00]  }
0x74: {  	v5 =	vld [tilespmem:s1+$0x15A80]  }
0x75: {  	v1 =	vadd.f32 v1, v0;
	v6 =	vld [tilespmem:s1+$0x15B00]  }
0x76: {  	v2 =	vadd.f32 v2, v0;
	v11 =	vld [tilespmem:s1+$0x15B80]  }
0x77: {  	[tilespmem:s1+$0x15880] =	vst v1;
	v1 =	vadd.f32 v3, v0;
	v3 =	vld [tilespmem:s1+$0x15C00]  }
0x78: {  	[tilespmem:s1+$0x15900] =	vst v2;
	v2 =	vadd.f32 v4, v0  }
0x79: {  	[tilespmem:s1+$0x15980] =	vst v1;
	v1 =	vadd.f32 v5, v0  }
0x7a: {  	[tilespmem:s1+$0x15A00] =	vst v2;
	v2 =	vadd.f32 v6, v0  }
0x7b: {  	[tilespmem:s1+$0x15A80] =	vst v1;
	v1 =	vadd.f32 v11, v0  }
0x7c: {  	[tilespmem:s1+$0x15B00] =	vst v2;
	v0 =	vadd.f32 v3, v0  }
0x7d: {  	[tilespmem:s1+$0x15B80] =	vst v1  }
0x7e: {  	[tilespmem:s1+$0x15C00] =	vst v0  }
0x7f: {  	v1 =	vld [tilespmem:s9+$0x80]  }
0x80: {  	v0 =	vld [tilespmem:s5+$0x17080];
	_ =	sdelay $0x3  }
.Ltmp0:
0x81: {  	(pc) =	sbr.rel @p0 .LBB2_2-.Ltmp0, $4  }
0x82: {  	s1 =	sand.u32 $0x3FFFFC00, s8;
	v1 =	vsub.f32 v1, v0  }
0x83: {  	s1 =	sor.u32 s10, s1  }
0x84: {  	s5 =	sadd.s32 $0x14080, s1;
	[tilespmem:s2+$0x0] =	vst v1  }
0x85: {  	v1 =	vld [tilespmem:s5+$0x380]  }
0x86: {  	v2 =	vld [tilespmem:s5+$0x200]  }
0x87: {  	v3 =	vld [tilespmem:s5+$0x180]  }
0x88: {  	v4 =	vld [tilespmem:s5+$0x300]  }
0x89: {  	v5 =	vld [tilespmem:s5+$0x280]  }
0x8a: {  	v6 =	vld [tilespmem:s5+$0x100];
	v1 =	vadd.f32 v1, v0  }
0x8b: {  	v11 =	vld [tilespmem:s5+$0x80];
	v2 =	vadd.f32 v2, v0  }
0x8c: {  	v3 =	vadd.f32 v3, v0;
	[tilespmem:s5+$0x380] =	vst v1  }
0x8d: {  	v32 =	vadd.f32 v4, v0;
	[tilespmem:s5+$0x200] =	vst v2  }
0x8e: {  	v33 =	vadd.f32 v5, v0;
	[tilespmem:s5+$0x180] =	vst v3  }
0x8f: {  	v34 =	vadd.f32 v6, v0;
	[tilespmem:s5+$0x300] =	vst v32  }
0x90: {  	v35 =	vadd.f32 v11, v0;
	[tilespmem:s5+$0x280] =	vst v33  }
0x91: {  	v12 =	vld [tilespmem:s1+$0x14080];
	[tilespmem:s5+$0x100] =	vst v34  }
0x92: {  	v47 =	vld [tilespmem:$0x1FFC0];
	[tilespmem:s5+$0x80] =	vst v35  }
0x93: {  	v1 =	vld [tilespmem:s1+$0x15880]  }
0x94: {  	v37 =	vld [tilespmem:s1+$0x15900]  }
0x95: {  	v3 =	vld [tilespmem:s1+$0x15980]  }
0x96: {  	v38 =	vld [tilespmem:s1+$0x15A00]  }
0x97: {  	v36 =	vadd.f32 v12, v0;
	v39 =	vld [tilespmem:s1+$0x15A80]  }
0x98: {  	v6 =	vld [tilespmem:s1+$0x15B00];
	v1 =	vadd.f32 v1, v0  }
0x99: {  	[tilespmem:s1+$0x14080] =	vst v36;
	v11 =	vld [tilespmem:s1+$0x15B80];
	v2 =	vadd.f32 v37, v0  }
0x9a: {  	v41 =	vld [tilespmem:s1+$0x15C00];
	v40 =	vadd.f32 v3, v0;
	[tilespmem:s1+$0x15880] =	vst v1  }
0x9b: {  	v42 =	vadd.f32 v38, v0;
	[tilespmem:s1+$0x15900] =	vst v2  }
0x9c: {  	v43 =	vadd.f32 v39, v0;
	[tilespmem:s1+$0x15980] =	vst v40  }
0x9d: {  	v44 =	vadd.f32 v6, v0;
	[tilespmem:s1+$0x15A00] =	vst v42  }
0x9e: {  	v45 =	vadd.f32 v11, v0;
	[tilespmem:s1+$0x15A80] =	vst v43  }
0x9f: {  	v46 =	vadd.f32 v41, v0;
	[tilespmem:s1+$0x15B00] =	vst v44  }
0xa0: {  	[tilespmem:s1+$0x15B80] =	vst v45  }
0xa1: {  	s8 =	simm.s32 $0x0;
	[tilespmem:s1+$0x15C00] =	vst v46  }
0xa2: {  	v0 =	vld.idx.msk [tilespmem:v47+s8+$0x0], $0xffff;
	_ =	sdelay $0x4  }
0xa3: {  	v49 =	vld [tilespmem:$0x1FFD0];
	[tilespmem:$0x17F80] =	vst v0  }
0xa4: {  	v0 =	vld.idx.msk [tilespmem:v47+s22+$0x0], $0xffff;
	_ =	sdelay $0x4  }
0xa5: {  	v0 =	vcvt.s32.f32 v0  }
0xa6: {  	v48 =	vld [tilespmem:$0x17F80]  }
0xa7: {  	[tilespmem:$0x18180] =	vst v0  }
0xa8: {  	v0 =	vld.idx.msk [tilespmem:v49+s8+$0x0], $0xffff;
	_ =	sdelay $0x1  }
0xa9: {  	v53 =	vld [tilespmem:$0x1FF90]  }
0xaa: {  	v50 =	vshrl.u32 v48, $0x3  }
0xab: {  	v54 =	vld [tilespmem:$0x1FFA0];
	v2 =	vmul.u32 $0x30, v50  }
0xac: {  	v51 =	vand.u32 $0x7, v48;
	[tilespmem:$0x17F90] =	vst v0  }
0xad: {  	v0 =	vor.u32 v51, v2;
	v52 =	vld.idx.msk [tilespmem:v49+s22+$0x0], $0xffff  }
0xae: {  	v2 =	vperm.xlane v0, v53  }
0xaf: {  	v56 =	vld [tilespmem:$0x1FFB0]  }
0xb0: {  	v2 =	vadd.s32 v54, v2;
	_ =	sdelay $0x1  }
0xb1: {  	v1 =	vcvt.s32.f32 v52;
	_ =	sdelay $0x1  }
0xb2: {  	s28 =	simm.s32 $0x2080;
	v0 =	vperm.xlane v0, v56;
	[tilespmem:$0x18190] =	vst v1  }
0xb3: {  	[tilespmem:s28], [sflag:$0x1] =	stream.indirect_vreg.gather [hbm4b:s0+s8], $0x80, v2, vm0, $0xb8;
	[tilespmem:$0x1A380] =	vst v63  }
0xb4: {  	s29 =	simm.s32 $0x2880;
	v0 =	vadd.s32 v54, v0  }
0xb5: {  	[tilespmem:s29], [sflag:$0x1] =	stream.indirect_vreg.gather [hbm4b:s15+s8], $0x80, v2, vm0, $0xb8;
	[tilespmem:$0x1A380] =	vst v63  }
0xb6: {  	s30 =	simm.s32 $0x3080  }
0xb7: {  	[tilespmem:s30], [sflag:$0x1] =	stream.indirect_vreg.gather [hbm4b:s16+s8], $0x80, v2, vm0, $0xb8;
	[tilespmem:$0x1A380] =	vst v63  }
0xb8: {  	s31 =	simm.s32 $0x3880  }
0xb9: {  	[tilespmem:s31], [sflag:$0x1] =	stream.indirect_vreg.gather [hbm4b:s0+s8], $0x80, v0, vm0, $0xb8;
	[tilespmem:$0x1A380] =	vst v63  }
0xba: {  	s2 =	simm.s32 $0x4080  }
0xbb: {  	[tilespmem:s2], [sflag:$0x1] =	stream.indirect_vreg.gather [hbm4b:s15+s8], $0x80, v0, vm0, $0xb8;
	[tilespmem:$0x1A380] =	vst v63  }
0xbc: {  	s3 =	simm.s32 $0x4880  }
0xbd: {  	[tilespmem:s3], [sflag:$0x1] =	stream.indirect_vreg.gather [hbm4b:s16+s8], $0x80, v0, vm0, $0xb8;
	[tilespmem:$0x1A380] =	vst v63  }
0xbe: {  	v0 =	vld [tilespmem:$0x17F90];
	_ =	sdelay $0x4  }
0xbf: {  	v57 =	vshrl.u32 v0, $0x3  }
0xc0: {  	v1 =	vmul.u32 $0x30, v57  }
0xc1: {  	v0 =	vand.u32 $0x7, v0  }
0xc2: {  	v0 =	vor.u32 v0, v1  }
0xc3: {  	v1 =	vperm.xlane v0, v53;
	_ =	sdelay $0x1  }
0xc4: {  	v1 =	vadd.s32 v54, v1;
	_ =	sdelay $0x3  }
0xc5: {  	s4 =	simm.s32 $0x5080;
	v0 =	vperm.xlane v0, v56  }
0xc6: {  	[tilespmem:s4], [sflag:$0x1] =	stream.indirect_vreg.gather [hbm4b:s0+s8], $0x80, v1, vm0, $0xb8;
	[tilespmem:$0x1A380] =	vst v63  }
0xc7: {  	s5 =	simm.s32 $0x5880;
	v0 =	vadd.s32 v54, v0  }
0xc8: {  	[tilespmem:s5], [sflag:$0x1] =	stream.indirect_vreg.gather [hbm4b:s15+s8], $0x80, v1, vm0, $0xb8;
	[tilespmem:$0x1A380] =	vst v63  }
0xc9: {  	s9 =	simm.s32 $0x6080;
	v58 =	vld [tilespmem:$0x1FFE0]  }
0xca: {  	[tilespmem:s9], [sflag:$0x1] =	stream.indirect_vreg.gather [hbm4b:s16+s8], $0x80, v1, vm0, $0xb8;
	[tilespmem:$0x1A380] =	vst v63  }
0xcb: {  	s10 =	simm.s32 $0x6880  }
0xcc: {  	[tilespmem:s10], [sflag:$0x1] =	stream.indirect_vreg.gather [hbm4b:s0+s8], $0x80, v0, vm0, $0xb8;
	[tilespmem:$0x1A380] =	vst v63  }
0xcd: {  	s12 =	simm.s32 $0x7080  }
0xce: {  	[tilespmem:s12], [sflag:$0x1] =	stream.indirect_vreg.gather [hbm4b:s15+s8], $0x80, v0, vm0, $0xb8;
	[tilespmem:$0x1A380] =	vst v63  }
0xcf: {  	s13 =	simm.s32 $0x7880  }
0xd0: {  	[tilespmem:s13], [sflag:$0x1] =	stream.indirect_vreg.gather [hbm4b:s16+s8], $0x80, v0, vm0, $0xb8;
	[tilespmem:$0x1A380] =	vst v63  }
0xd1: {  	v0 =	vld.idx.msk [tilespmem:v58+s8+$0x0], $0xffff;
	_ =	sdelay $0x4  }
0xd2: {  	v6 =	vld [tilespmem:$0x1FFF0];
	[tilespmem:$0x18000] =	vst v0  }
0xd3: {  	v0 =	vld.idx.msk [tilespmem:v58+s22+$0x0], $0xffff;
	_ =	sdelay $0x4  }
0xd4: {  	v0 =	vcvt.s32.f32 v0  }
0xd5: {  	v59 =	vld [tilespmem:$0x18000]  }
0xd6: {  	[tilespmem:$0x18200] =	vst v0  }
0xd7: {  	v0 =	vld.idx.msk [tilespmem:v6+s8+$0x0], $0xffff;
	_ =	sdelay $0x2  }
0xd8: {  	v60 =	vshrl.u32 v59, $0x3  }
0xd9: {  	v2 =	vmul.u32 $0x30, v60  }
0xda: {  	v61 =	vand.u32 $0x7, v59;
	[tilespmem:$0x18010] =	vst v0  }
0xdb: {  	v0 =	vor.u32 v61, v2;
	v62 =	vld.idx.msk [tilespmem:v6+s22+$0x0], $0xffff  }
0xdc: {  	v2 =	vperm.xlane v0, v53;
	_ =	sdelay $0x1  }
0xdd: {  	v2 =	vadd.s32 v54, v2;
	_ =	sdelay $0x1  }
0xde: {  	v1 =	vcvt.s32.f32 v62;
	_ =	sdelay $0x1  }
0xdf: {  	s14 =	simm.s32 $0x8080;
	v0 =	vperm.xlane v0, v56;
	[tilespmem:$0x18210] =	vst v1  }
0xe0: {  	[tilespmem:s14], [sflag:$0x2] =	stream.indirect_vreg.gather [hbm4b:s0+s8], $0x80, v2, vm0, $0xb8;
	[tilespmem:$0x1A380] =	vst v63  }
0xe1: {  	s18 =	simm.s32 $0x8880;
	v0 =	vadd.s32 v54, v0  }
0xe2: {  	[tilespmem:s18], [sflag:$0x2] =	stream.indirect_vreg.gather [hbm4b:s15+s8], $0x80, v2, vm0, $0xb8;
	[tilespmem:$0x1A380] =	vst v63  }
0xe3: {  	s19 =	simm.s32 $0x9080  }
0xe4: {  	[tilespmem:s19], [sflag:$0x2] =	stream.indirect_vreg.gather [hbm4b:s16+s8], $0x80, v2, vm0, $0xb8;
	[tilespmem:$0x1A380] =	vst v63  }
0xe5: {  	s20 =	simm.s32 $0x9880  }
0xe6: {  	[tilespmem:s20], [sflag:$0x2] =	stream.indirect_vreg.gather [hbm4b:s0+s8], $0x80, v0, vm0, $0xb8;
	[tilespmem:$0x1A380] =	vst v63  }
0xe7: {  	s21 =	simm.s32 $0xA080  }
0xe8: {  	[tilespmem:s21], [sflag:$0x2] =	stream.indirect_vreg.gather [hbm4b:s15+s8], $0x80, v0, vm0, $0xb8;
	[tilespmem:$0x1A380] =	vst v63  }
0xe9: {  	s23 =	simm.s32 $0xA880  }
0xea: {  	[tilespmem:s23], [sflag:$0x2] =	stream.indirect_vreg.gather [hbm4b:s16+s8], $0x80, v0, vm0, $0xb8;
	[tilespmem:$0x1A380] =	vst v63  }
0xeb: {  	v0 =	vld [tilespmem:$0x18010];
	_ =	sdelay $0x4  }
0xec: {  	v63 =	vshrl.u32 v0, $0x3  }
0xed: {  	v1 =	vmul.u32 $0x30, v63  }
0xee: {  	v0 =	vand.u32 $0x7, v0  }
0xef: {  	v0 =	vor.u32 v0, v1  }
0xf0: {  	v1 =	vperm.xlane v0, v53;
	_ =	sdelay $0x1  }
0xf1: {  	v1 =	vadd.s32 v54, v1;
	_ =	sdelay $0x3  }
0xf2: {  	s25 =	simm.s32 $0xB080;
	v0 =	vperm.xlane v0, v56  }
0xf3: {  	[tilespmem:s25], [sflag:$0x2] =	stream.indirect_vreg.gather [hbm4b:s0+s8], $0x80, v1, vm0, $0xb8;
	[tilespmem:$0x1A380] =	vst v63  }
0xf4: {  	s26 =	simm.s32 $0xB880;
	v0 =	vadd.s32 v54, v0  }
0xf5: {  	[tilespmem:s26], [sflag:$0x2] =	stream.indirect_vreg.gather [hbm4b:s15+s8], $0x80, v1, vm0, $0xb8;
	[tilespmem:$0x1A380] =	vst v63  }
0xf6: {  	s28 =	simm.s32 $0xC080  }
0xf7: {  	[tilespmem:s28], [sflag:$0x2] =	stream.indirect_vreg.gather [hbm4b:s16+s8], $0x80, v1, vm0, $0xb8;
	[tilespmem:$0x1A380] =	vst v63  }
0xf8: {  	s29 =	simm.s32 $0xC880  }
0xf9: {  	[tilespmem:s29], [sflag:$0x2] =	stream.indirect_vreg.gather [hbm4b:s0+s8], $0x80, v0, vm0, $0xb8;
	[tilespmem:$0x1A380] =	vst v63  }
0xfa: {  	s30 =	simm.s32 $0xD080  }
0xfb: {  	[tilespmem:s30], [sflag:$0x2] =	stream.indirect_vreg.gather [hbm4b:s15+s8], $0x80, v0, vm0, $0xb8;
	[tilespmem:$0x1A380] =	vst v63  }
0xfc: {  	s31 =	simm.s32 $0xD880;
	s2 =	simm.s32 $0x0  }
0xfd: {  	[tilespmem:s31], [sflag:$0x2] =	stream.indirect_vreg.gather [hbm4b:s16+s8], $0x80, v0, vm0, $0xb8;
	[tilespmem:$0x1A380] =	vst v63  }
.LBB2_4:
0xfe: {  	p0 =	sgt.u32 s2, $0x7D  }
.Ltmp1:
0xff: {  	_ = 	snop;
	(pc) =	sbr.rel @p0 .LBB2_6-.Ltmp1, $2  }
0x100: {  	_ =	sdelay $0x2  }
0x101: {  	s1 =	smul.u32 $0xAB, s2  }
0x102: {  	s3 =	sadd.s32 $0x2, s2  }
0x103: {  	v3 =	vld [tilespmem:$0x1FFC0];
	s4 =	sshll.u32 s3, $0x1  }
0x104: {  	v0 =	vmov s4  }
0x105: {  	v1 =	vshll.u32 v0, $0x3  }
0x106: {  	v0 =	vand.u32 $0x7E, v0;
	v1 =	vand.u32 $0xC00, v1  }
0x107: {  	v0 =	vor.u32 v0, v1  }
0x108: {  	v0 =	vadd.s32 v3, v0;
	_ =	sdelay $0x1  }
0x109: {  	s14 =	sadd.s32 $0x156, s1  }
0x10a: {  	s4 =	sshrl.u32 s14, $0x9  }
0x10b: {  	s4 =	sand.u32 $0x7F, s4  }
0x10c: {  	s4 =	smul.u32 $0x3, s4;
	v57 =	vld.idx.msk [tilespmem:v0+s7+$0x0], $0xffff;
	_ =	sdelay $0x1  }
0x10d: {  	s4 =	ssub.s32 s3, s4  }
0x10e: {  	s4 =	sand.u32 $0xFF, s4  }
0x10f: {  	s3 =	sshllo.u32 s3, $0x1;
	s5 =	sshll.u32 s4, $0x7  }
0x110: {  	v58 =	vmov s3;
	[tilespmem:s5+$0x17F80] =	vst v57  }
0x111: {  	v2 =	vshll.u32 v58, $0x3;
	v0 =	vld.idx.msk [tilespmem:v0+s22+$0x0], $0xffff  }
0x112: {  	v1 =	vand.u32 $0x7F, v58;
	v2 =	vand.u32 $0x7FFFFC00, v2  }
0x113: {  	v1 =	vor.u32 v1, v2  }
0x114: {  	v1 =	vadd.s32 v3, v1;
	_ =	sdelay $0x1  }
0x115: {  	v0 =	vcvt.s32.f32 v0;
	_ =	sdelay $0x1  }
0x116: {  	[tilespmem:s5+$0x18180] =	vst v0  }
0x117: {  	v0 =	vld.idx.msk [tilespmem:v1+s7+$0x0], $0xffff;
	_ =	sdelay $0x4  }
0x118: {  	[tilespmem:s5+$0x17F90] =	vst v0  }
0x119: {  	v0 =	vld.idx.msk [tilespmem:v1+s22+$0x0], $0xffff;
	_ =	sdelay $0x4  }
0x11a: {  	v0 =	vcvt.s32.f32 v0  }
0x11b: {  	p0 =	seq.s32 s2, $0x0  }
0x11c: {  	s3 =	sadd.s32 @!p0 $0x4, s4;
	[tilespmem:s5+$0x18190] =	vst v0  }
0x11d: {  	_ =	swait.ge @!p0 [sflag:s3], $0x6000  }
0x11e: {  	[sflag:s3] =	ssyncset.done @!p0 $0x0  }
0x11f: {  	[sflag:s3] =	ssyncadd.s32 @!p0 $0xFFFFA000  }
0x120: {  	v59 =	vld [tilespmem:s5+$0x17F80];
	_ =	sdelay $0x3  }
0x121: {  	v61 =	vld [tilespmem:$0x1FF90]  }
0x122: {  	v60 =	vshrl.u32 v59, $0x3  }
0x123: {  	v62 =	vld [tilespmem:$0x1FFA0];
	v1 =	vmul.u32 $0x30, v60  }
0x124: {  	v0 =	vand.u32 $0x7, v59  }
0x125: {  	v0 =	vor.u32 v0, v1  }
0x126: {  	v1 =	vperm.xlane v0, v61  }
0x127: {  	v4 =	vld [tilespmem:$0x1FFB0]  }
0x128: {  	v1 =	vadd.s32 v62, v1  }
0x129: {  	s18 =	smul.u32 $0x18000, s4;
	_ =	sdelay $0x1  }
0x12a: {  	s3 =	sshrl.u32 s18, $0x2  }
0x12b: {  	s4 =	sadd.s32 $0x1, s4;
	s9 =	sadd.s32 $0x2080, s3;
	v0 =	vperm.xlane v0, v4  }
0x12c: {  	[tilespmem:s9], [sflag:s4] =	stream.indirect_vreg.gather [hbm4b:s0+s7], $0x80, v1, vm0, $0xb8;
	[tilespmem:$0x1A380] =	vst v63  }
0x12d: {  	s19 =	sadd.s32 $0x2880, s3;
	v0 =	vadd.s32 v62, v0  }
0x12e: {  	[tilespmem:s19], [sflag:s4] =	stream.indirect_vreg.gather [hbm4b:s15+s7], $0x80, v1, vm0, $0xb8;
	[tilespmem:$0x1A380] =	vst v63  }
0x12f: {  	s20 =	sadd.s32 $0x3080, s3  }
0x130: {  	[tilespmem:s20], [sflag:s4] =	stream.indirect_vreg.gather [hbm4b:s16+s7], $0x80, v1, vm0, $0xb8;
	[tilespmem:$0x1A380] =	vst v63  }
0x131: {  	s21 =	sadd.s32 $0x3880, s3  }
0x132: {  	[tilespmem:s21], [sflag:s4] =	stream.indirect_vreg.gather [hbm4b:s0+s7], $0x80, v0, vm0, $0xb8;
	[tilespmem:$0x1A380] =	vst v63  }
0x133: {  	s23 =	sadd.s32 $0x4080, s3  }
0x134: {  	[tilespmem:s23], [sflag:s4] =	stream.indirect_vreg.gather [hbm4b:s15+s7], $0x80, v0, vm0, $0xb8;
	[tilespmem:$0x1A380] =	vst v63  }
0x135: {  	s25 =	sadd.s32 $0x4880, s3  }
0x136: {  	[tilespmem:s25], [sflag:s4] =	stream.indirect_vreg.gather [hbm4b:s16+s7], $0x80, v0, vm0, $0xb8;
	[tilespmem:$0x1A380] =	vst v63  }
0x137: {  	v0 =	vld [tilespmem:s5+$0x17F90];
	_ =	sdelay $0x4  }
0x138: {  	v63 =	vshrl.u32 v0, $0x3  }
0x139: {  	v1 =	vmul.u32 $0x30, v63  }
0x13a: {  	v0 =	vand.u32 $0x7, v0  }
0x13b: {  	v0 =	vor.u32 v0, v1  }
0x13c: {  	v1 =	vperm.xlane v0, v61;
	_ =	sdelay $0x1  }
0x13d: {  	v1 =	vadd.s32 v62, v1;
	_ =	sdelay $0x3  }
0x13e: {  	s26 =	sadd.s32 $0x5080, s3;
	v0 =	vperm.xlane v0, v4  }
0x13f: {  	[tilespmem:s26], [sflag:s4] =	stream.indirect_vreg.gather [hbm4b:s0+s7], $0x80, v1, vm0, $0xb8;
	[tilespmem:$0x1A380] =	vst v63  }
0x140: {  	s28 =	sadd.s32 $0x5880, s3;
	v0 =	vadd.s32 v62, v0  }
0x141: {  	[tilespmem:s28], [sflag:s4] =	stream.indirect_vreg.gather [hbm4b:s15+s7], $0x80, v1, vm0, $0xb8;
	[tilespmem:$0x1A380] =	vst v63  }
0x142: {  	s29 =	sadd.s32 $0x6080, s3  }
0x143: {  	[tilespmem:s29], [sflag:s4] =	stream.indirect_vreg.gather [hbm4b:s16+s7], $0x80, v1, vm0, $0xb8;
	[tilespmem:$0x1A380] =	vst v63  }
0x144: {  	s30 =	sadd.s32 $0x6880, s3  }
0x145: {  	[tilespmem:s30], [sflag:s4] =	stream.indirect_vreg.gather [hbm4b:s0+s7], $0x80, v0, vm0, $0xb8;
	[tilespmem:$0x1A380] =	vst v63  }
0x146: {  	s31 =	sadd.s32 $0x7080, s3  }
0x147: {  	[tilespmem:s31], [sflag:s4] =	stream.indirect_vreg.gather [hbm4b:s15+s7], $0x80, v0, vm0, $0xb8;
	[tilespmem:$0x1A380] =	vst v63  }
0x148: {  	s3 =	sadd.s32 $0x7880, s3  }
0x149: {  	[tilespmem:s3], [sflag:s4] =	stream.indirect_vreg.gather [hbm4b:s16+s7], $0x80, v0, vm0, $0xb8;
	[tilespmem:$0x1A380] =	vst v63  }
.LBB2_6:
0x14a: {  	_ = 	snop  }
0x14b: {  	s1 =	sshrl.u32 s1, $0x9  }
0x14c: {  	s1 =	sand.u32 $0x7F, s1  }
0x14d: {  	s1 =	smul.u32 $0x3, s1  }
0x14e: {  	s4 =	smulhi.u32 $0xAAAAAAAB, s2  }
0x14f: {  	s12 =	simm.s32 $0x0;
	s1 =	ssub.s32 s2, s1  }
0x150: {  	s10 =	simm.s32 $0x18400;
	s30 =	sshrl.u32 s4, $0x1;
	s3 =	sand.u32 $0xFF, s1  }
0x151: {  	s1 =	smul.u32 $0x60, s30;
	s5 =	sadd.s32 $0x1, s3;
	s9 =	sshll.u32 s3, $0x7  }
0x152: {  	s18 =	simm.s32 $0x18400;
	_ =	swait.ge [sflag:s5], $0x6000;
	s31 =	sadd.s32 $0x18180, s9  }
0x153: {  	s19 =	simm.s32 $0x19400;
	s4 =	ssub.s32 s8, s1;
	[sflag:s5] =	ssyncset.done $0x0;
	v0 =	vmov s31  }
0x154: {  	s1 =	simm.s32 $0x80;
	s9 =	simm.s32 $0x19400;
	[sflag:s5] =	ssyncadd.s32 $0xFFFFA000;
	[tilespmem:$0x1FF80] =	vst v0  }
.LBB2_7:
0x155: {  	v0 =	vld [tilespmem:$0x1FF80];
	_ =	sdelay $0x1  }
0x156: {  	s5 =	sadd.s32 s12, s4  }
0x157: {  	s13 =	sand.u32 $0xE, s12;
	s5 =	sshrl.u32 s5, $0x3  }
0x158: {  	s14 =	sshrl.u32 s13, $0x3;
	s5 =	smul.u32 $0x6000, s5  }
0x159: {  	s21 =	smul.u32 $0x6000, s14  }
0x15a: {  	s20 =	sadd.s32 $0xFFFFFF80, s1;
	s28 =	sand.u32 $0x10, s12  }
0x15b: {  	v3 =	vld [tilespmem:$0x17680];
	s23 =	sand.u32 $0x300, s20;
	s25 =	sshra.s32 s5, $0x2;
	s5 =	sshrl.u32 s21, $0x2  }
0x15c: {  	s29 =	sadd.s32 $0x2080, s25;
	s21 =	sor.u32 s23, s5;
	v0 =	vld.idx.msk [tilespmem:v0+s28+$0x0 ss:$0x1], $0xffff  }
0x15d: {  	s26 =	sor.u32 s23, s29;
	v2 =	vld [tilespmem:s21+$0x14080]  }
0x15e: {  	v1 =	vld [tilespmem:s26+$0x0];
	_ =	sdelay $0x1  }
0x15f: {  	v4 =	vmov s13  }
0x160: {  	v13 =	vperm.xlane v0, v4;
	_ =	sdelay $0x1  }
0x161: {  	v1 =	vadd.f32 v2, v1;
	v47 =	vmul.f32 v3, v13;
	_ =	sdelay $0x1  }
0x162: {  	v43 =	vadd.f32 v47, v1;
	_ =	sdelay $0x1  }
0x163: {  	v48 =	vld [tilespmem:s26+$0x10];
	[tilespmem:s26+$0x0] =	vst v43  }
0x164: {  	v49 =	vld [tilespmem:s21+$0x14090]  }
0x165: {  	v50 =	vld [tilespmem:$0x17690];
	_ =	sdelay $0x4  }
0x166: {  	v1 =	vadd.f32 v49, v48;
	v51 =	vmul.f32 v50, v13;
	_ =	sdelay $0x1  }
0x167: {  	v46 =	vadd.f32 v51, v1;
	_ =	sdelay $0x1  }
0x168: {  	v52 =	vld [tilespmem:s26+$0x20];
	[tilespmem:s26+$0x10] =	vst v46  }
0x169: {  	v53 =	vld [tilespmem:s21+$0x140A0]  }
0x16a: {  	v54 =	vld [tilespmem:$0x176A0];
	_ =	sdelay $0x4  }
0x16b: {  	v1 =	vadd.f32 v53, v52;
	v56 =	vmul.f32 v54, v13;
	_ =	sdelay $0x1  }
0x16c: {  	v50 =	vadd.f32 v56, v1;
	_ =	sdelay $0x1  }
0x16d: {  	v57 =	vld [tilespmem:s26+$0x30];
	[tilespmem:s26+$0x20] =	vst v50  }
0x16e: {  	v58 =	vld [tilespmem:s21+$0x140B0]  }
0x16f: {  	v59 =	vld [tilespmem:$0x176B0];
	_ =	sdelay $0x4  }
0x170: {  	v1 =	vadd.f32 v58, v57;
	v60 =	vmul.f32 v59, v13;
	_ =	sdelay $0x1  }
0x171: {  	v52 =	vadd.f32 v60, v1;
	_ =	sdelay $0x1  }
0x172: {  	v61 =	vld [tilespmem:s26+$0x40];
	[tilespmem:s26+$0x30] =	vst v52  }
0x173: {  	v62 =	vld [tilespmem:s21+$0x140C0]  }
0x174: {  	v63 =	vld [tilespmem:$0x176C0];
	_ =	sdelay $0x4  }
0x175: {  	v1 =	vadd.f32 v62, v61;
	v5 =	vmul.f32 v63, v13;
	_ =	sdelay $0x1  }
0x176: {  	s30 =	sand.u32 $0xF, s12;
	v47 =	vadd.f32 v5, v1  }
0x177: {  	s31 =	sadd.s32 $0x1, s30  }
0x178: {  	s5 =	sshrl.u32 s31, $0x3;
	v12 =	vld [tilespmem:s26+$0x50];
	[tilespmem:s26+$0x40] =	vst v47  }
0x179: {  	s28 =	smul.u32 $0x6000, s5;
	v14 =	vld [tilespmem:s21+$0x140D0]  }
0x17a: {  	s5 =	sand.u32 $0x380, s1;
	v15 =	vld [tilespmem:$0x176D0]  }
0x17b: {  	s13 =	sadd.s32 s5, s29;
	s29 =	sshrl.u32 s28, $0x2  }
0x17c: {  	s20 =	sor.u32 s5, s29  }
0x17d: {  	v6 =	vld [tilespmem:s20+$0x14080]  }
0x17e: {  	v5 =	vld [tilespmem:s13+$0x0]  }
0x17f: {  	v1 =	vadd.f32 v14, v12;
	v16 =	vmul.f32 v15, v13  }
0x180: {  	v17 =	vmov s31  }
0x181: {  	v12 =	vperm.xlane v0, v17;
	v51 =	vadd.f32 v16, v1;
	_ =	sdelay $0x1  }
0x182: {  	v18 =	vld [tilespmem:s26+$0x60];
	v19 =	vadd.f32 v6, v5;
	v20 =	vmul.f32 v12, v3;
	[tilespmem:s26+$0x50] =	vst v51  }
0x183: {  	v21 =	vld [tilespmem:s21+$0x140E0]  }
0x184: {  	v1 =	vadd.f32 v19, v20;
	v22 =	vld [tilespmem:$0x176E0];
	_ =	sdelay $0x1  }
0x185: {  	v23 =	vld [tilespmem:s13+$0x10];
	s14 =	sadd.s32 $0x14080, s20;
	[tilespmem:s13+$0x0] =	vst v1  }
0x186: {  	v24 =	vld [tilespmem:s14+$0x10]  }
0x187: {  	v25 =	vld [tilespmem:$0x17690]  }
0x188: {  	v0 =	vadd.f32 v21, v18;
	v26 =	vmul.f32 v22, v13;
	_ =	sdelay $0x1  }
0x189: {  	v53 =	vadd.f32 v26, v0  }
0x18a: {  	[tilespmem:$0x1FDD0] =	vst v1  }
0x18b: {  	v27 =	vld [tilespmem:s26+$0x70];
	v1 =	vadd.f32 v24, v23;
	v28 =	vmul.f32 v25, v12;
	[tilespmem:s26+$0x60] =	vst v53  }
0x18c: {  	v29 =	vld [tilespmem:s21+$0x140F0]  }
0x18d: {  	v1 =	vadd.f32 v28, v1;
	v30 =	vld [tilespmem:$0x176F0];
	_ =	sdelay $0x1  }
0x18e: {  	v31 =	vld [tilespmem:s13+$0x20];
	[tilespmem:s13+$0x10] =	vst v1  }
0x18f: {  	v32 =	vld [tilespmem:s14+$0x20]  }
0x190: {  	v33 =	vld [tilespmem:$0x176A0]  }
0x191: {  	v0 =	vadd.f32 v29, v27;
	v34 =	vmul.f32 v30, v13;
	_ =	sdelay $0x1  }
0x192: {  	v40 =	vadd.f32 v34, v0  }
0x193: {  	[tilespmem:$0x1FDE0] =	vst v1  }
0x194: {  	v35 =	vld [tilespmem:s26+$0x400];
	v1 =	vadd.f32 v32, v31;
	v36 =	vmul.f32 v33, v12;
	[tilespmem:s26+$0x70] =	vst v40  }
0x195: {  	v37 =	vld [tilespmem:s21+$0x14480]  }
0x196: {  	v1 =	vadd.f32 v36, v1;
	v38 =	vld [tilespmem:$0x17700];
	_ =	sdelay $0x1  }
0x197: {  	v39 =	vld [tilespmem:s13+$0x30];
	[tilespmem:s13+$0x20] =	vst v1  }
0x198: {  	v41 =	vld [tilespmem:s14+$0x30]  }
0x199: {  	v42 =	vld [tilespmem:$0x176B0]  }
0x19a: {  	v0 =	vadd.f32 v37, v35;
	v44 =	vmul.f32 v38, v13;
	_ =	sdelay $0x1  }
0x19b: {  	v54 =	vadd.f32 v44, v0  }
0x19c: {  	[tilespmem:$0x1FE00] =	vst v1  }
0x19d: {  	v45 =	vld [tilespmem:s26+$0x410];
	v1 =	vadd.f32 v41, v39;
	v48 =	vmul.f32 v42, v12;
	[tilespmem:s26+$0x400] =	vst v54  }
0x19e: {  	v49 =	vld [tilespmem:s21+$0x14490]  }
0x19f: {  	v1 =	vadd.f32 v48, v1;
	v56 =	vld [tilespmem:$0x17710];
	_ =	sdelay $0x1  }
0x1a0: {  	v57 =	vld [tilespmem:s13+$0x40];
	[tilespmem:s13+$0x30] =	vst v1  }
0x1a1: {  	v58 =	vld [tilespmem:s14+$0x40]  }
0x1a2: {  	v59 =	vld [tilespmem:$0x176C0]  }
0x1a3: {  	v0 =	vadd.f32 v49, v45;
	v60 =	vmul.f32 v56, v13;
	_ =	sdelay $0x1  }
0x1a4: {  	v30 =	vadd.f32 v60, v0  }
0x1a5: {  	[tilespmem:$0x1FE10] =	vst v1  }
0x1a6: {  	v61 =	vld [tilespmem:s26+$0x420];
	v1 =	vadd.f32 v58, v57;
	v62 =	vmul.f32 v59, v12;
	[tilespmem:s26+$0x410] =	vst v30  }
0x1a7: {  	v63 =	vld [tilespmem:s21+$0x144A0]  }
0x1a8: {  	v1 =	vadd.f32 v62, v1;
	v14 =	vld [tilespmem:$0x17720];
	_ =	sdelay $0x1  }
0x1a9: {  	v15 =	vld [tilespmem:s13+$0x50];
	[tilespmem:s13+$0x40] =	vst v1  }
0x1aa: {  	v16 =	vld [tilespmem:s14+$0x50]  }
0x1ab: {  	v17 =	vld [tilespmem:$0x176D0]  }
0x1ac: {  	v0 =	vadd.f32 v63, v61;
	v18 =	vmul.f32 v14, v13;
	_ =	sdelay $0x1  }
0x1ad: {  	v0 =	vadd.f32 v18, v0  }
0x1ae: {  	[tilespmem:$0x1FDF0] =	vst v1  }
0x1af: {  	v19 =	vld [tilespmem:s26+$0x430];
	v1 =	vadd.f32 v16, v15;
	v20 =	vmul.f32 v17, v12;
	[tilespmem:s26+$0x420] =	vst v0  }
0x1b0: {  	v21 =	vld [tilespmem:s21+$0x144B0]  }
0x1b1: {  	v1 =	vadd.f32 v20, v1;
	v22 =	vld [tilespmem:$0x17730];
	_ =	sdelay $0x1  }
0x1b2: {  	v23 =	vld [tilespmem:s13+$0x60];
	[tilespmem:s13+$0x50] =	vst v1  }
0x1b3: {  	v24 =	vld [tilespmem:s14+$0x60]  }
0x1b4: {  	v25 =	vld [tilespmem:$0x176E0]  }
0x1b5: {  	[tilespmem:$0x1FD90] =	vst v0;
	v0 =	vadd.f32 v21, v19;
	v26 =	vmul.f32 v22, v13;
	_ =	sdelay $0x1  }
0x1b6: {  	v0 =	vadd.f32 v26, v0  }
0x1b7: {  	[tilespmem:$0x1FE20] =	vst v1  }
0x1b8: {  	v27 =	vld [tilespmem:s26+$0x440];
	v1 =	vadd.f32 v24, v23;
	v28 =	vmul.f32 v25, v12;
	[tilespmem:s26+$0x430] =	vst v0  }
0x1b9: {  	v29 =	vld [tilespmem:s21+$0x144C0]  }
0x1ba: {  	v1 =	vadd.f32 v28, v1;
	v31 =	vld [tilespmem:$0x17740];
	_ =	sdelay $0x1  }
0x1bb: {  	v32 =	vld [tilespmem:s13+$0x70];
	[tilespmem:s13+$0x60] =	vst v1  }
0x1bc: {  	v33 =	vld [tilespmem:s14+$0x70]  }
0x1bd: {  	v34 =	vld [tilespmem:$0x176F0]  }
0x1be: {  	[tilespmem:$0x1FDA0] =	vst v0;
	v0 =	vadd.f32 v29, v27;
	v35 =	vmul.f32 v31, v13;
	_ =	sdelay $0x1  }
0x1bf: {  	v0 =	vadd.f32 v35, v0  }
0x1c0: {  	[tilespmem:$0x1FE30] =	vst v1  }
0x1c1: {  	v36 =	vld [tilespmem:s26+$0x450];
	v1 =	vadd.f32 v33, v32;
	v37 =	vmul.f32 v34, v12;
	[tilespmem:s26+$0x440] =	vst v0  }
0x1c2: {  	v38 =	vld [tilespmem:s21+$0x144D0]  }
0x1c3: {  	v1 =	vadd.f32 v37, v1;
	v39 =	vld [tilespmem:$0x17750];
	_ =	sdelay $0x1  }
0x1c4: {  	v41 =	vld [tilespmem:s13+$0x400];
	[tilespmem:s13+$0x70] =	vst v1  }
0x1c5: {  	v42 =	vld [tilespmem:s14+$0x400]  }
0x1c6: {  	v44 =	vld [tilespmem:$0x17700]  }
0x1c7: {  	[tilespmem:$0x1FDB0] =	vst v0;
	v0 =	vadd.f32 v38, v36;
	v45 =	vmul.f32 v39, v13;
	_ =	sdelay $0x1  }
0x1c8: {  	v0 =	vadd.f32 v45, v0  }
0x1c9: {  	[tilespmem:$0x1FE40] =	vst v1  }
0x1ca: {  	v48 =	vld [tilespmem:s26+$0x460];
	v1 =	vadd.f32 v42, v41;
	v49 =	vmul.f32 v44, v12;
	[tilespmem:s26+$0x450] =	vst v0  }
0x1cb: {  	v56 =	vld [tilespmem:s21+$0x144E0]  }
0x1cc: {  	v1 =	vadd.f32 v49, v1;
	v57 =	vld [tilespmem:$0x17760];
	_ =	sdelay $0x1  }
0x1cd: {  	v58 =	vld [tilespmem:s13+$0x410];
	[tilespmem:s13+$0x400] =	vst v1  }
0x1ce: {  	v59 =	vld [tilespmem:s14+$0x410]  }
0x1cf: {  	v60 =	vld [tilespmem:$0x17710]  }
0x1d0: {  	[tilespmem:$0x1FDC0] =	vst v0;
	v0 =	vadd.f32 v56, v48;
	v61 =	vmul.f32 v57, v13;
	_ =	sdelay $0x1  }
0x1d1: {  	v31 =	vadd.f32 v61, v0  }
0x1d2: {  	[tilespmem:$0x1FE50] =	vst v1  }
0x1d3: {  	v62 =	vld [tilespmem:s26+$0x470];
	v1 =	vadd.f32 v59, v58;
	v63 =	vmul.f32 v60, v12;
	[tilespmem:s26+$0x460] =	vst v31  }
0x1d4: {  	v14 =	vld [tilespmem:s21+$0x144F0]  }
0x1d5: {  	v1 =	vadd.f32 v63, v1;
	v15 =	vld [tilespmem:$0x17770];
	_ =	sdelay $0x1  }
0x1d6: {  	v16 =	vld [tilespmem:s13+$0x420];
	[tilespmem:s13+$0x410] =	vst v1  }
0x1d7: {  	v17 =	vld [tilespmem:s14+$0x420]  }
0x1d8: {  	v18 =	vld [tilespmem:$0x17720]  }
0x1d9: {  	v0 =	vadd.f32 v14, v62;
	v19 =	vmul.f32 v15, v13;
	_ =	sdelay $0x1  }
0x1da: {  	v56 =	vadd.f32 v19, v0  }
0x1db: {  	s30 =	sadd.s32 $0x2880, s25  }
0x1dc: {  	s31 =	sor.u32 s23, s30;
	v20 =	vadd.f32 v17, v16;
	v21 =	vmul.f32 v18, v12;
	[tilespmem:s26+$0x470] =	vst v56  }
0x1dd: {  	v22 =	vld [tilespmem:s31+$0x0]  }
0x1de: {  	[tilespmem:$0x1FE60] =	vst v1;
	v1 =	vadd.f32 v21, v20;
	v23 =	vld [tilespmem:s21+$0x14880]  }
0x1df: {  	v24 =	vld [tilespmem:$0x17780]  }
0x1e0: {  	v25 =	vld [tilespmem:s13+$0x430];
	[tilespmem:s13+$0x420] =	vst v1  }
0x1e1: {  	v26 =	vld [tilespmem:s14+$0x430]  }
0x1e2: {  	v27 =	vld [tilespmem:$0x17730];
	_ =	sdelay $0x1  }
0x1e3: {  	v2 =	vadd.f32 v23, v22;
	v0 =	vmul.f32 v24, v13;
	_ =	sdelay $0x1  }
0x1e4: {  	v58 =	vadd.f32 v0, v2  }
0x1e5: {  	v28 =	vadd.f32 v26, v25;
	v29 =	vmul.f32 v27, v12  }
0x1e6: {  	s29 =	sadd.s32 $0x14880, s21;
	v32 =	vld [tilespmem:s31+$0x10];
	[tilespmem:s31+$0x0] =	vst v58  }
0x1e7: {  	[tilespmem:$0x1FE70] =	vst v1;
	v1 =	vadd.f32 v29, v28;
	v33 =	vld [tilespmem:s29+$0x10]  }
0x1e8: {  	v34 =	vld [tilespmem:$0x17790]  }
0x1e9: {  	v35 =	vld [tilespmem:s13+$0x440];
	[tilespmem:s13+$0x430] =	vst v1  }
0x1ea: {  	v36 =	vld [tilespmem:s14+$0x440]  }
0x1eb: {  	v37 =	vld [tilespmem:$0x17740];
	_ =	sdelay $0x1  }
0x1ec: {  	v2 =	vadd.f32 v33, v32;
	v0 =	vmul.f32 v34, v13;
	_ =	sdelay $0x1  }
0x1ed: {  	v60 =	vadd.f32 v0, v2  }
0x1ee: {  	v38 =	vadd.f32 v36, v35;
	v39 =	vmul.f32 v37, v12  }
0x1ef: {  	v41 =	vld [tilespmem:s31+$0x20];
	[tilespmem:s31+$0x10] =	vst v60  }
0x1f0: {  	[tilespmem:$0x1FE80] =	vst v1;
	v1 =	vadd.f32 v39, v38;
	v42 =	vld [tilespmem:s29+$0x20]  }
0x1f1: {  	v44 =	vld [tilespmem:$0x177A0]  }
0x1f2: {  	v45 =	vld [tilespmem:s13+$0x450];
	[tilespmem:s13+$0x440] =	vst v1  }
0x1f3: {  	v48 =	vld [tilespmem:s14+$0x450]  }
0x1f4: {  	v49 =	vld [tilespmem:$0x17750];
	_ =	sdelay $0x1  }
0x1f5: {  	v2 =	vadd.f32 v42, v41;
	v0 =	vmul.f32 v44, v13;
	_ =	sdelay $0x1  }
0x1f6: {  	v63 =	vadd.f32 v0, v2  }
0x1f7: {  	v57 =	vadd.f32 v48, v45;
	v59 =	vmul.f32 v49, v12  }
0x1f8: {  	v61 =	vld [tilespmem:s31+$0x30];
	[tilespmem:s31+$0x20] =	vst v63  }
0x1f9: {  	[tilespmem:$0x1FE90] =	vst v1;
	v1 =	vadd.f32 v59, v57;
	v62 =	vld [tilespmem:s29+$0x30]  }
0x1fa: {  	v14 =	vld [tilespmem:$0x177B0]  }
0x1fb: {  	v15 =	vld [tilespmem:s13+$0x460];
	[tilespmem:s13+$0x450] =	vst v1  }
0x1fc: {  	v16 =	vld [tilespmem:s14+$0x460]  }
0x1fd: {  	v17 =	vld [tilespmem:$0x17760];
	_ =	sdelay $0x1  }
0x1fe: {  	v2 =	vadd.f32 v62, v61;
	v0 =	vmul.f32 v14, v13;
	_ =	sdelay $0x1  }
0x1ff: {  	v49 =	vadd.f32 v0, v2  }
0x200: {  	v18 =	vadd.f32 v16, v15;
	v19 =	vmul.f32 v17, v12  }
0x201: {  	v20 =	vld [tilespmem:s31+$0x40];
	[tilespmem:s31+$0x30] =	vst v49  }
0x202: {  	[tilespmem:$0x1FEA0] =	vst v1;
	v1 =	vadd.f32 v19, v18;
	v21 =	vld [tilespmem:s29+$0x40]  }
0x203: {  	v22 =	vld [tilespmem:$0x177C0]  }
0x204: {  	v23 =	vld [tilespmem:s13+$0x470];
	[tilespmem:s13+$0x460] =	vst v1  }
0x205: {  	v24 =	vld [tilespmem:s14+$0x470]  }
0x206: {  	v25 =	vld [tilespmem:$0x17770];
	_ =	sdelay $0x1  }
0x207: {  	v2 =	vadd.f32 v21, v20;
	v0 =	vmul.f32 v22, v13;
	_ =	sdelay $0x1  }
0x208: {  	v44 =	vadd.f32 v0, v2  }
0x209: {  	v26 =	vadd.f32 v24, v23;
	v27 =	vmul.f32 v25, v12  }
0x20a: {  	v28 =	vld [tilespmem:s31+$0x50];
	[tilespmem:s31+$0x40] =	vst v44  }
0x20b: {  	[tilespmem:$0x1FEB0] =	vst v1;
	v1 =	vadd.f32 v27, v26;
	v29 =	vld [tilespmem:s29+$0x50]  }
0x20c: {  	v32 =	vld [tilespmem:$0x177D0]  }
0x20d: {  	s14 =	sadd.s32 s5, s30;
	[tilespmem:s13+$0x470] =	vst v1  }
0x20e: {  	[tilespmem:$0x1FEC0] =	vst v1;
	v1 =	vld [tilespmem:s14+$0x0]  }
0x20f: {  	v33 =	vld [tilespmem:s20+$0x14880]  }
0x210: {  	v34 =	vld [tilespmem:$0x17780]  }
0x211: {  	v2 =	vadd.f32 v29, v28;
	v0 =	vmul.f32 v32, v13;
	_ =	sdelay $0x1  }
0x212: {  	v37 =	vadd.f32 v0, v2;
	_ =	sdelay $0x1  }
0x213: {  	v35 =	vld [tilespmem:s31+$0x60];
	v1 =	vadd.f32 v33, v1;
	v36 =	vmul.f32 v34, v12;
	[tilespmem:s31+$0x50] =	vst v37  }
0x214: {  	v38 =	vld [tilespmem:s29+$0x60]  }
0x215: {  	v1 =	vadd.f32 v36, v1;
	v39 =	vld [tilespmem:$0x177E0];
	_ =	sdelay $0x1  }
0x216: {  	s28 =	sadd.s32 $0x14880, s20;
	v41 =	vld [tilespmem:s14+$0x10];
	[tilespmem:s14+$0x0] =	vst v1  }
0x217: {  	v42 =	vld [tilespmem:s28+$0x10]  }
0x218: {  	v45 =	vld [tilespmem:$0x17790]  }
0x219: {  	v0 =	vadd.f32 v38, v35;
	v48 =	vmul.f32 v39, v13;
	_ =	sdelay $0x1  }
0x21a: {  	v35 =	vadd.f32 v48, v0  }
0x21b: {  	[tilespmem:$0x1FED0] =	vst v1  }
0x21c: {  	v57 =	vld [tilespmem:s31+$0x70];
	v1 =	vadd.f32 v42, v41;
	v59 =	vmul.f32 v45, v12;
	[tilespmem:s31+$0x60] =	vst v35  }
0x21d: {  	v61 =	vld [tilespmem:s29+$0x70]  }
0x21e: {  	v1 =	vadd.f32 v59, v1;
	v62 =	vld [tilespmem:$0x177F0];
	_ =	sdelay $0x1  }
0x21f: {  	v14 =	vld [tilespmem:s14+$0x20];
	[tilespmem:s14+$0x10] =	vst v1  }
0x220: {  	v15 =	vld [tilespmem:s28+$0x20]  }
0x221: {  	v16 =	vld [tilespmem:$0x177A0]  }
0x222: {  	v0 =	vadd.f32 v61, v57;
	v17 =	vmul.f32 v62, v13;
	_ =	sdelay $0x1  }
0x223: {  	v33 =	vadd.f32 v17, v0  }
0x224: {  	s30 =	sadd.s32 $0x2C80, s25  }
0x225: {  	s13 =	sor.u32 s23, s30;
	v18 =	vadd.f32 v15, v14;
	v19 =	vmul.f32 v16, v12;
	[tilespmem:s31+$0x70] =	vst v33  }
0x226: {  	v20 =	vld [tilespmem:s13+$0x0]  }
0x227: {  	[tilespmem:$0x1FEE0] =	vst v1;
	v1 =	vadd.f32 v19, v18;
	v21 =	vld [tilespmem:s21+$0x14C80]  }
0x228: {  	v22 =	vld [tilespmem:$0x17800]  }
0x229: {  	v23 =	vld [tilespmem:s14+$0x30];
	[tilespmem:s14+$0x20] =	vst v1  }
0x22a: {  	v24 =	vld [tilespmem:s28+$0x30]  }
0x22b: {  	v25 =	vld [tilespmem:$0x177B0];
	_ =	sdelay $0x1  }
0x22c: {  	v2 =	vadd.f32 v21, v20;
	v0 =	vmul.f32 v22, v13;
	_ =	sdelay $0x1  }
0x22d: {  	v32 =	vadd.f32 v0, v2  }
0x22e: {  	v26 =	vadd.f32 v24, v23;
	v27 =	vmul.f32 v25, v12  }
0x22f: {  	s31 =	sadd.s32 $0x14C80, s21;
	v28 =	vld [tilespmem:s13+$0x10];
	[tilespmem:s13+$0x0] =	vst v32  }
0x230: {  	[tilespmem:$0x1FEF0] =	vst v1;
	v1 =	vadd.f32 v27, v26;
	v29 =	vld [tilespmem:s31+$0x10]  }
0x231: {  	v34 =	vld [tilespmem:$0x17810]  }
0x232: {  	v36 =	vld [tilespmem:s14+$0x40];
	[tilespmem:s14+$0x30] =	vst v1  }
0x233: {  	v38 =	vld [tilespmem:s28+$0x40]  }
0x234: {  	v39 =	vld [tilespmem:$0x177C0];
	_ =	sdelay $0x1  }
0x235: {  	v2 =	vadd.f32 v29, v28;
	v0 =	vmul.f32 v34, v13;
	_ =	sdelay $0x1  }
0x236: {  	v29 =	vadd.f32 v0, v2  }
0x237: {  	v41 =	vadd.f32 v38, v36;
	v42 =	vmul.f32 v39, v12  }
0x238: {  	v45 =	vld [tilespmem:s13+$0x20];
	[tilespmem:s13+$0x10] =	vst v29  }
0x239: {  	[tilespmem:$0x1FF00] =	vst v1;
	v1 =	vadd.f32 v42, v41;
	v48 =	vld [tilespmem:s31+$0x20]  }
0x23a: {  	v57 =	vld [tilespmem:$0x17820]  }
0x23b: {  	v59 =	vld [tilespmem:s14+$0x50];
	[tilespmem:s14+$0x40] =	vst v1  }
0x23c: {  	v61 =	vld [tilespmem:s28+$0x50]  }
0x23d: {  	v62 =	vld [tilespmem:$0x177D0];
	_ =	sdelay $0x1  }
0x23e: {  	v2 =	vadd.f32 v48, v45;
	v0 =	vmul.f32 v57, v13;
	_ =	sdelay $0x1  }
0x23f: {  	v28 =	vadd.f32 v0, v2  }
0x240: {  	v14 =	vadd.f32 v61, v59;
	v15 =	vmul.f32 v62, v12  }
0x241: {  	v16 =	vld [tilespmem:s13+$0x30];
	[tilespmem:s13+$0x20] =	vst v28  }
0x242: {  	[tilespmem:$0x1FF10] =	vst v1;
	v1 =	vadd.f32 v15, v14;
	v17 =	vld [tilespmem:s31+$0x30]  }
0x243: {  	v18 =	vld [tilespmem:$0x17830]  }
0x244: {  	v19 =	vld [tilespmem:s14+$0x60];
	[tilespmem:s14+$0x50] =	vst v1  }
0x245: {  	v20 =	vld [tilespmem:s28+$0x60]  }
0x246: {  	v21 =	vld [tilespmem:$0x177E0];
	_ =	sdelay $0x1  }
0x247: {  	v2 =	vadd.f32 v17, v16;
	v0 =	vmul.f32 v18, v13;
	_ =	sdelay $0x1  }
0x248: {  	v26 =	vadd.f32 v0, v2  }
0x249: {  	v22 =	vadd.f32 v20, v19;
	v23 =	vmul.f32 v21, v12  }
0x24a: {  	v24 =	vld [tilespmem:s13+$0x40];
	[tilespmem:s13+$0x30] =	vst v26  }
0x24b: {  	[tilespmem:$0x1FF20] =	vst v1;
	v1 =	vadd.f32 v23, v22;
	v25 =	vld [tilespmem:s31+$0x40]  }
0x24c: {  	v27 =	vld [tilespmem:$0x17840]  }
0x24d: {  	v34 =	vld [tilespmem:s14+$0x70];
	[tilespmem:s14+$0x60] =	vst v1  }
0x24e: {  	v36 =	vld [tilespmem:s28+$0x70]  }
0x24f: {  	v38 =	vld [tilespmem:$0x177F0];
	_ =	sdelay $0x1  }
0x250: {  	v2 =	vadd.f32 v25, v24;
	v0 =	vmul.f32 v27, v13;
	_ =	sdelay $0x1  }
0x251: {  	v15 =	vadd.f32 v0, v2  }
0x252: {  	v39 =	vadd.f32 v36, v34;
	v41 =	vmul.f32 v38, v12  }
0x253: {  	v42 =	vld [tilespmem:s13+$0x50];
	[tilespmem:s13+$0x40] =	vst v15  }
0x254: {  	[tilespmem:$0x1FF30] =	vst v1;
	v1 =	vadd.f32 v41, v39;
	v45 =	vld [tilespmem:s31+$0x50]  }
0x255: {  	v48 =	vld [tilespmem:$0x17850]  }
0x256: {  	[tilespmem:s14+$0x70] =	vst v1;
	s14 =	sadd.s32 s5, s30  }
0x257: {  	[tilespmem:$0x1FF40] =	vst v1;
	v1 =	vld [tilespmem:s14+$0x0]  }
0x258: {  	v57 =	vld [tilespmem:s20+$0x14C80]  }
0x259: {  	v59 =	vld [tilespmem:$0x17800]  }
0x25a: {  	v2 =	vadd.f32 v45, v42;
	v0 =	vmul.f32 v48, v13;
	_ =	sdelay $0x1  }
0x25b: {  	v24 =	vadd.f32 v0, v2;
	_ =	sdelay $0x1  }
0x25c: {  	v61 =	vld [tilespmem:s13+$0x60];
	v1 =	vadd.f32 v57, v1;
	v62 =	vmul.f32 v59, v12;
	[tilespmem:s13+$0x50] =	vst v24  }
0x25d: {  	v14 =	vld [tilespmem:s31+$0x60]  }
0x25e: {  	v1 =	vadd.f32 v62, v1;
	v16 =	vld [tilespmem:$0x17860];
	_ =	sdelay $0x1  }
0x25f: {  	s30 =	sadd.s32 $0x14C80, s20;
	v17 =	vld [tilespmem:s14+$0x10];
	[tilespmem:s14+$0x0] =	vst v1  }
0x260: {  	v18 =	vld [tilespmem:s30+$0x10]  }
0x261: {  	v19 =	vld [tilespmem:$0x17810]  }
0x262: {  	v0 =	vadd.f32 v14, v61;
	v23 =	vmul.f32 v16, v13;
	_ =	sdelay $0x1  }
0x263: {  	v22 =	vadd.f32 v23, v0  }
0x264: {  	[tilespmem:$0x1FF50] =	vst v1  }
0x265: {  	v25 =	vld [tilespmem:s13+$0x70];
	v1 =	vadd.f32 v18, v17;
	v27 =	vmul.f32 v19, v12;
	[tilespmem:s13+$0x60] =	vst v22  }
0x266: {  	v34 =	vld [tilespmem:s31+$0x70]  }
0x267: {  	v1 =	vadd.f32 v27, v1;
	v36 =	vld [tilespmem:$0x17870];
	_ =	sdelay $0x1  }
0x268: {  	v38 =	vld [tilespmem:s14+$0x20];
	[tilespmem:s14+$0x10] =	vst v1  }
0x269: {  	v39 =	vld [tilespmem:s30+$0x20]  }
0x26a: {  	v41 =	vld [tilespmem:$0x17820]  }
0x26b: {  	v0 =	vadd.f32 v34, v25;
	v42 =	vmul.f32 v36, v13;
	_ =	sdelay $0x1  }
0x26c: {  	v21 =	vadd.f32 v42, v0  }
0x26d: {  	s31 =	sadd.s32 $0x3080, s25  }
0x26e: {  	v45 =	vadd.f32 v39, v38;
	v48 =	vmul.f32 v41, v12;
	[tilespmem:s13+$0x70] =	vst v21;
	s13 =	sor.u32 s23, s31  }
0x26f: {  	v57 =	vld [tilespmem:s13+$0x0]  }
0x270: {  	[tilespmem:$0x1FF60] =	vst v1;
	v1 =	vadd.f32 v48, v45;
	v59 =	vld [tilespmem:s21+$0x15080]  }
0x271: {  	v61 =	vld [tilespmem:$0x17880]  }
0x272: {  	v62 =	vld [tilespmem:s14+$0x30];
	[tilespmem:s14+$0x20] =	vst v1  }
0x273: {  	v14 =	vld [tilespmem:s30+$0x30]  }
0x274: {  	v16 =	vld [tilespmem:$0x17830];
	_ =	sdelay $0x1  }
0x275: {  	v2 =	vadd.f32 v59, v57;
	v0 =	vmul.f32 v61, v13;
	_ =	sdelay $0x1  }
0x276: {  	v20 =	vadd.f32 v0, v2  }
0x277: {  	v17 =	vadd.f32 v14, v62;
	v18 =	vmul.f32 v16, v12  }
0x278: {  	s28 =	sadd.s32 $0x15080, s21;
	v19 =	vld [tilespmem:s13+$0x10];
	[tilespmem:s13+$0x0] =	vst v20  }
0x279: {  	v57 =	vadd.f32 v18, v17;
	v23 =	vld [tilespmem:s28+$0x10]  }
0x27a: {  	v25 =	vld [tilespmem:$0x17890]  }
0x27b: {  	v27 =	vld [tilespmem:s14+$0x40];
	[tilespmem:s14+$0x30] =	vst v57  }
0x27c: {  	v34 =	vld [tilespmem:s30+$0x40]  }
0x27d: {  	v36 =	vld [tilespmem:$0x17840];
	_ =	sdelay $0x1  }
0x27e: {  	[tilespmem:$0x1FF70] =	vst v1;
	v0 =	vadd.f32 v23, v19;
	v1 =	vmul.f32 v25, v13;
	_ =	sdelay $0x1  }
0x27f: {  	v19 =	vadd.f32 v1, v0  }
0x280: {  	v38 =	vadd.f32 v34, v27;
	v39 =	vmul.f32 v36, v12  }
0x281: {  	v41 =	vld [tilespmem:s13+$0x20];
	[tilespmem:s13+$0x10] =	vst v19  }
0x282: {  	v59 =	vadd.f32 v39, v38;
	v42 =	vld [tilespmem:s28+$0x20]  }
0x283: {  	v45 =	vld [tilespmem:$0x178A0]  }
0x284: {  	v48 =	vld [tilespmem:s14+$0x50];
	[tilespmem:s14+$0x40] =	vst v59  }
0x285: {  	v61 =	vld [tilespmem:s30+$0x50]  }
0x286: {  	v62 =	vld [tilespmem:$0x17850];
	_ =	sdelay $0x1  }
0x287: {  	v0 =	vadd.f32 v42, v41;
	v1 =	vmul.f32 v45, v13;
	_ =	sdelay $0x1  }
0x288: {  	v18 =	vadd.f32 v1, v0  }
0x289: {  	v4 =	vadd.f32 v61, v48;
	v14 =	vmul.f32 v62, v12  }
0x28a: {  	v16 =	vld [tilespmem:s13+$0x30];
	[tilespmem:s13+$0x20] =	vst v18  }
0x28b: {  	v61 =	vadd.f32 v14, v4;
	v17 =	vld [tilespmem:s28+$0x30]  }
0x28c: {  	v23 =	vld [tilespmem:$0x178B0]  }
0x28d: {  	v25 =	vld [tilespmem:s14+$0x60];
	[tilespmem:s14+$0x50] =	vst v61  }
0x28e: {  	v27 =	vld [tilespmem:s30+$0x60]  }
0x28f: {  	v34 =	vld [tilespmem:$0x17860];
	_ =	sdelay $0x1  }
0x290: {  	v0 =	vadd.f32 v17, v16;
	v1 =	vmul.f32 v23, v13;
	_ =	sdelay $0x1  }
0x291: {  	v17 =	vadd.f32 v1, v0  }
0x292: {  	v36 =	vadd.f32 v27, v25;
	v38 =	vmul.f32 v34, v12  }
0x293: {  	v39 =	vld [tilespmem:s13+$0x40];
	[tilespmem:s13+$0x30] =	vst v17  }
0x294: {  	v62 =	vadd.f32 v38, v36;
	v41 =	vld [tilespmem:s28+$0x40]  }
0x295: {  	v42 =	vld [tilespmem:$0x178C0]  }
0x296: {  	v48 =	vld [tilespmem:s14+$0x70];
	[tilespmem:s14+$0x60] =	vst v62  }
0x297: {  	v45 =	vld [tilespmem:s30+$0x70]  }
0x298: {  	v6 =	vld [tilespmem:$0x17870];
	_ =	sdelay $0x1  }
0x299: {  	v0 =	vadd.f32 v41, v39;
	v14 =	vmul.f32 v42, v13;
	_ =	sdelay $0x1  }
0x29a: {  	v5 =	vadd.f32 v14, v0  }
0x29b: {  	v16 =	vadd.f32 v45, v48;
	v23 =	vmul.f32 v6, v12  }
0x29c: {  	v25 =	vld [tilespmem:s13+$0x50];
	[tilespmem:s13+$0x40] =	vst v5  }
0x29d: {  	v45 =	vadd.f32 v23, v16;
	v27 =	vld [tilespmem:s28+$0x50]  }
0x29e: {  	v34 =	vld [tilespmem:$0x178D0]  }
0x29f: {  	s30 =	sadd.s32 s5, s31;
	[tilespmem:s14+$0x70] =	vst v45  }
0x2a0: {  	v36 =	vld [tilespmem:s30+$0x0]  }
0x2a1: {  	v38 =	vld [tilespmem:s20+$0x15080]  }
0x2a2: {  	v23 =	vld [tilespmem:$0x17880]  }
0x2a3: {  	v0 =	vadd.f32 v27, v25;
	v1 =	vmul.f32 v34, v13;
	_ =	sdelay $0x1  }
0x2a4: {  	v16 =	vadd.f32 v1, v0;
	_ =	sdelay $0x1  }
0x2a5: {  	v42 =	vld [tilespmem:s13+$0x60];
	v39 =	vadd.f32 v38, v36;
	v41 =	vmul.f32 v23, v12;
	[tilespmem:s13+$0x50] =	vst v16  }
0x2a6: {  	v48 =	vld [tilespmem:s28+$0x60]  }
0x2a7: {  	v38 =	vadd.f32 v41, v39;
	v14 =	vld [tilespmem:$0x178E0];
	_ =	sdelay $0x1  }
0x2a8: {  	s31 =	sadd.s32 $0x15080, s20;
	v34 =	vld [tilespmem:s30+$0x10];
	[tilespmem:s30+$0x0] =	vst v38  }
0x2a9: {  	v36 =	vld [tilespmem:s31+$0x10]  }
0x2aa: {  	v25 =	vld [tilespmem:$0x17890]  }
0x2ab: {  	v2 =	vadd.f32 v48, v42;
	v0 =	vmul.f32 v14, v13;
	_ =	sdelay $0x1  }
0x2ac: {  	v14 =	vadd.f32 v0, v2;
	_ =	sdelay $0x1  }
0x2ad: {  	v42 =	vld [tilespmem:s13+$0x70];
	v39 =	vadd.f32 v36, v34;
	v41 =	vmul.f32 v25, v12;
	[tilespmem:s13+$0x60] =	vst v14  }
0x2ae: {  	v48 =	vld [tilespmem:s28+$0x70]  }
0x2af: {  	v36 =	vadd.f32 v41, v39;
	v4 =	vld [tilespmem:$0x178F0];
	_ =	sdelay $0x1  }
0x2b0: {  	v34 =	vld [tilespmem:s30+$0x20];
	[tilespmem:s30+$0x10] =	vst v36  }
0x2b1: {  	v39 =	vld [tilespmem:s31+$0x20]  }
0x2b2: {  	v41 =	vld [tilespmem:$0x178A0]  }
0x2b3: {  	v2 =	vadd.f32 v48, v42;
	v0 =	vmul.f32 v4, v13;
	_ =	sdelay $0x1  }
0x2b4: {  	v11 =	vadd.f32 v0, v2  }
0x2b5: {  	s25 =	sadd.s32 $0x3480, s25  }
0x2b6: {  	s29 =	sor.u32 s23, s25;
	v42 =	vadd.f32 v39, v34;
	v48 =	vmul.f32 v41, v12;
	[tilespmem:s13+$0x70] =	vst v11  }
0x2b7: {  	v4 =	vld [tilespmem:s29+$0x0]  }
0x2b8: {  	v34 =	vadd.f32 v48, v42;
	v39 =	vld [tilespmem:s21+$0x15480]  }
0x2b9: {  	v41 =	vld [tilespmem:$0x17900]  }
0x2ba: {  	v42 =	vld [tilespmem:s30+$0x30];
	[tilespmem:s30+$0x20] =	vst v34  }
0x2bb: {  	v48 =	vld [tilespmem:s31+$0x30]  }
0x2bc: {  	v27 =	vld [tilespmem:$0x178B0];
	_ =	sdelay $0x1  }
0x2bd: {  	v0 =	vadd.f32 v39, v4;
	v1 =	vmul.f32 v41, v13;
	_ =	sdelay $0x1  }
0x2be: {  	v6 =	vadd.f32 v1, v0  }
0x2bf: {  	v39 =	vadd.f32 v48, v42;
	v41 =	vmul.f32 v27, v12  }
0x2c0: {  	s21 =	sadd.s32 $0x15480, s21;
	v23 =	vld [tilespmem:s29+$0x10];
	[tilespmem:s29+$0x0] =	vst v6  }
0x2c1: {  	v27 =	vadd.f32 v41, v39;
	v0 =	vld [tilespmem:s21+$0x10]  }
0x2c2: {  	v42 =	vld [tilespmem:$0x17910]  }
0x2c3: {  	v48 =	vld [tilespmem:s30+$0x40];
	[tilespmem:s30+$0x30] =	vst v27  }
0x2c4: {  	v7 =	vld [tilespmem:s31+$0x40]  }
0x2c5: {  	v39 =	vld [tilespmem:$0x178C0];
	_ =	sdelay $0x1  }
0x2c6: {  	v0 =	vadd.f32 v0, v23;
	v1 =	vmul.f32 v42, v13;
	_ =	sdelay $0x1  }
0x2c7: {  	v4 =	vadd.f32 v1, v0  }
0x2c8: {  	v42 =	vadd.f32 v7, v48;
	v7 =	vmul.f32 v39, v12  }
0x2c9: {  	v23 =	vld [tilespmem:s29+$0x20];
	[tilespmem:s29+$0x10] =	vst v4  }
0x2ca: {  	v25 =	vadd.f32 v7, v42;
	v0 =	vld [tilespmem:s21+$0x20]  }
0x2cb: {  	v7 =	vld [tilespmem:$0x17920]  }
0x2cc: {  	v48 =	vld [tilespmem:s30+$0x50];
	[tilespmem:s30+$0x40] =	vst v25  }
0x2cd: {  	v41 =	vld [tilespmem:s31+$0x50]  }
0x2ce: {  	v42 =	vld [tilespmem:$0x178D0];
	_ =	sdelay $0x1  }
0x2cf: {  	v0 =	vadd.f32 v0, v23;
	v7 =	vmul.f32 v7, v13;
	_ =	sdelay $0x1  }
0x2d0: {  	v3 =	vadd.f32 v7, v0  }
0x2d1: {  	v7 =	vadd.f32 v41, v48;
	v1 =	vmul.f32 v42, v12  }
0x2d2: {  	v2 =	vadd.f32 $0.0e+00, v43;
	v41 =	vld [tilespmem:s29+$0x30];
	[tilespmem:s29+$0x20] =	vst v3  }
0x2d3: {  	v42 =	vmul.f32 v43, v43;
	v48 =	vmul.f32 v47, v47;
	v23 =	vadd.f32 v1, v7;
	v7 =	vld [tilespmem:s21+$0x30]  }
0x2d4: {  	v39 =	vadd.f32 v47, v2;
	v43 =	vadd.f32 $0.0e+00, v46;
	v46 =	vmul.f32 v46, v46;
	v1 =	vld [tilespmem:$0x17930]  }
0x2d5: {  	v2 =	vld [tilespmem:s30+$0x60];
	v47 =	vmul.f32 v51, v51;
	v0 =	vadd.f32 v48, v42;
	v42 =	vadd.f32 $0.0e+00, v50;
	[tilespmem:s30+$0x50] =	vst v23  }
0x2d6: {  	v43 =	vadd.f32 v51, v43;
	v50 =	vmul.f32 v50, v50;
	v51 =	vmul.f32 v53, v53;
	v48 =	vld [tilespmem:s31+$0x60]  }
0x2d7: {  	v39 =	vadd.f32 v54, v39;
	v46 =	vadd.f32 v47, v46;
	v47 =	vld [tilespmem:$0x178E0]  }
0x2d8: {  	v42 =	vadd.f32 v53, v42;
	v50 =	vadd.f32 v51, v50;
	v53 =	vmul.f32 v54, v54;
	v54 =	vld [tilespmem:$0x1FD90]  }
0x2d9: {  	v7 =	vadd.f32 v7, v41;
	v1 =	vmul.f32 v1, v13;
	v41 =	vadd.f32 $0.0e+00, v52  }
0x2da: {  	v51 =	vmul.f32 v52, v52;
	v0 =	vadd.f32 v53, v0;
	v52 =	vmul.f32 v40, v40  }
0x2db: {  	v53 =	vld [tilespmem:$0x1FDB0];
	v41 =	vadd.f32 v40, v41;
	v40 =	vadd.f32 v1, v7  }
0x2dc: {  	v7 =	vadd.f32 v52, v51;
	v2 =	vadd.f32 v48, v2;
	v47 =	vmul.f32 v47, v12;
	v52 =	vld [tilespmem:$0x1FDA0]  }
0x2dd: {  	v43 =	vadd.f32 v30, v43;
	v42 =	vadd.f32 v54, v42;
	v48 =	vld [tilespmem:s29+$0x40]  }
0x2de: {  	v1 =	vmul.f32 v30, v30;
	[tilespmem:s29+$0x30] =	vst v40;
	v30 =	vadd.f32 v47, v2;
	v2 =	vmul.f32 v54, v54;
	v54 =	vld [tilespmem:$0x1FDC0]  }
0x2df: {  	v47 =	vld [tilespmem:s21+$0x40]  }
0x2e0: {  	v39 =	vadd.f32 v53, v39;
	v51 =	vld [tilespmem:$0x17940];
	v2 =	vadd.f32 v2, v50;
	v50 =	vmul.f32 v53, v53  }
0x2e1: {  	v1 =	vadd.f32 v1, v46;
	[tilespmem:s30+$0x60] =	vst v30;
	v46 =	vmul.f32 v52, v52;
	v41 =	vadd.f32 v52, v41;
	v52 =	vld [tilespmem:s30+$0x70]  }
0x2e2: {  	v39 =	vadd.f32 v58, v39;
	v53 =	vld [tilespmem:s31+$0x70];
	v0 =	vadd.f32 v50, v0;
	v50 =	vmul.f32 v31, v31  }
0x2e3: {  	v7 =	vadd.f32 v46, v7;
	v46 =	vmul.f32 v54, v54;
	v43 =	vadd.f32 v54, v43;
	v54 =	vld [tilespmem:$0x178F0]  }
0x2e4: {  	v39 =	vadd.f32 v44, v39;
	v31 =	vadd.f32 v31, v42  }
0x2e5: {  	v42 =	vmul.f32 v56, v56;
	v41 =	vadd.f32 v56, v41;
	v2 =	vadd.f32 v50, v2  }
0x2e6: {  	v50 =	vadd.f32 v47, v48;
	v56 =	vmul.f32 v51, v13;
	v1 =	vadd.f32 v46, v1  }
0x2e7: {  	v46 =	vmul.f32 v58, v58;
	v7 =	vadd.f32 v42, v7;
	v58 =	vmul.f32 v60, v60  }
0x2e8: {  	v42 =	vadd.f32 v56, v50;
	v53 =	vadd.f32 v53, v52;
	v54 =	vmul.f32 v54, v12  }
0x2e9: {  	v43 =	vadd.f32 v60, v43;
	v1 =	vadd.f32 v58, v1  }
0x2ea: {  	v48 =	vld [tilespmem:s29+$0x50];
	v60 =	vmul.f32 v49, v49;
	v58 =	vadd.f32 v63, v31;
	[tilespmem:s29+$0x40] =	vst v42;
	v31 =	vadd.f32 v54, v53  }
0x2eb: {  	v51 =	vmul.f32 v37, v37;
	v41 =	vadd.f32 v49, v41;
	v56 =	vmul.f32 v63, v63;
	v49 =	vld [tilespmem:s21+$0x50]  }
0x2ec: {  	s5 =	sadd.s32 s5, s25;
	v0 =	vadd.f32 v46, v0;
	v63 =	vmul.f32 v44, v44;
	v7 =	vadd.f32 v60, v7;
	v52 =	vld [tilespmem:$0x17950];
	[tilespmem:s30+$0x70] =	vst v31  }
0x2ed: {  	v37 =	vadd.f32 v37, v43;
	v2 =	vadd.f32 v56, v2;
	v46 =	vld [tilespmem:s5+$0x0]  }
0x2ee: {  	v44 =	vmul.f32 v24, v24;
	v0 =	vadd.f32 v63, v0;
	v1 =	vadd.f32 v51, v1;
	v56 =	vld [tilespmem:s20+$0x15480]  }
0x2ef: {  	v63 =	vmul.f32 v29, v29;
	v29 =	vadd.f32 v29, v37;
	v53 =	vmul.f32 v35, v35;
	v60 =	vld [tilespmem:$0x17900]  }
0x2f0: {  	v35 =	vadd.f32 v35, v58;
	v54 =	vmul.f32 v33, v33;
	v33 =	vadd.f32 v33, v41  }
0x2f1: {  	v58 =	vmul.f32 v32, v32;
	v32 =	vadd.f32 v32, v39;
	v1 =	vadd.f32 v63, v1  }
0x2f2: {  	v2 =	vadd.f32 v53, v2;
	v51 =	vadd.f32 v49, v48;
	v52 =	vmul.f32 v52, v13  }
0x2f3: {  	v0 =	vadd.f32 v58, v0;
	v53 =	vmul.f32 v28, v28;
	v28 =	vadd.f32 v28, v35  }
0x2f4: {  	v35 =	vadd.f32 v52, v51;
	v56 =	vadd.f32 v56, v46;
	v58 =	vmul.f32 v60, v12  }
0x2f5: {  	v63 =	vld [tilespmem:s29+$0x60];
	v24 =	vadd.f32 v24, v29;
	v7 =	vadd.f32 v54, v7;
	v54 =	vmul.f32 v26, v26  }
0x2f6: {  	v32 =	vadd.f32 v15, v32;
	v50 =	vld [tilespmem:s5+$0x10];
	[tilespmem:s29+$0x50] =	vst v35;
	v60 =	vmul.f32 v15, v15;
	v15 =	vadd.f32 v58, v56  }
0x2f7: {  	v26 =	vadd.f32 v26, v33;
	v1 =	vadd.f32 v44, v1;
	v46 =	vld [tilespmem:s21+$0x60]  }
0x2f8: {  	v47 =	vmul.f32 v22, v22;
	s30 =	sadd.s32 $0x15480, s20;
	v2 =	vadd.f32 v53, v2;
	v7 =	vadd.f32 v54, v7;
	v48 =	vld [tilespmem:$0x17960];
	[tilespmem:s5+$0x0] =	vst v15  }
0x2f9: {  	v22 =	vadd.f32 v22, v28;
	v49 =	vmul.f32 v21, v21;
	v21 =	vadd.f32 v21, v26;
	v52 =	vld [tilespmem:s30+$0x10]  }
0x2fa: {  	v53 =	vmul.f32 v19, v19;
	v19 =	vadd.f32 v19, v24;
	v2 =	vadd.f32 v47, v2;
	v54 =	vld [tilespmem:$0x17910]  }
0x2fb: {  	v51 =	vmul.f32 v20, v20;
	v7 =	vadd.f32 v49, v7;
	v20 =	vadd.f32 v20, v32  }
0x2fc: {  	v37 =	vmul.f32 v5, v5;
	v1 =	vadd.f32 v53, v1;
	v21 =	vadd.f32 v17, v21  }
0x2fd: {  	v0 =	vadd.f32 v60, v0;
	v58 =	vadd.f32 v46, v63;
	v60 =	vmul.f32 v48, v13  }
0x2fe: {  	v17 =	vmul.f32 v17, v17;
	v56 =	vmul.f32 v18, v18;
	v18 =	vadd.f32 v18, v22  }
0x2ff: {  	v22 =	vadd.f32 v60, v58;
	v63 =	vadd.f32 v52, v50;
	v33 =	vmul.f32 v54, v12  }
0x300: {  	v43 =	vld [tilespmem:s29+$0x70];
	v41 =	vmul.f32 v16, v16;
	v16 =	vadd.f32 v16, v19;
	v7 =	vadd.f32 v17, v7  }
0x301: {  	v47 =	vmul.f32 v11, v11;
	v39 =	vadd.f32 v5, v20;
	[tilespmem:s29+$0x60] =	vst v22;
	v50 =	vld [tilespmem:s5+$0x20];
	v5 =	vadd.f32 v33, v63  }
0x302: {  	v1 =	vadd.f32 v41, v1;
	v11 =	vadd.f32 v11, v21;
	v46 =	vld [tilespmem:s21+$0x70]  }
0x303: {  	v49 =	vmul.f32 v6, v6;
	v7 =	vadd.f32 v47, v7;
	v6 =	vadd.f32 v6, v39;
	v48 =	vld [tilespmem:$0x17970];
	[tilespmem:s5+$0x10] =	vst v5  }
0x304: {  	v11 =	vadd.f32 v40, v11;
	v0 =	vadd.f32 v51, v0;
	v52 =	vld [tilespmem:s30+$0x20]  }
0x305: {  	v44 =	vmul.f32 v14, v14;
	v2 =	vadd.f32 v56, v2;
	v14 =	vadd.f32 v14, v18;
	v54 =	vld [tilespmem:$0x17920]  }
0x306: {  	v28 =	vld [tilespmem:s5+$0x30];
	v51 =	vmul.f32 v4, v4;
	v4 =	vadd.f32 v4, v16;
	v6 =	vadd.f32 v42, v6  }
0x307: {  	v32 =	vld [tilespmem:$0x1FDD0];
	v0 =	vadd.f32 v37, v0;
	v2 =	vadd.f32 v44, v2  }
0x308: {  	v53 =	vmul.f32 v3, v3;
	v41 =	vld [tilespmem:$0x1FE00];
	v1 =	vadd.f32 v51, v1;
	v14 =	vadd.f32 v3, v14  }
0x309: {  	v39 =	vld [tilespmem:$0x1FDF0];
	v0 =	vadd.f32 v49, v0;
	v60 =	vmul.f32 v42, v42;
	v58 =	vadd.f32 v46, v43  }
0x30a: {  	v37 =	vld [tilespmem:$0x1FDE0];
	v13 =	vmul.f32 v48, v13;
	v63 =	vadd.f32 v52, v50;
	v18 =	vmul.f32 v54, v12  }
0x30b: {  	v56 =	vmul.f32 v40, v40;
	v51 =	vld [tilespmem:$0x1FE40];
	v2 =	vadd.f32 v53, v2;
	v16 =	vadd.f32 v60, v0  }
0x30c: {  	v53 =	vld [tilespmem:s5+$0x40];
	v0 =	vadd.f32 v13, v58;
	v3 =	vadd.f32 v18, v63  }
0x30d: {  	v21 =	vmul.f32 v35, v35;
	v7 =	vadd.f32 v56, v7;
	v4 =	vadd.f32 v35, v4;
	v43 =	vld [tilespmem:$0x1FE10]  }
0x30e: {  	v35 =	vmul.f32 v32, v32;
	v14 =	vadd.f32 v22, v14;
	v60 =	vld [tilespmem:$0x1FE60];
	v11 =	vadd.f32 v0, v11;
	[tilespmem:s5+$0x20] =	vst v3  }
0x30f: {  	v1 =	vadd.f32 v21, v1;
	v4 =	vadd.f32 v4, v6;
	v24 =	vmul.f32 v22, v22;
	v29 =	vld [tilespmem:s30+$0x30]  }
0x310: {  	v42 =	vadd.f32 $0.0e+00, v41;
	v26 =	vmul.f32 v0, v0;
	v6 =	vadd.f32 v11, v14;
	v11 =	vld [tilespmem:$0x17930]  }
0x311: {  	v40 =	vmul.f32 v39, v39;
	v2 =	vadd.f32 v24, v2;
	v1 =	vadd.f32 v1, v16;
	v54 =	vld [tilespmem:$0x1FE50]  }
0x312: {  	v48 =	vld [tilespmem:$0x1FE30];
	v44 =	vadd.f32 $0.0e+00, v43;
	v7 =	vadd.f32 v26, v7  }
0x313: {  	v33 =	vadd.f32 $0.0e+00, v32;
	v46 =	vld [tilespmem:$0x1FE20];
	v14 =	vadd.f32 v40, v35  }
0x314: {  	v16 =	vmul.f32 v37, v37;
	v40 =	vld [tilespmem:$0x1FEA0];
	v19 =	vadd.f32 v51, v44;
	v7 =	vadd.f32 v7, v2  }
0x315: {  	v44 =	vld [tilespmem:$0x1FEB0];
	v2 =	vadd.f32 v6, v4;
	v13 =	vadd.f32 v29, v28;
	v11 =	vmul.f32 v11, v12  }
0x316: {  	v6 =	vadd.f32 $0.0e+00, v37;
	v37 =	vld [tilespmem:$0x1FE90];
	v56 =	vmul.f32 v54, v54;
	v1 =	vadd.f32 v7, v1  }
0x317: {  	v49 =	vmul.f32 v48, v48;
	v7 =	vadd.f32 v39, v33;
	v33 =	vld [tilespmem:$0x1FE80];
	v4 =	vadd.f32 v11, v13  }
0x318: {  	v18 =	vmul.f32 v41, v41;
	v6 =	vadd.f32 v46, v6;
	v14 =	vadd.f32 v56, v14;
	v56 =	vld [tilespmem:$0x1FEF0]  }
0x319: {  	v52 =	vmul.f32 v51, v51;
	v50 =	vadd.f32 v48, v42;
	v7 =	vadd.f32 v54, v7;
	v29 =	vld [tilespmem:$0x1FE70];
	[tilespmem:s5+$0x30] =	vst v4  }
0x31a: {  	v47 =	vmul.f32 v43, v43;
	v18 =	vadd.f32 v49, v18;
	v6 =	vadd.f32 v60, v6;
	v58 =	vld [tilespmem:s30+$0x40]  }
0x31b: {  	v39 =	vmul.f32 v37, v37;
	v7 =	vadd.f32 v37, v7;
	v11 =	vmul.f32 v46, v46;
	v28 =	vld [tilespmem:$0x17940]  }
0x31c: {  	v6 =	vadd.f32 v40, v6;
	v35 =	vmul.f32 v33, v33;
	v13 =	vadd.f32 v52, v47;
	v47 =	vld [tilespmem:$0x1FEC0]  }
0x31d: {  	v63 =	vmul.f32 v60, v60;
	v19 =	vadd.f32 v33, v19;
	v52 =	vld [tilespmem:$0x1FEE0];
	v11 =	vadd.f32 v11, v16  }
0x31e: {  	v54 =	vld [tilespmem:s5+$0x50];
	v14 =	vadd.f32 v39, v14;
	v13 =	vadd.f32 v35, v13;
	v32 =	vmul.f32 v29, v29  }
0x31f: {  	v41 =	vmul.f32 v40, v40;
	v39 =	vld [tilespmem:$0x1FF20];
	v16 =	vadd.f32 v29, v50;
	v11 =	vadd.f32 v63, v11  }
0x320: {  	v50 =	vld [tilespmem:$0x1FED0];
	v18 =	vadd.f32 v32, v18;
	v42 =	vadd.f32 v58, v53;
	v43 =	vmul.f32 v28, v12  }
0x321: {  	v46 =	vmul.f32 v44, v44;
	v63 =	vld [tilespmem:$0x1FF00];
	v16 =	vadd.f32 v44, v16;
	v49 =	vadd.f32 v47, v19  }
0x322: {  	v35 =	vld [tilespmem:$0x1FF10];
	v48 =	vmul.f32 v47, v47;
	v6 =	vadd.f32 v52, v6;
	v20 =	vadd.f32 v43, v42  }
0x323: {  	v11 =	vadd.f32 v41, v11;
	v41 =	vld [tilespmem:$0x1FF30];
	v17 =	vadd.f32 v46, v18  }
0x324: {  	v40 =	vmul.f32 v39, v39;
	v13 =	vadd.f32 v48, v13;
	v16 =	vadd.f32 v56, v16;
	v48 =	vld [tilespmem:$0x1FF50];
	[tilespmem:s5+$0x40] =	vst v20  }
0x325: {  	v6 =	vadd.f32 v39, v6;
	v51 =	vmul.f32 v50, v50;
	v53 =	vmul.f32 v52, v52;
	v60 =	vld [tilespmem:s30+$0x50]  }
0x326: {  	v7 =	vadd.f32 v50, v7;
	v58 =	vmul.f32 v56, v56;
	v18 =	vadd.f32 v63, v49;
	v33 =	vld [tilespmem:$0x17950]  }
0x327: {  	v50 =	vld [tilespmem:$0x1FF60];
	v32 =	vmul.f32 v63, v63;
	v14 =	vadd.f32 v51, v14;
	v11 =	vadd.f32 v53, v11  }
0x328: {  	v37 =	vmul.f32 v35, v35;
	v52 =	vld [tilespmem:$0x1FF70];
	v17 =	vadd.f32 v58, v17;
	v7 =	vadd.f32 v35, v7  }
0x329: {  	v39 =	vmul.f32 v36, v36;
	v13 =	vadd.f32 v32, v13;
	v16 =	vadd.f32 v41, v16  }
0x32a: {  	v43 =	vld [tilespmem:$0x1FF40];
	v42 =	vmul.f32 v41, v41;
	v14 =	vadd.f32 v37, v14;
	v11 =	vadd.f32 v40, v11  }
0x32b: {  	v7 =	vadd.f32 v48, v7;
	v46 =	vadd.f32 v60, v54;
	v47 =	vmul.f32 v33, v12  }
0x32c: {  	v49 =	vmul.f32 v48, v48;
	v17 =	vadd.f32 v42, v17;
	v6 =	vadd.f32 v50, v6  }
0x32d: {  	v51 =	vmul.f32 v50, v50;
	v16 =	vadd.f32 v52, v16;
	v19 =	vadd.f32 v47, v46  }
0x32e: {  	v53 =	vmul.f32 v52, v52;
	v14 =	vadd.f32 v49, v14;
	v7 =	vadd.f32 v59, v7  }
0x32f: {  	v56 =	vld [tilespmem:s5+$0x60];
	v58 =	vmul.f32 v59, v59;
	v18 =	vadd.f32 v43, v18;
	v11 =	vadd.f32 v51, v11;
	[tilespmem:s5+$0x50] =	vst v19  }
0x330: {  	v44 =	vmul.f32 v43, v43;
	v17 =	vadd.f32 v53, v17;
	v6 =	vadd.f32 v61, v6;
	v60 =	vld [tilespmem:s30+$0x60]  }
0x331: {  	v63 =	vmul.f32 v61, v61;
	v16 =	vadd.f32 v62, v16;
	v14 =	vadd.f32 v58, v14;
	v32 =	vld [tilespmem:$0x17960]  }
0x332: {  	v35 =	vmul.f32 v45, v45;
	v7 =	vadd.f32 v38, v7;
	v13 =	vadd.f32 v44, v13  }
0x333: {  	v37 =	vmul.f32 v38, v38;
	v18 =	vadd.f32 v57, v18;
	v11 =	vadd.f32 v63, v11  }
0x334: {  	v42 =	vmul.f32 v34, v34;
	v6 =	vadd.f32 v36, v6;
	v16 =	vadd.f32 v34, v16  }
0x335: {  	v54 =	vmul.f32 v57, v57;
	v14 =	vadd.f32 v37, v14;
	v7 =	vadd.f32 v25, v7  }
0x336: {  	v18 =	vadd.f32 v45, v18;
	v40 =	vadd.f32 v60, v56;
	v41 =	vmul.f32 v32, v12  }
0x337: {  	v33 =	vmul.f32 v62, v62;
	v11 =	vadd.f32 v39, v11;
	v6 =	vadd.f32 v23, v6  }
0x338: {  	v44 =	vmul.f32 v25, v25;
	v16 =	vadd.f32 v30, v16;
	v21 =	vadd.f32 v41, v40  }
0x339: {  	v45 =	vmul.f32 v23, v23;
	v13 =	vadd.f32 v54, v13;
	v17 =	vadd.f32 v33, v17  }
0x33a: {  	v52 =	vmul.f32 v5, v5;
	v46 =	vld [tilespmem:s5+$0x70];
	v14 =	vadd.f32 v44, v14;
	v7 =	vadd.f32 v15, v7;
	[tilespmem:s5+$0x60] =	vst v21  }
0x33b: {  	v51 =	vmul.f32 v15, v15;
	v18 =	vadd.f32 v27, v18;
	v11 =	vadd.f32 v45, v11;
	v48 =	vld [tilespmem:s30+$0x70]  }
0x33c: {  	v5 =	vadd.f32 v5, v6;
	v6 =	vmul.f32 v3, v3;
	v3 =	vadd.f32 v3, v16;
	v50 =	vld [tilespmem:$0x17970]  }
0x33d: {  	v49 =	vmul.f32 v31, v31;
	v13 =	vadd.f32 v35, v13;
	v17 =	vadd.f32 v42, v17  }
0x33e: {  	v43 =	vmul.f32 v27, v27;
	v14 =	vadd.f32 v51, v14;
	v7 =	vadd.f32 v20, v7  }
0x33f: {  	v47 =	vmul.f32 v30, v30;
	v18 =	vadd.f32 v31, v18;
	v11 =	vadd.f32 v52, v11  }
0x340: {  	v57 =	vmul.f32 v19, v19;
	v5 =	vadd.f32 v19, v5;
	v13 =	vadd.f32 v43, v13  }
0x341: {  	v17 =	vadd.f32 v47, v17;
	v54 =	vadd.f32 v48, v46;
	v12 =	vmul.f32 v50, v12  }
0x342: {  	v53 =	vmul.f32 v4, v4;
	v4 =	vadd.f32 v4, v18;
	v13 =	vadd.f32 v49, v13  }
0x343: {  	v11 =	vadd.f32 v57, v11;
	v56 =	vmul.f32 v20, v20;
	v12 =	vadd.f32 v12, v54  }
0x344: {  	v6 =	vadd.f32 v6, v17;
	v13 =	vadd.f32 v53, v13  }
0x345: {  	v14 =	vadd.f32 v56, v14;
	v58 =	vmul.f32 v21, v21;
	v59 =	vmul.f32 v12, v12  }
0x346: {  	v3 =	vadd.f32 v21, v3;
	v4 =	vadd.f32 v12, v4  }
0x347: {  	v6 =	vadd.f32 v58, v6;
	v13 =	vadd.f32 v59, v13  }
0x348: {  	p0 =	slt.u32 s12, $0x1E;
	[tilespmem:s29+$0x70] =	vst v0;
	v60 =	vadd.f32 v5, v7;
	v3 =	vadd.f32 v4, v3  }
.Ltmp2:
0x349: {  	[tilespmem:s18+$0xFFFFFF80] =	vst v2;
	v61 =	vadd.f32 v11, v14;
	v62 =	vadd.f32 v13, v6;
	(pc) =	sbr.rel @p0 .LBB2_7-.Ltmp2, $4  }
0x34a: {  	[tilespmem:s19+$0xFFFFFF80] =	vst v1;
	v0 =	vadd.f32 v3, v60  }
0x34b: {  	[tilespmem:s5+$0x70] =	vst v12;
	v63 =	vadd.f32 v62, v61  }
0x34c: {  	s1 =	sadd.s32 $0x100, s1;
	s31 =	sadd.s32 $0x2, s12;
	[tilespmem:s18+$0x0] =	vst v0  }
0x34d: {  	s12 =	smov.u32 s31;
	s18 =	sadd.s32 $0x100, s18;
	[tilespmem:s19+$0x0] =	vst v63;
	s19 =	sadd.s32 $0x100, s19  }
0x34e: {  	v0 =	vld [tilespmem:s10+$0x0];
	_ =	sdelay $0x1  }
0x34f: {  	v1 =	vld [tilespmem:s9+$0x0];
	_ =	sdelay $0x1  }
0x350: {  	v2 =	vld [tilespmem:s10+$0xFFFFFF80]  }
0x351: {  	v3 =	vld [tilespmem:s9+$0xFFFFFF80];
	v4 =	vperm.xlane v0, v55;
	_ =	sdelay $0x1  }
0x352: {  	v5 =	vperm.xlane v1, v55;
	v0 =	vadd.f32 v4, v0;
	_ =	sdelay $0x1  }
0x353: {  	v1 =	vadd.f32 v5, v1;
	v5 =	vperm.xlane v2, v55;
	v4 =	vperm.xlane v0, v8  }
0x354: {  	v6 =	vperm.xlane v3, v55  }
0x355: {  	v7 =	vperm.xlane v1, v8;
	v2 =	vadd.f32 v5, v2;
	v0 =	vadd.f32 v4, v0  }
0x356: {  	v3 =	vadd.f32 v6, v3  }
0x357: {  	v1 =	vadd.f32 v7, v1;
	v5 =	vperm.xlane v2, v8;
	v4 =	vperm.xlane v0, v9  }
0x358: {  	v6 =	vperm.xlane v3, v8  }
0x359: {  	v7 =	vperm.xlane v1, v9;
	v2 =	vadd.f32 v5, v2;
	v0 =	vadd.f32 v4, v0  }
0x35a: {  	v3 =	vadd.f32 v6, v3  }
0x35b: {  	v1 =	vadd.f32 v7, v1;
	v5 =	vperm.xlane v2, v9;
	v4 =	vperm.xlane v0, v10  }
0x35c: {  	v6 =	vperm.xlane v3, v9  }
0x35d: {  	v7 =	vperm.xlane v1, v10;
	v2 =	vadd.f32 v5, v2;
	v0 =	vadd.f32 v4, v0  }
0x35e: {  	s5 =	simm.s32 $0x18500;
	v3 =	vadd.f32 v6, v3  }
0x35f: {  	s1 =	simm.s32 $0x19500;
	v1 =	vadd.f32 v7, v1;
	v4 =	vperm.xlane v2, v10;
	v6 =	vmul.f32 $1.302083370e-03, v0;
	v0 =	vld [tilespmem:s5+$0x0]  }
0x360: {  	v5 =	vperm.xlane v3, v10;
	v7 =	vld [tilespmem:s1+$0x0]  }
0x361: {  	v1 =	vmul.f32 $1.302083370e-03, v1;
	v2 =	vadd.f32 v4, v2;
	v4 =	vld [tilespmem:s5+$0xFFFFFF80];
	v11 =	vmul.f32 v6, v6;
	_ =	sdelay $0x1  }
0x362: {  	v3 =	vadd.f32 v5, v3;
	v1 =	vsub.f32 v1, v11  }
0x363: {  	v11 =	vmul.f32 $1.302083370e-03, v2;
	v2 =	vld [tilespmem:s1+$0xFFFFFF80];
	v5 =	vperm.xlane v0, v55  }
0x364: {  	v3 =	vmul.f32 $1.302083370e-03, v3;
	v1 =	vadd.f32 $9.999999960e-13, v1  }
0x365: {  	v13 =	vperm.xlane v7, v55;
	v14 =	vperm.xlane v4, v55;
	v0 =	vadd.f32 v5, v0  }
0x366: {  	v12 =	vmul.f32 v11, v11;
	v5 =	vshra.s32 v1, $0x1;
	v1 =	vmul.f32 $5.000000000e-01, v1  }
0x367: {  	v7 =	vadd.f32 v13, v7;
	v5 =	vsub.s32 $0x5F3759DF, v5;
	v13 =	vperm.xlane v0, v8  }
0x368: {  	v3 =	vsub.f32 v3, v12;
	v15 =	vperm.xlane v2, v55;
	v12 =	vmul.f32 v5, v1  }
0x369: {  	v4 =	vadd.f32 v14, v4;
	v14 =	vperm.xlane v7, v8;
	v0 =	vadd.f32 v13, v0  }
0x36a: {  	v3 =	vadd.f32 $9.999999960e-13, v3;
	v2 =	vadd.f32 v15, v2;
	v12 =	vmul.f32 v5, v12  }
0x36b: {  	v7 =	vadd.f32 v14, v7;
	v13 =	vperm.xlane v4, v8;
	v14 =	vperm.xlane v0, v9  }
0x36c: {  	v15 =	vshra.s32 v3, $0x1;
	v16 =	vperm.xlane v2, v8;
	v12 =	vsub.f32 $1.500000000e+00, v12  }
0x36d: {  	v4 =	vadd.f32 v13, v4;
	v13 =	vperm.xlane v7, v9;
	v0 =	vadd.f32 v14, v0  }
0x36e: {  	v3 =	vmul.f32 $5.000000000e-01, v3;
	v2 =	vadd.f32 v16, v2;
	v5 =	vmul.f32 v5, v12  }
0x36f: {  	v7 =	vadd.f32 v13, v7;
	v12 =	vperm.xlane v4, v9;
	v13 =	vperm.xlane v0, v10  }
0x370: {  	v14 =	vsub.s32 $0x5F3759DF, v15;
	v15 =	vperm.xlane v2, v9;
	v1 =	vmul.f32 v5, v1  }
0x371: {  	v4 =	vadd.f32 v12, v4;
	v12 =	vperm.xlane v7, v10;
	v0 =	vadd.f32 v13, v0  }
0x372: {  	s12 =	simm.s32 $0x18600;
	v13 =	vmul.f32 v14, v3;
	v2 =	vadd.f32 v15, v2;
	v1 =	vmul.f32 v1, v5  }
0x373: {  	v15 =	vperm.xlane v4, v10;
	v7 =	vadd.f32 v12, v7;
	v12 =	vld [tilespmem:s12+$0x0];
	v0 =	vmul.f32 $1.302083370e-03, v0  }
0x374: {  	s13 =	simm.s32 $0x19600;
	v13 =	vmul.f32 v14, v13;
	v16 =	vperm.xlane v2, v10  }
0x375: {  	v17 =	vld [tilespmem:s13+$0x0];
	v1 =	vsub.f32 $1.500000000e+00, v1;
	v7 =	vmul.f32 $1.302083370e-03, v7;
	v18 =	vmul.f32 v0, v0  }
0x376: {  	v4 =	vadd.f32 v15, v4;
	v15 =	vld [tilespmem:s12+$0xFFFFFF80];
	v13 =	vsub.f32 $1.500000000e+00, v13  }
0x377: {  	v2 =	vadd.f32 v16, v2;
	v19 =	vmul.f32 v1, v5;
	v5 =	vsub.f32 v7, v18  }
0x378: {  	v7 =	vmul.f32 $1.302083370e-03, v4;
	v4 =	vld [tilespmem:s13+$0xFFFFFF80];
	v16 =	vperm.xlane v12, v55  }
0x379: {  	v1 =	vmul.f32 v14, v13;
	v2 =	vmul.f32 $1.302083370e-03, v2;
	v5 =	vadd.f32 $9.999999960e-13, v5  }
0x37a: {  	v14 =	vperm.xlane v17, v55;
	v13 =	vmul.f32 v7, v7;
	v12 =	vadd.f32 v16, v12  }
0x37b: {  	v16 =	vshra.s32 v5, $0x1;
	v18 =	vmul.f32 $5.000000000e-01, v5;
	v5 =	vperm.xlane v15, v55  }
0x37c: {  	v14 =	vadd.f32 v14, v17;
	v17 =	vperm.xlane v12, v8;
	v16 =	vsub.s32 $0x5F3759DF, v16  }
0x37d: {  	v20 =	vmul.f32 v16, v18;
	v5 =	vadd.f32 v5, v15;
	v15 =	vperm.xlane v4, v55  }
0x37e: {  	v2 =	vsub.f32 v2, v13;
	v13 =	vperm.xlane v14, v8;
	v12 =	vadd.f32 v17, v12  }
0x37f: {  	v17 =	vmul.f32 v16, v20;
	v4 =	vadd.f32 v15, v4;
	v15 =	vperm.xlane v5, v8  }
0x380: {  	v62 =	vadd.f32 $9.999999960e-13, v2;
	v13 =	vadd.f32 v13, v14;
	v14 =	vperm.xlane v12, v9  }
0x381: {  	v2 =	vmul.f32 v1, v3;
	v3 =	vsub.f32 $1.500000000e+00, v17;
	v15 =	vadd.f32 v15, v5  }
0x382: {  	v17 =	vperm.xlane v4, v8;
	v12 =	vadd.f32 v14, v12;
	v14 =	vperm.xlane v13, v9  }
0x383: {  	v5 =	vmul.f32 v16, v3;
	v16 =	vshra.s32 v62, $0x1;
	v3 =	vmul.f32 $5.000000000e-01, v62  }
0x384: {  	v17 =	vadd.f32 v17, v4;
	v63 =	vperm.xlane v15, v9;
	v21 =	vadd.f32 v14, v13  }
0x385: {  	v13 =	vperm.xlane v12, v10;
	v4 =	vsub.s32 $0x5F3759DF, v16;
	v16 =	vmul.f32 v5, v18  }
0x386: {  	[tilespmem:s10+$0xFFFFFF80] =	vst v11;
	v14 =	vadd.f32 v63, v15;
	v11 =	vperm.xlane v17, v9;
	v15 =	vperm.xlane v21, v10  }
0x387: {  	[tilespmem:s10+$0x0] =	vst v6;
	v6 =	vadd.f32 v13, v12;
	v12 =	vmul.f32 v4, v3;
	v18 =	vmul.f32 v16, v5  }
0x388: {  	[tilespmem:s9+$0x0] =	vst v19;
	v13 =	vadd.f32 v11, v17;
	v16 =	vperm.xlane v14, v10;
	v15 =	vadd.f32 v15, v21  }
0x389: {  	s14 =	simm.s32 $0x4;
	s18 =	simm.s32 $0x18700;
	s10 =	simm.s32 $0x19600;
	[tilespmem:s5+$0xFFFFFF80] =	vst v7;
	v6 =	vmul.f32 $1.302083370e-03, v6;
	v12 =	vmul.f32 v4, v12;
	v11 =	vsub.f32 $1.500000000e+00, v18  }
.LBB2_9:
0x38a: {  	v7 =	vld [tilespmem:s18+$0x0];
	s14 =	sadd.s32 $0x2, s14;
	v14 =	vadd.f32 v16, v14;
	v16 =	vperm.xlane v13, v10;
	v15 =	vmul.f32 $1.302083370e-03, v15;
	s13 =	sadd.s32 $0x100, s13  }
0x38b: {  	v17 =	vld [tilespmem:s13+$0x0];
	p0 =	slt.u32 s14, $0x1E;
	v18 =	vmul.f32 v6, v6;
	v12 =	vsub.f32 $1.500000000e+00, v12;
	v5 =	vmul.f32 v11, v5  }
0x38c: {  	v2 =	vmul.f32 v2, v1;
	v11 =	vld [tilespmem:s18+$0xFFFFFF80];
	v14 =	vmul.f32 $1.302083370e-03, v14;
	v13 =	vadd.f32 v16, v13;
	[tilespmem:s5+$0x0] =	vst v0;
	v0 =	vmovc v6;
	s5 =	smov.u32 s12;
	s12 =	smov.u32 s18  }
0x38d: {  	v6 =	vld [tilespmem:s13+$0xFFFFFF80];
	v15 =	vsub.f32 v15, v18;
	v4 =	vmul.f32 v4, v12;
	[tilespmem:s1+$0x0] =	vst v5  }
0x38e: {  	v5 =	vmul.f32 $1.302083370e-03, v13;
	v12 =	vmul.f32 v14, v14;
	[tilespmem:s5+$0xFFFFFF80] =	vst v14;
	v13 =	vsub.f32 $1.500000000e+00, v2  }
0x38f: {  	v14 =	vperm.xlane v7, v55;
	v15 =	vadd.f32 $9.999999960e-13, v15;
	v2 =	vmul.f32 v4, v3  }
0x390: {  	v3 =	vperm.xlane v17, v55;
	v5 =	vsub.f32 v5, v12;
	v12 =	vmul.f32 v13, v1;
	v1 =	vmovc v4  }
0x391: {  	v4 =	vadd.f32 v14, v7;
	v7 =	vshra.s32 v15, $0x1;
	v13 =	vmul.f32 $5.000000000e-01, v15  }
0x392: {  	v14 =	vperm.xlane v11, v55;
	v3 =	vadd.f32 v3, v17;
	v7 =	vsub.s32 $0x5F3759DF, v7;
	[tilespmem:s9+$0xFFFFFF80] =	vst v12;
	s9 =	smov.u32 s1;
	s1 =	smov.u32 s10;
	s10 =	smov.u32 s13  }
0x393: {  	v5 =	vadd.f32 $9.999999960e-13, v5;
	v12 =	vperm.xlane v4, v8;
	v15 =	vmul.f32 v7, v13  }
0x394: {  	v11 =	vadd.f32 v14, v11;
	v14 =	vperm.xlane v6, v55;
	v16 =	vperm.xlane v3, v8  }
0x395: {  	v4 =	vadd.f32 v12, v4;
	v12 =	vshra.s32 v5, $0x1;
	v15 =	vmul.f32 v7, v15  }
0x396: {  	v17 =	vperm.xlane v11, v8;
	v6 =	vadd.f32 v14, v6;
	v14 =	vadd.f32 v16, v3  }
0x397: {  	v3 =	vmul.f32 $5.000000000e-01, v5;
	v16 =	vperm.xlane v4, v9;
	v5 =	vsub.f32 $1.500000000e+00, v15  }
0x398: {  	v11 =	vadd.f32 v17, v11;
	v15 =	vperm.xlane v6, v8;
	v17 =	vperm.xlane v14, v9  }
0x399: {  	v16 =	vadd.f32 v16, v4;
	v4 =	vsub.s32 $0x5F3759DF, v12;
	v5 =	vmul.f32 v7, v5  }
0x39a: {  	v7 =	vperm.xlane v11, v9;
	v6 =	vadd.f32 v15, v6;
	v12 =	vadd.f32 v17, v14  }
.Ltmp3:
0x39b: {  	v15 =	vperm.xlane v16, v10;
	v13 =	vmul.f32 v5, v13;
	(pc) =	sbr.rel @p0 .LBB2_9-.Ltmp3, $4  }
0x39c: {  	v14 =	vadd.f32 v7, v11;
	v7 =	vperm.xlane v6, v9;
	v11 =	vperm.xlane v12, v10  }
0x39d: {  	v18 =	vmul.f32 v4, v3;
	v17 =	vadd.f32 v15, v16;
	v19 =	vmul.f32 v13, v5  }
0x39e: {  	v16 =	vperm.xlane v14, v10;
	v13 =	vadd.f32 v7, v6;
	v15 =	vadd.f32 v11, v12  }
0x39f: {  	s18 =	sadd.s32 $0x100, s18;
	v12 =	vmul.f32 v4, v18;
	v6 =	vmul.f32 $1.302083370e-03, v17;
	v11 =	vsub.f32 $1.500000000e+00, v19  }
0x3a0: {  	v7 =	vadd.f32 v16, v14;
	v14 =	vperm.xlane v13, v10  }
0x3a1: {  	v15 =	vmul.f32 $1.302083370e-03, v15  }
0x3a2: {  	v16 =	vmul.f32 v6, v6;
	v7 =	vmul.f32 $1.302083370e-03, v7;
	v13 =	vadd.f32 v14, v13;
	_ =	sdelay $0x1  }
0x3a3: {  	v14 =	vsub.f32 v15, v16;
	v13 =	vmul.f32 $1.302083370e-03, v13;
	v15 =	vmul.f32 v7, v7;
	_ =	sdelay $0x1  }
0x3a4: {  	v14 =	vadd.f32 $9.999999960e-13, v14;
	v13 =	vsub.f32 v13, v15;
	_ =	sdelay $0x1  }
0x3a5: {  	v15 =	vshra.s32 v14, $0x1;
	v14 =	vmul.f32 $5.000000000e-01, v14;
	v13 =	vadd.f32 $9.999999960e-13, v13  }
0x3a6: {  	v15 =	vsub.s32 $0x5F3759DF, v15  }
0x3a7: {  	v16 =	vmul.f32 v15, v14;
	v17 =	vshra.s32 v13, $0x1;
	v13 =	vmul.f32 $5.000000000e-01, v13  }
0x3a8: {  	v17 =	vsub.s32 $0x5F3759DF, v17  }
0x3a9: {  	v16 =	vmul.f32 v15, v16;
	v18 =	vmul.f32 v17, v13;
	_ =	sdelay $0x1  }
0x3aa: {  	v16 =	vsub.f32 $1.500000000e+00, v16;
	v18 =	vmul.f32 v17, v18  }
0x3ab: {  	v12 =	vsub.f32 $1.500000000e+00, v12  }
0x3ac: {  	v15 =	vmul.f32 v15, v16;
	v16 =	vsub.f32 $1.500000000e+00, v18  }
0x3ad: {  	v2 =	vmul.f32 v2, v1;
	v4 =	vmul.f32 v4, v12  }
0x3ae: {  	v12 =	vmul.f32 v15, v14;
	v14 =	vmul.f32 v17, v16  }
0x3af: {  	v5 =	vmul.f32 v11, v5;
	v3 =	vmul.f32 v4, v3  }
0x3b0: {  	v2 =	vsub.f32 $1.500000000e+00, v2;
	v11 =	vmul.f32 v12, v15;
	v12 =	vmul.f32 v14, v13  }
0x3b1: {  	[tilespmem:s5+$0x0] =	vst v0;
	v0 =	vmul.f32 v3, v4  }
0x3b2: {  	[tilespmem:s12+$0x0] =	vst v6;
	v1 =	vmul.f32 v2, v1;
	v2 =	vsub.f32 $1.500000000e+00, v11;
	v3 =	vmul.f32 v12, v14  }
0x3b3: {  	s30 =	sadd.s32 $0x0, s4;
	[tilespmem:s1+$0x0] =	vst v5;
	v0 =	vsub.f32 $1.500000000e+00, v0  }
0x3b4: {  	s5 =	sshrl.u32 s30, $0x3;
	[tilespmem:s9+$0xFFFFFF80] =	vst v1;
	v1 =	vmul.f32 v2, v15;
	v2 =	vsub.f32 $1.500000000e+00, v3  }
0x3b5: {  	s5 =	smul.u32 $0x6000, s5;
	[tilespmem:s12+$0xFFFFFF80] =	vst v7;
	v0 =	vmul.f32 v0, v4  }
0x3b6: {  	[tilespmem:s10+$0x0] =	vst v1;
	v1 =	vmul.f32 v2, v14  }
0x3b7: {  	s31 =	simm.s32 $0x80;
	s12 =	sshra.s32 s5, $0x2;
	[tilespmem:s1+$0xFFFFFF80] =	vst v0  }
0x3b8: {  	s13 =	simm.s32 $0x18400;
	s18 =	sand.u32 $0x380, s31;
	[tilespmem:s10+$0xFFFFFF80] =	vst v1;
	s10 =	sadd.s32 $0x2080, s12  }
0x3b9: {  	v20 =	vld [tilespmem:s13+$0x0];
	s14 =	sadd.s32 s18, s10  }
0x3ba: {  	v0 =	vld [tilespmem:s14+$0x0]  }
0x3bb: {  	s19 =	simm.s32 $0x19400  }
0x3bc: {  	v19 =	vld [tilespmem:s19+$0x0];
	_ =	sdelay $0x1  }
0x3bd: {  	v1 =	vld [tilespmem:$0x17980]  }
0x3be: {  	v0 =	vsub.f32 v0, v20  }
0x3bf: {  	v2 =	vld [tilespmem:$0x17C80]  }
0x3c0: {  	v0 =	vmul.f32 v0, v19;
	_ =	sdelay $0x1  }
0x3c1: {  	v0 =	vmul.f32 v0, v1  }
0x3c2: {  	v3 =	vld [tilespmem:s14+$0x10]  }
0x3c3: {  	v0 =	vadd.f32 v0, v2;
	_ =	sdelay $0x1  }
0x3c4: {  	[tilespmem:s14+$0x0] =	vst v0  }
0x3c5: {  	v0 =	vld [tilespmem:$0x17990]  }
0x3c6: {  	v3 =	vsub.f32 v3, v20  }
0x3c7: {  	v4 =	vld [tilespmem:$0x17C90]  }
0x3c8: {  	v3 =	vmul.f32 v3, v19;
	_ =	sdelay $0x1  }
0x3c9: {  	v0 =	vmul.f32 v3, v0  }
0x3ca: {  	v3 =	vld [tilespmem:s14+$0x20]  }
0x3cb: {  	v0 =	vadd.f32 v0, v4;
	_ =	sdelay $0x1  }
0x3cc: {  	[tilespmem:s14+$0x10] =	vst v0  }
0x3cd: {  	s20 =	simm.s32 $0x0;
	v0 =	vld [tilespmem:$0x179A0]  }
0x3ce: {  	s9 =	sand.u32 $0x300, s20;
	v18 =	vld [tilespmem:s13+$0xFFFFFF80];
	v3 =	vsub.f32 v3, v20  }
0x3cf: {  	s1 =	sor.u32 s9, s10;
	v5 =	vld [tilespmem:$0x17CA0]  }
0x3d0: {  	v4 =	vld [tilespmem:s1+$0x0];
	v3 =	vmul.f32 v3, v19;
	_ =	sdelay $0x1  }
0x3d1: {  	v17 =	vld [tilespmem:s19+$0xFFFFFF80];
	v0 =	vmul.f32 v3, v0  }
0x3d2: {  	v3 =	vld [tilespmem:s14+$0x30]  }
0x3d3: {  	v0 =	vadd.f32 v0, v5  }
0x3d4: {  	v4 =	vsub.f32 v4, v18  }
0x3d5: {  	[tilespmem:s14+$0x20] =	vst v0  }
0x3d6: {  	v0 =	vmul.f32 v4, v17;
	v4 =	vld [tilespmem:$0x179B0]  }
0x3d7: {  	v3 =	vsub.f32 v3, v20  }
0x3d8: {  	v0 =	vmul.f32 v0, v1;
	v1 =	vld [tilespmem:$0x17CB0]  }
0x3d9: {  	v5 =	vld [tilespmem:s1+$0x10];
	v3 =	vmul.f32 v3, v19  }
0x3da: {  	v0 =	vadd.f32 v0, v2  }
0x3db: {  	v2 =	vmul.f32 v3, v4  }
0x3dc: {  	[tilespmem:s1+$0x0] =	vst v0;
	v0 =	vld [tilespmem:s14+$0x40]  }
0x3dd: {  	v3 =	vld [tilespmem:$0x17990];
	v1 =	vadd.f32 v2, v1  }
0x3de: {  	v2 =	vsub.f32 v5, v18  }
0x3df: {  	v4 =	vld [tilespmem:$0x17C90];
	[tilespmem:s14+$0x30] =	vst v1  }
0x3e0: {  	v1 =	vmul.f32 v2, v17;
	v2 =	vld [tilespmem:$0x179C0]  }
0x3e1: {  	v0 =	vsub.f32 v0, v20  }
0x3e2: {  	v1 =	vmul.f32 v1, v3;
	v3 =	vld [tilespmem:$0x17CC0]  }
0x3e3: {  	v5 =	vld [tilespmem:s1+$0x20];
	v0 =	vmul.f32 v0, v19  }
0x3e4: {  	v1 =	vadd.f32 v1, v4  }
0x3e5: {  	v0 =	vmul.f32 v0, v2  }
0x3e6: {  	[tilespmem:s1+$0x10] =	vst v1;
	v1 =	vld [tilespmem:s14+$0x50]  }
0x3e7: {  	v2 =	vld [tilespmem:$0x179A0];
	v0 =	vadd.f32 v0, v3  }
0x3e8: {  	v3 =	vsub.f32 v5, v18  }
0x3e9: {  	v4 =	vld [tilespmem:$0x17CA0];
	[tilespmem:s14+$0x40] =	vst v0  }
0x3ea: {  	v0 =	vmul.f32 v3, v17;
	v3 =	vld [tilespmem:$0x179D0]  }
0x3eb: {  	v1 =	vsub.f32 v1, v20  }
0x3ec: {  	v0 =	vmul.f32 v0, v2;
	v2 =	vld [tilespmem:$0x17CD0]  }
0x3ed: {  	v5 =	vld [tilespmem:s1+$0x30];
	v1 =	vmul.f32 v1, v19  }
0x3ee: {  	v0 =	vadd.f32 v0, v4  }
0x3ef: {  	v1 =	vmul.f32 v1, v3  }
0x3f0: {  	[tilespmem:s1+$0x20] =	vst v0;
	v0 =	vld [tilespmem:s14+$0x60]  }
0x3f1: {  	v3 =	vld [tilespmem:$0x179B0];
	v1 =	vadd.f32 v1, v2  }
0x3f2: {  	v2 =	vsub.f32 v5, v18  }
0x3f3: {  	v4 =	vld [tilespmem:$0x17CB0];
	[tilespmem:s14+$0x50] =	vst v1  }
0x3f4: {  	v1 =	vmul.f32 v2, v17;
	v2 =	vld [tilespmem:$0x179E0]  }
0x3f5: {  	v0 =	vsub.f32 v0, v20  }
0x3f6: {  	v1 =	vmul.f32 v1, v3;
	v3 =	vld [tilespmem:$0x17CE0]  }
0x3f7: {  	v5 =	vld [tilespmem:s1+$0x40];
	v0 =	vmul.f32 v0, v19  }
0x3f8: {  	v1 =	vadd.f32 v1, v4  }
0x3f9: {  	v0 =	vmul.f32 v0, v2  }
0x3fa: {  	[tilespmem:s1+$0x30] =	vst v1;
	v1 =	vld [tilespmem:s14+$0x70]  }
0x3fb: {  	v2 =	vld [tilespmem:$0x179C0];
	v0 =	vadd.f32 v0, v3  }
0x3fc: {  	v3 =	vsub.f32 v5, v18  }
0x3fd: {  	v4 =	vld [tilespmem:$0x17CC0];
	[tilespmem:s14+$0x60] =	vst v0  }
0x3fe: {  	v0 =	vmul.f32 v3, v17;
	v3 =	vld [tilespmem:$0x179F0]  }
0x3ff: {  	v1 =	vsub.f32 v1, v20  }
0x400: {  	v0 =	vmul.f32 v0, v2;
	v2 =	vld [tilespmem:$0x17CF0]  }
0x401: {  	v5 =	vld [tilespmem:s1+$0x50];
	v1 =	vmul.f32 v1, v19  }
0x402: {  	v0 =	vadd.f32 v0, v4  }
0x403: {  	v1 =	vmul.f32 v1, v3  }
0x404: {  	[tilespmem:s1+$0x40] =	vst v0;
	v0 =	vld [tilespmem:s14+$0x400]  }
0x405: {  	v3 =	vld [tilespmem:$0x179D0];
	v1 =	vadd.f32 v1, v2  }
0x406: {  	v2 =	vsub.f32 v5, v18  }
0x407: {  	v4 =	vld [tilespmem:$0x17CD0];
	[tilespmem:s14+$0x70] =	vst v1  }
0x408: {  	v1 =	vmul.f32 v2, v17;
	v2 =	vld [tilespmem:$0x17A00]  }
0x409: {  	v0 =	vsub.f32 v0, v20  }
0x40a: {  	v1 =	vmul.f32 v1, v3;
	v3 =	vld [tilespmem:$0x17D00]  }
0x40b: {  	v5 =	vld [tilespmem:s1+$0x60];
	v0 =	vmul.f32 v0, v19  }
0x40c: {  	v1 =	vadd.f32 v1, v4  }
0x40d: {  	v0 =	vmul.f32 v0, v2  }
0x40e: {  	[tilespmem:s1+$0x50] =	vst v1;
	v1 =	vld [tilespmem:s14+$0x410]  }
0x40f: {  	v2 =	vld [tilespmem:$0x179E0];
	v0 =	vadd.f32 v0, v3  }
0x410: {  	v3 =	vsub.f32 v5, v18  }
0x411: {  	v4 =	vld [tilespmem:$0x17CE0];
	[tilespmem:s14+$0x400] =	vst v0  }
0x412: {  	v0 =	vmul.f32 v3, v17;
	v3 =	vld [tilespmem:$0x17A10]  }
0x413: {  	v1 =	vsub.f32 v1, v20  }
0x414: {  	v0 =	vmul.f32 v0, v2;
	v2 =	vld [tilespmem:$0x17D10]  }
0x415: {  	v5 =	vld [tilespmem:s1+$0x70];
	v1 =	vmul.f32 v1, v19  }
0x416: {  	v0 =	vadd.f32 v0, v4  }
0x417: {  	v1 =	vmul.f32 v1, v3  }
0x418: {  	[tilespmem:s1+$0x60] =	vst v0;
	v0 =	vld [tilespmem:s14+$0x420]  }
0x419: {  	v3 =	vld [tilespmem:$0x179F0];
	v1 =	vadd.f32 v1, v2  }
0x41a: {  	v2 =	vsub.f32 v5, v18  }
0x41b: {  	v4 =	vld [tilespmem:$0x17CF0];
	[tilespmem:s14+$0x410] =	vst v1  }
0x41c: {  	v1 =	vmul.f32 v2, v17;
	v2 =	vld [tilespmem:$0x17A20]  }
0x41d: {  	v0 =	vsub.f32 v0, v20  }
0x41e: {  	v1 =	vmul.f32 v1, v3;
	v3 =	vld [tilespmem:$0x17D20]  }
0x41f: {  	v5 =	vld [tilespmem:s1+$0x400];
	v0 =	vmul.f32 v0, v19  }
0x420: {  	v1 =	vadd.f32 v1, v4  }
0x421: {  	v0 =	vmul.f32 v0, v2  }
0x422: {  	[tilespmem:s1+$0x70] =	vst v1;
	v1 =	vld [tilespmem:s14+$0x430]  }
0x423: {  	v2 =	vld [tilespmem:$0x17A00];
	v0 =	vadd.f32 v0, v3  }
0x424: {  	v3 =	vsub.f32 v5, v18  }
0x425: {  	v4 =	vld [tilespmem:$0x17D00];
	[tilespmem:s14+$0x420] =	vst v0  }
0x426: {  	v0 =	vmul.f32 v3, v17;
	v3 =	vld [tilespmem:$0x17A30]  }
0x427: {  	v1 =	vsub.f32 v1, v20  }
0x428: {  	v0 =	vmul.f32 v0, v2;
	v2 =	vld [tilespmem:$0x17D30]  }
0x429: {  	v5 =	vld [tilespmem:s1+$0x410];
	v1 =	vmul.f32 v1, v19  }
0x42a: {  	v0 =	vadd.f32 v0, v4  }
0x42b: {  	v1 =	vmul.f32 v1, v3  }
0x42c: {  	[tilespmem:s1+$0x400] =	vst v0;
	v0 =	vld [tilespmem:s14+$0x440]  }
0x42d: {  	v3 =	vld [tilespmem:$0x17A10];
	v1 =	vadd.f32 v1, v2  }
0x42e: {  	v2 =	vsub.f32 v5, v18  }
0x42f: {  	v4 =	vld [tilespmem:$0x17D10];
	[tilespmem:s14+$0x430] =	vst v1  }
0x430: {  	v1 =	vmul.f32 v2, v17;
	v2 =	vld [tilespmem:$0x17A40]  }
0x431: {  	v0 =	vsub.f32 v0, v20  }
0x432: {  	v1 =	vmul.f32 v1, v3;
	v3 =	vld [tilespmem:$0x17D40]  }
0x433: {  	v5 =	vld [tilespmem:s1+$0x420];
	v0 =	vmul.f32 v0, v19  }
0x434: {  	v1 =	vadd.f32 v1, v4  }
0x435: {  	v0 =	vmul.f32 v0, v2  }
0x436: {  	[tilespmem:s1+$0x410] =	vst v1;
	v1 =	vld [tilespmem:s14+$0x450]  }
0x437: {  	v2 =	vld [tilespmem:$0x17A20];
	v0 =	vadd.f32 v0, v3  }
0x438: {  	v3 =	vsub.f32 v5, v18  }
0x439: {  	v4 =	vld [tilespmem:$0x17D20];
	[tilespmem:s14+$0x440] =	vst v0  }
0x43a: {  	v0 =	vmul.f32 v3, v17;
	v3 =	vld [tilespmem:$0x17A50]  }
0x43b: {  	v1 =	vsub.f32 v1, v20  }
0x43c: {  	v0 =	vmul.f32 v0, v2;
	v2 =	vld [tilespmem:$0x17D50]  }
0x43d: {  	v5 =	vld [tilespmem:s1+$0x430];
	v1 =	vmul.f32 v1, v19  }
0x43e: {  	v0 =	vadd.f32 v0, v4  }
0x43f: {  	v1 =	vmul.f32 v1, v3  }
0x440: {  	[tilespmem:s1+$0x420] =	vst v0;
	v0 =	vld [tilespmem:s14+$0x460]  }
0x441: {  	v3 =	vld [tilespmem:$0x17A30];
	v1 =	vadd.f32 v1, v2  }
0x442: {  	v2 =	vsub.f32 v5, v18  }
0x443: {  	v4 =	vld [tilespmem:$0x17D30];
	[tilespmem:s14+$0x450] =	vst v1  }
0x444: {  	v1 =	vmul.f32 v2, v17;
	v2 =	vld [tilespmem:$0x17A60]  }
0x445: {  	v0 =	vsub.f32 v0, v20  }
0x446: {  	v1 =	vmul.f32 v1, v3;
	v3 =	vld [tilespmem:$0x17D60]  }
0x447: {  	v5 =	vld [tilespmem:s1+$0x440];
	v0 =	vmul.f32 v0, v19  }
0x448: {  	v1 =	vadd.f32 v1, v4  }
0x449: {  	v0 =	vmul.f32 v0, v2  }
0x44a: {  	[tilespmem:s1+$0x430] =	vst v1;
	v1 =	vld [tilespmem:s14+$0x470]  }
0x44b: {  	v2 =	vld [tilespmem:$0x17A40];
	v0 =	vadd.f32 v0, v3  }
0x44c: {  	v3 =	vsub.f32 v5, v18  }
0x44d: {  	v4 =	vld [tilespmem:$0x17D40];
	[tilespmem:s14+$0x460] =	vst v0  }
0x44e: {  	v0 =	vmul.f32 v3, v17;
	v3 =	vld [tilespmem:$0x17A70]  }
0x44f: {  	v1 =	vsub.f32 v1, v20  }
0x450: {  	v0 =	vmul.f32 v0, v2;
	v2 =	vld [tilespmem:$0x17D70]  }
0x451: {  	v5 =	vld [tilespmem:s1+$0x450];
	v1 =	vmul.f32 v1, v19  }
0x452: {  	v0 =	vadd.f32 v0, v4  }
0x453: {  	v1 =	vmul.f32 v1, v3  }
0x454: {  	[tilespmem:s1+$0x440] =	vst v0  }
0x455: {  	v0 =	vld [tilespmem:$0x17A50];
	v1 =	vadd.f32 v1, v2  }
0x456: {  	s21 =	sadd.s32 $0x2880, s12;
	v2 =	vsub.f32 v5, v18  }
0x457: {  	s23 =	sadd.s32 s18, s21;
	v3 =	vld [tilespmem:$0x17D50];
	[tilespmem:s14+$0x470] =	vst v1  }
0x458: {  	v1 =	vmul.f32 v2, v17;
	v2 =	vld [tilespmem:s23+$0x0];
	_ =	sdelay $0x1  }
0x459: {  	v0 =	vmul.f32 v1, v0  }
0x45a: {  	v1 =	vld [tilespmem:s1+$0x460]  }
0x45b: {  	v0 =	vadd.f32 v0, v3;
	v3 =	vld [tilespmem:$0x17A80]  }
0x45c: {  	v2 =	vsub.f32 v2, v20  }
0x45d: {  	[tilespmem:s1+$0x450] =	vst v0;
	v0 =	vld [tilespmem:$0x17D80]  }
0x45e: {  	v4 =	vld [tilespmem:$0x17A60];
	v2 =	vmul.f32 v2, v19  }
0x45f: {  	v1 =	vsub.f32 v1, v18  }
0x460: {  	v5 =	vld [tilespmem:$0x17D60];
	v2 =	vmul.f32 v2, v3  }
0x461: {  	v1 =	vmul.f32 v1, v17;
	v3 =	vld [tilespmem:s23+$0x10]  }
0x462: {  	v0 =	vadd.f32 v2, v0  }
0x463: {  	v1 =	vmul.f32 v1, v4  }
0x464: {  	v2 =	vld [tilespmem:s1+$0x470];
	[tilespmem:s23+$0x0] =	vst v0  }
0x465: {  	v0 =	vadd.f32 v1, v5;
	v1 =	vld [tilespmem:$0x17A90]  }
0x466: {  	v3 =	vsub.f32 v3, v20  }
0x467: {  	[tilespmem:s1+$0x460] =	vst v0;
	v0 =	vld [tilespmem:$0x17D90]  }
0x468: {  	v4 =	vld [tilespmem:$0x17A70];
	v3 =	vmul.f32 v3, v19  }
0x469: {  	v2 =	vsub.f32 v2, v18  }
0x46a: {  	v5 =	vld [tilespmem:$0x17D70];
	v1 =	vmul.f32 v3, v1  }
0x46b: {  	v2 =	vmul.f32 v2, v17;
	v3 =	vld [tilespmem:s23+$0x20]  }
0x46c: {  	v0 =	vadd.f32 v1, v0  }
0x46d: {  	v1 =	vmul.f32 v2, v4  }
0x46e: {  	[tilespmem:s23+$0x10] =	vst v0  }
0x46f: {  	v0 =	vadd.f32 v1, v5;
	v1 =	vld [tilespmem:$0x17AA0]  }
0x470: {  	v2 =	vsub.f32 v3, v20  }
0x471: {  	s25 =	sor.u32 s9, s21;
	[tilespmem:s1+$0x470] =	vst v0;
	v0 =	vld [tilespmem:$0x17DA0]  }
0x472: {  	v3 =	vld [tilespmem:s25+$0x0];
	v2 =	vmul.f32 v2, v19;
	_ =	sdelay $0x1  }
0x473: {  	v1 =	vmul.f32 v2, v1  }
0x474: {  	v2 =	vld [tilespmem:s23+$0x30]  }
0x475: {  	v4 =	vld [tilespmem:$0x17A80];
	v0 =	vadd.f32 v1, v0  }
0x476: {  	v1 =	vsub.f32 v3, v18  }
0x477: {  	v3 =	vld [tilespmem:$0x17D80];
	[tilespmem:s23+$0x20] =	vst v0  }
0x478: {  	v0 =	vmul.f32 v1, v17;
	v1 =	vld [tilespmem:$0x17AB0]  }
0x479: {  	v2 =	vsub.f32 v2, v20  }
0x47a: {  	v0 =	vmul.f32 v0, v4;
	v4 =	vld [tilespmem:$0x17DB0]  }
0x47b: {  	v5 =	vld [tilespmem:s25+$0x10];
	v2 =	vmul.f32 v2, v19  }
0x47c: {  	v0 =	vadd.f32 v0, v3  }
0x47d: {  	v1 =	vmul.f32 v2, v1  }
0x47e: {  	[tilespmem:s25+$0x0] =	vst v0;
	v0 =	vld [tilespmem:s23+$0x40]  }
0x47f: {  	v2 =	vld [tilespmem:$0x17A90];
	v1 =	vadd.f32 v1, v4  }
0x480: {  	v3 =	vsub.f32 v5, v18  }
0x481: {  	v4 =	vld [tilespmem:$0x17D90];
	[tilespmem:s23+$0x30] =	vst v1  }
0x482: {  	v1 =	vmul.f32 v3, v17;
	v3 =	vld [tilespmem:$0x17AC0]  }
0x483: {  	v0 =	vsub.f32 v0, v20  }
0x484: {  	v1 =	vmul.f32 v1, v2;
	v2 =	vld [tilespmem:$0x17DC0]  }
0x485: {  	v5 =	vld [tilespmem:s25+$0x20];
	v0 =	vmul.f32 v0, v19  }
0x486: {  	v1 =	vadd.f32 v1, v4  }
0x487: {  	v0 =	vmul.f32 v0, v3  }
0x488: {  	[tilespmem:s25+$0x10] =	vst v1;
	v1 =	vld [tilespmem:s23+$0x50]  }
0x489: {  	v3 =	vld [tilespmem:$0x17AA0];
	v0 =	vadd.f32 v0, v2  }
0x48a: {  	v2 =	vsub.f32 v5, v18  }
0x48b: {  	v4 =	vld [tilespmem:$0x17DA0];
	[tilespmem:s23+$0x40] =	vst v0  }
0x48c: {  	v0 =	vmul.f32 v2, v17;
	v2 =	vld [tilespmem:$0x17AD0]  }
0x48d: {  	v1 =	vsub.f32 v1, v20  }
0x48e: {  	v0 =	vmul.f32 v0, v3;
	v3 =	vld [tilespmem:$0x17DD0]  }
0x48f: {  	v5 =	vld [tilespmem:s25+$0x30];
	v1 =	vmul.f32 v1, v19  }
0x490: {  	v0 =	vadd.f32 v0, v4  }
0x491: {  	v1 =	vmul.f32 v1, v2  }
0x492: {  	[tilespmem:s25+$0x20] =	vst v0;
	v0 =	vld [tilespmem:s23+$0x60]  }
0x493: {  	v2 =	vld [tilespmem:$0x17AB0];
	v1 =	vadd.f32 v1, v3  }
0x494: {  	v3 =	vsub.f32 v5, v18  }
0x495: {  	v4 =	vld [tilespmem:$0x17DB0];
	[tilespmem:s23+$0x50] =	vst v1  }
0x496: {  	v1 =	vmul.f32 v3, v17;
	v3 =	vld [tilespmem:$0x17AE0]  }
0x497: {  	v0 =	vsub.f32 v0, v20  }
0x498: {  	v1 =	vmul.f32 v1, v2;
	v2 =	vld [tilespmem:$0x17DE0]  }
0x499: {  	v5 =	vld [tilespmem:s25+$0x40];
	v0 =	vmul.f32 v0, v19  }
0x49a: {  	v1 =	vadd.f32 v1, v4  }
0x49b: {  	v0 =	vmul.f32 v0, v3  }
0x49c: {  	[tilespmem:s25+$0x30] =	vst v1;
	v1 =	vld [tilespmem:s23+$0x70]  }
0x49d: {  	v3 =	vld [tilespmem:$0x17AC0];
	v0 =	vadd.f32 v0, v2  }
0x49e: {  	v2 =	vsub.f32 v5, v18  }
0x49f: {  	v4 =	vld [tilespmem:$0x17DC0];
	[tilespmem:s23+$0x60] =	vst v0  }
0x4a0: {  	v0 =	vmul.f32 v2, v17;
	v2 =	vld [tilespmem:$0x17AF0]  }
0x4a1: {  	v1 =	vsub.f32 v1, v20  }
0x4a2: {  	v0 =	vmul.f32 v0, v3;
	v3 =	vld [tilespmem:$0x17DF0]  }
0x4a3: {  	v5 =	vld [tilespmem:s25+$0x50];
	v1 =	vmul.f32 v1, v19  }
0x4a4: {  	v0 =	vadd.f32 v0, v4  }
0x4a5: {  	v1 =	vmul.f32 v1, v2  }
0x4a6: {  	[tilespmem:s25+$0x40] =	vst v0  }
0x4a7: {  	v0 =	vld [tilespmem:$0x17AD0];
	v1 =	vadd.f32 v1, v3  }
0x4a8: {  	s26 =	sadd.s32 $0x2C80, s12;
	v2 =	vsub.f32 v5, v18  }
0x4a9: {  	s19 =	sadd.s32 s18, s26;
	v3 =	vld [tilespmem:$0x17DD0];
	[tilespmem:s23+$0x70] =	vst v1  }
0x4aa: {  	v1 =	vmul.f32 v2, v17;
	v2 =	vld [tilespmem:s19+$0x0];
	_ =	sdelay $0x1  }
0x4ab: {  	v0 =	vmul.f32 v1, v0  }
0x4ac: {  	v1 =	vld [tilespmem:s25+$0x60]  }
0x4ad: {  	v0 =	vadd.f32 v0, v3;
	v3 =	vld [tilespmem:$0x17B00]  }
0x4ae: {  	v2 =	vsub.f32 v2, v20  }
0x4af: {  	[tilespmem:s25+$0x50] =	vst v0;
	v0 =	vld [tilespmem:$0x17E00]  }
0x4b0: {  	v4 =	vld [tilespmem:$0x17AE0];
	v2 =	vmul.f32 v2, v19  }
0x4b1: {  	v1 =	vsub.f32 v1, v18  }
0x4b2: {  	v5 =	vld [tilespmem:$0x17DE0];
	v2 =	vmul.f32 v2, v3  }
0x4b3: {  	v1 =	vmul.f32 v1, v17;
	v3 =	vld [tilespmem:s19+$0x10]  }
0x4b4: {  	v0 =	vadd.f32 v2, v0  }
0x4b5: {  	v1 =	vmul.f32 v1, v4  }
0x4b6: {  	v2 =	vld [tilespmem:s25+$0x70];
	[tilespmem:s19+$0x0] =	vst v0  }
0x4b7: {  	v0 =	vadd.f32 v1, v5;
	v1 =	vld [tilespmem:$0x17B10]  }
0x4b8: {  	v3 =	vsub.f32 v3, v20  }
0x4b9: {  	[tilespmem:s25+$0x60] =	vst v0;
	v0 =	vld [tilespmem:$0x17E10]  }
0x4ba: {  	v4 =	vld [tilespmem:$0x17AF0];
	v3 =	vmul.f32 v3, v19  }
0x4bb: {  	v2 =	vsub.f32 v2, v18  }
0x4bc: {  	v5 =	vld [tilespmem:$0x17DF0];
	v1 =	vmul.f32 v3, v1  }
0x4bd: {  	v2 =	vmul.f32 v2, v17;
	v3 =	vld [tilespmem:s19+$0x20]  }
0x4be: {  	v0 =	vadd.f32 v1, v0  }
0x4bf: {  	s28 =	sadd.s32 $0x2, s4;
	v1 =	vmul.f32 v2, v4  }
0x4c0: {  	s1 =	sshrl.u32 s28, $0x3;
	[tilespmem:s19+$0x10] =	vst v0  }
0x4c1: {  	s1 =	smul.u32 $0x6000, s1;
	v0 =	vadd.f32 v1, v5;
	v1 =	vld [tilespmem:$0x17B20]  }
0x4c2: {  	v2 =	vsub.f32 v3, v20  }
0x4c3: {  	s30 =	simm.s32 $0x180;
	s20 =	simm.s32 $0x18500;
	s21 =	sshra.s32 s1, $0x2;
	[tilespmem:s25+$0x70] =	vst v0;
	v0 =	vld [tilespmem:$0x17E20]  }
0x4c4: {  	v21 =	vld [tilespmem:s20+$0x0];
	s1 =	sand.u32 $0x380, s30;
	s31 =	sadd.s32 $0x2080, s21;
	v2 =	vmul.f32 v2, v19  }
0x4c5: {  	v16 =	vld [tilespmem:$0x17980];
	s13 =	sadd.s32 s1, s31  }
0x4c6: {  	v15 =	vld [tilespmem:s13+$0x0];
	v1 =	vmul.f32 v2, v1  }
0x4c7: {  	v2 =	vld [tilespmem:s19+$0x30]  }
0x4c8: {  	v25 =	vld [tilespmem:s13+$0x10];
	v0 =	vadd.f32 v1, v0  }
0x4c9: {  	s14 =	sor.u32 s9, s26;
	v33 =	vld [tilespmem:s13+$0x40]  }
0x4ca: {  	v6 =	vld [tilespmem:s14+$0x0];
	[tilespmem:s19+$0x20] =	vst v0  }
0x4cb: {  	v0 =	vld [tilespmem:$0x17B30]  }
0x4cc: {  	v35 =	vld [tilespmem:s13+$0x50];
	v1 =	vsub.f32 v2, v20  }
0x4cd: {  	v12 =	vld [tilespmem:$0x17E30]  }
0x4ce: {  	v36 =	vld [tilespmem:s13+$0x60];
	v13 =	vmul.f32 v1, v19  }
0x4cf: {  	v7 =	vld [tilespmem:$0x17B00]  }
0x4d0: {  	v11 =	vld [tilespmem:$0x17E00];
	v6 =	vsub.f32 v6, v18;
	v0 =	vmul.f32 v13, v0  }
0x4d1: {  	s23 =	simm.s32 $0x19500;
	v13 =	vld [tilespmem:s19+$0x40]  }
0x4d2: {  	v22 =	vld [tilespmem:s23+$0x0];
	v6 =	vmul.f32 v6, v17;
	v12 =	vadd.f32 v0, v12  }
0x4d3: {  	v23 =	vld [tilespmem:s19+$0x50]  }
0x4d4: {  	v4 =	vld [tilespmem:s14+$0x10];
	v6 =	vmul.f32 v6, v7;
	[tilespmem:s19+$0x30] =	vst v12  }
0x4d5: {  	v7 =	vld [tilespmem:$0x17B40]  }
0x4d6: {  	v14 =	vld [tilespmem:s14+$0x20];
	v6 =	vadd.f32 v6, v11;
	v11 =	vsub.f32 v13, v20  }
0x4d7: {  	v12 =	vsub.f32 v15, v21;
	v13 =	vld [tilespmem:$0x17E40]  }
0x4d8: {  	s25 =	simm.s32 $0x100;
	[tilespmem:s14+$0x0] =	vst v6;
	v6 =	vld [tilespmem:$0x17C80];
	v11 =	vmul.f32 v11, v19  }
0x4d9: {  	v5 =	vld [tilespmem:s14+$0x30];
	s10 =	sand.u32 $0x300, s25;
	v12 =	vmul.f32 v12, v22  }
0x4da: {  	v3 =	vld [tilespmem:s14+$0x40];
	s5 =	sor.u32 s10, s31;
	v7 =	vmul.f32 v11, v7  }
0x4db: {  	v29 =	vld [tilespmem:s5+$0x10];
	v11 =	vmul.f32 v12, v16  }
0x4dc: {  	v15 =	vld [tilespmem:s5+$0x0];
	v7 =	vadd.f32 v7, v13  }
0x4dd: {  	v12 =	vld [tilespmem:s20+$0xFFFFFF80];
	v13 =	vadd.f32 v11, v6  }
0x4de: {  	v11 =	vld [tilespmem:s23+$0xFFFFFF80];
	[tilespmem:s19+$0x40] =	vst v7  }
0x4df: {  	[tilespmem:s13+$0x0] =	vst v13;
	v7 =	vld [tilespmem:$0x17B50]  }
0x4e0: {  	v23 =	vsub.f32 v23, v20;
	v13 =	vld [tilespmem:$0x17990]  }
0x4e1: {  	v25 =	vsub.f32 v25, v21;
	v27 =	vld [tilespmem:$0x17E50]  }
0x4e2: {  	v23 =	vmul.f32 v23, v19;
	v28 =	vld [tilespmem:$0x17C90]  }
0x4e3: {  	v25 =	vmul.f32 v25, v22;
	v30 =	vld [tilespmem:s5+$0x40]  }
0x4e4: {  	v31 =	vld [tilespmem:s5+$0x50];
	v7 =	vmul.f32 v23, v7  }
0x4e5: {  	v15 =	vsub.f32 v15, v12;
	v13 =	vmul.f32 v25, v13;
	v23 =	vld [tilespmem:s19+$0x60]  }
0x4e6: {  	v25 =	vld [tilespmem:s13+$0x20];
	v7 =	vadd.f32 v7, v27  }
0x4e7: {  	v2 =	vld [tilespmem:s14+$0x50];
	v15 =	vmul.f32 v15, v11;
	v13 =	vadd.f32 v13, v28  }
0x4e8: {  	v1 =	vld [tilespmem:s14+$0x60];
	[tilespmem:s19+$0x50] =	vst v7  }
0x4e9: {  	v7 =	vmul.f32 v15, v16;
	[tilespmem:s13+$0x10] =	vst v13;
	v13 =	vld [tilespmem:$0x17B60]  }
0x4ea: {  	v15 =	vld [tilespmem:$0x179A0];
	v16 =	vsub.f32 v23, v20  }
0x4eb: {  	v23 =	vld [tilespmem:$0x17E60];
	v6 =	vadd.f32 v7, v6;
	v7 =	vsub.f32 v25, v21  }
0x4ec: {  	v25 =	vld [tilespmem:$0x17CA0];
	v16 =	vmul.f32 v16, v19  }
0x4ed: {  	v24 =	vld [tilespmem:$0x17B10];
	[tilespmem:s5+$0x0] =	vst v6;
	v6 =	vmul.f32 v7, v22  }
0x4ee: {  	v7 =	vld [tilespmem:$0x17990];
	v13 =	vmul.f32 v16, v13  }
0x4ef: {  	v16 =	vsub.f32 v29, v12;
	v6 =	vmul.f32 v6, v15;
	v15 =	vld [tilespmem:s19+$0x70]  }
0x4f0: {  	v29 =	vld [tilespmem:$0x17C90];
	v13 =	vadd.f32 v13, v23  }
0x4f1: {  	v16 =	vmul.f32 v16, v11;
	v6 =	vadd.f32 v6, v25;
	v23 =	vld [tilespmem:s13+$0x30]  }
0x4f2: {  	v27 =	vld [tilespmem:s5+$0x20];
	[tilespmem:s19+$0x60] =	vst v13  }
0x4f3: {  	v7 =	vmul.f32 v16, v7;
	[tilespmem:s13+$0x20] =	vst v6;
	v6 =	vld [tilespmem:$0x17B70]  }
0x4f4: {  	v13 =	vld [tilespmem:$0x179B0];
	v15 =	vsub.f32 v15, v20  }
0x4f5: {  	v16 =	vld [tilespmem:$0x17E70];
	v7 =	vadd.f32 v7, v29  }
0x4f6: {  	v26 =	vld [tilespmem:$0x17E10];
	v23 =	vsub.f32 v23, v21;
	v15 =	vmul.f32 v15, v19  }
0x4f7: {  	[tilespmem:s5+$0x10] =	vst v7;
	v7 =	vld [tilespmem:$0x17CB0]  }
0x4f8: {  	v32 =	vld [tilespmem:$0x179A0];
	v23 =	vmul.f32 v23, v22;
	v6 =	vmul.f32 v15, v6  }
0x4f9: {  	v0 =	vld [tilespmem:s14+$0x70];
	v15 =	vsub.f32 v27, v12  }
0x4fa: {  	v27 =	vld [tilespmem:$0x17CA0];
	v13 =	vmul.f32 v23, v13;
	v6 =	vadd.f32 v6, v16  }
0x4fb: {  	s26 =	sadd.s32 $0x3080, s12;
	v28 =	vld [tilespmem:s5+$0x30];
	v15 =	vmul.f32 v15, v11  }
0x4fc: {  	s28 =	sadd.s32 s18, s26;
	v25 =	vld [tilespmem:s5+$0x70];
	v7 =	vadd.f32 v13, v7;
	[tilespmem:s19+$0x70] =	vst v6  }
0x4fd: {  	v6 =	vmul.f32 v15, v32;
	v13 =	vld [tilespmem:s28+$0x0]  }
0x4fe: {  	v29 =	vld [tilespmem:s5+$0x60];
	[tilespmem:s13+$0x30] =	vst v7  }
0x4ff: {  	v6 =	vadd.f32 v6, v27;
	v7 =	vld [tilespmem:$0x179C0]  }
0x500: {  	v15 =	vsub.f32 v33, v21;
	v27 =	vld [tilespmem:$0x17CC0]  }
0x501: {  	[tilespmem:s5+$0x20] =	vst v6;
	v6 =	vld [tilespmem:$0x17B80]  }
0x502: {  	v15 =	vmul.f32 v15, v22;
	v37 =	vld [tilespmem:$0x179B0];
	v13 =	vsub.f32 v13, v20  }
0x503: {  	v28 =	vsub.f32 v28, v12;
	v38 =	vld [tilespmem:$0x17E80]  }
0x504: {  	v34 =	vld [tilespmem:$0x17CB0];
	v7 =	vmul.f32 v15, v7;
	v13 =	vmul.f32 v13, v19  }
0x505: {  	v28 =	vmul.f32 v28, v11;
	v23 =	vld [tilespmem:s5+$0x400]  }
0x506: {  	v16 =	vld [tilespmem:s5+$0x410];
	v7 =	vadd.f32 v7, v27;
	v6 =	vmul.f32 v13, v6  }
0x507: {  	v27 =	vmul.f32 v28, v37;
	v28 =	vld [tilespmem:s28+$0x10]  }
0x508: {  	v44 =	vld [tilespmem:s28+$0x20];
	[tilespmem:s13+$0x40] =	vst v7;
	v6 =	vadd.f32 v6, v38  }
0x509: {  	v7 =	vadd.f32 v27, v34;
	v27 =	vld [tilespmem:$0x179D0]  }
0x50a: {  	v39 =	vsub.f32 v35, v21;
	v40 =	vld [tilespmem:$0x17CD0];
	[tilespmem:s28+$0x0] =	vst v6  }
0x50b: {  	[tilespmem:s5+$0x30] =	vst v7;
	v7 =	vld [tilespmem:$0x17B90]  }
0x50c: {  	v6 =	vmul.f32 v39, v22;
	v41 =	vld [tilespmem:$0x179C0];
	v28 =	vsub.f32 v28, v20  }
0x50d: {  	v30 =	vsub.f32 v30, v12;
	v42 =	vld [tilespmem:$0x17E90]  }
0x50e: {  	v43 =	vld [tilespmem:$0x17CC0];
	v27 =	vmul.f32 v6, v27;
	v28 =	vmul.f32 v28, v19  }
0x50f: {  	v30 =	vmul.f32 v30, v11;
	v15 =	vld [tilespmem:s5+$0x420]  }
0x510: {  	v13 =	vld [tilespmem:s5+$0x430];
	v27 =	vadd.f32 v27, v40;
	v7 =	vmul.f32 v28, v7  }
0x511: {  	v6 =	vld [tilespmem:s5+$0x440];
	v28 =	vsub.f32 v4, v18;
	v30 =	vmul.f32 v30, v41  }
0x512: {  	v4 =	vld [tilespmem:s5+$0x450];
	[tilespmem:s13+$0x50] =	vst v27;
	v7 =	vadd.f32 v7, v42  }
0x513: {  	v27 =	vmul.f32 v28, v17;
	v28 =	vadd.f32 v30, v43;
	v30 =	vld [tilespmem:$0x179E0]  }
0x514: {  	v45 =	vsub.f32 v36, v21;
	v46 =	vld [tilespmem:$0x17CE0];
	[tilespmem:s28+$0x10] =	vst v7  }
0x515: {  	v7 =	vmul.f32 v27, v24;
	[tilespmem:s5+$0x40] =	vst v28;
	v24 =	vld [tilespmem:$0x17BA0]  }
0x516: {  	v47 =	vsub.f32 v44, v20;
	v28 =	vmul.f32 v45, v22;
	v27 =	vld [tilespmem:$0x179D0]  }
0x517: {  	v7 =	vadd.f32 v7, v26;
	v26 =	vsub.f32 v31, v12;
	v31 =	vld [tilespmem:$0x17EA0]  }
0x518: {  	v48 =	vld [tilespmem:$0x17CD0];
	v28 =	vmul.f32 v28, v30;
	v30 =	vmul.f32 v47, v19  }
0x519: {  	[tilespmem:s14+$0x10] =	vst v7;
	v7 =	vmul.f32 v26, v11;
	v26 =	vld [tilespmem:s13+$0x70]  }
0x51a: {  	v49 =	vld [tilespmem:$0x17B20];
	v28 =	vadd.f32 v28, v46;
	v24 =	vmul.f32 v30, v24  }
0x51b: {  	v14 =	vsub.f32 v14, v18;
	v7 =	vmul.f32 v7, v27;
	v27 =	vld [tilespmem:s28+$0x30]  }
0x51c: {  	v30 =	vld [tilespmem:$0x17E20];
	[tilespmem:s13+$0x60] =	vst v28;
	v24 =	vadd.f32 v24, v31  }
0x51d: {  	v14 =	vmul.f32 v14, v17;
	v7 =	vadd.f32 v7, v48;
	v28 =	vld [tilespmem:$0x179F0]  }
0x51e: {  	v31 =	vld [tilespmem:$0x17CF0];
	v26 =	vsub.f32 v26, v21;
	[tilespmem:s28+$0x20] =	vst v24  }
0x51f: {  	v14 =	vmul.f32 v14, v49;
	[tilespmem:s5+$0x50] =	vst v7;
	v7 =	vld [tilespmem:$0x17BB0]  }
0x520: {  	v24 =	vld [tilespmem:$0x179E0];
	v26 =	vmul.f32 v26, v22;
	v27 =	vsub.f32 v27, v20  }
0x521: {  	v29 =	vsub.f32 v29, v12;
	v14 =	vadd.f32 v14, v30;
	v30 =	vld [tilespmem:$0x17EB0]  }
0x522: {  	v50 =	vld [tilespmem:$0x17CE0];
	v26 =	vmul.f32 v26, v28;
	v27 =	vmul.f32 v27, v19  }
0x523: {  	v28 =	vmul.f32 v29, v11;
	[tilespmem:s14+$0x20] =	vst v14;
	v14 =	vld [tilespmem:s13+$0x400]  }
0x524: {  	v26 =	vadd.f32 v26, v31;
	v29 =	vld [tilespmem:$0x17B30];
	v7 =	vmul.f32 v27, v7  }
0x525: {  	v5 =	vsub.f32 v5, v18;
	v24 =	vmul.f32 v28, v24;
	v27 =	vld [tilespmem:s28+$0x40]  }
0x526: {  	[tilespmem:s13+$0x70] =	vst v26;
	v26 =	vld [tilespmem:$0x17E30];
	v7 =	vadd.f32 v7, v30  }
0x527: {  	v5 =	vmul.f32 v5, v17;
	v24 =	vadd.f32 v24, v50;
	v28 =	vld [tilespmem:$0x17A00]  }
0x528: {  	v30 =	vld [tilespmem:$0x17D00];
	v14 =	vsub.f32 v14, v21;
	[tilespmem:s28+$0x30] =	vst v7  }
0x529: {  	[tilespmem:s5+$0x60] =	vst v24;
	v5 =	vmul.f32 v5, v29;
	v7 =	vld [tilespmem:$0x17BC0]  }
0x52a: {  	v24 =	vld [tilespmem:$0x179F0];
	v14 =	vmul.f32 v14, v22;
	v27 =	vsub.f32 v27, v20  }
0x52b: {  	v25 =	vsub.f32 v25, v12;
	v5 =	vadd.f32 v5, v26;
	v26 =	vld [tilespmem:$0x17EC0]  }
0x52c: {  	v29 =	vld [tilespmem:$0x17CF0];
	v14 =	vmul.f32 v14, v28;
	v27 =	vmul.f32 v27, v19  }
0x52d: {  	v25 =	vmul.f32 v25, v11;
	v28 =	vld [tilespmem:s13+$0x410];
	[tilespmem:s14+$0x30] =	vst v5  }
0x52e: {  	v5 =	vadd.f32 v14, v30;
	v14 =	vld [tilespmem:$0x17B40];
	v7 =	vmul.f32 v27, v7  }
0x52f: {  	v3 =	vsub.f32 v3, v18;
	v24 =	vmul.f32 v25, v24;
	v25 =	vld [tilespmem:s28+$0x50]  }
0x530: {  	[tilespmem:s13+$0x400] =	vst v5;
	v5 =	vld [tilespmem:$0x17E40];
	v7 =	vadd.f32 v7, v26  }
0x531: {  	v3 =	vmul.f32 v3, v17;
	v24 =	vadd.f32 v24, v29;
	v26 =	vld [tilespmem:$0x17A10]  }
0x532: {  	v27 =	vsub.f32 v28, v21;
	v28 =	vld [tilespmem:$0x17D10];
	[tilespmem:s28+$0x40] =	vst v7  }
0x533: {  	[tilespmem:s5+$0x70] =	vst v24;
	v3 =	vmul.f32 v3, v14;
	v7 =	vld [tilespmem:$0x17BD0]  }
0x534: {  	v24 =	vmul.f32 v27, v22;
	v14 =	vld [tilespmem:$0x17A00];
	v25 =	vsub.f32 v25, v20  }
0x535: {  	v23 =	vsub.f32 v23, v12;
	v3 =	vadd.f32 v3, v5;
	v5 =	vld [tilespmem:$0x17ED0]  }
0x536: {  	v27 =	vld [tilespmem:$0x17D00];
	v24 =	vmul.f32 v24, v26;
	v25 =	vmul.f32 v25, v19  }
0x537: {  	v23 =	vmul.f32 v23, v11;
	v26 =	vld [tilespmem:s13+$0x420];
	[tilespmem:s14+$0x40] =	vst v3  }
0x538: {  	v3 =	vadd.f32 v24, v28;
	v24 =	vld [tilespmem:$0x17B50];
	v7 =	vmul.f32 v25, v7  }
0x539: {  	v2 =	vsub.f32 v2, v18;
	v14 =	vmul.f32 v23, v14;
	v23 =	vld [tilespmem:s28+$0x60]  }
0x53a: {  	[tilespmem:s13+$0x410] =	vst v3;
	v3 =	vld [tilespmem:$0x17E50];
	v5 =	vadd.f32 v7, v5  }
0x53b: {  	v2 =	vmul.f32 v2, v17;
	v7 =	vadd.f32 v14, v27;
	v14 =	vld [tilespmem:$0x17A20]  }
0x53c: {  	v25 =	vsub.f32 v26, v21;
	v26 =	vld [tilespmem:$0x17D20];
	[tilespmem:s28+$0x50] =	vst v5  }
0x53d: {  	[tilespmem:s5+$0x400] =	vst v7;
	v2 =	vmul.f32 v2, v24;
	v5 =	vld [tilespmem:$0x17BE0]  }
0x53e: {  	v24 =	vmul.f32 v25, v22;
	v7 =	vld [tilespmem:$0x17A10];
	v23 =	vsub.f32 v23, v20  }
0x53f: {  	v16 =	vsub.f32 v16, v12;
	v2 =	vadd.f32 v2, v3;
	v3 =	vld [tilespmem:$0x17EE0]  }
0x540: {  	v25 =	vld [tilespmem:$0x17D10];
	v14 =	vmul.f32 v24, v14;
	v23 =	vmul.f32 v23, v19  }
0x541: {  	v16 =	vmul.f32 v16, v11;
	v24 =	vld [tilespmem:s13+$0x430];
	[tilespmem:s14+$0x50] =	vst v2  }
0x542: {  	v2 =	vadd.f32 v14, v26;
	v14 =	vld [tilespmem:$0x17B60];
	v5 =	vmul.f32 v23, v5  }
0x543: {  	v1 =	vsub.f32 v1, v18;
	v7 =	vmul.f32 v16, v7;
	v16 =	vld [tilespmem:s28+$0x70]  }
0x544: {  	[tilespmem:s13+$0x420] =	vst v2;
	v2 =	vld [tilespmem:$0x17E60];
	v3 =	vadd.f32 v5, v3  }
0x545: {  	v1 =	vmul.f32 v1, v17;
	v5 =	vadd.f32 v7, v25;
	v7 =	vld [tilespmem:$0x17A30]  }
0x546: {  	v23 =	vsub.f32 v24, v21;
	v24 =	vld [tilespmem:$0x17D30];
	[tilespmem:s28+$0x60] =	vst v3  }
0x547: {  	[tilespmem:s5+$0x410] =	vst v5;
	v1 =	vmul.f32 v1, v14;
	v3 =	vld [tilespmem:$0x17BF0]  }
0x548: {  	v14 =	vmul.f32 v23, v22;
	v5 =	vld [tilespmem:$0x17A20];
	v16 =	vsub.f32 v16, v20  }
0x549: {  	v15 =	vsub.f32 v15, v12;
	v1 =	vadd.f32 v1, v2;
	v2 =	vld [tilespmem:$0x17EF0]  }
0x54a: {  	v23 =	vld [tilespmem:$0x17D20];
	v7 =	vmul.f32 v14, v7;
	v14 =	vmul.f32 v16, v19  }
0x54b: {  	v15 =	vmul.f32 v15, v11;
	v16 =	vld [tilespmem:s13+$0x440];
	[tilespmem:s14+$0x60] =	vst v1  }
0x54c: {  	v1 =	vadd.f32 v7, v24;
	v7 =	vld [tilespmem:$0x17B70];
	v3 =	vmul.f32 v14, v3  }
0x54d: {  	v0 =	vsub.f32 v0, v18;
	v14 =	vld [tilespmem:s5+$0x460];
	v5 =	vmul.f32 v15, v5  }
0x54e: {  	v15 =	vld [tilespmem:$0x17E70];
	[tilespmem:s13+$0x430] =	vst v1;
	v1 =	vadd.f32 v3, v2  }
0x54f: {  	s30 =	sadd.s32 $0x3480, s12;
	v0 =	vmul.f32 v0, v17;
	v2 =	vadd.f32 v5, v23;
	v3 =	vld [tilespmem:$0x17A40]  }
0x550: {  	s12 =	sadd.s32 s18, s30;
	v5 =	vsub.f32 v16, v21;
	v16 =	vld [tilespmem:$0x17D40];
	[tilespmem:s28+$0x70] =	vst v1  }
0x551: {  	[tilespmem:s5+$0x420] =	vst v2;
	v0 =	vmul.f32 v0, v7;
	v1 =	vld [tilespmem:s12+$0x0]  }
0x552: {  	v5 =	vmul.f32 v5, v22;
	v2 =	vld [tilespmem:$0x17A30]  }
0x553: {  	v7 =	vsub.f32 v13, v12;
	v13 =	vld [tilespmem:$0x17D30];
	v0 =	vadd.f32 v0, v15  }
0x554: {  	v3 =	vmul.f32 v5, v3;
	v5 =	vld [tilespmem:s13+$0x450]  }
0x555: {  	s20 =	sor.u32 s9, s26;
	v7 =	vmul.f32 v7, v11;
	[tilespmem:s14+$0x70] =	vst v0;
	v0 =	vld [tilespmem:$0x17C00]  }
0x556: {  	v3 =	vadd.f32 v3, v16;
	v15 =	vld [tilespmem:s20+$0x0];
	v1 =	vsub.f32 v1, v20  }
0x557: {  	v2 =	vmul.f32 v7, v2;
	v7 =	vld [tilespmem:$0x17F00]  }
0x558: {  	[tilespmem:s13+$0x440] =	vst v3;
	v3 =	vld [tilespmem:$0x17B80];
	v1 =	vmul.f32 v1, v19  }
0x559: {  	v2 =	vadd.f32 v2, v13;
	v13 =	vld [tilespmem:$0x17A50]  }
0x55a: {  	v5 =	vsub.f32 v5, v21;
	v16 =	vld [tilespmem:$0x17D50];
	v0 =	vmul.f32 v1, v0  }
0x55b: {  	[tilespmem:s5+$0x430] =	vst v2;
	v1 =	vld [tilespmem:s12+$0x10]  }
0x55c: {  	v5 =	vmul.f32 v5, v22;
	v2 =	vld [tilespmem:$0x17A40];
	v0 =	vadd.f32 v0, v7  }
0x55d: {  	v6 =	vsub.f32 v6, v12;
	v7 =	vld [tilespmem:$0x17D40]  }
0x55e: {  	v5 =	vmul.f32 v5, v13;
	v13 =	vld [tilespmem:s13+$0x460];
	[tilespmem:s12+$0x0] =	vst v0  }
0x55f: {  	v0 =	vmul.f32 v6, v11;
	v6 =	vld [tilespmem:$0x17C10]  }
0x560: {  	v5 =	vadd.f32 v5, v16;
	v16 =	vld [tilespmem:$0x17E80];
	v1 =	vsub.f32 v1, v20  }
0x561: {  	v15 =	vsub.f32 v15, v18;
	v0 =	vmul.f32 v0, v2;
	v2 =	vld [tilespmem:$0x17F10]  }
0x562: {  	[tilespmem:s13+$0x450] =	vst v5;
	v5 =	vld [tilespmem:s20+$0x10];
	v1 =	vmul.f32 v1, v19  }
0x563: {  	v15 =	vmul.f32 v15, v17;
	v0 =	vadd.f32 v0, v7;
	v7 =	vld [tilespmem:$0x17A60]  }
0x564: {  	v13 =	vsub.f32 v13, v21;
	v23 =	vld [tilespmem:$0x17D60];
	v1 =	vmul.f32 v1, v6  }
0x565: {  	v3 =	vmul.f32 v15, v3;
	[tilespmem:s5+$0x440] =	vst v0;
	v0 =	vld [tilespmem:s12+$0x20]  }
0x566: {  	v13 =	vmul.f32 v13, v22;
	v6 =	vld [tilespmem:$0x17A50];
	v1 =	vadd.f32 v1, v2  }
0x567: {  	v2 =	vadd.f32 v3, v16;
	v3 =	vld [tilespmem:$0x17D50]  }
0x568: {  	v4 =	vsub.f32 v4, v12;
	v7 =	vmul.f32 v13, v7;
	v13 =	vld [tilespmem:s13+$0x470];
	[tilespmem:s12+$0x10] =	vst v1  }
0x569: {  	[tilespmem:s20+$0x0] =	vst v2;
	v1 =	vld [tilespmem:$0x17C20]  }
0x56a: {  	v2 =	vmul.f32 v4, v11;
	v4 =	vadd.f32 v7, v23;
	v7 =	vld [tilespmem:$0x17B90]  }
0x56b: {  	v0 =	vsub.f32 v0, v20;
	v15 =	vld [tilespmem:$0x17F20]  }
0x56c: {  	v5 =	vsub.f32 v5, v18;
	v2 =	vmul.f32 v2, v6;
	[tilespmem:s13+$0x460] =	vst v4;
	v4 =	vld [tilespmem:$0x17E90]  }
0x56d: {  	v0 =	vmul.f32 v0, v19;
	v6 =	vld [tilespmem:$0x17A70]  }
0x56e: {  	v16 =	vld [tilespmem:s5+$0x470];
	v5 =	vmul.f32 v5, v17;
	v2 =	vadd.f32 v2, v3;
	v3 =	vsub.f32 v13, v21  }
0x56f: {  	v13 =	vld [tilespmem:$0x17D70];
	v0 =	vmul.f32 v0, v1  }
0x570: {  	[tilespmem:s5+$0x450] =	vst v2;
	v1 =	vmul.f32 v5, v7;
	v2 =	vld [tilespmem:s12+$0x30];
	v3 =	vmul.f32 v3, v22  }
0x571: {  	v5 =	vld [tilespmem:$0x17A60];
	v0 =	vadd.f32 v0, v15  }
0x572: {  	v7 =	vld [tilespmem:$0x17D60];
	v1 =	vadd.f32 v1, v4;
	v3 =	vmul.f32 v3, v6  }
0x573: {  	v4 =	vsub.f32 v14, v12;
	v6 =	vld [tilespmem:s20+$0x20];
	[tilespmem:s12+$0x20] =	vst v0  }
0x574: {  	[tilespmem:s20+$0x10] =	vst v1;
	v0 =	vld [tilespmem:$0x17C30];
	v1 =	vadd.f32 v3, v13  }
0x575: {  	s31 =	sadd.s32 $0x2880, s21;
	v3 =	vmul.f32 v4, v11;
	v4 =	vld [tilespmem:$0x17BA0]  }
0x576: {  	s18 =	sadd.s32 s1, s31;
	v2 =	vsub.f32 v2, v20;
	v13 =	vld [tilespmem:$0x17F30];
	[tilespmem:s13+$0x470] =	vst v1  }
0x577: {  	v1 =	vmul.f32 v3, v5;
	v3 =	vld [tilespmem:s18+$0x0]  }
0x578: {  	v5 =	vld [tilespmem:$0x17EA0];
	v2 =	vmul.f32 v2, v19;
	v6 =	vsub.f32 v6, v18  }
0x579: {  	v1 =	vadd.f32 v1, v7;
	v7 =	vld [tilespmem:s20+$0x30]  }
0x57a: {  	v0 =	vmul.f32 v2, v0;
	v2 =	vmul.f32 v6, v17;
	v6 =	vld [tilespmem:s12+$0x40]  }
0x57b: {  	[tilespmem:s5+$0x460] =	vst v1;
	v1 =	vld [tilespmem:$0x17A80]  }
0x57c: {  	v14 =	vld [tilespmem:$0x17A70];
	v0 =	vadd.f32 v0, v13;
	v2 =	vmul.f32 v2, v4;
	v3 =	vsub.f32 v3, v21  }
0x57d: {  	v4 =	vsub.f32 v16, v12;
	v13 =	vld [tilespmem:$0x17D80]  }
0x57e: {  	[tilespmem:s12+$0x30] =	vst v0;
	v0 =	vadd.f32 v2, v5;
	v2 =	vld [tilespmem:$0x17D70];
	v3 =	vmul.f32 v3, v22  }
0x57f: {  	v4 =	vmul.f32 v4, v11;
	v5 =	vld [tilespmem:$0x17C40]  }
0x580: {  	[tilespmem:s20+$0x20] =	vst v0;
	v0 =	vld [tilespmem:$0x17F40];
	v1 =	vmul.f32 v3, v1  }
0x581: {  	v3 =	vmul.f32 v4, v14;
	v4 =	vld [tilespmem:$0x17BB0]  }
0x582: {  	v14 =	vld [tilespmem:s18+$0x10];
	v1 =	vadd.f32 v1, v13  }
0x583: {  	v13 =	vld [tilespmem:$0x17EB0];
	v2 =	vadd.f32 v3, v2  }
0x584: {  	v3 =	vld [tilespmem:s12+$0x50];
	[tilespmem:s18+$0x0] =	vst v1  }
0x585: {  	v1 =	vld [tilespmem:s20+$0x40];
	[tilespmem:s5+$0x470] =	vst v2  }
0x586: {  	v2 =	vld [tilespmem:$0x17A90]  }
0x587: {  	v14 =	vsub.f32 v14, v21  }
0x588: {  	v15 =	vld [tilespmem:$0x17D90]  }
0x589: {  	v14 =	vmul.f32 v14, v22;
	_ =	sdelay $0x1  }
0x58a: {  	v2 =	vmul.f32 v14, v2  }
0x58b: {  	s23 =	sor.u32 s10, s31;
	v14 =	vld [tilespmem:s18+$0x20]  }
0x58c: {  	v16 =	vld [tilespmem:s23+$0x0];
	v2 =	vadd.f32 v2, v15;
	_ =	sdelay $0x1  }
0x58d: {  	[tilespmem:s18+$0x10] =	vst v2  }
0x58e: {  	v2 =	vld [tilespmem:$0x17AA0]  }
0x58f: {  	v15 =	vld [tilespmem:$0x17A80];
	v14 =	vsub.f32 v14, v21  }
0x590: {  	v16 =	vsub.f32 v16, v12;
	v23 =	vld [tilespmem:$0x17DA0]  }
0x591: {  	v24 =	vld [tilespmem:$0x17D80];
	v14 =	vmul.f32 v14, v22  }
0x592: {  	v16 =	vmul.f32 v16, v11  }
0x593: {  	v2 =	vmul.f32 v14, v2  }
0x594: {  	v14 =	vmul.f32 v16, v15;
	v15 =	vld [tilespmem:s18+$0x30]  }
0x595: {  	v16 =	vld [tilespmem:s23+$0x10];
	v2 =	vadd.f32 v2, v23  }
0x596: {  	v14 =	vadd.f32 v14, v24  }
0x597: {  	[tilespmem:s18+$0x20] =	vst v2  }
0x598: {  	[tilespmem:s23+$0x0] =	vst v14;
	v2 =	vld [tilespmem:$0x17AB0]  }
0x599: {  	v14 =	vld [tilespmem:$0x17A90];
	v15 =	vsub.f32 v15, v21  }
0x59a: {  	v16 =	vsub.f32 v16, v12;
	v23 =	vld [tilespmem:$0x17DB0]  }
0x59b: {  	v24 =	vld [tilespmem:$0x17D90];
	v15 =	vmul.f32 v15, v22  }
0x59c: {  	v16 =	vmul.f32 v16, v11  }
0x59d: {  	v2 =	vmul.f32 v15, v2  }
0x59e: {  	v6 =	vsub.f32 v6, v20;
	v14 =	vmul.f32 v16, v14;
	v15 =	vld [tilespmem:s18+$0x40]  }
0x59f: {  	v16 =	vld [tilespmem:s23+$0x20];
	v2 =	vadd.f32 v2, v23  }
0x5a0: {  	v6 =	vmul.f32 v6, v19;
	v14 =	vadd.f32 v14, v24  }
0x5a1: {  	v7 =	vsub.f32 v7, v18;
	[tilespmem:s18+$0x30] =	vst v2  }
0x5a2: {  	v2 =	vmul.f32 v6, v5;
	[tilespmem:s23+$0x10] =	vst v14;
	v5 =	vld [tilespmem:$0x17AC0]  }
0x5a3: {  	v6 =	vmul.f32 v7, v17;
	v7 =	vld [tilespmem:$0x17AA0];
	v14 =	vsub.f32 v15, v21  }
0x5a4: {  	v15 =	vld [tilespmem:$0x17DC0];
	v0 =	vadd.f32 v2, v0;
	v2 =	vsub.f32 v16, v12  }
0x5a5: {  	v4 =	vmul.f32 v6, v4;
	v6 =	vld [tilespmem:$0x17DA0];
	v14 =	vmul.f32 v14, v22  }
0x5a6: {  	[tilespmem:s12+$0x40] =	vst v0;
	v0 =	vmul.f32 v2, v11  }
0x5a7: {  	v23 =	vld [tilespmem:s20+$0x60];
	v2 =	vadd.f32 v4, v13;
	v5 =	vmul.f32 v14, v5  }
0x5a8: {  	v0 =	vmul.f32 v0, v7;
	v7 =	vld [tilespmem:s18+$0x50]  }
0x5a9: {  	[tilespmem:s20+$0x30] =	vst v2;
	v2 =	vld [tilespmem:s23+$0x30];
	v5 =	vadd.f32 v5, v15  }
0x5aa: {  	v13 =	vld [tilespmem:$0x17BC0];
	v0 =	vadd.f32 v0, v6  }
0x5ab: {  	v1 =	vsub.f32 v1, v18;
	v6 =	vld [tilespmem:$0x17EC0];
	[tilespmem:s18+$0x40] =	vst v5  }
0x5ac: {  	[tilespmem:s23+$0x20] =	vst v0;
	v0 =	vld [tilespmem:$0x17AD0]  }
0x5ad: {  	v1 =	vmul.f32 v1, v17;
	v5 =	vld [tilespmem:$0x17AB0];
	v7 =	vsub.f32 v7, v21  }
0x5ae: {  	v2 =	vsub.f32 v2, v12;
	v14 =	vld [tilespmem:$0x17DD0]  }
0x5af: {  	v15 =	vld [tilespmem:$0x17DB0];
	v1 =	vmul.f32 v1, v13;
	v7 =	vmul.f32 v7, v22  }
0x5b0: {  	v13 =	vld [tilespmem:s20+$0x50];
	v2 =	vmul.f32 v2, v11  }
0x5b1: {  	v4 =	vld [tilespmem:$0x17C50];
	v1 =	vadd.f32 v1, v6;
	v0 =	vmul.f32 v7, v0  }
0x5b2: {  	v2 =	vmul.f32 v2, v5;
	v5 =	vld [tilespmem:s18+$0x60]  }
0x5b3: {  	v6 =	vld [tilespmem:s23+$0x40];
	[tilespmem:s20+$0x40] =	vst v1;
	v0 =	vadd.f32 v0, v14  }
0x5b4: {  	v1 =	vld [tilespmem:$0x17BD0];
	v2 =	vadd.f32 v2, v15  }
0x5b5: {  	v7 =	vsub.f32 v13, v18;
	v13 =	vld [tilespmem:$0x17ED0];
	[tilespmem:s18+$0x50] =	vst v0  }
0x5b6: {  	[tilespmem:s23+$0x30] =	vst v2;
	v0 =	vld [tilespmem:$0x17AE0]  }
0x5b7: {  	v2 =	vmul.f32 v7, v17;
	v7 =	vld [tilespmem:$0x17AC0];
	v5 =	vsub.f32 v5, v21  }
0x5b8: {  	v6 =	vsub.f32 v6, v12;
	v14 =	vld [tilespmem:$0x17DE0]  }
0x5b9: {  	v15 =	vld [tilespmem:$0x17DC0];
	v1 =	vmul.f32 v2, v1;
	v2 =	vmul.f32 v5, v22  }
0x5ba: {  	v3 =	vsub.f32 v3, v20;
	v16 =	vld [tilespmem:$0x17F50];
	v6 =	vmul.f32 v6, v11  }
0x5bb: {  	v5 =	vld [tilespmem:s12+$0x60];
	v1 =	vadd.f32 v1, v13;
	v0 =	vmul.f32 v2, v0  }
0x5bc: {  	v2 =	vmul.f32 v3, v19;
	v3 =	vmul.f32 v6, v7;
	v6 =	vld [tilespmem:s18+$0x70]  }
0x5bd: {  	v7 =	vld [tilespmem:s23+$0x50];
	[tilespmem:s20+$0x50] =	vst v1;
	v0 =	vadd.f32 v0, v14  }
0x5be: {  	v1 =	vmul.f32 v2, v4;
	v2 =	vld [tilespmem:$0x17BE0];
	v3 =	vadd.f32 v3, v15  }
0x5bf: {  	v4 =	vld [tilespmem:$0x17EE0];
	[tilespmem:s18+$0x60] =	vst v0  }
0x5c0: {  	v0 =	vadd.f32 v1, v16;
	v1 =	vsub.f32 v23, v18;
	[tilespmem:s23+$0x40] =	vst v3;
	v3 =	vld [tilespmem:$0x17AF0]  }
0x5c1: {  	v13 =	vld [tilespmem:$0x17AD0];
	v6 =	vsub.f32 v6, v21  }
0x5c2: {  	[tilespmem:s12+$0x50] =	vst v0;
	v0 =	vmul.f32 v1, v17;
	v1 =	vld [tilespmem:$0x17DF0]  }
0x5c3: {  	v7 =	vsub.f32 v7, v12;
	v15 =	vld [tilespmem:$0x17DD0];
	v6 =	vmul.f32 v6, v22  }
0x5c4: {  	v14 =	vld [tilespmem:$0x17C60];
	v0 =	vmul.f32 v0, v2  }
0x5c5: {  	v2 =	vmul.f32 v7, v11;
	v7 =	vld [tilespmem:s20+$0x70];
	v3 =	vmul.f32 v6, v3  }
0x5c6: {  	v51 =	vld [tilespmem:$0x17980];
	v5 =	vsub.f32 v5, v20;
	v0 =	vadd.f32 v0, v4  }
0x5c7: {  	v6 =	vld [tilespmem:$0x17F60];
	v2 =	vmul.f32 v2, v13;
	v1 =	vadd.f32 v3, v1  }
0x5c8: {  	s25 =	sadd.s32 $0x2C80, s21;
	v4 =	vld [tilespmem:s23+$0x60];
	v3 =	vmul.f32 v5, v19;
	[tilespmem:s20+$0x60] =	vst v0  }
0x5c9: {  	s28 =	sadd.s32 s1, s25;
	v2 =	vadd.f32 v2, v15;
	v0 =	vld [tilespmem:$0x17BF0];
	[tilespmem:s18+$0x70] =	vst v1  }
0x5ca: {  	v1 =	vmul.f32 v3, v14;
	v3 =	vsub.f32 v7, v18;
	v5 =	vld [tilespmem:s28+$0x0]  }
0x5cb: {  	v7 =	vld [tilespmem:$0x17EF0];
	[tilespmem:s23+$0x50] =	vst v2  }
0x5cc: {  	v1 =	vadd.f32 v1, v6;
	v2 =	vmul.f32 v3, v17;
	v3 =	vld [tilespmem:$0x17AE0]  }
0x5cd: {  	v4 =	vsub.f32 v4, v12;
	v6 =	vld [tilespmem:$0x17DE0]  }
0x5ce: {  	[tilespmem:s12+$0x60] =	vst v1;
	v1 =	vld [tilespmem:$0x17B00]  }
0x5cf: {  	v52 =	vld [tilespmem:$0x17C80];
	v0 =	vmul.f32 v2, v0;
	v2 =	vmul.f32 v4, v11;
	v4 =	vsub.f32 v5, v21  }
0x5d0: {  	v5 =	vld [tilespmem:$0x17E00]  }
0x5d1: {  	v23 =	vld [tilespmem:s12+$0x70];
	v0 =	vadd.f32 v0, v7;
	v2 =	vmul.f32 v2, v3;
	v3 =	vmul.f32 v4, v22  }
0x5d2: {  	v4 =	vld [tilespmem:s23+$0x70]  }
0x5d3: {  	v16 =	vld [tilespmem:s28+$0x30];
	[tilespmem:s20+$0x70] =	vst v0;
	v0 =	vadd.f32 v2, v6;
	v1 =	vmul.f32 v3, v1  }
0x5d4: {  	v2 =	vld [tilespmem:s28+$0x10]  }
0x5d5: {  	v28 =	vld [tilespmem:s28+$0x50];
	[tilespmem:s23+$0x60] =	vst v0;
	v0 =	vadd.f32 v1, v5  }
0x5d6: {  	v1 =	vld [tilespmem:$0x17AF0]  }
0x5d7: {  	v5 =	vld [tilespmem:$0x17DF0];
	v4 =	vsub.f32 v4, v12;
	[tilespmem:s28+$0x0] =	vst v0  }
0x5d8: {  	v6 =	vld [tilespmem:$0x17B10]  }
0x5d9: {  	v53 =	vld [tilespmem:s28+$0x60];
	v2 =	vsub.f32 v2, v21;
	v4 =	vmul.f32 v4, v11  }
0x5da: {  	v14 =	vld [tilespmem:$0x17E10]  }
0x5db: {  	v49 =	vld [tilespmem:s28+$0x70];
	v2 =	vmul.f32 v2, v22;
	v1 =	vmul.f32 v4, v1  }
0x5dc: {  	v25 =	vld [tilespmem:$0x17C70]  }
0x5dd: {  	v24 =	vld [tilespmem:$0x17F70];
	v1 =	vadd.f32 v1, v5;
	v2 =	vmul.f32 v2, v6  }
0x5de: {  	s18 =	sor.u32 s9, s30;
	v4 =	vld [tilespmem:s28+$0x20]  }
0x5df: {  	v7 =	vld [tilespmem:s18+$0x0];
	[tilespmem:s23+$0x70] =	vst v1;
	v1 =	vadd.f32 v2, v14  }
0x5e0: {  	s14 =	sor.u32 s10, s25;
	v13 =	vld [tilespmem:$0x17F00]  }
0x5e1: {  	v2 =	vld [tilespmem:s14+$0x0];
	[tilespmem:s28+$0x10] =	vst v1  }
0x5e2: {  	v1 =	vld [tilespmem:$0x17B20]  }
0x5e3: {  	s26 =	sadd.s32 $0x4, s4;
	v30 =	vld [tilespmem:s18+$0x20];
	v4 =	vsub.f32 v4, v21  }
0x5e4: {  	s5 =	sshrl.u32 s26, $0x3;
	v15 =	vld [tilespmem:$0x17E20]  }
0x5e5: {  	s5 =	smul.u32 $0x6000, s5;
	v5 =	vld [tilespmem:$0x17B00];
	v4 =	vmul.f32 v4, v22  }
0x5e6: {  	v29 =	vld [tilespmem:s18+$0x30];
	v2 =	vsub.f32 v2, v12  }
0x5e7: {  	s26 =	simm.s32 $0x280;
	s19 =	sshra.s32 s5, $0x2;
	v14 =	vld [tilespmem:$0x17E00];
	v1 =	vmul.f32 v4, v1  }
0x5e8: {  	s5 =	sadd.s32 $0x2080, s19;
	s20 =	sand.u32 $0x380, s26;
	v3 =	vld [tilespmem:$0x17C00];
	v2 =	vmul.f32 v2, v11  }
0x5e9: {  	v26 =	vld [tilespmem:s18+$0x40];
	s13 =	sadd.s32 s20, s5;
	v7 =	vsub.f32 v7, v18;
	v1 =	vadd.f32 v1, v15  }
0x5ea: {  	v39 =	vld [tilespmem:s13+$0x10];
	v2 =	vmul.f32 v2, v5  }
0x5eb: {  	v54 =	vld [tilespmem:s13+$0x20];
	v7 =	vmul.f32 v7, v17;
	[tilespmem:s28+$0x20] =	vst v1  }
0x5ec: {  	v2 =	vadd.f32 v2, v14;
	v14 =	vld [tilespmem:$0x17B30]  }
0x5ed: {  	v0 =	vld [tilespmem:s18+$0x10];
	v3 =	vmul.f32 v7, v3;
	v15 =	vsub.f32 v16, v21  }
0x5ee: {  	s25 =	simm.s32 $0x18600;
	[tilespmem:s14+$0x0] =	vst v2;
	v2 =	vld [tilespmem:$0x17E30]  }
0x5ef: {  	v3 =	vadd.f32 v3, v13;
	v13 =	vld [tilespmem:s25+$0x0];
	v7 =	vmul.f32 v15, v22  }
0x5f0: {  	v32 =	vld [tilespmem:s14+$0x10]  }
0x5f1: {  	v33 =	vld [tilespmem:s14+$0x20];
	v7 =	vmul.f32 v7, v14  }
0x5f2: {  	v15 =	vld [tilespmem:s28+$0x40]  }
0x5f3: {  	[tilespmem:s18+$0x0] =	vst v3;
	v3 =	vld [tilespmem:s13+$0x0];
	v7 =	vadd.f32 v7, v2  }
0x5f4: {  	s9 =	simm.s32 $0x19600;
	v31 =	vld [tilespmem:s14+$0x30]  }
0x5f5: {  	v14 =	vld [tilespmem:s9+$0x0];
	[tilespmem:s28+$0x30] =	vst v7  }
0x5f6: {  	s30 =	simm.s32 $0x200;
	v7 =	vld [tilespmem:$0x17B40]  }
0x5f7: {  	s23 =	sand.u32 $0x300, s30;
	v6 =	vld [tilespmem:s14+$0x40];
	v15 =	vsub.f32 v15, v21  }
0x5f8: {  	s5 =	sor.u32 s23, s5;
	v16 =	vsub.f32 v3, v13;
	v27 =	vld [tilespmem:$0x17E40]  }
0x5f9: {  	v38 =	vld [tilespmem:s5+$0x0];
	v15 =	vmul.f32 v15, v22  }
0x5fa: {  	v56 =	vld [tilespmem:s5+$0x10];
	v16 =	vmul.f32 v16, v14  }
0x5fb: {  	v57 =	vld [tilespmem:s5+$0x20];
	v7 =	vmul.f32 v15, v7  }
0x5fc: {  	v44 =	vld [tilespmem:s5+$0x30];
	v15 =	vmul.f32 v16, v51  }
0x5fd: {  	v4 =	vld [tilespmem:s14+$0x60];
	v7 =	vadd.f32 v7, v27  }
0x5fe: {  	v16 =	vld [tilespmem:s25+$0xFFFFFF80];
	v27 =	vadd.f32 v15, v52  }
0x5ff: {  	v15 =	vld [tilespmem:s9+$0xFFFFFF80];
	[tilespmem:s28+$0x40] =	vst v7  }
0x600: {  	[tilespmem:s13+$0x0] =	vst v27;
	v7 =	vld [tilespmem:$0x17B50]  }
0x601: {  	v27 =	vsub.f32 v28, v21;
	v40 =	vld [tilespmem:$0x17990]  }
0x602: {  	v39 =	vsub.f32 v39, v13;
	v41 =	vld [tilespmem:$0x17E50]  }
0x603: {  	v42 =	vld [tilespmem:$0x17C90];
	v43 =	vmul.f32 v27, v22  }
0x604: {  	v5 =	vld [tilespmem:s14+$0x50];
	v39 =	vmul.f32 v39, v14  }
0x605: {  	v3 =	vld [tilespmem:$0x17F10];
	v7 =	vmul.f32 v43, v7  }
0x606: {  	v1 =	vld [tilespmem:s14+$0x70];
	v38 =	vsub.f32 v38, v16;
	v39 =	vmul.f32 v39, v40  }
0x607: {  	v37 =	vld [tilespmem:$0x17B10];
	v7 =	vadd.f32 v7, v41  }
0x608: {  	v36 =	vld [tilespmem:$0x17E10];
	v38 =	vmul.f32 v38, v15;
	v39 =	vadd.f32 v39, v42  }
0x609: {  	v2 =	vld [tilespmem:$0x17C10];
	[tilespmem:s28+$0x50] =	vst v7  }
0x60a: {  	v0 =	vsub.f32 v0, v18;
	v7 =	vmul.f32 v38, v51;
	[tilespmem:s13+$0x10] =	vst v39;
	v58 =	vld [tilespmem:$0x17B60]  }
0x60b: {  	v60 =	vsub.f32 v53, v21;
	v59 =	vld [tilespmem:$0x179A0]  }
0x60c: {  	v0 =	vmul.f32 v0, v17;
	v61 =	vsub.f32 v54, v13;
	v62 =	vld [tilespmem:$0x17E60];
	v7 =	vadd.f32 v7, v52  }
0x60d: {  	v39 =	vmul.f32 v60, v22;
	v63 =	vld [tilespmem:$0x17CA0]  }
0x60e: {  	v0 =	vmul.f32 v0, v2;
	v28 =	vld [tilespmem:s18+$0x50];
	[tilespmem:s5+$0x0] =	vst v7;
	v7 =	vmul.f32 v61, v14  }
0x60f: {  	v47 =	vld [tilespmem:$0x17990];
	v34 =	vmul.f32 v39, v58  }
0x610: {  	v0 =	vadd.f32 v0, v3;
	v48 =	vsub.f32 v56, v16;
	v27 =	vld [tilespmem:s18+$0x60];
	v7 =	vmul.f32 v7, v59  }
0x611: {  	v50 =	vld [tilespmem:$0x17C90];
	v34 =	vadd.f32 v34, v62  }
0x612: {  	[tilespmem:s18+$0x10] =	vst v0;
	v51 =	vld [tilespmem:s13+$0x30];
	v39 =	vmul.f32 v48, v15;
	v7 =	vadd.f32 v7, v63  }
0x613: {  	v0 =	vld [tilespmem:$0x17C20];
	[tilespmem:s28+$0x60] =	vst v34  }
0x614: {  	v52 =	vmul.f32 v39, v47;
	[tilespmem:s13+$0x20] =	vst v7;
	v7 =	vld [tilespmem:$0x17B70]  }
0x615: {  	v38 =	vsub.f32 v49, v21;
	v53 =	vld [tilespmem:$0x179B0]  }
0x616: {  	v54 =	vld [tilespmem:$0x17E70];
	v34 =	vadd.f32 v52, v50  }
0x617: {  	v43 =	vld [tilespmem:s5+$0x40];
	v38 =	vmul.f32 v38, v22;
	v40 =	vsub.f32 v51, v13  }
0x618: {  	v56 =	vld [tilespmem:$0x17CB0];
	[tilespmem:s5+$0x10] =	vst v34  }
0x619: {  	v40 =	vmul.f32 v40, v14;
	v45 =	vld [tilespmem:$0x179A0];
	v7 =	vmul.f32 v38, v7  }
0x61a: {  	v57 =	vsub.f32 v57, v16;
	v41 =	vld [tilespmem:s5+$0x50]  }
0x61b: {  	v46 =	vld [tilespmem:$0x17CA0];
	v35 =	vmul.f32 v40, v53;
	v7 =	vadd.f32 v7, v54  }
0x61c: {  	s29 =	sadd.s32 $0x3080, s21;
	v58 =	vld [tilespmem:s13+$0x40];
	v38 =	vmul.f32 v57, v15  }
0x61d: {  	s30 =	sadd.s32 s1, s29;
	v42 =	vld [tilespmem:s5+$0x60];
	v34 =	vadd.f32 v35, v56;
	[tilespmem:s28+$0x70] =	vst v7  }
0x61e: {  	v59 =	vmul.f32 v38, v45;
	v60 =	vld [tilespmem:s30+$0x0]  }
0x61f: {  	v49 =	vld [tilespmem:s13+$0x50];
	[tilespmem:s13+$0x30] =	vst v34  }
0x620: {  	v62 =	vld [tilespmem:$0x179C0];
	v61 =	vadd.f32 v59, v46  }
0x621: {  	v39 =	vsub.f32 v58, v13;
	v63 =	vld [tilespmem:$0x17CC0]  }
0x622: {  	v52 =	vld [tilespmem:$0x17B80];
	[tilespmem:s5+$0x20] =	vst v61  }
0x623: {  	v39 =	vmul.f32 v39, v14;
	v53 =	vld [tilespmem:$0x179B0];
	v38 =	vsub.f32 v60, v21  }
0x624: {  	v44 =	vsub.f32 v44, v16;
	v47 =	vld [tilespmem:$0x17E80]  }
0x625: {  	v48 =	vld [tilespmem:$0x17CB0];
	v35 =	vmul.f32 v39, v62;
	v54 =	vmul.f32 v38, v22  }
0x626: {  	v44 =	vmul.f32 v44, v15;
	v2 =	vld [tilespmem:s13+$0x450]  }
0x627: {  	v40 =	vld [tilespmem:s5+$0x70];
	v45 =	vadd.f32 v35, v63;
	v34 =	vmul.f32 v54, v52  }
0x628: {  	v57 =	vld [tilespmem:s30+$0x10];
	v56 =	vmul.f32 v44, v53  }
0x629: {  	v7 =	vld [tilespmem:s5+$0x400];
	[tilespmem:s13+$0x40] =	vst v45;
	v34 =	vadd.f32 v34, v47  }
0x62a: {  	v45 =	vld [tilespmem:$0x179D0];
	v39 =	vadd.f32 v56, v48  }
0x62b: {  	v58 =	vsub.f32 v49, v13;
	v59 =	vld [tilespmem:$0x17CD0];
	[tilespmem:s30+$0x0] =	vst v34  }
0x62c: {  	[tilespmem:s5+$0x30] =	vst v39;
	v34 =	vld [tilespmem:$0x17B90]  }
0x62d: {  	v46 =	vmul.f32 v58, v14;
	v44 =	vsub.f32 v57, v21;
	v39 =	vld [tilespmem:$0x179C0]  }
0x62e: {  	v43 =	vsub.f32 v43, v16;
	v60 =	vld [tilespmem:$0x17E90]  }
0x62f: {  	v44 =	vmul.f32 v44, v22;
	v61 =	vld [tilespmem:$0x17CC0];
	v45 =	vmul.f32 v46, v45  }
0x630: {  	v43 =	vmul.f32 v43, v15;
	v62 =	vld [tilespmem:s13+$0x60]  }
0x631: {  	v50 =	vld [tilespmem:s30+$0x20];
	v45 =	vadd.f32 v45, v59;
	v44 =	vmul.f32 v44, v34  }
0x632: {  	v38 =	vld [tilespmem:s5+$0x410];
	v63 =	vsub.f32 v32, v12;
	v39 =	vmul.f32 v43, v39  }
0x633: {  	v35 =	vld [tilespmem:s5+$0x420];
	[tilespmem:s13+$0x50] =	vst v45;
	v44 =	vadd.f32 v44, v60  }
0x634: {  	v51 =	vmul.f32 v63, v11;
	v52 =	vld [tilespmem:$0x179E0];
	v39 =	vadd.f32 v39, v61  }
0x635: {  	v46 =	vsub.f32 v62, v13;
	v53 =	vld [tilespmem:$0x17CE0];
	[tilespmem:s30+$0x10] =	vst v44  }
0x636: {  	v37 =	vmul.f32 v51, v37;
	[tilespmem:s5+$0x40] =	vst v39;
	v54 =	vld [tilespmem:$0x17BA0]  }
0x637: {  	v46 =	vmul.f32 v46, v14;
	v43 =	vsub.f32 v50, v21;
	v56 =	vld [tilespmem:$0x179D0]  }
0x638: {  	v57 =	vsub.f32 v41, v16;
	v36 =	vadd.f32 v37, v36;
	v58 =	vld [tilespmem:$0x17EA0]  }
0x639: {  	v43 =	vmul.f32 v43, v22;
	v59 =	vld [tilespmem:$0x17CD0];
	v46 =	vmul.f32 v46, v52  }
0x63a: {  	[tilespmem:s14+$0x10] =	vst v36;
	v60 =	vmul.f32 v57, v15;
	v61 =	vld [tilespmem:s13+$0x70]  }
0x63b: {  	v62 =	vld [tilespmem:$0x17B20];
	v44 =	vadd.f32 v46, v53;
	v39 =	vmul.f32 v43, v54  }
0x63c: {  	v33 =	vsub.f32 v33, v12;
	v63 =	vld [tilespmem:s30+$0x30];
	v36 =	vmul.f32 v60, v56  }
0x63d: {  	v48 =	vld [tilespmem:$0x17E20];
	[tilespmem:s13+$0x60] =	vst v44;
	v39 =	vadd.f32 v39, v58  }
0x63e: {  	v33 =	vmul.f32 v33, v11;
	v44 =	vld [tilespmem:$0x179F0];
	v36 =	vadd.f32 v36, v59  }
0x63f: {  	v37 =	vsub.f32 v61, v13;
	v49 =	vld [tilespmem:$0x17CF0];
	[tilespmem:s30+$0x20] =	vst v39  }
0x640: {  	v33 =	vmul.f32 v33, v62;
	[tilespmem:s5+$0x50] =	vst v36;
	v50 =	vld [tilespmem:$0x17BB0]  }
0x641: {  	v45 =	vsub.f32 v63, v21;
	v37 =	vmul.f32 v37, v14;
	v51 =	vld [tilespmem:$0x179E0]  }
0x642: {  	v42 =	vsub.f32 v42, v16;
	v33 =	vadd.f32 v33, v48;
	v52 =	vld [tilespmem:$0x17EB0]  }
0x643: {  	v45 =	vmul.f32 v45, v22;
	v53 =	vld [tilespmem:$0x17CE0];
	v37 =	vmul.f32 v37, v44  }
0x644: {  	v42 =	vmul.f32 v42, v15;
	[tilespmem:s14+$0x20] =	vst v33;
	v54 =	vld [tilespmem:s13+$0x400]  }
0x645: {  	v56 =	vld [tilespmem:$0x17B30];
	v37 =	vadd.f32 v37, v49;
	v36 =	vmul.f32 v45, v50  }
0x646: {  	v31 =	vsub.f32 v31, v12;
	v57 =	vld [tilespmem:s30+$0x40];
	v42 =	vmul.f32 v42, v51  }
0x647: {  	v58 =	vld [tilespmem:$0x17E30];
	[tilespmem:s13+$0x70] =	vst v37;
	v36 =	vadd.f32 v36, v52  }
0x648: {  	v31 =	vmul.f32 v31, v11;
	v60 =	vld [tilespmem:$0x17A00];
	v59 =	vadd.f32 v42, v53  }
0x649: {  	v33 =	vsub.f32 v54, v13;
	v61 =	vld [tilespmem:$0x17D00];
	[tilespmem:s30+$0x30] =	vst v36  }
0x64a: {  	v31 =	vmul.f32 v31, v56;
	[tilespmem:s5+$0x60] =	vst v59;
	v62 =	vld [tilespmem:$0x17BC0]  }
0x64b: {  	v43 =	vsub.f32 v57, v21;
	v33 =	vmul.f32 v33, v14;
	v41 =	vld [tilespmem:$0x179F0]  }
0x64c: {  	v40 =	vsub.f32 v40, v16;
	v31 =	vadd.f32 v31, v58;
	v63 =	vld [tilespmem:$0x17EC0]  }
0x64d: {  	v43 =	vmul.f32 v43, v22;
	v45 =	vld [tilespmem:$0x17CF0];
	v33 =	vmul.f32 v33, v60  }
0x64e: {  	v40 =	vmul.f32 v40, v15;
	[tilespmem:s14+$0x30] =	vst v31;
	v31 =	vld [tilespmem:s13+$0x410]  }
0x64f: {  	v46 =	vld [tilespmem:$0x17B40];
	v33 =	vadd.f32 v33, v61;
	v39 =	vmul.f32 v43, v62  }
0x650: {  	v6 =	vsub.f32 v6, v12;
	v47 =	vld [tilespmem:s30+$0x50];
	v40 =	vmul.f32 v40, v41  }
0x651: {  	v48 =	vld [tilespmem:$0x17E40];
	[tilespmem:s13+$0x400] =	vst v33;
	v37 =	vadd.f32 v39, v63  }
0x652: {  	v6 =	vmul.f32 v6, v11;
	v50 =	vld [tilespmem:$0x17A10];
	v49 =	vadd.f32 v40, v45  }
0x653: {  	v31 =	vsub.f32 v31, v13;
	v51 =	vld [tilespmem:$0x17D10];
	[tilespmem:s30+$0x40] =	vst v37  }
0x654: {  	v6 =	vmul.f32 v6, v46;
	[tilespmem:s5+$0x70] =	vst v49;
	v52 =	vld [tilespmem:$0x17BD0]  }
0x655: {  	v54 =	vsub.f32 v47, v21;
	v31 =	vmul.f32 v31, v14;
	v53 =	vld [tilespmem:$0x17A00]  }
0x656: {  	v7 =	vsub.f32 v7, v16;
	v6 =	vadd.f32 v6, v48;
	v56 =	vld [tilespmem:$0x17ED0]  }
0x657: {  	v39 =	vmul.f32 v54, v22;
	v57 =	vld [tilespmem:$0x17D00];
	v31 =	vmul.f32 v31, v50  }
0x658: {  	v7 =	vmul.f32 v7, v15;
	v58 =	vld [tilespmem:s13+$0x420];
	[tilespmem:s14+$0x40] =	vst v6  }
0x659: {  	v6 =	vadd.f32 v31, v51;
	v31 =	vld [tilespmem:$0x17B50];
	v36 =	vmul.f32 v39, v52  }
0x65a: {  	v5 =	vsub.f32 v5, v12;
	v59 =	vld [tilespmem:s30+$0x60];
	v7 =	vmul.f32 v7, v53  }
0x65b: {  	[tilespmem:s13+$0x410] =	vst v6;
	v6 =	vld [tilespmem:$0x17E50];
	v33 =	vadd.f32 v36, v56  }
0x65c: {  	v5 =	vmul.f32 v5, v11;
	v60 =	vld [tilespmem:$0x17A20];
	v7 =	vadd.f32 v7, v57  }
0x65d: {  	v61 =	vsub.f32 v58, v13;
	v62 =	vld [tilespmem:$0x17D20];
	[tilespmem:s30+$0x50] =	vst v33  }
0x65e: {  	v5 =	vmul.f32 v5, v31;
	[tilespmem:s5+$0x400] =	vst v7;
	v7 =	vld [tilespmem:$0x17BE0]  }
0x65f: {  	v38 =	vsub.f32 v38, v16;
	v63 =	vmul.f32 v61, v14;
	v31 =	vld [tilespmem:$0x17A10]  }
0x660: {  	v37 =	vsub.f32 v59, v21;
	v5 =	vadd.f32 v5, v6;
	v6 =	vld [tilespmem:$0x17EE0]  }
0x661: {  	v42 =	vld [tilespmem:$0x17D10];
	v33 =	vmul.f32 v63, v60  }
0x662: {  	v44 =	vmul.f32 v38, v15;
	v45 =	vld [tilespmem:s13+$0x430];
	v43 =	vmul.f32 v37, v22  }
0x663: {  	v47 =	vld [tilespmem:s30+$0x70];
	[tilespmem:s14+$0x50] =	vst v5;
	v5 =	vadd.f32 v33, v62  }
0x664: {  	v53 =	vld [tilespmem:s13+$0x440];
	v7 =	vmul.f32 v43, v7;
	v31 =	vmul.f32 v44, v31  }
0x665: {  	v46 =	vld [tilespmem:$0x17B60];
	[tilespmem:s13+$0x420] =	vst v5  }
0x666: {  	v6 =	vadd.f32 v7, v6;
	v7 =	vadd.f32 v31, v42;
	v31 =	vld [tilespmem:$0x17A30]  }
0x667: {  	v48 =	vsub.f32 v45, v13;
	v5 =	vld [tilespmem:$0x17E60]  }
0x668: {  	v4 =	vsub.f32 v4, v12;
	v49 =	vld [tilespmem:$0x17D30];
	[tilespmem:s30+$0x60] =	vst v6  }
0x669: {  	v37 =	vmul.f32 v48, v14;
	[tilespmem:s5+$0x410] =	vst v7;
	v6 =	vld [tilespmem:$0x17BF0]  }
0x66a: {  	v4 =	vmul.f32 v4, v11;
	v36 =	vsub.f32 v47, v21;
	v7 =	vld [tilespmem:$0x17A20]  }
0x66b: {  	v35 =	vsub.f32 v35, v16;
	v50 =	vld [tilespmem:$0x17EF0];
	v31 =	vmul.f32 v37, v31  }
0x66c: {  	v52 =	vmul.f32 v36, v22;
	v4 =	vmul.f32 v4, v46;
	v51 =	vld [tilespmem:$0x17D20]  }
0x66d: {  	v32 =	vld [tilespmem:s5+$0x440];
	v35 =	vmul.f32 v35, v15;
	v31 =	vadd.f32 v31, v49  }
0x66e: {  	v34 =	vld [tilespmem:s5+$0x430];
	v5 =	vadd.f32 v4, v5;
	v6 =	vmul.f32 v52, v6  }
0x66f: {  	v54 =	vld [tilespmem:s5+$0x450];
	v7 =	vmul.f32 v35, v7;
	[tilespmem:s13+$0x430] =	vst v31  }
0x670: {  	[tilespmem:s14+$0x60] =	vst v5;
	v5 =	vadd.f32 v6, v50;
	v6 =	vld [tilespmem:$0x17A40]  }
0x671: {  	s28 =	sadd.s32 $0x3480, s21;
	v40 =	vld [tilespmem:s13+$0x470];
	v57 =	vsub.f32 v53, v13;
	v7 =	vadd.f32 v7, v51  }
0x672: {  	s21 =	sadd.s32 s1, s28;
	v58 =	vld [tilespmem:$0x17D40];
	[tilespmem:s30+$0x70] =	vst v5  }
0x673: {  	[tilespmem:s5+$0x420] =	vst v7;
	v7 =	vmul.f32 v57, v14;
	v5 =	vld [tilespmem:s21+$0x0]  }
0x674: {  	v59 =	vld [tilespmem:$0x17A30]  }
0x675: {  	v34 =	vsub.f32 v34, v16;
	v3 =	vld [tilespmem:$0x17E70];
	v6 =	vmul.f32 v7, v6  }
0x676: {  	v60 =	vld [tilespmem:$0x17D30]  }
0x677: {  	v61 =	vld [tilespmem:$0x17C00];
	v7 =	vmul.f32 v34, v15;
	v6 =	vadd.f32 v6, v58  }
0x678: {  	v31 =	vld [tilespmem:$0x17B70];
	v5 =	vsub.f32 v5, v21  }
0x679: {  	v1 =	vsub.f32 v1, v12;
	v62 =	vld [tilespmem:$0x17F00];
	v7 =	vmul.f32 v7, v59;
	[tilespmem:s13+$0x440] =	vst v6  }
0x67a: {  	v5 =	vmul.f32 v5, v22;
	v6 =	vld [tilespmem:$0x17A50]  }
0x67b: {  	v1 =	vmul.f32 v1, v11;
	v2 =	vsub.f32 v2, v13;
	v56 =	vld [tilespmem:s5+$0x460];
	v7 =	vadd.f32 v7, v60  }
0x67c: {  	v63 =	vld [tilespmem:$0x17D50];
	v5 =	vmul.f32 v5, v61  }
0x67d: {  	v2 =	vmul.f32 v2, v14;
	v1 =	vmul.f32 v1, v31;
	[tilespmem:s5+$0x430] =	vst v7;
	v7 =	vld [tilespmem:s21+$0x10]  }
0x67e: {  	v31 =	vld [tilespmem:$0x17A40];
	v5 =	vadd.f32 v5, v62  }
0x67f: {  	v32 =	vsub.f32 v32, v16;
	v1 =	vadd.f32 v1, v3;
	v3 =	vld [tilespmem:$0x17D40];
	v2 =	vmul.f32 v2, v6  }
0x680: {  	v6 =	vld [tilespmem:s13+$0x460];
	[tilespmem:s21+$0x0] =	vst v5  }
0x681: {  	[tilespmem:s14+$0x70] =	vst v1;
	v5 =	vmul.f32 v32, v15;
	v1 =	vld [tilespmem:$0x17C10];
	v2 =	vadd.f32 v2, v63  }
0x682: {  	v4 =	vld [tilespmem:s5+$0x470];
	v7 =	vsub.f32 v7, v21  }
0x683: {  	v5 =	vmul.f32 v5, v31;
	v31 =	vld [tilespmem:$0x17F10];
	[tilespmem:s13+$0x450] =	vst v2  }
0x684: {  	s1 =	sor.u32 s10, s29;
	v2 =	vmul.f32 v7, v22;
	v7 =	vld [tilespmem:$0x17A60]  }
0x685: {  	v36 =	vld [tilespmem:s1+$0x0];
	v3 =	vadd.f32 v5, v3;
	v5 =	vsub.f32 v6, v13  }
0x686: {  	v6 =	vld [tilespmem:$0x17D60];
	v1 =	vmul.f32 v2, v1  }
0x687: {  	[tilespmem:s5+$0x440] =	vst v3;
	v2 =	vld [tilespmem:s21+$0x20];
	v3 =	vmul.f32 v5, v14  }
0x688: {  	v39 =	vld [tilespmem:$0x17B80];
	v1 =	vadd.f32 v1, v31  }
0x689: {  	v5 =	vld [tilespmem:$0x17A50];
	v3 =	vmul.f32 v3, v7  }
0x68a: {  	v31 =	vld [tilespmem:$0x17D50];
	v7 =	vsub.f32 v54, v16;
	[tilespmem:s21+$0x10] =	vst v1  }
0x68b: {  	v41 =	vld [tilespmem:$0x17C20];
	v1 =	vadd.f32 v3, v6  }
0x68c: {  	v3 =	vmul.f32 v7, v15;
	v6 =	vld [tilespmem:$0x17E80];
	v2 =	vsub.f32 v2, v21  }
0x68d: {  	v7 =	vsub.f32 v36, v12;
	v42 =	vld [tilespmem:$0x17F20];
	[tilespmem:s13+$0x460] =	vst v1  }
0x68e: {  	v3 =	vmul.f32 v3, v5;
	v2 =	vmul.f32 v2, v22;
	v5 =	vld [tilespmem:$0x17A70]  }
0x68f: {  	v43 =	vld [tilespmem:s21+$0x30];
	v34 =	vsub.f32 v40, v13;
	v7 =	vmul.f32 v7, v11  }
0x690: {  	v3 =	vadd.f32 v3, v31;
	v31 =	vld [tilespmem:$0x17D70];
	v2 =	vmul.f32 v2, v41  }
0x691: {  	v34 =	vmul.f32 v34, v14;
	v44 =	vld [tilespmem:s1+$0x10];
	v7 =	vmul.f32 v7, v39  }
0x692: {  	v48 =	vld [tilespmem:s1+$0x20];
	[tilespmem:s5+$0x450] =	vst v3;
	v2 =	vadd.f32 v2, v42  }
0x693: {  	v3 =	vadd.f32 v7, v6;
	v6 =	vld [tilespmem:$0x17A60];
	v5 =	vmul.f32 v34, v5  }
0x694: {  	v7 =	vsub.f32 v56, v16;
	v45 =	vld [tilespmem:$0x17D60];
	[tilespmem:s21+$0x20] =	vst v2  }
0x695: {  	[tilespmem:s1+$0x0] =	vst v3;
	v2 =	vld [tilespmem:$0x17C30];
	v3 =	vadd.f32 v5, v31  }
0x696: {  	s31 =	sadd.s32 $0x2880, s19;
	v5 =	vmul.f32 v7, v15;
	v7 =	vld [tilespmem:$0x17B90]  }
0x697: {  	s30 =	sadd.s32 s20, s31;
	v31 =	vsub.f32 v43, v21;
	v46 =	vld [tilespmem:$0x17F30];
	[tilespmem:s13+$0x470] =	vst v3  }
0x698: {  	v3 =	vmul.f32 v5, v6;
	v6 =	vld [tilespmem:s30+$0x0]  }
0x699: {  	v40 =	vld [tilespmem:s1+$0x40];
	v47 =	vsub.f32 v44, v12;
	v5 =	vmul.f32 v31, v22  }
0x69a: {  	v31 =	vld [tilespmem:$0x17E90];
	v3 =	vadd.f32 v3, v45  }
0x69b: {  	v49 =	vmul.f32 v47, v11;
	v2 =	vmul.f32 v5, v2;
	v5 =	vld [tilespmem:s21+$0x40]  }
0x69c: {  	[tilespmem:s5+$0x460] =	vst v3;
	v3 =	vld [tilespmem:$0x17A80]  }
0x69d: {  	v51 =	vld [tilespmem:$0x17D80];
	v7 =	vmul.f32 v49, v7;
	v2 =	vadd.f32 v2, v46;
	v6 =	vsub.f32 v6, v13  }
0x69e: {  	v50 =	vld [tilespmem:$0x17A70]  }
0x69f: {  	v30 =	vsub.f32 v30, v18;
	v7 =	vadd.f32 v7, v31;
	v31 =	vld [tilespmem:$0x17D70];
	[tilespmem:s21+$0x30] =	vst v2;
	v6 =	vmul.f32 v6, v14  }
0x6a0: {  	v4 =	vsub.f32 v4, v16;
	v2 =	vld [tilespmem:$0x17C40]  }
0x6a1: {  	v30 =	vmul.f32 v30, v17;
	v5 =	vsub.f32 v5, v21;
	v52 =	vld [tilespmem:$0x17F40];
	v3 =	vmul.f32 v6, v3  }
0x6a2: {  	v4 =	vmul.f32 v4, v15;
	v6 =	vld [tilespmem:s30+$0x10]  }
0x6a3: {  	v0 =	vmul.f32 v30, v0;
	v30 =	vld [tilespmem:s1+$0x60];
	[tilespmem:s1+$0x10] =	vst v7;
	v5 =	vmul.f32 v5, v22;
	v3 =	vadd.f32 v3, v51  }
0x6a4: {  	v7 =	vld [tilespmem:$0x17BA0];
	v4 =	vmul.f32 v4, v50  }
0x6a5: {  	v54 =	vsub.f32 v48, v12;
	v53 =	vld [tilespmem:$0x17EA0];
	v2 =	vmul.f32 v5, v2;
	[tilespmem:s30+$0x0] =	vst v3  }
0x6a6: {  	v3 =	vadd.f32 v4, v31;
	v4 =	vld [tilespmem:$0x17A90]  }
0x6a7: {  	v5 =	vmul.f32 v54, v11;
	v31 =	vld [tilespmem:s21+$0x50];
	v2 =	vadd.f32 v2, v52;
	v6 =	vsub.f32 v6, v13  }
0x6a8: {  	s14 =	sor.u32 s23, s31;
	[tilespmem:s5+$0x470] =	vst v3;
	v3 =	vld [tilespmem:$0x17D90]  }
0x6a9: {  	v5 =	vmul.f32 v5, v7;
	[tilespmem:s21+$0x40] =	vst v2;
	v2 =	vld [tilespmem:s14+$0x0];
	v6 =	vmul.f32 v6, v14  }
0x6aa: {  	v1 =	vld [tilespmem:$0x17F20]  }
0x6ab: {  	v5 =	vadd.f32 v5, v53;
	v7 =	vld [tilespmem:$0x17C50];
	v4 =	vmul.f32 v6, v4  }
0x6ac: {  	v6 =	vsub.f32 v31, v21;
	v31 =	vld [tilespmem:s30+$0x20]  }
0x6ad: {  	[tilespmem:s1+$0x20] =	vst v5;
	v5 =	vld [tilespmem:$0x17A80];
	v3 =	vadd.f32 v4, v3  }
0x6ae: {  	v60 =	vld [tilespmem:s21+$0x60];
	v6 =	vmul.f32 v6, v22;
	v2 =	vsub.f32 v2, v16  }
0x6af: {  	v58 =	vld [tilespmem:$0x17D80];
	[tilespmem:s30+$0x10] =	vst v3  }
0x6b0: {  	v3 =	vmul.f32 v6, v7;
	v2 =	vmul.f32 v2, v15;
	v6 =	vld [tilespmem:$0x17AA0]  }
0x6b1: {  	v56 =	vld [tilespmem:s1+$0x30];
	v31 =	vsub.f32 v31, v13  }
0x6b2: {  	v0 =	vadd.f32 v0, v1;
	v59 =	vld [tilespmem:$0x17DA0];
	v2 =	vmul.f32 v2, v5  }
0x6b3: {  	v5 =	vld [tilespmem:s14+$0x10];
	v31 =	vmul.f32 v31, v14  }
0x6b4: {  	[tilespmem:s18+$0x20] =	vst v0;
	v50 =	vld [tilespmem:s1+$0x50];
	v2 =	vadd.f32 v2, v58  }
0x6b5: {  	v54 =	vld [tilespmem:$0x17C30];
	v6 =	vmul.f32 v31, v6  }
0x6b6: {  	[tilespmem:s14+$0x0] =	vst v2;
	v2 =	vld [tilespmem:s30+$0x30]  }
0x6b7: {  	v31 =	vld [tilespmem:$0x17A90];
	v6 =	vadd.f32 v6, v59  }
0x6b8: {  	v42 =	vld [tilespmem:s14+$0x30];
	v5 =	vsub.f32 v5, v16  }
0x6b9: {  	v63 =	vld [tilespmem:$0x17D90];
	[tilespmem:s30+$0x20] =	vst v6  }
0x6ba: {  	v5 =	vmul.f32 v5, v15;
	v6 =	vld [tilespmem:$0x17AB0]  }
0x6bb: {  	v4 =	vld [tilespmem:$0x17BB0];
	v2 =	vsub.f32 v2, v13  }
0x6bc: {  	v41 =	vld [tilespmem:$0x17DB0];
	v5 =	vmul.f32 v5, v31  }
0x6bd: {  	v31 =	vld [tilespmem:s14+$0x20];
	v2 =	vmul.f32 v2, v14  }
0x6be: {  	v35 =	vsub.f32 v56, v12;
	v57 =	vld [tilespmem:$0x17F50];
	v5 =	vadd.f32 v5, v63  }
0x6bf: {  	v7 =	vld [tilespmem:$0x17EB0];
	v2 =	vmul.f32 v2, v6  }
0x6c0: {  	v6 =	vmul.f32 v35, v11;
	[tilespmem:s14+$0x10] =	vst v5;
	v5 =	vld [tilespmem:s30+$0x40]  }
0x6c1: {  	v43 =	vld [tilespmem:$0x17AA0];
	v44 =	vadd.f32 v2, v41  }
0x6c2: {  	v45 =	vld [tilespmem:s14+$0x40];
	v4 =	vmul.f32 v6, v4;
	v6 =	vsub.f32 v31, v16  }
0x6c3: {  	v3 =	vadd.f32 v3, v57;
	v31 =	vld [tilespmem:$0x17DA0];
	[tilespmem:s30+$0x30] =	vst v44  }
0x6c4: {  	v4 =	vadd.f32 v4, v7;
	v6 =	vmul.f32 v6, v15;
	v7 =	vld [tilespmem:$0x17AC0]  }
0x6c5: {  	v48 =	vld [tilespmem:s14+$0x50];
	[tilespmem:s21+$0x50] =	vst v3;
	v5 =	vsub.f32 v5, v13  }
0x6c6: {  	[tilespmem:s1+$0x30] =	vst v4;
	v4 =	vmul.f32 v6, v43;
	v6 =	vld [tilespmem:$0x17DC0]  }
0x6c7: {  	v3 =	vld [tilespmem:$0x17C60];
	v5 =	vmul.f32 v5, v14  }
0x6c8: {  	v46 =	vld [tilespmem:$0x17BC0];
	v4 =	vadd.f32 v4, v31  }
0x6c9: {  	v47 =	vsub.f32 v40, v12;
	v31 =	vld [tilespmem:$0x17EC0];
	v5 =	vmul.f32 v5, v7  }
0x6ca: {  	[tilespmem:s14+$0x20] =	vst v4;
	v4 =	vld [tilespmem:s30+$0x50]  }
0x6cb: {  	v7 =	vmul.f32 v47, v11;
	v49 =	vld [tilespmem:$0x17AB0];
	v5 =	vadd.f32 v5, v6  }
0x6cc: {  	v61 =	vld [tilespmem:$0x17F60];
	v6 =	vsub.f32 v42, v16  }
0x6cd: {  	v62 =	vsub.f32 v60, v21;
	v51 =	vld [tilespmem:$0x17DB0];
	v7 =	vmul.f32 v7, v46;
	[tilespmem:s30+$0x40] =	vst v5  }
0x6ce: {  	v5 =	vmul.f32 v6, v15;
	v6 =	vld [tilespmem:$0x17AD0]  }
0x6cf: {  	v33 =	vmul.f32 v62, v22;
	v57 =	vld [tilespmem:s1+$0x70];
	v7 =	vadd.f32 v7, v31;
	v4 =	vsub.f32 v4, v13  }
0x6d0: {  	v52 =	vld [tilespmem:$0x17DD0];
	v5 =	vmul.f32 v5, v49  }
0x6d1: {  	v33 =	vmul.f32 v33, v3;
	v3 =	vld [tilespmem:s21+$0x70];
	[tilespmem:s1+$0x40] =	vst v7;
	v4 =	vmul.f32 v4, v14  }
0x6d2: {  	v7 =	vld [tilespmem:$0x17BD0];
	v5 =	vadd.f32 v5, v51  }
0x6d3: {  	v36 =	vsub.f32 v50, v12;
	v32 =	vadd.f32 v33, v61;
	v1 =	vld [tilespmem:$0x17ED0];
	v4 =	vmul.f32 v4, v6  }
0x6d4: {  	[tilespmem:s14+$0x30] =	vst v5;
	v5 =	vld [tilespmem:s30+$0x60]  }
0x6d5: {  	[tilespmem:s21+$0x60] =	vst v32;
	v6 =	vmul.f32 v36, v11;
	v0 =	vld [tilespmem:$0x17AC0];
	v4 =	vadd.f32 v4, v52  }
0x6d6: {  	v53 =	vsub.f32 v45, v16;
	v58 =	vld [tilespmem:$0x17F70]  }
0x6d7: {  	v6 =	vmul.f32 v6, v7;
	v7 =	vld [tilespmem:$0x17DC0];
	[tilespmem:s30+$0x50] =	vst v4  }
0x6d8: {  	v4 =	vsub.f32 v29, v18;
	v29 =	vmul.f32 v53, v15;
	v56 =	vld [tilespmem:$0x17AE0]  }
0x6d9: {  	v1 =	vadd.f32 v6, v1;
	v6 =	vld [tilespmem:$0x17F30];
	v5 =	vsub.f32 v5, v13  }
0x6da: {  	v4 =	vmul.f32 v4, v17;
	v0 =	vmul.f32 v29, v0;
	v29 =	vld [tilespmem:$0x17DE0]  }
0x6db: {  	v2 =	vld [tilespmem:$0x17C70];
	[tilespmem:s1+$0x50] =	vst v1;
	v1 =	vmul.f32 v5, v14  }
0x6dc: {  	v5 =	vld [tilespmem:$0x17BE0];
	v4 =	vmul.f32 v4, v54;
	v0 =	vadd.f32 v0, v7  }
0x6dd: {  	v30 =	vsub.f32 v30, v12;
	v7 =	vld [tilespmem:$0x17EE0];
	v1 =	vmul.f32 v1, v56  }
0x6de: {  	v4 =	vadd.f32 v4, v6;
	[tilespmem:s14+$0x40] =	vst v0;
	v0 =	vld [tilespmem:s30+$0x70]  }
0x6df: {  	v30 =	vmul.f32 v30, v11;
	v6 =	vld [tilespmem:$0x17AD0];
	v1 =	vadd.f32 v1, v29  }
0x6e0: {  	v31 =	vld [tilespmem:s14+$0x60];
	v29 =	vsub.f32 v48, v16;
	[tilespmem:s18+$0x30] =	vst v4  }
0x6e1: {  	v4 =	vld [tilespmem:$0x17DD0];
	v5 =	vmul.f32 v30, v5;
	[tilespmem:s30+$0x60] =	vst v1  }
0x6e2: {  	v29 =	vmul.f32 v29, v15;
	v30 =	vld [tilespmem:$0x17AF0]  }
0x6e3: {  	v1 =	vld [tilespmem:$0x17C40];
	v5 =	vadd.f32 v5, v7;
	v0 =	vsub.f32 v0, v13  }
0x6e4: {  	v26 =	vsub.f32 v26, v18;
	v6 =	vmul.f32 v29, v6;
	v29 =	vld [tilespmem:$0x17DF0]  }
0x6e5: {  	v7 =	vld [tilespmem:$0x17F40];
	[tilespmem:s1+$0x60] =	vst v5;
	v0 =	vmul.f32 v0, v14  }
0x6e6: {  	v26 =	vmul.f32 v26, v17;
	v5 =	vld [tilespmem:$0x17BF0];
	v4 =	vadd.f32 v6, v4  }
0x6e7: {  	v59 =	vsub.f32 v57, v12;
	v6 =	vld [tilespmem:$0x17EF0];
	v0 =	vmul.f32 v0, v30  }
0x6e8: {  	v1 =	vmul.f32 v26, v1;
	v30 =	vld [tilespmem:s14+$0x70];
	[tilespmem:s14+$0x50] =	vst v4  }
0x6e9: {  	v33 =	vmul.f32 v59, v11;
	v4 =	vld [tilespmem:$0x17AE0];
	v0 =	vadd.f32 v0, v29  }
0x6ea: {  	s31 =	sadd.s32 $0x2C80, s19;
	v26 =	vsub.f32 v31, v16;
	v1 =	vadd.f32 v1, v7;
	v7 =	vld [tilespmem:$0x17DE0]  }
0x6eb: {  	s29 =	sadd.s32 s20, s31;
	v29 =	vld [tilespmem:s18+$0x70];
	v5 =	vmul.f32 v33, v5;
	[tilespmem:s30+$0x70] =	vst v0  }
0x6ec: {  	[tilespmem:s18+$0x40] =	vst v1;
	v0 =	vmul.f32 v26, v15;
	v1 =	vld [tilespmem:s29+$0x0]  }
0x6ed: {  	v5 =	vadd.f32 v5, v6;
	v6 =	vld [tilespmem:$0x17C50]  }
0x6ee: {  	v26 =	vld [tilespmem:$0x17F50];
	v0 =	vmul.f32 v0, v4  }
0x6ef: {  	v61 =	vld [tilespmem:s29+$0x10]  }
0x6f0: {  	s10 =	sor.u32 s10, s28;
	[tilespmem:s1+$0x70] =	vst v5;
	v5 =	vld [tilespmem:$0x17B00];
	v0 =	vadd.f32 v0, v7  }
0x6f1: {  	v4 =	vld [tilespmem:s10+$0x0];
	v1 =	vsub.f32 v1, v13  }
0x6f2: {  	[tilespmem:s14+$0x60] =	vst v0;
	v0 =	vld [tilespmem:$0x17E00]  }
0x6f3: {  	v3 =	vsub.f32 v3, v21;
	v31 =	vld [tilespmem:$0x17AF0];
	v1 =	vmul.f32 v1, v14  }
0x6f4: {  	v30 =	vsub.f32 v30, v16;
	v63 =	vld [tilespmem:s10+$0x40]  }
0x6f5: {  	v3 =	vmul.f32 v3, v22;
	v60 =	vld [tilespmem:$0x17DF0];
	v1 =	vmul.f32 v1, v5  }
0x6f6: {  	v30 =	vmul.f32 v30, v15;
	v7 =	vld [tilespmem:$0x17C00];
	v4 =	vsub.f32 v4, v12  }
0x6f7: {  	v2 =	vmul.f32 v3, v2;
	v5 =	vld [tilespmem:$0x17F00];
	v0 =	vadd.f32 v1, v0  }
0x6f8: {  	v3 =	vmul.f32 v4, v11;
	v4 =	vld [tilespmem:s29+$0x20];
	v30 =	vmul.f32 v30, v31  }
0x6f9: {  	v1 =	vld [tilespmem:s10+$0x10];
	[tilespmem:s29+$0x0] =	vst v0  }
0x6fa: {  	v20 =	vsub.f32 v23, v20;
	v23 =	vadd.f32 v30, v60;
	v30 =	vld [tilespmem:$0x17B10]  }
0x6fb: {  	v62 =	vsub.f32 v61, v13;
	v31 =	vld [tilespmem:s10+$0x20]  }
0x6fc: {  	v19 =	vmul.f32 v20, v19;
	s1 =	sor.u32 s23, s31;
	v20 =	vld [tilespmem:$0x17E10];
	[tilespmem:s14+$0x70] =	vst v23  }
0x6fd: {  	v21 =	vsub.f32 v28, v18;
	v28 =	vmul.f32 v62, v14;
	v23 =	vld [tilespmem:s1+$0x0]  }
0x6fe: {  	v19 =	vmul.f32 v19, v25;
	v0 =	vld [tilespmem:s10+$0x30]  }
0x6ff: {  	v21 =	vmul.f32 v21, v17;
	v22 =	vld [tilespmem:$0x17B00];
	v28 =	vmul.f32 v28, v30  }
0x700: {  	v24 =	vadd.f32 v19, v24;
	v25 =	vld [tilespmem:$0x17E00]  }
0x701: {  	v19 =	vsub.f32 v27, v18;
	v6 =	vmul.f32 v21, v6;
	v21 =	vld [tilespmem:s1+$0x10];
	v20 =	vadd.f32 v28, v20  }
0x702: {  	v28 =	vadd.f32 v2, v58;
	v2 =	vmul.f32 v3, v7;
	v3 =	vsub.f32 v23, v16;
	v7 =	vld [tilespmem:s1+$0x20]  }
0x703: {  	v19 =	vmul.f32 v19, v17;
	v1 =	vsub.f32 v1, v12;
	v23 =	vadd.f32 v6, v26;
	v6 =	vld [tilespmem:s1+$0x30];
	[tilespmem:s29+$0x10] =	vst v20  }
0x704: {  	v18 =	vsub.f32 v29, v18;
	v5 =	vadd.f32 v2, v5;
	v2 =	vmul.f32 v3, v15;
	v3 =	vld [tilespmem:$0x17B20]  }
0x705: {  	v26 =	vld [tilespmem:s1+$0x40];
	v20 =	vsub.f32 v0, v12;
	v0 =	vmul.f32 v1, v11;
	v1 =	vsub.f32 v4, v13  }
0x706: {  	v17 =	vmul.f32 v18, v17;
	v18 =	vsub.f32 v31, v12;
	v2 =	vmul.f32 v2, v22;
	v22 =	vld [tilespmem:$0x17E20]  }
0x707: {  	[tilespmem:s12+$0x70] =	vst v24;
	v29 =	vld [tilespmem:s1+$0x50];
	v4 =	vsub.f32 v63, v12;
	v24 =	vmul.f32 v1, v14  }
0x708: {  	v27 =	vmul.f32 v18, v11;
	v21 =	vsub.f32 v21, v16;
	v25 =	vadd.f32 v2, v25;
	v2 =	vld [tilespmem:s1+$0x60]  }
0x709: {  	[tilespmem:s21+$0x70] =	vst v28;
	v18 =	vmul.f32 v4, v11;
	v1 =	vld [tilespmem:s1+$0x70];
	v4 =	vsub.f32 v7, v16;
	v24 =	vmul.f32 v24, v3  }
0x70a: {  	v7 =	vsub.f32 v6, v16;
	v6 =	vmul.f32 v21, v15;
	v21 =	vld [tilespmem:s29+$0x30];
	[tilespmem:s1+$0x0] =	vst v25;
	v25 =	vsub.f32 v26, v16  }
0x70b: {  	[tilespmem:s18+$0x50] =	vst v23;
	v20 =	vmul.f32 v20, v11;
	v3 =	vmul.f32 v4, v15;
	v23 =	vld [tilespmem:$0x17B10];
	v24 =	vadd.f32 v24, v22  }
0x70c: {  	s12 =	simm.s32 $0x4;
	[tilespmem:s10+$0x0] =	vst v5;
	v5 =	vsub.f32 v29, v16;
	v4 =	vmul.f32 v7, v15;
	v22 =	vld [tilespmem:$0x17E10];
	v30 =	vmul.f32 v25, v15  }
.LBB2_11:
0x70d: {  	s12 =	sadd.s32 $0x2, s12;
	v2 =	vsub.f32 v2, v16;
	[tilespmem:s29+$0x20] =	vst v24;
	v7 =	vld [tilespmem:$0x17C10]  }
0x70e: {  	s5 =	sadd.s32 s4, s12;
	p0 =	slt.u32 s12, $0x1E;
	v31 =	vmul.f32 v5, v15;
	v1 =	vsub.f32 v1, v16;
	v5 =	vld [tilespmem:$0x17B30]  }
0x70f: {  	s5 =	sshrl.u32 s5, $0x3;
	v29 =	vmul.f32 v2, v15;
	v2 =	vsub.f32 v21, v13;
	v21 =	vld [tilespmem:$0x17F10]  }
0x710: {  	s5 =	smul.u32 $0x6000, s5;
	v6 =	vmul.f32 v6, v23;
	v28 =	vmul.f32 v1, v15;
	v1 =	vld [tilespmem:$0x17E30]  }
0x711: {  	v2 =	vmul.f32 v2, v14;
	v23 =	vld [tilespmem:s10+$0x50]  }
0x712: {  	s25 =	sadd.s32 $0x100, s25;
	s26 =	sadd.s32 $0x100, s26;
	s30 =	sshra.s32 s5, $0x2;
	v6 =	vadd.f32 v6, v22;
	v0 =	vmul.f32 v0, v7;
	v7 =	vld [tilespmem:s10+$0x60]  }
0x713: {  	s14 =	sand.u32 $0x380, s26;
	s5 =	sadd.s32 $0xFFFFFF80, s26;
	s21 =	sadd.s32 $0x2080, s30;
	v25 =	vld [tilespmem:s25+$0x0];
	v2 =	vmul.f32 v2, v5  }
0x714: {  	s13 =	sand.u32 $0x300, s5;
	s28 =	sadd.s32 s14, s21;
	[tilespmem:s1+$0x10] =	vst v6;
	v5 =	vld [tilespmem:s29+$0x40];
	v0 =	vadd.f32 v0, v21  }
0x715: {  	s5 =	sor.u32 s13, s21;
	v6 =	vld [tilespmem:s28+$0x0];
	v1 =	vadd.f32 v2, v1  }
0x716: {  	s9 =	sadd.s32 $0x100, s9;
	v2 =	vld [tilespmem:s5+$0x0];
	[tilespmem:s10+$0x10] =	vst v0;
	v0 =	vsub.f32 v23, v12  }
0x717: {  	v26 =	vld [tilespmem:s9+$0x0];
	[tilespmem:s29+$0x30] =	vst v1;
	v1 =	vsub.f32 v7, v12  }
0x718: {  	v7 =	vld [tilespmem:$0x17B40];
	v21 =	vmul.f32 v0, v11  }
0x719: {  	v0 =	vld [tilespmem:$0x17980];
	v5 =	vsub.f32 v5, v13;
	v24 =	vmul.f32 v1, v11  }
0x71a: {  	v1 =	vsub.f32 v6, v25;
	v6 =	vld [tilespmem:$0x17E40]  }
0x71b: {  	v32 =	vld [tilespmem:$0x17C80];
	v5 =	vmul.f32 v5, v14  }
0x71c: {  	v23 =	vld [tilespmem:s25+$0xFFFFFF80];
	v1 =	vmul.f32 v1, v26  }
0x71d: {  	v22 =	vld [tilespmem:s9+$0xFFFFFF80];
	v5 =	vmul.f32 v5, v7  }
0x71e: {  	v1 =	vmul.f32 v1, v0;
	v7 =	vld [tilespmem:s29+$0x50]  }
0x71f: {  	v33 =	vld [tilespmem:s28+$0x10];
	v5 =	vadd.f32 v5, v6  }
0x720: {  	v6 =	vld [tilespmem:s5+$0x10];
	v1 =	vadd.f32 v1, v32  }
0x721: {  	v2 =	vsub.f32 v2, v23;
	v34 =	vld [tilespmem:s5+$0x20];
	[tilespmem:s29+$0x40] =	vst v5  }
0x722: {  	[tilespmem:s28+$0x0] =	vst v1;
	v1 =	vld [tilespmem:$0x17B50]  }
0x723: {  	v2 =	vmul.f32 v2, v22;
	v5 =	vld [tilespmem:$0x17990];
	v7 =	vsub.f32 v7, v13  }
0x724: {  	v33 =	vsub.f32 v33, v25;
	v35 =	vld [tilespmem:$0x17E50]  }
0x725: {  	v0 =	vmul.f32 v2, v0;
	v2 =	vsub.f32 v6, v23;
	v6 =	vld [tilespmem:$0x17C90];
	v7 =	vmul.f32 v7, v14  }
0x726: {  	v34 =	vsub.f32 v34, v23;
	v36 =	vld [tilespmem:s5+$0x30];
	v33 =	vmul.f32 v33, v26  }
0x727: {  	v0 =	vadd.f32 v0, v32;
	v2 =	vmul.f32 v2, v22;
	v32 =	vld [tilespmem:s5+$0x40];
	v1 =	vmul.f32 v7, v1  }
0x728: {  	v7 =	vmul.f32 v34, v22;
	v5 =	vmul.f32 v33, v5;
	v33 =	vld [tilespmem:s29+$0x60]  }
0x729: {  	[tilespmem:s5+$0x0] =	vst v0;
	v34 =	vld [tilespmem:s28+$0x20];
	v0 =	vadd.f32 v1, v35  }
0x72a: {  	v1 =	vld [tilespmem:$0x17990];
	v5 =	vadd.f32 v5, v6  }
0x72b: {  	v6 =	vld [tilespmem:$0x17C90];
	v35 =	vsub.f32 v36, v23;
	[tilespmem:s29+$0x50] =	vst v0  }
0x72c: {  	v0 =	vsub.f32 v32, v23;
	[tilespmem:s28+$0x10] =	vst v5;
	v5 =	vld [tilespmem:$0x17B60]  }
0x72d: {  	v38 =	vmul.f32 v35, v22;
	v32 =	vld [tilespmem:$0x179A0];
	v33 =	vsub.f32 v33, v13  }
0x72e: {  	v0 =	vmul.f32 v0, v22;
	v34 =	vsub.f32 v34, v25;
	v35 =	vld [tilespmem:$0x17E60]  }
0x72f: {  	v1 =	vmul.f32 v2, v1;
	v2 =	vld [tilespmem:$0x17CA0];
	v33 =	vmul.f32 v33, v14  }
0x730: {  	v36 =	vld [tilespmem:s5+$0x50];
	v34 =	vmul.f32 v34, v26  }
0x731: {  	v1 =	vadd.f32 v1, v6;
	v6 =	vld [tilespmem:s5+$0x60];
	v5 =	vmul.f32 v33, v5  }
0x732: {  	v32 =	vmul.f32 v34, v32;
	v33 =	vld [tilespmem:s29+$0x70]  }
0x733: {  	[tilespmem:s5+$0x10] =	vst v1;
	v1 =	vld [tilespmem:s5+$0x70];
	v5 =	vadd.f32 v5, v35  }
0x734: {  	v2 =	vadd.f32 v32, v2;
	v32 =	vld [tilespmem:s28+$0x30]  }
0x735: {  	v34 =	vld [tilespmem:$0x179A0];
	v35 =	vsub.f32 v36, v23;
	[tilespmem:s29+$0x60] =	vst v5  }
0x736: {  	v5 =	vsub.f32 v6, v23;
	[tilespmem:s28+$0x20] =	vst v2;
	v2 =	vld [tilespmem:$0x17B70]  }
0x737: {  	v37 =	vmul.f32 v35, v22;
	v6 =	vld [tilespmem:$0x179B0];
	v33 =	vsub.f32 v33, v13  }
0x738: {  	v36 =	vmul.f32 v5, v22;
	v1 =	vsub.f32 v1, v23;
	v5 =	vld [tilespmem:$0x17E70]  }
0x739: {  	v39 =	vld [tilespmem:$0x17CA0];
	v32 =	vsub.f32 v32, v25;
	v33 =	vmul.f32 v33, v14  }
0x73a: {  	v7 =	vmul.f32 v7, v34;
	v35 =	vmul.f32 v1, v22;
	v1 =	vld [tilespmem:$0x17CB0]  }
0x73b: {  	v34 =	vld [tilespmem:s5+$0x400];
	v32 =	vmul.f32 v32, v26;
	v2 =	vmul.f32 v33, v2  }
0x73c: {  	v33 =	vld [tilespmem:s5+$0x410]  }
0x73d: {  	v40 =	vld [tilespmem:s5+$0x420];
	v6 =	vmul.f32 v32, v6;
	v2 =	vadd.f32 v2, v5  }
0x73e: {  	s31 =	sadd.s32 $0x3080, s19;
	v5 =	vadd.f32 v7, v39;
	v7 =	vld [tilespmem:s28+$0x40]  }
0x73f: {  	s21 =	sor.u32 s23, s31;
	v39 =	vld [tilespmem:s5+$0x430];
	v1 =	vadd.f32 v6, v1;
	[tilespmem:s29+$0x70] =	vst v2;
	s29 =	sadd.s32 s20, s31  }
0x740: {  	[tilespmem:s5+$0x20] =	vst v5;
	v2 =	vsub.f32 v34, v23;
	v5 =	vld [tilespmem:s29+$0x0]  }
0x741: {  	v6 =	vld [tilespmem:$0x179B0];
	v32 =	vsub.f32 v33, v23;
	[tilespmem:s28+$0x30] =	vst v1  }
0x742: {  	v34 =	vmul.f32 v2, v22;
	v1 =	vsub.f32 v40, v23;
	v2 =	vld [tilespmem:$0x179C0]  }
0x743: {  	v33 =	vmul.f32 v32, v22;
	v7 =	vsub.f32 v7, v25;
	v40 =	vld [tilespmem:$0x17CC0]  }
0x744: {  	v32 =	vmul.f32 v1, v22;
	v1 =	vsub.f32 v39, v23;
	v39 =	vld [tilespmem:$0x17B80]  }
0x745: {  	v41 =	vld [tilespmem:$0x17CB0];
	v7 =	vmul.f32 v7, v26;
	v5 =	vsub.f32 v5, v13  }
0x746: {  	v38 =	vmul.f32 v38, v6;
	v6 =	vmul.f32 v1, v22;
	v1 =	vld [tilespmem:$0x17E80]  }
0x747: {  	v42 =	vld [tilespmem:s5+$0x440];
	v2 =	vmul.f32 v7, v2;
	v5 =	vmul.f32 v5, v14  }
0x748: {  	v7 =	vld [tilespmem:s28+$0x50]  }
0x749: {  	v43 =	vld [tilespmem:s5+$0x450];
	v2 =	vadd.f32 v2, v40;
	v5 =	vmul.f32 v5, v39  }
0x74a: {  	v38 =	vadd.f32 v38, v41;
	v39 =	vld [tilespmem:s29+$0x10]  }
0x74b: {  	v40 =	vld [tilespmem:s5+$0x460];
	[tilespmem:s28+$0x40] =	vst v2;
	v1 =	vadd.f32 v5, v1  }
0x74c: {  	[tilespmem:s5+$0x30] =	vst v38;
	v2 =	vsub.f32 v42, v23;
	v38 =	vld [tilespmem:$0x179D0]  }
0x74d: {  	v7 =	vsub.f32 v7, v25;
	v41 =	vld [tilespmem:$0x17CD0];
	[tilespmem:s29+$0x0] =	vst v1  }
0x74e: {  	v5 =	vmul.f32 v2, v22;
	v1 =	vsub.f32 v43, v23;
	v42 =	vld [tilespmem:$0x17B90]  }
0x74f: {  	v43 =	vld [tilespmem:$0x179C0];
	v7 =	vmul.f32 v7, v26;
	v39 =	vsub.f32 v39, v13  }
0x750: {  	v2 =	vmul.f32 v1, v22;
	v1 =	vsub.f32 v40, v23;
	v40 =	vld [tilespmem:$0x17E90]  }
0x751: {  	v44 =	vld [tilespmem:$0x17CC0];
	v7 =	vmul.f32 v7, v38;
	v38 =	vmul.f32 v39, v14  }
0x752: {  	v1 =	vmul.f32 v1, v22;
	v39 =	vld [tilespmem:s28+$0x60]  }
0x753: {  	v45 =	vld [tilespmem:s5+$0x470];
	v7 =	vadd.f32 v7, v41;
	v38 =	vmul.f32 v38, v42  }
0x754: {  	v0 =	vmul.f32 v0, v43;
	v41 =	vld [tilespmem:s29+$0x20]  }
0x755: {  	[tilespmem:s28+$0x50] =	vst v7;
	v7 =	vld [tilespmem:$0x17B20];
	v38 =	vadd.f32 v38, v40  }
0x756: {  	v0 =	vadd.f32 v0, v44;
	v40 =	vld [tilespmem:$0x179E0]  }
0x757: {  	v39 =	vsub.f32 v39, v25;
	v42 =	vld [tilespmem:$0x17CE0];
	[tilespmem:s29+$0x10] =	vst v38  }
0x758: {  	[tilespmem:s5+$0x40] =	vst v0;
	v0 =	vsub.f32 v45, v23;
	v38 =	vld [tilespmem:$0x17BA0]  }
0x759: {  	v43 =	vld [tilespmem:$0x179D0];
	v39 =	vmul.f32 v39, v26;
	v41 =	vsub.f32 v41, v13  }
0x75a: {  	v0 =	vmul.f32 v0, v22;
	v3 =	vmul.f32 v3, v7;
	v7 =	vld [tilespmem:$0x17EA0]  }
0x75b: {  	v44 =	vld [tilespmem:$0x17CD0];
	v39 =	vmul.f32 v39, v40;
	v40 =	vmul.f32 v41, v14  }
0x75c: {  	v41 =	vld [tilespmem:s28+$0x70]  }
0x75d: {  	v39 =	vadd.f32 v39, v42;
	v42 =	vld [tilespmem:$0x17E20];
	v38 =	vmul.f32 v40, v38  }
0x75e: {  	v37 =	vmul.f32 v37, v43;
	v40 =	vld [tilespmem:s29+$0x30]  }
0x75f: {  	[tilespmem:s28+$0x60] =	vst v39;
	v7 =	vadd.f32 v38, v7;
	v38 =	vld [tilespmem:$0x17C20]  }
0x760: {  	v37 =	vadd.f32 v37, v44;
	v39 =	vld [tilespmem:$0x179F0]  }
0x761: {  	v41 =	vsub.f32 v41, v25;
	v43 =	vld [tilespmem:$0x17CF0];
	[tilespmem:s29+$0x20] =	vst v7  }
0x762: {  	[tilespmem:s5+$0x50] =	vst v37;
	v3 =	vadd.f32 v3, v42;
	v7 =	vld [tilespmem:$0x17BB0]  }
0x763: {  	v37 =	vld [tilespmem:$0x179E0];
	v41 =	vmul.f32 v41, v26;
	v40 =	vsub.f32 v40, v13  }
0x764: {  	[tilespmem:s1+$0x20] =	vst v3;
	v42 =	vld [tilespmem:$0x17EB0];
	v3 =	vmul.f32 v27, v38  }
0x765: {  	v27 =	vld [tilespmem:$0x17CE0];
	v38 =	vmul.f32 v41, v39;
	v39 =	vmul.f32 v40, v14  }
0x766: {  	v40 =	vld [tilespmem:s28+$0x400]  }
0x767: {  	v38 =	vadd.f32 v38, v43;
	v41 =	vld [tilespmem:$0x17B30];
	v7 =	vmul.f32 v39, v7  }
0x768: {  	v36 =	vmul.f32 v36, v37;
	v37 =	vld [tilespmem:s29+$0x40]  }
0x769: {  	[tilespmem:s28+$0x70] =	vst v38;
	v38 =	vld [tilespmem:$0x17E30];
	v7 =	vadd.f32 v7, v42  }
0x76a: {  	v27 =	vadd.f32 v36, v27;
	v36 =	vld [tilespmem:$0x17A00]  }
0x76b: {  	v39 =	vsub.f32 v40, v25;
	v40 =	vld [tilespmem:$0x17D00];
	[tilespmem:s29+$0x30] =	vst v7  }
0x76c: {  	[tilespmem:s5+$0x60] =	vst v27;
	v4 =	vmul.f32 v4, v41;
	v7 =	vld [tilespmem:$0x17BC0]  }
0x76d: {  	v27 =	vld [tilespmem:$0x179F0];
	v39 =	vmul.f32 v39, v26;
	v37 =	vsub.f32 v37, v13  }
0x76e: {  	v4 =	vadd.f32 v4, v38;
	v38 =	vld [tilespmem:$0x17EC0]  }
0x76f: {  	v41 =	vld [tilespmem:$0x17CF0];
	v36 =	vmul.f32 v39, v36;
	v37 =	vmul.f32 v37, v14  }
0x770: {  	v39 =	vld [tilespmem:s28+$0x410];
	[tilespmem:s1+$0x30] =	vst v4  }
0x771: {  	v4 =	vadd.f32 v36, v40;
	v36 =	vld [tilespmem:$0x17B40];
	v7 =	vmul.f32 v37, v7  }
0x772: {  	v27 =	vmul.f32 v35, v27;
	v35 =	vld [tilespmem:s29+$0x50]  }
0x773: {  	[tilespmem:s28+$0x400] =	vst v4;
	v4 =	vld [tilespmem:$0x17E40];
	v7 =	vadd.f32 v7, v38  }
0x774: {  	v27 =	vadd.f32 v27, v41;
	v37 =	vld [tilespmem:$0x17A10]  }
0x775: {  	v38 =	vsub.f32 v39, v25;
	v39 =	vld [tilespmem:$0x17D10];
	[tilespmem:s29+$0x40] =	vst v7  }
0x776: {  	[tilespmem:s5+$0x70] =	vst v27;
	v7 =	vmul.f32 v30, v36;
	v27 =	vld [tilespmem:$0x17BD0]  }
0x777: {  	v30 =	vld [tilespmem:$0x17A00];
	v36 =	vmul.f32 v38, v26;
	v35 =	vsub.f32 v35, v13  }
0x778: {  	v4 =	vadd.f32 v7, v4;
	v7 =	vld [tilespmem:$0x17ED0]  }
0x779: {  	v38 =	vld [tilespmem:$0x17D00];
	v36 =	vmul.f32 v36, v37;
	v35 =	vmul.f32 v35, v14  }
0x77a: {  	v37 =	vld [tilespmem:s28+$0x420];
	[tilespmem:s1+$0x40] =	vst v4  }
0x77b: {  	v4 =	vadd.f32 v36, v39;
	v36 =	vld [tilespmem:$0x17B50];
	v27 =	vmul.f32 v35, v27  }
0x77c: {  	v30 =	vmul.f32 v34, v30;
	v34 =	vld [tilespmem:s29+$0x60]  }
0x77d: {  	[tilespmem:s28+$0x410] =	vst v4;
	v4 =	vld [tilespmem:$0x17E50];
	v7 =	vadd.f32 v27, v7  }
0x77e: {  	v27 =	vadd.f32 v30, v38;
	v30 =	vld [tilespmem:$0x17A20]  }
0x77f: {  	v35 =	vsub.f32 v37, v25;
	v37 =	vld [tilespmem:$0x17D20];
	[tilespmem:s29+$0x50] =	vst v7  }
0x780: {  	[tilespmem:s5+$0x400] =	vst v27;
	v7 =	vmul.f32 v31, v36;
	v27 =	vld [tilespmem:$0x17BE0]  }
0x781: {  	v31 =	vld [tilespmem:$0x17A10];
	v35 =	vmul.f32 v35, v26;
	v34 =	vsub.f32 v34, v13  }
0x782: {  	v4 =	vadd.f32 v7, v4;
	v7 =	vld [tilespmem:$0x17EE0]  }
0x783: {  	v36 =	vld [tilespmem:$0x17D10];
	v30 =	vmul.f32 v35, v30;
	v34 =	vmul.f32 v34, v14  }
0x784: {  	v35 =	vld [tilespmem:s28+$0x430];
	[tilespmem:s1+$0x50] =	vst v4  }
0x785: {  	v4 =	vadd.f32 v30, v37;
	v30 =	vld [tilespmem:$0x17B60];
	v27 =	vmul.f32 v34, v27  }
0x786: {  	v31 =	vmul.f32 v33, v31;
	v33 =	vld [tilespmem:s29+$0x70]  }
0x787: {  	[tilespmem:s28+$0x420] =	vst v4;
	v4 =	vld [tilespmem:$0x17E60];
	v7 =	vadd.f32 v27, v7  }
0x788: {  	v27 =	vadd.f32 v31, v36;
	v31 =	vld [tilespmem:$0x17A30]  }
0x789: {  	v34 =	vsub.f32 v35, v25;
	v35 =	vld [tilespmem:$0x17D30];
	[tilespmem:s29+$0x60] =	vst v7  }
0x78a: {  	[tilespmem:s5+$0x410] =	vst v27;
	v7 =	vmul.f32 v29, v30;
	v27 =	vld [tilespmem:$0x17BF0]  }
0x78b: {  	v29 =	vld [tilespmem:$0x17A20];
	v30 =	vmul.f32 v34, v26;
	v33 =	vsub.f32 v33, v13  }
0x78c: {  	v4 =	vadd.f32 v7, v4;
	v7 =	vld [tilespmem:$0x17EF0]  }
0x78d: {  	v34 =	vld [tilespmem:$0x17D20];
	v30 =	vmul.f32 v30, v31;
	v31 =	vmul.f32 v33, v14  }
0x78e: {  	v33 =	vld [tilespmem:s28+$0x440];
	[tilespmem:s1+$0x60] =	vst v4  }
0x78f: {  	v4 =	vadd.f32 v30, v35;
	v30 =	vld [tilespmem:$0x17B70];
	v27 =	vmul.f32 v31, v27  }
0x790: {  	v29 =	vmul.f32 v32, v29;
	v31 =	vld [tilespmem:$0x17E70]  }
0x791: {  	[tilespmem:s28+$0x430] =	vst v4;
	v4 =	vadd.f32 v27, v7;
	v7 =	vld [tilespmem:$0x17F20]  }
0x792: {  	s31 =	sadd.s32 $0x3480, s19;
	s19 =	smov.u32 s30;
	v27 =	vadd.f32 v29, v34;
	v29 =	vld [tilespmem:$0x17A40]  }
0x793: {  	s30 =	sor.u32 s23, s31;
	v32 =	vsub.f32 v33, v25;
	v33 =	vld [tilespmem:$0x17D40];
	[tilespmem:s29+$0x70] =	vst v4;
	s29 =	sadd.s32 s20, s31;
	s20 =	smov.u32 s14  }
0x794: {  	s23 =	smov.u32 s13;
	[tilespmem:s5+$0x420] =	vst v27;
	v4 =	vmul.f32 v28, v30;
	v27 =	vld [tilespmem:s29+$0x0]  }
0x795: {  	v28 =	vld [tilespmem:$0x17A30];
	v30 =	vmul.f32 v32, v26  }
0x796: {  	v32 =	vld [tilespmem:$0x17D30];
	v4 =	vadd.f32 v4, v31;
	v3 =	vadd.f32 v3, v7  }
0x797: {  	v7 =	vmul.f32 v30, v29;
	v29 =	vld [tilespmem:s28+$0x450]  }
0x798: {  	[tilespmem:s1+$0x70] =	vst v4;
	v4 =	vld [tilespmem:$0x17C00]  }
0x799: {  	v7 =	vadd.f32 v7, v33;
	v30 =	vld [tilespmem:s21+$0x0];
	v27 =	vsub.f32 v27, v13;
	[tilespmem:s10+$0x20] =	vst v3  }
0x79a: {  	v3 =	vmul.f32 v6, v28;
	v6 =	vld [tilespmem:$0x17F00]  }
0x79b: {  	[tilespmem:s28+$0x440] =	vst v7;
	v7 =	vld [tilespmem:$0x17B80];
	v27 =	vmul.f32 v27, v14  }
0x79c: {  	v3 =	vadd.f32 v3, v32;
	v28 =	vld [tilespmem:$0x17A50]  }
0x79d: {  	v29 =	vsub.f32 v29, v25;
	v31 =	vld [tilespmem:$0x17D50];
	v4 =	vmul.f32 v27, v4  }
0x79e: {  	[tilespmem:s5+$0x430] =	vst v3;
	v3 =	vsub.f32 v30, v16;
	v27 =	vld [tilespmem:s29+$0x10]  }
0x79f: {  	v29 =	vmul.f32 v29, v26;
	v30 =	vld [tilespmem:$0x17A40];
	v4 =	vadd.f32 v4, v6  }
0x7a0: {  	v6 =	vld [tilespmem:$0x17D40];
	v3 =	vmul.f32 v3, v15  }
0x7a1: {  	v28 =	vmul.f32 v29, v28;
	v29 =	vld [tilespmem:s28+$0x460];
	[tilespmem:s29+$0x0] =	vst v4  }
0x7a2: {  	v3 =	vmul.f32 v3, v7;
	v4 =	vld [tilespmem:$0x17C10]  }
0x7a3: {  	v7 =	vadd.f32 v28, v31;
	v28 =	vld [tilespmem:$0x17E80];
	v27 =	vsub.f32 v27, v13  }
0x7a4: {  	v5 =	vmul.f32 v5, v30;
	v30 =	vld [tilespmem:$0x17F10]  }
0x7a5: {  	[tilespmem:s28+$0x450] =	vst v7;
	v7 =	vld [tilespmem:s21+$0x10];
	v27 =	vmul.f32 v27, v14  }
0x7a6: {  	v5 =	vadd.f32 v5, v6;
	v6 =	vld [tilespmem:$0x17A60]  }
0x7a7: {  	v29 =	vsub.f32 v29, v25;
	v31 =	vld [tilespmem:$0x17D60];
	v4 =	vmul.f32 v27, v4  }
0x7a8: {  	[tilespmem:s5+$0x440] =	vst v5;
	v3 =	vadd.f32 v3, v28;
	v5 =	vld [tilespmem:s29+$0x20]  }
0x7a9: {  	v28 =	vmul.f32 v29, v26;
	v27 =	vld [tilespmem:$0x17A50];
	v4 =	vadd.f32 v4, v30  }
0x7aa: {  	v29 =	vld [tilespmem:$0x17D50];
	[tilespmem:s21+$0x0] =	vst v3;
	v3 =	vsub.f32 v7, v16  }
0x7ab: {  	v6 =	vmul.f32 v28, v6;
	v7 =	vld [tilespmem:s28+$0x470];
	[tilespmem:s29+$0x10] =	vst v4  }
0x7ac: {  	v3 =	vmul.f32 v3, v15;
	v4 =	vld [tilespmem:$0x17C20]  }
0x7ad: {  	v6 =	vadd.f32 v6, v31;
	v28 =	vld [tilespmem:$0x17B90];
	v5 =	vsub.f32 v5, v13  }
0x7ae: {  	v2 =	vmul.f32 v2, v27;
	v27 =	vld [tilespmem:$0x17F20]  }
0x7af: {  	[tilespmem:s28+$0x460] =	vst v6;
	v6 =	vld [tilespmem:$0x17E90];
	v5 =	vmul.f32 v5, v14  }
0x7b0: {  	v2 =	vadd.f32 v2, v29;
	v29 =	vld [tilespmem:$0x17A70]  }
0x7b1: {  	v7 =	vsub.f32 v7, v25;
	v30 =	vld [tilespmem:$0x17D70];
	v4 =	vmul.f32 v5, v4  }
0x7b2: {  	[tilespmem:s5+$0x450] =	vst v2;
	v2 =	vmul.f32 v3, v28;
	v3 =	vld [tilespmem:s29+$0x30]  }
0x7b3: {  	v7 =	vmul.f32 v7, v26;
	v5 =	vld [tilespmem:$0x17A60];
	v4 =	vadd.f32 v4, v27  }
0x7b4: {  	v27 =	vld [tilespmem:$0x17D60];
	v2 =	vadd.f32 v2, v6  }
0x7b5: {  	v6 =	vmul.f32 v7, v29;
	v7 =	vld [tilespmem:s21+$0x20];
	[tilespmem:s29+$0x20] =	vst v4  }
0x7b6: {  	[tilespmem:s21+$0x10] =	vst v2;
	v2 =	vld [tilespmem:$0x17C30]  }
0x7b7: {  	v4 =	vadd.f32 v6, v30;
	v6 =	vld [tilespmem:$0x17BA0];
	v3 =	vsub.f32 v3, v13  }
0x7b8: {  	s1 =	sadd.s32 $0x2880, s19;
	v1 =	vmul.f32 v1, v5;
	v5 =	vld [tilespmem:$0x17F30]  }
0x7b9: {  	s13 =	sor.u32 s23, s1;
	s14 =	sadd.s32 s20, s1;
	[tilespmem:s28+$0x470] =	vst v4;
	v4 =	vld [tilespmem:$0x17EA0];
	v3 =	vmul.f32 v3, v14  }
0x7ba: {  	v1 =	vadd.f32 v1, v27;
	v27 =	vld [tilespmem:s14+$0x0];
	v7 =	vsub.f32 v7, v16  }
0x7bb: {  	v28 =	vld [tilespmem:s21+$0x30];
	v2 =	vmul.f32 v3, v2  }
0x7bc: {  	[tilespmem:s5+$0x460] =	vst v1;
	v1 =	vmul.f32 v7, v15;
	v3 =	vld [tilespmem:s29+$0x40]  }
0x7bd: {  	v7 =	vld [tilespmem:$0x17A70];
	v2 =	vadd.f32 v2, v5  }
0x7be: {  	v5 =	vld [tilespmem:$0x17A80];
	v1 =	vmul.f32 v1, v6  }
0x7bf: {  	v6 =	vsub.f32 v27, v25;
	v27 =	vld [tilespmem:$0x17D80];
	[tilespmem:s29+$0x30] =	vst v2  }
0x7c0: {  	v1 =	vadd.f32 v1, v4;
	v2 =	vsub.f32 v28, v16;
	v4 =	vld [tilespmem:$0x17C40]  }
0x7c1: {  	v28 =	vld [tilespmem:$0x17D70];
	v6 =	vmul.f32 v6, v26;
	v3 =	vsub.f32 v3, v13  }
0x7c2: {  	v0 =	vmul.f32 v0, v7;
	[tilespmem:s21+$0x20] =	vst v1;
	v1 =	vmul.f32 v2, v15;
	v2 =	vld [tilespmem:$0x17F40]  }
0x7c3: {  	v5 =	vmul.f32 v6, v5;
	v6 =	vld [tilespmem:$0x17BB0];
	v3 =	vmul.f32 v3, v14  }
0x7c4: {  	v7 =	vld [tilespmem:s14+$0x10]  }
0x7c5: {  	v5 =	vadd.f32 v5, v27;
	v27 =	vld [tilespmem:$0x17EB0];
	v3 =	vmul.f32 v3, v4  }
0x7c6: {  	v0 =	vadd.f32 v0, v28;
	v4 =	vld [tilespmem:s29+$0x50]  }
0x7c7: {  	[tilespmem:s14+$0x0] =	vst v5;
	v5 =	vld [tilespmem:s21+$0x40];
	v2 =	vadd.f32 v3, v2  }
0x7c8: {  	[tilespmem:s5+$0x470] =	vst v0;
	v0 =	vld [tilespmem:$0x17A90];
	v1 =	vmul.f32 v1, v6  }
0x7c9: {  	v3 =	vsub.f32 v7, v25;
	v6 =	vld [tilespmem:$0x17D90];
	[tilespmem:s29+$0x40] =	vst v2  }
0x7ca: {  	v1 =	vadd.f32 v1, v27;
	v2 =	vld [tilespmem:$0x17C50]  }
0x7cb: {  	v7 =	vld [tilespmem:s13+$0x0];
	v3 =	vmul.f32 v3, v26;
	v4 =	vsub.f32 v4, v13  }
0x7cc: {  	[tilespmem:s21+$0x30] =	vst v1;
	v1 =	vsub.f32 v5, v16;
	v5 =	vld [tilespmem:$0x17F50]  }
0x7cd: {  	v27 =	vld [tilespmem:$0x17A80];
	v0 =	vmul.f32 v3, v0;
	v3 =	vmul.f32 v4, v14  }
0x7ce: {  	v4 =	vld [tilespmem:s14+$0x20];
	v28 =	vmul.f32 v1, v15  }
0x7cf: {  	v1 =	vld [tilespmem:$0x17D80];
	v0 =	vadd.f32 v0, v6;
	v2 =	vmul.f32 v3, v2  }
0x7d0: {  	v3 =	vsub.f32 v7, v23;
	v6 =	vld [tilespmem:s29+$0x60]  }
0x7d1: {  	v7 =	vld [tilespmem:s13+$0x10];
	[tilespmem:s14+$0x10] =	vst v0;
	v0 =	vadd.f32 v2, v5  }
0x7d2: {  	v2 =	vmul.f32 v3, v22;
	v3 =	vld [tilespmem:$0x17AA0]  }
0x7d3: {  	v4 =	vsub.f32 v4, v25;
	v5 =	vld [tilespmem:$0x17DA0];
	[tilespmem:s29+$0x50] =	vst v0  }
0x7d4: {  	v0 =	vmul.f32 v2, v27;
	v2 =	vld [tilespmem:$0x17C60]  }
0x7d5: {  	v27 =	vld [tilespmem:s13+$0x20];
	v4 =	vmul.f32 v4, v26;
	v6 =	vsub.f32 v6, v13  }
0x7d6: {  	v0 =	vadd.f32 v0, v1;
	v1 =	vsub.f32 v7, v23;
	v7 =	vld [tilespmem:$0x17F60]  }
0x7d7: {  	v29 =	vld [tilespmem:s13+$0x30];
	v3 =	vmul.f32 v4, v3;
	v4 =	vmul.f32 v6, v14  }
0x7d8: {  	[tilespmem:s13+$0x0] =	vst v0;
	v0 =	vmul.f32 v1, v22;
	v1 =	vld [tilespmem:s14+$0x30]  }
0x7d9: {  	v6 =	vld [tilespmem:$0x17A90];
	v3 =	vadd.f32 v3, v5;
	v2 =	vmul.f32 v4, v2  }
0x7da: {  	v4 =	vsub.f32 v27, v23;
	v5 =	vld [tilespmem:s29+$0x70]  }
0x7db: {  	v27 =	vld [tilespmem:$0x17D90];
	[tilespmem:s14+$0x20] =	vst v3;
	v2 =	vadd.f32 v2, v7  }
0x7dc: {  	v3 =	vmul.f32 v4, v22;
	v4 =	vsub.f32 v29, v23;
	v7 =	vld [tilespmem:$0x17AB0]  }
0x7dd: {  	v1 =	vsub.f32 v1, v25;
	v29 =	vld [tilespmem:$0x17DB0];
	[tilespmem:s29+$0x60] =	vst v2  }
0x7de: {  	v0 =	vmul.f32 v0, v6;
	v2 =	vmul.f32 v4, v22;
	v4 =	vld [tilespmem:$0x17C70]  }
0x7df: {  	v6 =	vld [tilespmem:s13+$0x40];
	v1 =	vmul.f32 v1, v26;
	v5 =	vsub.f32 v5, v13;
	v13 =	vmov v25  }
0x7e0: {  	v0 =	vadd.f32 v0, v27;
	v25 =	vld [tilespmem:$0x17F70]  }
0x7e1: {  	v27 =	vld [tilespmem:s13+$0x50];
	v1 =	vmul.f32 v1, v7;
	v5 =	vmul.f32 v5, v14;
	v14 =	vmov v26  }
0x7e2: {  	[tilespmem:s13+$0x10] =	vst v0;
	v0 =	vld [tilespmem:s14+$0x40]  }
0x7e3: {  	v7 =	vld [tilespmem:$0x17AA0];
	v1 =	vadd.f32 v1, v29;
	v4 =	vmul.f32 v5, v4  }
0x7e4: {  	v5 =	vld [tilespmem:$0x17DA0];
	v6 =	vsub.f32 v6, v23  }
0x7e5: {  	v26 =	vld [tilespmem:s13+$0x60];
	[tilespmem:s14+$0x30] =	vst v1;
	v1 =	vadd.f32 v4, v25  }
0x7e6: {  	v4 =	vmul.f32 v6, v22;
	v6 =	vsub.f32 v27, v23;
	v25 =	vld [tilespmem:$0x17AC0]  }
0x7e7: {  	v27 =	vld [tilespmem:s13+$0x70];
	v0 =	vsub.f32 v0, v13;
	[tilespmem:s29+$0x70] =	vst v1  }
0x7e8: {  	v1 =	vmul.f32 v3, v7;
	v3 =	vmul.f32 v6, v22;
	v6 =	vld [tilespmem:$0x17DC0]  }
0x7e9: {  	v0 =	vmul.f32 v0, v14;
	v7 =	vld [tilespmem:$0x17BC0]  }
0x7ea: {  	v1 =	vadd.f32 v1, v5;
	v5 =	vsub.f32 v26, v23;
	v26 =	vld [tilespmem:$0x17EC0]  }
0x7eb: {  	v0 =	vmul.f32 v0, v25;
	v25 =	vld [tilespmem:s21+$0x50]  }
0x7ec: {  	[tilespmem:s13+$0x20] =	vst v1;
	v1 =	vmul.f32 v5, v22;
	v5 =	vsub.f32 v27, v23;
	v27 =	vld [tilespmem:s14+$0x50]  }
0x7ed: {  	v29 =	vld [tilespmem:$0x17AB0];
	v6 =	vadd.f32 v0, v6  }
0x7ee: {  	v30 =	vld [tilespmem:$0x17DB0];
	v0 =	vmul.f32 v5, v22;
	v5 =	vmul.f32 v28, v7  }
0x7ef: {  	[tilespmem:s14+$0x40] =	vst v6;
	v6 =	vld [tilespmem:s21+$0x60]  }
0x7f0: {  	v7 =	vld [tilespmem:$0x17AD0];
	v5 =	vadd.f32 v5, v26;
	v25 =	vsub.f32 v25, v16  }
0x7f1: {  	v26 =	vsub.f32 v27, v13;
	v27 =	vld [tilespmem:s21+$0x70]  }
0x7f2: {  	v2 =	vmul.f32 v2, v29;
	v28 =	vld [tilespmem:$0x17DD0];
	[tilespmem:s21+$0x40] =	vst v5;
	v5 =	vmul.f32 v25, v15  }
0x7f3: {  	v25 =	vmul.f32 v26, v14;
	v26 =	vld [tilespmem:$0x17BD0]  }
0x7f4: {  	v2 =	vadd.f32 v2, v30;
	v29 =	vld [tilespmem:$0x17ED0];
	v6 =	vsub.f32 v6, v16  }
0x7f5: {  	v7 =	vmul.f32 v25, v7;
	v25 =	vld [tilespmem:$0x17C30]  }
0x7f6: {  	[tilespmem:s13+$0x30] =	vst v2;
	v2 =	vld [tilespmem:s14+$0x60];
	v6 =	vmul.f32 v6, v15;
	v27 =	vsub.f32 v27, v16  }
0x7f7: {  	v30 =	vld [tilespmem:$0x17AC0];
	v7 =	vadd.f32 v7, v28  }
0x7f8: {  	v28 =	vld [tilespmem:$0x17DC0];
	v5 =	vmul.f32 v5, v26;
	v26 =	vmul.f32 v27, v15  }
0x7f9: {  	[tilespmem:s14+$0x50] =	vst v7;
	v7 =	vld [tilespmem:$0x17F30]  }
0x7fa: {  	v27 =	vld [tilespmem:$0x17AE0];
	v5 =	vadd.f32 v5, v29;
	v20 =	vmul.f32 v20, v25  }
0x7fb: {  	v2 =	vsub.f32 v2, v13;
	v25 =	vld [tilespmem:$0x17C60]  }
0x7fc: {  	v4 =	vmul.f32 v4, v30;
	v29 =	vld [tilespmem:$0x17DE0];
	[tilespmem:s21+$0x50] =	vst v5  }
0x7fd: {  	v2 =	vmul.f32 v2, v14;
	v5 =	vld [tilespmem:$0x17BE0]  }
0x7fe: {  	v4 =	vadd.f32 v4, v28;
	v28 =	vld [tilespmem:$0x17EE0];
	v7 =	vadd.f32 v20, v7  }
0x7ff: {  	v2 =	vmul.f32 v2, v27;
	v20 =	vld [tilespmem:$0x17F60]  }
0x800: {  	[tilespmem:s13+$0x40] =	vst v4;
	v4 =	vld [tilespmem:s14+$0x70];
	v25 =	vmul.f32 v19, v25;
	v19 =	vmov v24  }
0x801: {  	v24 =	vld [tilespmem:$0x17AD0];
	v2 =	vadd.f32 v2, v29;
	[tilespmem:s10+$0x30] =	vst v7  }
0x802: {  	v7 =	vld [tilespmem:$0x17DD0];
	v5 =	vmul.f32 v6, v5  }
0x803: {  	[tilespmem:s14+$0x60] =	vst v2;
	v2 =	vld [tilespmem:$0x17C40]  }
0x804: {  	v6 =	vld [tilespmem:$0x17AF0];
	v5 =	vadd.f32 v5, v28;
	v20 =	vadd.f32 v25, v20  }
0x805: {  	v4 =	vsub.f32 v4, v13;
	v25 =	vld [tilespmem:$0x17F40]  }
0x806: {  	v3 =	vmul.f32 v3, v24;
	v24 =	vld [tilespmem:$0x17DF0];
	[tilespmem:s21+$0x60] =	vst v5  }
0x807: {  	v4 =	vmul.f32 v4, v14;
	v5 =	vld [tilespmem:$0x17BF0];
	[tilespmem:s18+$0x60] =	vst v20  }
0x808: {  	v3 =	vadd.f32 v3, v7;
	v7 =	vld [tilespmem:$0x17EF0];
	v2 =	vmul.f32 v18, v2  }
0x809: {  	v4 =	vmul.f32 v4, v6;
	v6 =	vld [tilespmem:s10+$0x70]  }
0x80a: {  	[tilespmem:s13+$0x50] =	vst v3;
	v2 =	vadd.f32 v2, v25;
	v3 =	vld [tilespmem:$0x17C70]  }
0x80b: {  	v18 =	vld [tilespmem:$0x17AE0];
	v4 =	vadd.f32 v4, v24  }
0x80c: {  	s5 =	sadd.s32 $0x2C80, s19;
	v20 =	vld [tilespmem:$0x17DE0];
	v5 =	vmul.f32 v26, v5;
	[tilespmem:s10+$0x40] =	vst v2  }
0x80d: {  	s1 =	sor.u32 s23, s5;
	s29 =	sadd.s32 s20, s5;
	[tilespmem:s14+$0x70] =	vst v4;
	v2 =	vld [tilespmem:$0x17C50]  }
0x80e: {  	v4 =	vld [tilespmem:s29+$0x0];
	v5 =	vadd.f32 v5, v7;
	v6 =	vsub.f32 v6, v12;
	v12 =	vmovc v16;
	v16 =	vmov v23  }
0x80f: {  	v7 =	vld [tilespmem:$0x17F50];
	v3 =	vmul.f32 v17, v3  }
0x810: {  	v1 =	vmul.f32 v1, v18;
	[tilespmem:s21+$0x70] =	vst v5;
	v17 =	vmul.f32 v6, v11;
	v5 =	vld [tilespmem:$0x17F70];
	v11 =	vmovc v15;
	v15 =	vmov v22  }
0x811: {  	v6 =	vld [tilespmem:s30+$0x0]  }
0x812: {  	v1 =	vadd.f32 v1, v20;
	v18 =	vld [tilespmem:$0x17B00];
	v2 =	vmul.f32 v21, v2  }
0x813: {  	v4 =	vsub.f32 v4, v13;
	v20 =	vld [tilespmem:$0x17C00]  }
0x814: {  	[tilespmem:s13+$0x60] =	vst v1;
	v1 =	vld [tilespmem:$0x17E00];
	v2 =	vadd.f32 v2, v7  }
0x815: {  	v7 =	vld [tilespmem:$0x17AF0];
	v4 =	vmul.f32 v4, v14;
	v3 =	vadd.f32 v3, v5  }
0x816: {  	v5 =	vld [tilespmem:$0x17DF0];
	v6 =	vsub.f32 v6, v12;
	[tilespmem:s10+$0x50] =	vst v2  }
0x817: {  	v2 =	vmul.f32 v4, v18;
	v4 =	vld [tilespmem:$0x17F00];
	[tilespmem:s18+$0x70] =	vst v3;
	s18 =	smov.u32 s10;
	s10 =	smov.u32 s30  }
0x818: {  	v3 =	vld [tilespmem:s29+$0x10];
	v6 =	vmul.f32 v6, v11  }
0x819: {  	v1 =	vadd.f32 v2, v1;
	v2 =	vld [tilespmem:s10+$0x10]  }
0x81a: {  	v0 =	vmul.f32 v0, v7;
	v6 =	vmul.f32 v6, v20;
	v7 =	vld [tilespmem:s10+$0x20]  }
0x81b: {  	[tilespmem:s29+$0x0] =	vst v1;
	v1 =	vld [tilespmem:s10+$0x30]  }
0x81c: {  	v0 =	vadd.f32 v0, v5;
	v5 =	vld [tilespmem:$0x17B10];
	v4 =	vadd.f32 v6, v4  }
0x81d: {  	v3 =	vsub.f32 v3, v13;
	v6 =	vld [tilespmem:s10+$0x40]  }
0x81e: {  	[tilespmem:s13+$0x70] =	vst v0;
	v18 =	vld [tilespmem:$0x17E10];
	v0 =	vsub.f32 v2, v12  }
0x81f: {  	v2 =	vld [tilespmem:s1+$0x0];
	v3 =	vmul.f32 v3, v14;
	[tilespmem:s10+$0x0] =	vst v4;
	v4 =	vsub.f32 v7, v12  }
0x820: {  	v7 =	vld [tilespmem:$0x17B00];
	v0 =	vmul.f32 v0, v11;
	v1 =	vsub.f32 v1, v12  }
0x821: {  	v21 =	vld [tilespmem:$0x17E00];
	v3 =	vmul.f32 v3, v5;
	v27 =	vmul.f32 v4, v11  }
0x822: {  	v4 =	vld [tilespmem:s29+$0x20];
	v20 =	vmul.f32 v1, v11;
	v1 =	vsub.f32 v6, v12  }
0x823: {  	v5 =	vld [tilespmem:s1+$0x10];
	v3 =	vadd.f32 v3, v18  }
0x824: {  	v2 =	vsub.f32 v2, v16;
	v6 =	vld [tilespmem:s1+$0x20];
	v18 =	vmul.f32 v1, v11  }
0x825: {  	v1 =	vld [tilespmem:s1+$0x30];
	[tilespmem:s29+$0x10] =	vst v3  }
0x826: {  	v2 =	vmul.f32 v2, v15;
	v22 =	vld [tilespmem:$0x17B20]  }
0x827: {  	v23 =	vld [tilespmem:s1+$0x40];
	v3 =	vsub.f32 v4, v13  }
0x828: {  	v2 =	vmul.f32 v2, v7;
	v4 =	vsub.f32 v5, v16;
	v5 =	vld [tilespmem:$0x17E20]  }
0x829: {  	v7 =	vsub.f32 v6, v16;
	v25 =	vld [tilespmem:s1+$0x50];
	v24 =	vmul.f32 v3, v14  }
.Ltmp4:
0x82a: {  	v21 =	vadd.f32 v2, v21;
	v6 =	vmul.f32 v4, v15;
	v4 =	vsub.f32 v1, v16;
	v2 =	vld [tilespmem:s1+$0x60];
	(pc) =	sbr.rel @p0 .LBB2_11-.Ltmp4, $4  }
0x82b: {  	v3 =	vmul.f32 v7, v15;
	v1 =	vld [tilespmem:s1+$0x70];
	v7 =	vmul.f32 v24, v22  }
0x82c: {  	[tilespmem:s1+$0x0] =	vst v21;
	v4 =	vmul.f32 v4, v15;
	v26 =	vsub.f32 v23, v16;
	v21 =	vld [tilespmem:s29+$0x30]  }
0x82d: {  	v23 =	vld [tilespmem:$0x17B10];
	v24 =	vadd.f32 v7, v5  }
0x82e: {  	v22 =	vld [tilespmem:$0x17E10];
	v30 =	vmul.f32 v26, v15;
	v5 =	vsub.f32 v25, v16  }
0x82f: {  	_ =	sdelay $0x2  }
0x830: {  	v6 =	vmul.f32 v6, v23;
	_ =	sdelay $0x1  }
0x831: {  	v6 =	vadd.f32 v6, v22;
	_ =	sdelay $0x1  }
0x832: {  	[tilespmem:s1+$0x10] =	vst v6  }
0x833: {  	v6 =	vld [tilespmem:$0x17B20];
	_ =	sdelay $0x1  }
0x834: {  	v7 =	vld [tilespmem:$0x17E20]  }
0x835: {  	[tilespmem:s29+$0x20] =	vst v24  }
0x836: {  	v41 =	vld [tilespmem:$0x17B30]  }
0x837: {  	v21 =	vsub.f32 v21, v13;
	v3 =	vmul.f32 v3, v6  }
0x838: {  	v6 =	vld [tilespmem:$0x17E30]  }
0x839: {  	v21 =	vmul.f32 v21, v14;
	v3 =	vadd.f32 v3, v7;
	_ =	sdelay $0x1  }
0x83a: {  	v42 =	vld [tilespmem:s29+$0x40];
	v7 =	vmul.f32 v21, v41;
	[tilespmem:s1+$0x20] =	vst v3  }
0x83b: {  	v3 =	vld [tilespmem:$0x17B30]  }
0x83c: {  	v6 =	vadd.f32 v7, v6  }
0x83d: {  	v7 =	vld [tilespmem:$0x17E30]  }
0x83e: {  	[tilespmem:s29+$0x30] =	vst v6  }
0x83f: {  	v6 =	vld [tilespmem:$0x17B40]  }
0x840: {  	v21 =	vsub.f32 v42, v13;
	v3 =	vmul.f32 v4, v3  }
0x841: {  	v43 =	vld [tilespmem:$0x17E40]  }
0x842: {  	v21 =	vmul.f32 v21, v14;
	v3 =	vadd.f32 v3, v7;
	_ =	sdelay $0x1  }
0x843: {  	v7 =	vld [tilespmem:s29+$0x50];
	v6 =	vmul.f32 v21, v6;
	[tilespmem:s1+$0x30] =	vst v3  }
0x844: {  	v3 =	vld [tilespmem:$0x17B40]  }
0x845: {  	v4 =	vadd.f32 v6, v43  }
0x846: {  	v6 =	vld [tilespmem:$0x17E40]  }
0x847: {  	[tilespmem:s29+$0x40] =	vst v4  }
0x848: {  	v4 =	vld [tilespmem:$0x17B50]  }
0x849: {  	v7 =	vsub.f32 v7, v13;
	v3 =	vmul.f32 v30, v3  }
0x84a: {  	v44 =	vld [tilespmem:$0x17E50]  }
0x84b: {  	v7 =	vmul.f32 v7, v14;
	v3 =	vadd.f32 v3, v6;
	_ =	sdelay $0x1  }
0x84c: {  	v6 =	vld [tilespmem:s29+$0x60];
	v4 =	vmul.f32 v7, v4;
	[tilespmem:s1+$0x40] =	vst v3  }
0x84d: {  	v3 =	vld [tilespmem:$0x17B50]  }
0x84e: {  	v4 =	vadd.f32 v4, v44  }
0x84f: {  	v7 =	vld [tilespmem:$0x17E50]  }
0x850: {  	v5 =	vmul.f32 v5, v15;
	[tilespmem:s29+$0x50] =	vst v4  }
0x851: {  	v4 =	vld [tilespmem:$0x17B60]  }
0x852: {  	v6 =	vsub.f32 v6, v13;
	v3 =	vmul.f32 v5, v3  }
0x853: {  	v45 =	vld [tilespmem:$0x17E60]  }
0x854: {  	v6 =	vmul.f32 v6, v14;
	v3 =	vadd.f32 v3, v7;
	_ =	sdelay $0x1  }
0x855: {  	v4 =	vmul.f32 v6, v4;
	v6 =	vld [tilespmem:s29+$0x70];
	[tilespmem:s1+$0x50] =	vst v3  }
0x856: {  	v3 =	vld [tilespmem:$0x17B60]  }
0x857: {  	v2 =	vsub.f32 v2, v16;
	v4 =	vadd.f32 v4, v45  }
0x858: {  	v46 =	vld [tilespmem:$0x17E60]  }
0x859: {  	v2 =	vmul.f32 v2, v15;
	[tilespmem:s29+$0x60] =	vst v4  }
0x85a: {  	v4 =	vld [tilespmem:$0x17B70]  }
0x85b: {  	v6 =	vsub.f32 v6, v13;
	v2 =	vmul.f32 v2, v3  }
0x85c: {  	v47 =	vld [tilespmem:$0x17E70]  }
0x85d: {  	v6 =	vmul.f32 v6, v14;
	v2 =	vadd.f32 v2, v46;
	_ =	sdelay $0x1  }
0x85e: {  	v4 =	vmul.f32 v6, v4;
	[tilespmem:s1+$0x60] =	vst v2  }
0x85f: {  	v2 =	vld [tilespmem:$0x17B70]  }
0x860: {  	v1 =	vsub.f32 v1, v16;
	v3 =	vadd.f32 v4, v47  }
0x861: {  	s5 =	sadd.s32 $0x3080, s19;
	v48 =	vld [tilespmem:$0x17E70]  }
0x862: {  	s4 =	sadd.s32 s20, s5;
	v1 =	vmul.f32 v1, v15;
	[tilespmem:s29+$0x70] =	vst v3  }
0x863: {  	v3 =	vld [tilespmem:s4+$0x0]  }
0x864: {  	v1 =	vmul.f32 v1, v2;
	_ =	sdelay $0x1  }
0x865: {  	v1 =	vadd.f32 v1, v48  }
0x866: {  	v49 =	vld [tilespmem:$0x17B80]  }
0x867: {  	s5 =	sor.u32 s23, s5;
	v50 =	vld [tilespmem:$0x17E80];
	v3 =	vsub.f32 v3, v13;
	[tilespmem:s1+$0x70] =	vst v1  }
0x868: {  	v1 =	vld [tilespmem:s5+$0x0]  }
0x869: {  	v3 =	vmul.f32 v3, v14;
	_ =	sdelay $0x1  }
0x86a: {  	v51 =	vld [tilespmem:s4+$0x10];
	v2 =	vmul.f32 v3, v49  }
0x86b: {  	v52 =	vld [tilespmem:$0x17B80]  }
0x86c: {  	v2 =	vadd.f32 v2, v50;
	v1 =	vsub.f32 v1, v16  }
0x86d: {  	v53 =	vld [tilespmem:$0x17E80]  }
0x86e: {  	[tilespmem:s4+$0x0] =	vst v2;
	v1 =	vmul.f32 v1, v15  }
0x86f: {  	v2 =	vld [tilespmem:$0x17B90]  }
0x870: {  	v54 =	vld [tilespmem:s5+$0x10];
	v3 =	vsub.f32 v51, v13;
	v1 =	vmul.f32 v1, v52  }
0x871: {  	v6 =	vld [tilespmem:$0x17E90]  }
0x872: {  	v3 =	vmul.f32 v3, v14;
	v1 =	vadd.f32 v1, v53;
	_ =	sdelay $0x1  }
0x873: {  	v56 =	vld [tilespmem:s4+$0x20];
	v2 =	vmul.f32 v3, v2;
	[tilespmem:s5+$0x0] =	vst v1  }
0x874: {  	v1 =	vld [tilespmem:$0x17B90]  }
0x875: {  	v57 =	vsub.f32 v54, v16;
	v2 =	vadd.f32 v2, v6  }
0x876: {  	v58 =	vld [tilespmem:$0x17E90]  }
0x877: {  	v59 =	vmul.f32 v57, v15;
	[tilespmem:s4+$0x10] =	vst v2  }
0x878: {  	v60 =	vld [tilespmem:$0x17BA0]  }
0x879: {  	v61 =	vld [tilespmem:s5+$0x20];
	v3 =	vsub.f32 v56, v13;
	v1 =	vmul.f32 v59, v1  }
0x87a: {  	v6 =	vld [tilespmem:$0x17EA0]  }
0x87b: {  	v3 =	vmul.f32 v3, v14;
	v1 =	vadd.f32 v1, v58;
	_ =	sdelay $0x1  }
0x87c: {  	v62 =	vld [tilespmem:s4+$0x30];
	v3 =	vmul.f32 v3, v60;
	[tilespmem:s5+$0x10] =	vst v1  }
0x87d: {  	v1 =	vld [tilespmem:$0x17BA0]  }
0x87e: {  	v2 =	vsub.f32 v61, v16;
	v3 =	vadd.f32 v3, v6  }
0x87f: {  	v63 =	vld [tilespmem:$0x17EA0]  }
0x880: {  	v2 =	vmul.f32 v2, v15;
	[tilespmem:s4+$0x20] =	vst v3  }
0x881: {  	v3 =	vld [tilespmem:$0x17BB0]  }
0x882: {  	v4 =	vsub.f32 v62, v13;
	v21 =	vld [tilespmem:s5+$0x30];
	v1 =	vmul.f32 v2, v1  }
0x883: {  	v6 =	vld [tilespmem:$0x17EB0]  }
0x884: {  	v4 =	vmul.f32 v4, v14;
	v1 =	vadd.f32 v1, v63;
	_ =	sdelay $0x1  }
0x885: {  	v22 =	vld [tilespmem:s4+$0x40];
	v3 =	vmul.f32 v4, v3;
	[tilespmem:s5+$0x20] =	vst v1  }
0x886: {  	v1 =	vld [tilespmem:$0x17BB0]  }
0x887: {  	v2 =	vsub.f32 v21, v16;
	v3 =	vadd.f32 v3, v6  }
0x888: {  	v23 =	vld [tilespmem:$0x17EB0]  }
0x889: {  	v2 =	vmul.f32 v2, v15;
	[tilespmem:s4+$0x30] =	vst v3  }
0x88a: {  	v3 =	vld [tilespmem:$0x17BC0]  }
0x88b: {  	v24 =	vld [tilespmem:s5+$0x40];
	v4 =	vsub.f32 v22, v13;
	v1 =	vmul.f32 v2, v1  }
0x88c: {  	v6 =	vld [tilespmem:$0x17EC0]  }
0x88d: {  	v4 =	vmul.f32 v4, v14;
	v1 =	vadd.f32 v1, v23;
	_ =	sdelay $0x1  }
0x88e: {  	v25 =	vld [tilespmem:s4+$0x50];
	v3 =	vmul.f32 v4, v3;
	[tilespmem:s5+$0x30] =	vst v1  }
0x88f: {  	v1 =	vld [tilespmem:$0x17BC0]  }
0x890: {  	v2 =	vsub.f32 v24, v16;
	v3 =	vadd.f32 v3, v6  }
0x891: {  	v26 =	vld [tilespmem:$0x17EC0]  }
0x892: {  	v2 =	vmul.f32 v2, v15;
	[tilespmem:s4+$0x40] =	vst v3  }
0x893: {  	v3 =	vld [tilespmem:$0x17BD0]  }
0x894: {  	v28 =	vld [tilespmem:s5+$0x50];
	v4 =	vsub.f32 v25, v13;
	v1 =	vmul.f32 v2, v1  }
0x895: {  	v6 =	vld [tilespmem:$0x17ED0]  }
0x896: {  	v4 =	vmul.f32 v4, v14;
	v1 =	vadd.f32 v1, v26;
	_ =	sdelay $0x1  }
0x897: {  	v29 =	vld [tilespmem:s4+$0x60];
	v3 =	vmul.f32 v4, v3;
	[tilespmem:s5+$0x40] =	vst v1  }
0x898: {  	v1 =	vld [tilespmem:$0x17BD0]  }
0x899: {  	v2 =	vsub.f32 v28, v16;
	v3 =	vadd.f32 v3, v6  }
0x89a: {  	v30 =	vld [tilespmem:$0x17ED0]  }
0x89b: {  	v2 =	vmul.f32 v2, v15;
	[tilespmem:s4+$0x50] =	vst v3  }
0x89c: {  	v3 =	vld [tilespmem:$0x17BE0]  }
0x89d: {  	v31 =	vld [tilespmem:s5+$0x60];
	v4 =	vsub.f32 v29, v13;
	v1 =	vmul.f32 v2, v1  }
0x89e: {  	v6 =	vld [tilespmem:$0x17EE0]  }
0x89f: {  	v4 =	vmul.f32 v4, v14;
	v1 =	vadd.f32 v1, v30;
	_ =	sdelay $0x1  }
0x8a0: {  	v32 =	vld [tilespmem:s4+$0x70];
	v3 =	vmul.f32 v4, v3;
	[tilespmem:s5+$0x50] =	vst v1  }
0x8a1: {  	v1 =	vld [tilespmem:$0x17BE0]  }
0x8a2: {  	v2 =	vsub.f32 v31, v16;
	v3 =	vadd.f32 v3, v6  }
0x8a3: {  	v33 =	vld [tilespmem:$0x17EE0]  }
0x8a4: {  	v2 =	vmul.f32 v2, v15;
	[tilespmem:s4+$0x60] =	vst v3  }
0x8a5: {  	v3 =	vld [tilespmem:$0x17BF0]  }
0x8a6: {  	v34 =	vld [tilespmem:s5+$0x70];
	v4 =	vsub.f32 v32, v13;
	v1 =	vmul.f32 v2, v1  }
0x8a7: {  	v6 =	vld [tilespmem:$0x17EF0]  }
0x8a8: {  	v4 =	vmul.f32 v4, v14;
	v1 =	vadd.f32 v1, v33;
	_ =	sdelay $0x1  }
0x8a9: {  	v3 =	vmul.f32 v4, v3;
	[tilespmem:s5+$0x60] =	vst v1  }
0x8aa: {  	v1 =	vld [tilespmem:$0x17BF0]  }
0x8ab: {  	v2 =	vsub.f32 v34, v16;
	v3 =	vadd.f32 v3, v6  }
0x8ac: {  	s19 =	sadd.s32 $0x3480, s19;
	v35 =	vld [tilespmem:$0x17EF0]  }
0x8ad: {  	s21 =	sadd.s32 s20, s19;
	v2 =	vmul.f32 v2, v15;
	[tilespmem:s4+$0x70] =	vst v3  }
0x8ae: {  	v3 =	vld [tilespmem:s21+$0x0]  }
0x8af: {  	v1 =	vmul.f32 v2, v1;
	_ =	sdelay $0x1  }
0x8b0: {  	v1 =	vadd.f32 v1, v35  }
0x8b1: {  	v36 =	vld [tilespmem:$0x17C00]  }
0x8b2: {  	s1 =	sor.u32 s23, s19;
	v37 =	vld [tilespmem:$0x17F00];
	v3 =	vsub.f32 v3, v13;
	[tilespmem:s5+$0x70] =	vst v1  }
0x8b3: {  	v1 =	vld [tilespmem:s1+$0x0]  }
0x8b4: {  	v3 =	vmul.f32 v3, v14;
	_ =	sdelay $0x1  }
0x8b5: {  	v38 =	vld [tilespmem:s21+$0x10];
	v2 =	vmul.f32 v3, v36  }
0x8b6: {  	v39 =	vld [tilespmem:$0x17C00]  }
0x8b7: {  	v2 =	vadd.f32 v2, v37;
	v1 =	vsub.f32 v1, v16  }
0x8b8: {  	v40 =	vld [tilespmem:$0x17F00]  }
0x8b9: {  	[tilespmem:s21+$0x0] =	vst v2;
	v1 =	vmul.f32 v1, v15  }
0x8ba: {  	v2 =	vld [tilespmem:$0x17C10]  }
0x8bb: {  	v41 =	vld [tilespmem:s1+$0x10];
	v3 =	vsub.f32 v38, v13;
	v1 =	vmul.f32 v1, v39  }
0x8bc: {  	v6 =	vld [tilespmem:$0x17F10]  }
0x8bd: {  	v7 =	vld [tilespmem:$0x17C10];
	v3 =	vmul.f32 v3, v14;
	v1 =	vadd.f32 v1, v40  }
0x8be: {  	v42 =	vld [tilespmem:$0x17F10]  }
0x8bf: {  	v43 =	vld [tilespmem:s21+$0x20];
	v2 =	vmul.f32 v3, v2;
	[tilespmem:s1+$0x0] =	vst v1  }
0x8c0: {  	v1 =	vld [tilespmem:$0x17C10]  }
0x8c1: {  	v5 =	vsub.f32 v41, v16;
	v2 =	vadd.f32 v2, v6  }
0x8c2: {  	v0 =	vmul.f32 v0, v7;
	v6 =	vld [tilespmem:$0x17F10]  }
0x8c3: {  	v45 =	vmul.f32 v5, v15;
	[tilespmem:s21+$0x10] =	vst v2  }
0x8c4: {  	v0 =	vadd.f32 v0, v42;
	v46 =	vld [tilespmem:$0x17C20]  }
0x8c5: {  	v48 =	vld [tilespmem:s1+$0x20];
	v3 =	vsub.f32 v43, v13;
	v1 =	vmul.f32 v45, v1  }
0x8c6: {  	[tilespmem:s10+$0x10] =	vst v0;
	v47 =	vld [tilespmem:$0x17F20]  }
0x8c7: {  	v50 =	vld [tilespmem:$0x17C20];
	v49 =	vmul.f32 v3, v14;
	v1 =	vadd.f32 v1, v6  }
0x8c8: {  	v51 =	vld [tilespmem:s21+$0x30]  }
0x8c9: {  	v6 =	vld [tilespmem:$0x17F20];
	v0 =	vmul.f32 v49, v46;
	[tilespmem:s1+$0x10] =	vst v1  }
0x8ca: {  	v1 =	vld [tilespmem:$0x17C20]  }
0x8cb: {  	v2 =	vsub.f32 v48, v16;
	v0 =	vadd.f32 v0, v47  }
0x8cc: {  	v52 =	vld [tilespmem:$0x17F20]  }
0x8cd: {  	v54 =	vmul.f32 v27, v50;
	v53 =	vmul.f32 v2, v15;
	[tilespmem:s21+$0x20] =	vst v0  }
0x8ce: {  	v56 =	vld [tilespmem:$0x17C30]  }
0x8cf: {  	v59 =	vld [tilespmem:s1+$0x30];
	v5 =	vsub.f32 v51, v13;
	v58 =	vadd.f32 v54, v6;
	v0 =	vmul.f32 v53, v1  }
0x8d0: {  	v57 =	vld [tilespmem:$0x17F30]  }
0x8d1: {  	v60 =	vld [tilespmem:s21+$0x40];
	v5 =	vmul.f32 v5, v14;
	[tilespmem:s10+$0x20] =	vst v58;
	v0 =	vadd.f32 v0, v52  }
0x8d2: {  	v61 =	vld [tilespmem:$0x17C30]  }
0x8d3: {  	v62 =	vld [tilespmem:$0x17F30];
	v3 =	vmul.f32 v5, v56;
	[tilespmem:s1+$0x20] =	vst v0  }
0x8d4: {  	v0 =	vld [tilespmem:$0x17C30]  }
0x8d5: {  	v2 =	vsub.f32 v59, v16;
	v3 =	vadd.f32 v3, v57  }
0x8d6: {  	v6 =	vld [tilespmem:$0x17F30]  }
0x8d7: {  	v2 =	vmul.f32 v2, v15;
	v4 =	vmul.f32 v20, v61;
	[tilespmem:s21+$0x30] =	vst v3  }
0x8d8: {  	v3 =	vld [tilespmem:$0x17C40]  }
0x8d9: {  	v23 =	vld [tilespmem:s1+$0x40];
	v1 =	vsub.f32 v60, v13;
	v22 =	vadd.f32 v4, v62;
	v0 =	vmul.f32 v2, v0  }
0x8da: {  	v63 =	vld [tilespmem:$0x17F40]  }
0x8db: {  	v24 =	vld [tilespmem:s21+$0x50];
	v1 =	vmul.f32 v1, v14;
	[tilespmem:s10+$0x30] =	vst v22;
	v0 =	vadd.f32 v0, v6  }
0x8dc: {  	v2 =	vld [tilespmem:$0x17C40]  }
0x8dd: {  	v25 =	vld [tilespmem:$0x17F40];
	v1 =	vmul.f32 v1, v3;
	[tilespmem:s1+$0x30] =	vst v0  }
0x8de: {  	v0 =	vld [tilespmem:$0x17C40]  }
0x8df: {  	v4 =	vsub.f32 v23, v16;
	v1 =	vadd.f32 v1, v63  }
0x8e0: {  	v6 =	vld [tilespmem:$0x17F40]  }
0x8e1: {  	v44 =	vld [tilespmem:s10+$0x50];
	v26 =	vmul.f32 v4, v15;
	v2 =	vmul.f32 v18, v2;
	[tilespmem:s21+$0x40] =	vst v1  }
0x8e2: {  	v27 =	vld [tilespmem:$0x17C50]  }
0x8e3: {  	v30 =	vld [tilespmem:s1+$0x50];
	v5 =	vsub.f32 v24, v13;
	v29 =	vadd.f32 v2, v25;
	v0 =	vmul.f32 v26, v0  }
0x8e4: {  	v28 =	vld [tilespmem:$0x17F50]  }
0x8e5: {  	v7 =	vld [tilespmem:s10+$0x60];
	v31 =	vmul.f32 v5, v14;
	[tilespmem:s10+$0x40] =	vst v29;
	v0 =	vadd.f32 v0, v6  }
0x8e6: {  	v34 =	vld [tilespmem:$0x17C50]  }
0x8e7: {  	v6 =	vld [tilespmem:s21+$0x60];
	v33 =	vmul.f32 v31, v27;
	[tilespmem:s1+$0x40] =	vst v0  }
0x8e8: {  	v35 =	vsub.f32 v44, v12;
	v36 =	vld [tilespmem:$0x17C50]  }
0x8e9: {  	v2 =	vsub.f32 v30, v16;
	v37 =	vld [tilespmem:$0x17F50];
	v1 =	vadd.f32 v33, v28  }
0x8ea: {  	v0 =	vmul.f32 v35, v11;
	v38 =	vld [tilespmem:$0x17F50]  }
0x8eb: {  	v42 =	vld [tilespmem:s1+$0x60];
	v39 =	vmul.f32 v2, v15;
	[tilespmem:s21+$0x50] =	vst v1  }
0x8ec: {  	v0 =	vmul.f32 v0, v34;
	v40 =	vld [tilespmem:$0x17C60]  }
0x8ed: {  	v43 =	vld [tilespmem:$0x17C60];
	v41 =	vsub.f32 v6, v13;
	v1 =	vmul.f32 v39, v36  }
0x8ee: {  	v6 =	vld [tilespmem:$0x17F60];
	v0 =	vadd.f32 v0, v37  }
0x8ef: {  	v44 =	vld [tilespmem:$0x17F60];
	v3 =	vmul.f32 v41, v14;
	v1 =	vadd.f32 v1, v38  }
0x8f0: {  	v32 =	vld [tilespmem:s10+$0x70];
	[tilespmem:s10+$0x50] =	vst v0  }
0x8f1: {  	v46 =	vld [tilespmem:$0x17C60];
	v45 =	vmul.f32 v3, v40;
	[tilespmem:s1+$0x50] =	vst v1  }
0x8f2: {  	v47 =	vsub.f32 v7, v12;
	v7 =	vmul.f32 v19, v43;
	v48 =	vld [tilespmem:$0x17C60]  }
0x8f3: {  	v4 =	vsub.f32 v42, v16;
	v0 =	vadd.f32 v45, v6;
	v6 =	vld [tilespmem:$0x17F60]  }
0x8f4: {  	v7 =	vadd.f32 v7, v44;
	v1 =	vmul.f32 v47, v11;
	v49 =	vld [tilespmem:$0x17F60]  }
0x8f5: {  	v50 =	vld [tilespmem:s21+$0x70];
	v51 =	vmul.f32 v4, v15  }
0x8f6: {  	v54 =	vld [tilespmem:s1+$0x70];
	[tilespmem:s18+$0x60] =	vst v7;
	v1 =	vmul.f32 v1, v46  }
0x8f7: {  	v56 =	vld [tilespmem:$0x17F70];
	[tilespmem:s21+$0x60] =	vst v0;
	v0 =	vmul.f32 v51, v48  }
0x8f8: {  	v52 =	vld [tilespmem:$0x17C70];
	v1 =	vadd.f32 v1, v6  }
0x8f9: {  	v53 =	vld [tilespmem:$0x17F70];
	v0 =	vadd.f32 v0, v49  }
0x8fa: {  	v7 =	vsub.f32 v50, v13;
	v6 =	vld [tilespmem:$0x17C70];
	[tilespmem:s10+$0x60] =	vst v1  }
0x8fb: {  	v1 =	vld [tilespmem:$0x17C70];
	[tilespmem:s1+$0x60] =	vst v0  }
0x8fc: {  	v57 =	vmul.f32 v7, v14;
	v5 =	vsub.f32 v32, v12;
	v7 =	vld [tilespmem:$0x17C70]  }
0x8fd: {  	v3 =	vsub.f32 v54, v16;
	v58 =	vld [tilespmem:$0x17F70]  }
0x8fe: {  	v59 =	vmul.f32 v5, v11;
	v0 =	vmul.f32 v57, v52;
	v60 =	vld [tilespmem:$0x17F70]  }
0x8ff: {  	v3 =	vmul.f32 v3, v15;
	v6 =	vmul.f32 v17, v6  }
0x900: {  	v0 =	vadd.f32 v0, v53;
	v1 =	vmul.f32 v59, v1  }
0x901: {  	s25 =	smul.u32 $0xC0000, s2;
	v61 =	vadd.f32 v6, v56;
	v3 =	vmul.f32 v3, v7  }
0x902: {  	s26 =	smul.u32 $0x18000, s3;
	s28 =	sadd.s32 $0x4, s3;
	s2 =	sadd.s32 $0x1, s2;
	[tilespmem:s21+$0x70] =	vst v0;
	v62 =	vadd.f32 v1, v58  }
0x903: {  	p0 =	sne.s32 s2, $0x80;
	s9 =	sadd.s32 s11, s25;
	s31 =	sadd.s32 s17, s25;
	[tilespmem:s18+$0x70] =	vst v61;
	v63 =	vadd.f32 v3, v60  }
.Ltmp5:
0x904: {  	s9 =	sshrl.u32 s9, $0x3;
	s4 =	sshrl.u32 s26, $0x2;
	[tilespmem:s10+$0x70] =	vst v62;
	(pc) =	sbr.rel @p0 .LBB2_4-.Ltmp5, $4  }
0x905: {  	s3 =	sshrl.u32 s31, $0x3;
	s29 =	sadd.s32 s6, s9;
	s30 =	sadd.s32 $0x2080, s4;
	[tilespmem:s1+$0x70] =	vst v63  }
0x906: {  	[hbm4b:s29+s7] =	stream.linear.scatter [tilespmem:s30], [sflag:s28], $0x3000, $0x38;
	[tilespmem:$0x1A380] =	vst v63  }
0x907: {  	s8 =	sadd.s32 $0x20, s8;
	s3 =	sadd.s32 s6, s3;
	s4 =	sadd.s32 $0x5080, s4  }
0x908: {  	[hbm4b:s3+s7] =	stream.linear.scatter [tilespmem:s4], [sflag:s28], $0x3000, $0x38;
	[tilespmem:$0x1A380] =	vst v63  }
0x909: {  	s1 =	simm.s32 $0x4  }
0x90a: {  	_ =	swait.ge [sflag:s1], $0x6000  }
0x90b: {  	[sflag:s1] =	ssyncset.done $0x0  }
0x90c: {  	s30 =	simm.s32 $0x5;
	[sflag:s1] =	ssyncadd.s32 $0xFFFFA000  }
0x90d: {  	_ =	swait.ge [sflag:s30], $0x6000  }
0x90e: {  	[sflag:s30] =	ssyncset.done $0x0  }
0x90f: {  	s2 =	simm.s32 $0x6;
	[sflag:s30] =	ssyncadd.s32 $0xFFFFA000  }
0x910: {  	_ =	swait.ge [sflag:s2], $0x6000  }
0x911: {  	s3 =	rddreg [dreg:$0x10]  }
0x912: {  	s31 =	rddreg [dreg:$0xf];
	s3 =	sadd.s32 $0x1, s3  }
0x913: {  	p0 =	sne.s32 s3, s31  }
.Ltmp6:
0x914: {  	_ = 	snop;
	(pc) =	sbr.rel @p0 .LBB2_1-.Ltmp6, $3  }
0x915: {  	_ =	sdelay $0x1  }
0x916: {  	[sflag:s2] =	ssyncset.done $0x0  }
0x917: {  	[sflag:s2] =	ssyncadd.s32 $0xFFFFA000  }
0x918: {  	_ =	sfence.sel $0x180000  }
0x919: {  	[bflag:$0x0] =	sbarrier.arrive $0xFFFF  }
0x91a: {  	_ =	strace $0x90000047  }
0x91b: {  	s0 =	stileid.u32;
	[bflag:$0x2] =	sbarrier.arrive $0xFFFF  }
0x91c: {  	p0 =	sne.s32 s0, $0x0;
	s0 =	rddreg [dreg:$0x9]  }
0x91d: {  	s0 =	sadd.s32 @!p0 $0x100000, s0  }
0x91e: {  	[sflag:s0] =	ssyncadd.tile.s32 @!p0 $0x1;
	_ =	shalt  }
.Lfunc_end2:
_tile_overlayer_lowered:
.L_overlay_start_2:
0x91f: {  	(tag) =	ssettag $0x2  }
0x920: {  	s0 =	rddreg [dreg:$0x0];
	s2 =	stileid.u32  }
0x921: {  	s1 =	rddreg [dreg:$0x1];
	p0 =	sne.s32 s2, $0x0  }
0x922: {  	s3 =	rddreg [dreg:$0x2];
	[bflag:$0x3] =	sbarrier.arrive $0xFFFF;
	s2 =	simm.s32 @!p0 $0x1C07  }
0x923: {  	[timem:s3], [sflag:s2] =	dma.local @!p0 [hbm:s0], s1  }
0x924: {  	s0 =	simm.s32 @!p0 $0x7  }
0x925: {  	_ =	swait.ge @!p0 [sflag:s0], s1  }
0x926: {  	s1 =	ssub.s32 @!p0 $0x0, s1;
	[sflag:s0] =	ssyncset.done @!p0 $0x0  }
0x927: {  	[sflag:s0] =	ssyncadd.s32 @!p0 s1  }
0x928: {  	[bflag:$0x3] =	sbarrier.arrive $0xFFFF  }
0x929: {  	_ =	shalt  }

</sc_bundles>
